<compile_context>
chip_gen: v7x
topology: tpu7x:2x2x1
jax: 0.10.2.dev20260603
libtpu: 0.0.44.dev20260713+nightly
codegen_flags: <defaults>
</compile_context>

<pallas_src>
import functools

import jax
import jax.numpy as jnp
from jax import lax
from jax.experimental import pallas as pl
from jax.experimental.pallas import tpu as pltpu
from jax.experimental.pallas import tpu_sc as plsc

N = 10000
E = 160000
D = 256

NC = 2
NS = 16
L = 16

NP = 10240
EP = 163840
PADNODE = 10200

HALF = NP // 2

MW = 272
CS = 8
GE = 1024

GA = 64
NGA = (EP // 32) // GA


def _silu(x):
    return x * jax.nn.sigmoid(x)


def _bdot(a, b):
    return jnp.dot(a.astype(jnp.bfloat16), b.astype(jnp.bfloat16),
                   preferred_element_type=jnp.float32)



def _prep_body(h_ref, hi_ref, w1a_ref, w1b_ref, be1_ref, hin_ref, ad_ref, as_ref):
    h_in = h_ref[...] + hi_ref[...]
    hin_ref[...] = h_in
    ad_ref[...] = _bdot(h_in, w1a_ref[...]) + be1_ref[...]
    as_ref[...] = _bdot(h_in, w1b_ref[...])


def _prep_call(hp, hip, w1a, w1b, be1, interpret=False):
    nb = NP // 256
    return pl.pallas_call(
        _prep_body,
        grid=(nb,),
        in_specs=[
            pl.BlockSpec((256, D), lambda i: (i, 0)),
            pl.BlockSpec((256, D), lambda i: (i, 0)),
            pl.BlockSpec((D, D), lambda i: (0, 0)),
            pl.BlockSpec((D, D), lambda i: (0, 0)),
            pl.BlockSpec((1, D), lambda i: (0, 0)),
        ],
        out_specs=[
            pl.BlockSpec((256, D), lambda i: (i, 0)),
            pl.BlockSpec((256, D), lambda i: (i, 0)),
            pl.BlockSpec((256, D), lambda i: (i, 0)),
        ],
        out_shape=[
            jax.ShapeDtypeStruct((NP, D), jnp.float32),
            jax.ShapeDtypeStruct((NP, D), jnp.float32),
            jax.ShapeDtypeStruct((NP, D), jnp.float32),
        ],
        interpret=interpret,
    )(hp, hip, w1a, w1b, be1)


def _edge_body(pre_ref, rel_ref, wrow_ref, we2_ref, be2_ref, wx1_ref, bx1_ref,
               wx2_ref, bx2_ref, mcat_ref):
    rel = rel_ref[...]
    d2 = jnp.sum(rel * rel, axis=1, keepdims=True)
    x = pre_ref[...] + d2 * wrow_ref[...]
    m1 = _silu(x)
    m2 = _silu(_bdot(m1, we2_ref[...]) + be2_ref[...])
    t = _silu(_bdot(m2, wx1_ref[...]) + bx1_ref[...])
    xw = jnp.sum(t * wx2_ref[...], axis=1, keepdims=True) + bx2_ref[...]
    nrows = rel.shape[0]
    mc = jnp.concatenate(
        [m2, rel * xw, jnp.ones((nrows, 1), jnp.float32),
         jnp.zeros((nrows, MW - D - 5), jnp.float32)], axis=1)
    mcat_ref[...] = jnp.transpose(mc).reshape(MW // CS, CS, nrows)


def _edge_call(pre, rel4, wrow, we2, be2, wx1, bx1, wx2r, bx2, interpret=False):
    eb = 1024
    nb = EP // eb
    return pl.pallas_call(
        _edge_body,
        grid=(nb,),
        in_specs=[
            pl.BlockSpec((eb, D), lambda i: (i, 0)),
            pl.BlockSpec((eb, 4), lambda i: (i, 0)),
            pl.BlockSpec((1, D), lambda i: (0, 0)),
            pl.BlockSpec((D, D), lambda i: (0, 0)),
            pl.BlockSpec((1, D), lambda i: (0, 0)),
            pl.BlockSpec((D, D), lambda i: (0, 0)),
            pl.BlockSpec((1, D), lambda i: (0, 0)),
            pl.BlockSpec((1, D), lambda i: (0, 0)),
            pl.BlockSpec((1, 1), lambda i: (0, 0)),
        ],
        out_specs=[
            pl.BlockSpec((MW // CS, CS, eb), lambda i: (0, 0, i)),
        ],
        out_shape=[
            jax.ShapeDtypeStruct((MW // CS, CS, EP), jnp.float32),
        ],
        interpret=interpret,
    )(pre, rel4, wrow, we2, be2, wx1, bx1, wx2r, bx2)


def _node_body(hin_ref, agg_ref, cmp_ref, pos_ref, wh1a_ref, wh1b_ref,
               bh1_ref, wh2_ref, bh2_ref, hout_ref, pout_ref):
    h_in = hin_ref[...]
    z = (_bdot(h_in, wh1a_ref[...])
         + _bdot(agg_ref[...], wh1b_ref[...])
         + bh1_ref[...])
    upd = _bdot(_silu(z), wh2_ref[...]) + bh2_ref[...]
    hout_ref[...] = h_in + upd
    cm = jnp.sum(cmp_ref[0], axis=0)
    cnt = jnp.maximum(cm[:, 4:5], 1.0)
    pout_ref[...] = pos_ref[...] + cm[:, 0:4] / cnt


def _node_call(hinp, agg, cmparts, posp, wh1a, wh1b, bh1, wh2, bh2, interpret=False):
    nb = NP // 256
    blk_per_half = HALF // 256
    return pl.pallas_call(
        _node_body,
        grid=(nb,),
        in_specs=[
            pl.BlockSpec((256, D), lambda i: (i, 0)),
            pl.BlockSpec((256, D), lambda i: (i, 0)),
            pl.BlockSpec((1, NS, 256, 16),
                         lambda i: (i // blk_per_half, 0, i % blk_per_half, 0)),
            pl.BlockSpec((256, 4), lambda i: (i, 0)),
            pl.BlockSpec((D, D), lambda i: (0, 0)),
            pl.BlockSpec((D, D), lambda i: (0, 0)),
            pl.BlockSpec((1, D), lambda i: (0, 0)),
            pl.BlockSpec((D, D), lambda i: (0, 0)),
            pl.BlockSpec((1, D), lambda i: (0, 0)),
        ],
        out_specs=[
            pl.BlockSpec((256, D), lambda i: (i, 0)),
            pl.BlockSpec((256, 4), lambda i: (i, 0)),
        ],
        out_shape=[
            jax.ShapeDtypeStruct((NP, D), jnp.float32),
            jax.ShapeDtypeStruct((NP, 4), jnp.float32),
        ],
        interpret=interpret,
    )(hinp, agg, cmparts, posp, wh1a, wh1b, bh1, wh2, bh2)



def _sc_gather_body(ad_hbm, as_hbm, posf_hbm, dst_hbm, src_hbm,
                    pre_hbm, rel_hbm,
                    pos_v, rows_a, rows_b, dsti_v, srci_v, rel_v,
                    sem_a, sem_b, sem_w):
    wid = lax.axis_index("s") * NC + lax.axis_index("c")
    base = wid * (EP // 32)
    pltpu.sync_copy(posf_hbm, pos_v)
    lanes = lax.iota(jnp.int32, L)
    z16 = jnp.zeros((L,), jnp.float32)

    def fire(g, slot):
        eb = base + g * GA

        @pl.when(g >= 2)
        def _():
            pltpu.make_async_copy(
                rows_a.at[slot], pre_hbm.at[pl.ds(base + (g - 2) * GA, GA)],
                sem_w).wait()

        pltpu.sync_copy(dst_hbm.at[pl.ds(eb, GA)], dsti_v.at[slot])
        pltpu.sync_copy(src_hbm.at[pl.ds(eb, GA)], srci_v.at[slot])
        pltpu.async_copy(ad_hbm.at[dsti_v.at[slot]], rows_a.at[slot], sem_a)
        pltpu.async_copy(as_hbm.at[srci_v.at[slot]], rows_b.at[slot], sem_b)

    fire(0, 0)

    def group(g, _):
        slot = lax.rem(g, 2)
        eb = base + g * GA

        @pl.when(g + 1 < NGA)
        def _():
            fire(g + 1, lax.rem(g + 1, 2))

        pltpu.make_async_copy(ad_hbm.at[dsti_v.at[slot]], rows_a.at[slot], sem_a).wait()
        pltpu.make_async_copy(as_hbm.at[srci_v.at[slot]], rows_b.at[slot], sem_b).wait()

        def sub(q, _):
            d16 = dsti_v[slot, pl.ds(q * L, L)]
            s16 = srci_v[slot, pl.ds(q * L, L)]
            d3 = d16 * 3
            s3 = s16 * 3
            rx = plsc.load_gather(pos_v, [d3]) - plsc.load_gather(pos_v, [s3])
            ry = plsc.load_gather(pos_v, [d3 + 1]) - plsc.load_gather(pos_v, [s3 + 1])
            rz = plsc.load_gather(pos_v, [d3 + 2]) - plsc.load_gather(pos_v, [s3 + 2])
            r4 = (q * L + lanes) * 4
            plsc.store_scatter(rel_v, [r4], rx)
            plsc.store_scatter(rel_v, [r4 + 1], ry)
            plsc.store_scatter(rel_v, [r4 + 2], rz)
            plsc.store_scatter(rel_v, [r4 + 3], z16)
            return 0

        lax.fori_loop(0, GA // L, sub, 0, unroll=True)

        def row(r, _):
            for k in range(D // L):
                sl = pl.ds(k * L, L)
                rows_a[slot, r, sl] = rows_a[slot, r, sl] + rows_b[slot, r, sl]
            return 0

        lax.fori_loop(0, GA, row, 0, unroll=4)
        pltpu.async_copy(rows_a.at[slot], pre_hbm.at[pl.ds(eb, GA)], sem_w)
        pltpu.sync_copy(rel_v, rel_hbm.at[pl.ds(eb * 4, GA * 4)])
        return 0

    lax.fori_loop(0, NGA, group, 0)
    for s in range(2):
        pltpu.make_async_copy(
            rows_a.at[s], pre_hbm.at[pl.ds(base + (NGA - 2 + s) * GA, GA)],
            sem_w).wait()


def _sc_gather_call(a_dst, a_src, posf, dstp, srcp):
    mesh = plsc.VectorSubcoreMesh(core_axis_name="c", subcore_axis_name="s")
    f = pl.kernel(
        _sc_gather_body,
        out_type=[
            jax.ShapeDtypeStruct((EP, D), jnp.float32),
            jax.ShapeDtypeStruct((EP * 4,), jnp.float32),
        ],
        mesh=mesh,
        scratch_types=[
            pltpu.VMEM((3 * NP,), jnp.float32),
            pltpu.VMEM((2, GA, D), jnp.float32),
            pltpu.VMEM((2, GA, D), jnp.float32),
            pltpu.VMEM((2, GA), jnp.int32),
            pltpu.VMEM((2, GA), jnp.int32),
            pltpu.VMEM((GA * 4,), jnp.float32),
            pltpu.SemaphoreType.DMA,
            pltpu.SemaphoreType.DMA,
            pltpu.SemaphoreType.DMA,
        ],
        compiler_params=pltpu.CompilerParams(needs_layout_passes=False),
    )
    return f(a_dst, a_src, posf, dstp, srcp)


def _sc_aggm2_body(mcat_hbm, dst_hbm, agg_hbm, tbl, stag, dsti_v):
    wid = lax.axis_index("s") * NC + lax.axis_index("c")
    z16 = jnp.zeros((L,), jnp.float32)

    def zero(k, _):
        for r in range(CS):
            tbl[r, pl.ds(k * L, L)] = z16
        return 0

    lax.fori_loop(0, NP // L, zero, 0)

    def group(g, _):
        eb = g * GE
        pltpu.sync_copy(dst_hbm.at[pl.ds(eb, GE)], dsti_v)
        pltpu.sync_copy(mcat_hbm.at[wid, :, pl.ds(eb, GE)], stag)

        def vec(q, _):
            d16 = dsti_v[pl.ds(q * L, L)]
            for c in range(CS):
                cc = jnp.full((L,), c, jnp.int32)
                val = stag[c, pl.ds(q * L, L)]
                plsc.addupdate_scatter(tbl, [cc, d16], val)
            return 0

        lax.fori_loop(0, GE // L, vec, 0, unroll=8)
        return 0

    lax.fori_loop(0, EP // GE, group, 0)
    pltpu.sync_copy(tbl, agg_hbm.at[wid])


def _sc_aggm2_call(mcat_t, dstp):
    mesh = plsc.VectorSubcoreMesh(core_axis_name="c", subcore_axis_name="s")
    f = pl.kernel(
        _sc_aggm2_body,
        out_type=[jax.ShapeDtypeStruct((32, CS, NP), jnp.float32)],
        mesh=mesh,
        scratch_types=[
            pltpu.VMEM((CS, NP), jnp.float32),
            pltpu.VMEM((CS, GE), jnp.float32),
            pltpu.VMEM((GE,), jnp.int32),
        ],
        compiler_params=pltpu.CompilerParams(needs_layout_passes=False),
    )
    return f(mcat_t, dstp)


def _sc_aggcm_body(mcat_hbm, dst_hbm, out_hbm, tbl, stag, dsti_v):
    h = lax.axis_index("c")
    sid = lax.axis_index("s")
    base_node = h * HALF
    lanes = lax.iota(jnp.int32, L)
    z16 = jnp.zeros((L,), jnp.float32)

    def zero(k, _):
        for r in range(16):
            tbl[r, pl.ds(k * L, L)] = z16
        return 0

    lax.fori_loop(0, HALF // L, zero, 0)

    def group(g, _):
        eb = sid * (EP // NS) + g * GE
        pltpu.sync_copy(dst_hbm.at[pl.ds(eb, GE)], dsti_v)
        pltpu.sync_copy(mcat_hbm.at[32, :, pl.ds(eb, GE)], stag.at[pl.ds(0, CS)])
        pltpu.sync_copy(mcat_hbm.at[33, :, pl.ds(eb, GE)], stag.at[pl.ds(CS, CS)])

        def vec(q, _):
            d16 = dsti_v[pl.ds(q * L, L)]
            loc = d16 - base_node
            owned = (loc >= 0) & (loc < HALF)
            locc = jnp.where(owned, loc, 0)
            for c in range(16):
                cc = jnp.full((L,), c, jnp.int32)
                val = stag[c, pl.ds(q * L, L)]
                plsc.addupdate_scatter(tbl, [cc, locc], val, mask=owned)
            return 0

        lax.fori_loop(0, GE // L, vec, 0)
        return 0

    lax.fori_loop(0, (EP // NS) // GE, group, 0)
    pltpu.sync_copy(tbl, out_hbm.at[h, sid])


def _sc_aggcm_call(mcat, dstp):
    mesh = plsc.VectorSubcoreMesh(core_axis_name="c", subcore_axis_name="s")
    f = pl.kernel(
        _sc_aggcm_body,
        out_type=[jax.ShapeDtypeStruct((NC, NS, 16, HALF), jnp.float32)],
        mesh=mesh,
        scratch_types=[
            pltpu.VMEM((16, HALF), jnp.float32),
            pltpu.VMEM((16, GE), jnp.float32),
            pltpu.VMEM((GE,), jnp.int32),
        ],
        compiler_params=pltpu.CompilerParams(needs_layout_passes=False),
    )
    return f(mcat, dstp)



def kernel(h, pos, edge_index, h_init, W_e1, b_e1, W_e2, b_e2,
           W_x1, b_x1, W_x2, b_x2, W_h1, b_h1, W_h2, b_h2):
    f32 = jnp.float32
    hp = jnp.pad(h, ((0, NP - N), (0, 0)))
    hip = jnp.pad(h_init, ((0, NP - N), (0, 0)))
    posf = jnp.pad(pos, ((0, NP - N), (0, 0))).reshape(3 * NP)
    src = edge_index[0]
    dst = edge_index[1]
    padi = jnp.full((EP - E,), PADNODE, jnp.int32)
    srcp = jnp.concatenate([src, padi])
    dstp = jnp.concatenate([dst, padi])

    w1a = W_e1[:D]
    w1b = W_e1[D:2 * D]
    wrow = W_e1[2 * D:2 * D + 1]
    be1 = b_e1.reshape(1, D)

    hinp, a_dst, a_src = _prep_call(hp, hip, w1a, w1b, be1)
    pre, relf = _sc_gather_call(a_dst, a_src, posf, dstp, srcp)
    (mcat,) = _edge_call(pre, relf.reshape(EP, 4), wrow, W_e2, b_e2.reshape(1, D),
                         W_x1, b_x1.reshape(1, D), W_x2.reshape(1, D),
                         b_x2.reshape(1, 1))
    mcat_t = mcat
    (agg_t,) = _sc_aggm2_call(mcat_t, dstp)
    agg = jnp.transpose(agg_t, (2, 0, 1)).reshape(NP, D)
    (cmparts_t,) = _sc_aggcm_call(mcat_t, dstp)
    cmparts = jnp.transpose(cmparts_t, (0, 1, 3, 2))
    posp4 = jnp.pad(pos, ((0, NP - N), (0, 1)))

    hout, pout = _node_call(hinp, agg, cmparts, posp4,
                            W_h1[:D], W_h1[D:], b_h1.reshape(1, D),
                            W_h2, b_h2.reshape(1, D))
    return (hout[:N], pout[:N, :3].astype(f32))

# --- scband reference (transcript-rebuilt; emitter-appended) ---
"""Pipeline reference for scband-spatial-nca-79877801771429 (READ-ONLY COPY).

The authoritative reference and input builder live on the scoring server;
editing this copy changes nothing except your own understanding.
"""

import jax, jax.numpy as jnp
import numpy as np

N = 10000
E = 160000
D = 256


def setup_inputs(seed: int = 0) -> dict:
    key = jax.random.key(seed)
    ks = jax.random.split(key, 16)
    s = 0.02
    inp = {
        "h": jax.random.normal(ks[0], (N, D), jnp.float32),
        "pos": jax.random.normal(ks[1], (N, 3), jnp.float32),
        "edge_index": jax.random.randint(ks[2], (2, E), 0, N, jnp.int32),
        "h_init": jax.random.normal(ks[3], (N, D), jnp.float32),
        "W_e1": jax.random.normal(ks[4], (2 * D + 1, D), jnp.float32) * s,
        "b_e1": jnp.zeros((D,), jnp.float32),
        "W_e2": jax.random.normal(ks[5], (D, D), jnp.float32) * s,
        "b_e2": jnp.zeros((D,), jnp.float32),
        "W_x1": jax.random.normal(ks[6], (D, D), jnp.float32) * s,
        "b_x1": jnp.zeros((D,), jnp.float32),
        "W_x2": jax.random.normal(ks[7], (D, 1), jnp.float32) * s,
        "b_x2": jnp.zeros((1,), jnp.float32),
        "W_h1": jax.random.normal(ks[8], (2 * D, D), jnp.float32) * s,
        "b_h1": jnp.zeros((D,), jnp.float32),
        "W_h2": jax.random.normal(ks[9], (D, D), jnp.float32) * s,
        "b_h2": jnp.zeros((D,), jnp.float32),
    }
    return inp


def reference(h, pos, edge_index, h_init, W_e1, b_e1, W_e2, b_e2, W_x1, b_x1, W_x2, b_x2, W_h1, b_h1, W_h2, b_h2):
    # SpatialNCA.forward: h = h + h_init (add_init=True); EGNN message passing;
    # h = h + h_update (skip_connections=True); pos = pos + pos_update.
    src = edge_index[0]
    dst = edge_index[1]
    h_in = h + h_init
    # EGNNLayer: edge MLP on [h_i, h_j, ||x_i - x_j||^2]
    hi = jnp.take(h_in, dst, axis=0)
    hj = jnp.take(h_in, src, axis=0)
    rel = jnp.take(pos, dst, axis=0) - jnp.take(pos, src, axis=0)
    d2 = jnp.sum(rel * rel, axis=-1, keepdims=True)
    m = jnp.concatenate([hi, hj, d2], axis=-1)
    m = jax.nn.silu(m @ W_e1 + b_e1)
    m = jax.nn.silu(m @ W_e2 + b_e2)
    # coordinate MLP -> scalar weight per edge
    xw = jax.nn.silu(m @ W_x1 + b_x1) @ W_x2 + b_x2
    coord_msg = rel * xw
    ones = jnp.ones((E, 1), jnp.float32)
    cnt = jax.ops.segment_sum(ones, dst, num_segments=N)
    cnt = jnp.clip(cnt, 1.0, None)
    pos_update = jax.ops.segment_sum(coord_msg, dst, num_segments=N) / cnt
    # node MLP on [h_i, sum_j m_ij]
    agg = jax.ops.segment_sum(m, dst, num_segments=N)
    hh = jnp.concatenate([h_in, agg], axis=-1)
    h_update = jax.nn.silu(hh @ W_h1 + b_h1) @ W_h2 + b_h2
    h_out = h_in + h_update
    pos_out = pos + pos_update
    return (h_out, pos_out)

if __name__ == "__main__":
    import jax
    _d = setup_inputs()
    print(jax.jit(kernel)(*tuple(_d.values())))

</pallas_src>

<mosaic_0001>
#map = affine_map<(d0, d1) -> (0, 0)>
#map1 = affine_map<(d0, d1) -> (0)>
module attributes {stable_mosaic.version = 14 : i64} {
  func.func @_sc_gather_body(%arg0: i32, %arg1: i32, %arg2: memref<10240x256xf32, #tpu.memory_space<hbm>>, %arg3: memref<10240x256xf32, #tpu.memory_space<hbm>>, %arg4: memref<30720xf32, #tpu.memory_space<hbm>>, %arg5: memref<163840xi32, #tpu.memory_space<hbm>>, %arg6: memref<163840xi32, #tpu.memory_space<hbm>>, %arg7: memref<163840x256xf32, #tpu.memory_space<hbm>>, %arg8: memref<655360xf32, #tpu.memory_space<hbm>>, %arg9: memref<30720xf32, #tpu.memory_space<vmem>>, %arg10: memref<2x64x256xf32, #tpu.memory_space<vmem>>, %arg11: memref<2x64x256xf32, #tpu.memory_space<vmem>>, %arg12: memref<2x64xi32, #tpu.memory_space<vmem>>, %arg13: memref<2x64xi32, #tpu.memory_space<vmem>>, %arg14: memref<256xf32, #tpu.memory_space<vmem>>, %arg15: memref<!tpu.dma_semaphore, #tpu.memory_space<semaphore_mem>>, %arg16: memref<!tpu.dma_semaphore, #tpu.memory_space<semaphore_mem>>, %arg17: memref<!tpu.dma_semaphore, #tpu.memory_space<semaphore_mem>>) attributes {dimension_semantics = [#tpu.dimension_semantics<core_parallel>, #tpu.dimension_semantics<subcore_parallel>], iteration_bounds = array<i64: 2, 16>, scalar_prefetch = 0 : i64, scratch_operands = 9 : i64, tpu.core_type = #tpu.core_type<sc_vector_subcore>, window_params = [{transform_indices = #map}, {transform_indices = #map}, {transform_indices = #map1}, {transform_indices = #map1}, {transform_indices = #map1}, {transform_indices = #map}, {transform_indices = #map1}]} {
    %mul3A = arith.constant 2 : i32
    %mul3A_0 = arith.muli %arg1, %mul3A : i32
    %add3A = arith.addi %mul3A_0, %arg0 : i32
    %mul3A_1 = arith.constant 5120 : i32
    %mul3A_2 = arith.muli %add3A, %mul3A_1 : i32
    "tpu.region"() ({
      %run_scoped3A_65 = tpu.sem_alloc : memref<!tpu.dma_semaphore, #tpu.memory_space<semaphore_mem>>
      tpu.enqueue_dma source(%arg4 : memref<30720xf32, #tpu.memory_space<hbm>>) target(%arg9 : memref<30720xf32, #tpu.memory_space<vmem>>) target_semaphore(%run_scoped3A_65 : memref<!tpu.dma_semaphore, #tpu.memory_space<semaphore_mem>>)
      tpu.wait_dma2 semaphore(%run_scoped3A_65 : memref<!tpu.dma_semaphore, #tpu.memory_space<semaphore_mem>>) src(%arg4 : memref<30720xf32, #tpu.memory_space<hbm>>) dst(%arg9 : memref<30720xf32, #tpu.memory_space<vmem>>)
      tpu.yield
    }) : () -> ()
    %iota3A = tpu.iota {dimensions = array<i32: 0>} : vector<16xi32>
    %broadcast_in_dim3A = arith.constant 0.000000e+00 : f32
    %broadcast_in_dim3A_3 = vector.broadcast %broadcast_in_dim3A : f32 to vector<16xf32>
    %add3A_4 = arith.constant 0 : i32
    %add3A_5 = arith.addi %mul3A_2, %add3A_4 : i32
    %run_scoped3A = arith.constant 0 : i32
    "tpu.region"() ({
      %run_scoped3A_65 = tpu.sem_alloc : memref<!tpu.dma_semaphore, #tpu.memory_space<semaphore_mem>>
      %dma_start3A_66 = arith.constant 0 : i32
      %dma_start3A_67 = tpu.memref_slice %arg12[%run_scoped3A, %dma_start3A_66] : memref<2x64xi32, #tpu.memory_space<vmem>> -> memref<1x64xi32, #tpu.memory_space<vmem>>
      %dma_start3A_68 = tpu.memref_squeeze %dma_start3A_67 : memref<1x64xi32, #tpu.memory_space<vmem>> -> memref<64xi32, #tpu.memory_space<vmem>>
      %dma_start3A_69 = tpu.memref_slice %arg5[%add3A_5] : memref<163840xi32, #tpu.memory_space<hbm>> -> memref<64xi32, #tpu.memory_space<hbm>>
      %dma_start3A_70 = arith.constant 0 : i32
      %dma_start3A_71 = tpu.memref_slice %arg12[%run_scoped3A, %dma_start3A_70] : memref<2x64xi32, #tpu.memory_space<vmem>> -> memref<1x64xi32, #tpu.memory_space<vmem>>
      %dma_start3A_72 = tpu.memref_squeeze %dma_start3A_71 : memref<1x64xi32, #tpu.memory_space<vmem>> -> memref<64xi32, #tpu.memory_space<vmem>>
      %dma_start3A_73 = tpu.memref_slice %arg5[%add3A_5] : memref<163840xi32, #tpu.memory_space<hbm>> -> memref<64xi32, #tpu.memory_space<hbm>>
      tpu.enqueue_dma source(%dma_start3A_73 : memref<64xi32, #tpu.memory_space<hbm>>) target(%dma_start3A_72 : memref<64xi32, #tpu.memory_space<vmem>>) target_semaphore(%run_scoped3A_65 : memref<!tpu.dma_semaphore, #tpu.memory_space<semaphore_mem>>)
      %dma_wait3A_74 = arith.constant 0 : i32
      %dma_wait3A_75 = tpu.memref_slice %arg12[%run_scoped3A, %dma_wait3A_74] : memref<2x64xi32, #tpu.memory_space<vmem>> -> memref<1x64xi32, #tpu.memory_space<vmem>>
      %dma_wait3A_76 = tpu.memref_squeeze %dma_wait3A_75 : memref<1x64xi32, #tpu.memory_space<vmem>> -> memref<64xi32, #tpu.memory_space<vmem>>
      %dma_wait3A_77 = tpu.memref_slice %arg5[%add3A_5] : memref<163840xi32, #tpu.memory_space<hbm>> -> memref<64xi32, #tpu.memory_space<hbm>>
      %dma_wait3A_78 = arith.constant 0 : i32
      %dma_wait3A_79 = tpu.memref_slice %arg12[%run_scoped3A, %dma_wait3A_78] : memref<2x64xi32, #tpu.memory_space<vmem>> -> memref<1x64xi32, #tpu.memory_space<vmem>>
      %dma_wait3A_80 = tpu.memref_squeeze %dma_wait3A_79 : memref<1x64xi32, #tpu.memory_space<vmem>> -> memref<64xi32, #tpu.memory_space<vmem>>
      %dma_wait3A_81 = tpu.memref_slice %arg5[%add3A_5] : memref<163840xi32, #tpu.memory_space<hbm>> -> memref<64xi32, #tpu.memory_space<hbm>>
      tpu.wait_dma2 semaphore(%run_scoped3A_65 : memref<!tpu.dma_semaphore, #tpu.memory_space<semaphore_mem>>) src(%dma_wait3A_81 : memref<64xi32, #tpu.memory_space<hbm>>) dst(%dma_wait3A_80 : memref<64xi32, #tpu.memory_space<vmem>>)
      tpu.yield
    }) : () -> ()
    %run_scoped3A_6 = arith.constant 0 : i32
    "tpu.region"() ({
      %run_scoped3A_65 = tpu.sem_alloc : memref<!tpu.dma_semaphore, #tpu.memory_space<semaphore_mem>>
      %dma_start3A_66 = arith.constant 0 : i32
      %dma_start3A_67 = tpu.memref_slice %arg13[%run_scoped3A_6, %dma_start3A_66] : memref<2x64xi32, #tpu.memory_space<vmem>> -> memref<1x64xi32, #tpu.memory_space<vmem>>
      %dma_start3A_68 = tpu.memref_squeeze %dma_start3A_67 : memref<1x64xi32, #tpu.memory_space<vmem>> -> memref<64xi32, #tpu.memory_space<vmem>>
      %dma_start3A_69 = tpu.memref_slice %arg6[%add3A_5] : memref<163840xi32, #tpu.memory_space<hbm>> -> memref<64xi32, #tpu.memory_space<hbm>>
      %dma_start3A_70 = arith.constant 0 : i32
      %dma_start3A_71 = tpu.memref_slice %arg13[%run_scoped3A_6, %dma_start3A_70] : memref<2x64xi32, #tpu.memory_space<vmem>> -> memref<1x64xi32, #tpu.memory_space<vmem>>
      %dma_start3A_72 = tpu.memref_squeeze %dma_start3A_71 : memref<1x64xi32, #tpu.memory_space<vmem>> -> memref<64xi32, #tpu.memory_space<vmem>>
      %dma_start3A_73 = tpu.memref_slice %arg6[%add3A_5] : memref<163840xi32, #tpu.memory_space<hbm>> -> memref<64xi32, #tpu.memory_space<hbm>>
      tpu.enqueue_dma source(%dma_start3A_73 : memref<64xi32, #tpu.memory_space<hbm>>) target(%dma_start3A_72 : memref<64xi32, #tpu.memory_space<vmem>>) target_semaphore(%run_scoped3A_65 : memref<!tpu.dma_semaphore, #tpu.memory_space<semaphore_mem>>)
      %dma_wait3A_74 = arith.constant 0 : i32
      %dma_wait3A_75 = tpu.memref_slice %arg13[%run_scoped3A_6, %dma_wait3A_74] : memref<2x64xi32, #tpu.memory_space<vmem>> -> memref<1x64xi32, #tpu.memory_space<vmem>>
      %dma_wait3A_76 = tpu.memref_squeeze %dma_wait3A_75 : memref<1x64xi32, #tpu.memory_space<vmem>> -> memref<64xi32, #tpu.memory_space<vmem>>
      %dma_wait3A_77 = tpu.memref_slice %arg6[%add3A_5] : memref<163840xi32, #tpu.memory_space<hbm>> -> memref<64xi32, #tpu.memory_space<hbm>>
      %dma_wait3A_78 = arith.constant 0 : i32
      %dma_wait3A_79 = tpu.memref_slice %arg13[%run_scoped3A_6, %dma_wait3A_78] : memref<2x64xi32, #tpu.memory_space<vmem>> -> memref<1x64xi32, #tpu.memory_space<vmem>>
      %dma_wait3A_80 = tpu.memref_squeeze %dma_wait3A_79 : memref<1x64xi32, #tpu.memory_space<vmem>> -> memref<64xi32, #tpu.memory_space<vmem>>
      %dma_wait3A_81 = tpu.memref_slice %arg6[%add3A_5] : memref<163840xi32, #tpu.memory_space<hbm>> -> memref<64xi32, #tpu.memory_space<hbm>>
      tpu.wait_dma2 semaphore(%run_scoped3A_65 : memref<!tpu.dma_semaphore, #tpu.memory_space<semaphore_mem>>) src(%dma_wait3A_81 : memref<64xi32, #tpu.memory_space<hbm>>) dst(%dma_wait3A_80 : memref<64xi32, #tpu.memory_space<vmem>>)
      tpu.yield
    }) : () -> ()
    %dma_start3A = arith.constant 0 : i32
    %dma_start3A_7 = arith.constant 0 : i32
    %dma_start3A_8 = arith.constant 0 : i32
    %dma_start3A_9 = arith.constant 0 : i32
    %dma_start3A_10 = tpu.memref_slice %arg10[%dma_start3A_7, %dma_start3A_8, %dma_start3A_9] : memref<2x64x256xf32, #tpu.memory_space<vmem>> -> memref<1x64x256xf32, #tpu.memory_space<vmem>>
    %dma_start3A_11 = tpu.memref_squeeze %dma_start3A_10 : memref<1x64x256xf32, #tpu.memory_space<vmem>> -> memref<64x256xf32, #tpu.memory_space<vmem>>
    %dma_start3A_12 = arith.constant 0 : i32
    %dma_start3A_13 = tpu.memref_slice %arg12[%dma_start3A, %dma_start3A_12] : memref<2x64xi32, #tpu.memory_space<vmem>> -> memref<1x64xi32, #tpu.memory_space<vmem>>
    %dma_start3A_14 = tpu.memref_squeeze %dma_start3A_13 : memref<1x64xi32, #tpu.memory_space<vmem>> -> memref<64xi32, #tpu.memory_space<vmem>>
    %dma_start3A_15 = arith.constant 0 : i32
    %dma_start3A_16 = arith.constant 0 : i32
    %dma_start3A_17 = tpu.memref_slice %arg2[%dma_start3A_15, %dma_start3A_16] : memref<10240x256xf32, #tpu.memory_space<hbm>> -> memref<10240x256xf32, #tpu.memory_space<hbm>>
    tpu.enqueue_indirect_dma source(%dma_start3A_17 : memref<10240x256xf32, #tpu.memory_space<hbm>>) target(%dma_start3A_11 : memref<64x256xf32, #tpu.memory_space<vmem>>) offsets(%dma_start3A_14 : memref<64xi32, #tpu.memory_space<vmem>>) semaphore(%arg15 : memref<!tpu.dma_semaphore, #tpu.memory_space<semaphore_mem>>)
    %dma_start3A_18 = arith.constant 0 : i32
    %dma_start3A_19 = arith.constant 0 : i32
    %dma_start3A_20 = arith.constant 0 : i32
    %dma_start3A_21 = arith.constant 0 : i32
    %dma_start3A_22 = tpu.memref_slice %arg11[%dma_start3A_19, %dma_start3A_20, %dma_start3A_21] : memref<2x64x256xf32, #tpu.memory_space<vmem>> -> memref<1x64x256xf32, #tpu.memory_space<vmem>>
    %dma_start3A_23 = tpu.memref_squeeze %dma_start3A_22 : memref<1x64x256xf32, #tpu.memory_space<vmem>> -> memref<64x256xf32, #tpu.memory_space<vmem>>
    %dma_start3A_24 = arith.constant 0 : i32
    %dma_start3A_25 = tpu.memref_slice %arg13[%dma_start3A_18, %dma_start3A_24] : memref<2x64xi32, #tpu.memory_space<vmem>> -> memref<1x64xi32, #tpu.memory_space<vmem>>
    %dma_start3A_26 = tpu.memref_squeeze %dma_start3A_25 : memref<1x64xi32, #tpu.memory_space<vmem>> -> memref<64xi32, #tpu.memory_space<vmem>>
    %dma_start3A_27 = arith.constant 0 : i32
    %dma_start3A_28 = arith.constant 0 : i32
    %dma_start3A_29 = tpu.memref_slice %arg3[%dma_start3A_27, %dma_start3A_28] : memref<10240x256xf32, #tpu.memory_space<hbm>> -> memref<10240x256xf32, #tpu.memory_space<hbm>>
    tpu.enqueue_indirect_dma source(%dma_start3A_29 : memref<10240x256xf32, #tpu.memory_space<hbm>>) target(%dma_start3A_23 : memref<64x256xf32, #tpu.memory_space<vmem>>) offsets(%dma_start3A_26 : memref<64xi32, #tpu.memory_space<vmem>>) semaphore(%arg16 : memref<!tpu.dma_semaphore, #tpu.memory_space<semaphore_mem>>)
    %scan3A = arith.constant 0 : i32
    %scan3A_30 = arith.constant 0 : i32
    %scan3A_31 = arith.constant 80 : i32
    %scan3A_32 = arith.addi %scan3A_30, %scan3A_31 : i32
    %scan3A_33 = arith.constant 1 : i32
    %scan3A_34 = scf.for %scan3A_65 = %scan3A_30 to %scan3A_32 step %scan3A_33 iter_args(%scan3A_66 = %scan3A) -> (i32)  : i32 {
      %rem3A = arith.constant 2 : i32
      %rem3A_67 = arith.remsi %scan3A_65, %rem3A : i32
      %mul3A_68 = arith.constant 64 : i32
      %mul3A_69 = arith.muli %scan3A_65, %mul3A_68 : i32
      %add3A_70 = arith.addi %mul3A_2, %mul3A_69 : i32
      %add3A_71 = arith.constant 1 : i32
      %add3A_72 = arith.addi %scan3A_65, %add3A_71 : i32
      %lt3A = arith.constant 80 : i32
      %lt3A_73 = arith.cmpi slt, %add3A_72, %lt3A : i32
      %convert_element_type3A = arith.extui %lt3A_73 : i1 to i32
      %cond3A = arith.constant 0 : i32
      %cond3A_74 = arith.cmpi ne, %convert_element_type3A, %cond3A : i32
      scf.if %cond3A_74 {
        %add3A_336 = arith.constant 1 : i32
        %add3A_337 = arith.addi %scan3A_65, %add3A_336 : i32
        %add3A_338 = arith.constant 1 : i32
        %add3A_339 = arith.addi %scan3A_65, %add3A_338 : i32
        %rem3A_340 = arith.constant 2 : i32
        %rem3A_341 = arith.remsi %add3A_339, %rem3A_340 : i32
        %mul3A_342 = arith.constant 64 : i32
        %mul3A_343 = arith.muli %add3A_337, %mul3A_342 : i32
        %add3A_344 = arith.addi %mul3A_2, %mul3A_343 : i32
        %ge3A = arith.constant 2 : i32
        %ge3A_345 = arith.cmpi sge, %add3A_337, %ge3A : i32
        %convert_element_type3A_346 = arith.extui %ge3A_345 : i1 to i32
        %cond3A_347 = arith.constant 0 : i32
        %cond3A_348 = arith.cmpi ne, %convert_element_type3A_346, %cond3A_347 : i32
        scf.if %cond3A_348 {
          %sub3A_369 = arith.constant 2 : i32
          %sub3A_370 = arith.subi %add3A_337, %sub3A_369 : i32
          %mul3A_371 = arith.constant 64 : i32
          %mul3A_372 = arith.muli %sub3A_370, %mul3A_371 : i32
          %add3A_373 = arith.addi %mul3A_2, %mul3A_372 : i32
          %dma_wait3A_374 = arith.constant 0 : i32
          %dma_wait3A_375 = arith.constant 0 : i32
          %dma_wait3A_376 = tpu.memref_slice %arg10[%rem3A_341, %dma_wait3A_374, %dma_wait3A_375] : memref<2x64x256xf32, #tpu.memory_space<vmem>> -> memref<1x64x256xf32, #tpu.memory_space<vmem>>
          %dma_wait3A_377 = tpu.memref_squeeze %dma_wait3A_376 : memref<1x64x256xf32, #tpu.memory_space<vmem>> -> memref<64x256xf32, #tpu.memory_space<vmem>>
          %dma_wait3A_378 = arith.constant 0 : i32
          %dma_wait3A_379 = tpu.memref_slice %arg7[%add3A_373, %dma_wait3A_378] : memref<163840x256xf32, #tpu.memory_space<hbm>> -> memref<64x256xf32, #tpu.memory_space<hbm>>
          %dma_wait3A_380 = arith.constant 0 : i32
          %dma_wait3A_381 = tpu.memref_slice %arg7[%add3A_373, %dma_wait3A_380] : memref<163840x256xf32, #tpu.memory_space<hbm>> -> memref<64x256xf32, #tpu.memory_space<hbm>>
          %dma_wait3A_382 = arith.constant 0 : i32
          %dma_wait3A_383 = arith.constant 0 : i32
          %dma_wait3A_384 = tpu.memref_slice %arg10[%rem3A_341, %dma_wait3A_382, %dma_wait3A_383] : memref<2x64x256xf32, #tpu.memory_space<vmem>> -> memref<1x64x256xf32, #tpu.memory_space<vmem>>
          %dma_wait3A_385 = tpu.memref_squeeze %dma_wait3A_384 : memref<1x64x256xf32, #tpu.memory_space<vmem>> -> memref<64x256xf32, #tpu.memory_space<vmem>>
          tpu.wait_dma2 semaphore(%arg17 : memref<!tpu.dma_semaphore, #tpu.memory_space<semaphore_mem>>) src(%dma_wait3A_385 : memref<64x256xf32, #tpu.memory_space<vmem>>) dst(%dma_wait3A_381 : memref<64x256xf32, #tpu.memory_space<hbm>>)
        } else {
        }
        "tpu.region"() ({
          %run_scoped3A_369 = tpu.sem_alloc : memref<!tpu.dma_semaphore, #tpu.memory_space<semaphore_mem>>
          %dma_start3A_370 = arith.constant 0 : i32
          %dma_start3A_371 = tpu.memref_slice %arg12[%rem3A_341, %dma_start3A_370] : memref<2x64xi32, #tpu.memory_space<vmem>> -> memref<1x64xi32, #tpu.memory_space<vmem>>
          %dma_start3A_372 = tpu.memref_squeeze %dma_start3A_371 : memref<1x64xi32, #tpu.memory_space<vmem>> -> memref<64xi32, #tpu.memory_space<vmem>>
          %dma_start3A_373 = tpu.memref_slice %arg5[%add3A_344] : memref<163840xi32, #tpu.memory_space<hbm>> -> memref<64xi32, #tpu.memory_space<hbm>>
          %dma_start3A_374 = arith.constant 0 : i32
          %dma_start3A_375 = tpu.memref_slice %arg12[%rem3A_341, %dma_start3A_374] : memref<2x64xi32, #tpu.memory_space<vmem>> -> memref<1x64xi32, #tpu.memory_space<vmem>>
          %dma_start3A_376 = tpu.memref_squeeze %dma_start3A_375 : memref<1x64xi32, #tpu.memory_space<vmem>> -> memref<64xi32, #tpu.memory_space<vmem>>
          %dma_start3A_377 = tpu.memref_slice %arg5[%add3A_344] : memref<163840xi32, #tpu.memory_space<hbm>> -> memref<64xi32, #tpu.memory_space<hbm>>
          tpu.enqueue_dma source(%dma_start3A_377 : memref<64xi32, #tpu.memory_space<hbm>>) target(%dma_start3A_376 : memref<64xi32, #tpu.memory_space<vmem>>) target_semaphore(%run_scoped3A_369 : memref<!tpu.dma_semaphore, #tpu.memory_space<semaphore_mem>>)
          %dma_wait3A_378 = arith.constant 0 : i32
          %dma_wait3A_379 = tpu.memref_slice %arg12[%rem3A_341, %dma_wait3A_378] : memref<2x64xi32, #tpu.memory_space<vmem>> -> memref<1x64xi32, #tpu.memory_space<vmem>>
          %dma_wait3A_380 = tpu.memref_squeeze %dma_wait3A_379 : memref<1x64xi32, #tpu.memory_space<vmem>> -> memref<64xi32, #tpu.memory_space<vmem>>
          %dma_wait3A_381 = tpu.memref_slice %arg5[%add3A_344] : memref<163840xi32, #tpu.memory_space<hbm>> -> memref<64xi32, #tpu.memory_space<hbm>>
          %dma_wait3A_382 = arith.constant 0 : i32
          %dma_wait3A_383 = tpu.memref_slice %arg12[%rem3A_341, %dma_wait3A_382] : memref<2x64xi32, #tpu.memory_space<vmem>> -> memref<1x64xi32, #tpu.memory_space<vmem>>
          %dma_wait3A_384 = tpu.memref_squeeze %dma_wait3A_383 : memref<1x64xi32, #tpu.memory_space<vmem>> -> memref<64xi32, #tpu.memory_space<vmem>>
          %dma_wait3A_385 = tpu.memref_slice %arg5[%add3A_344] : memref<163840xi32, #tpu.memory_space<hbm>> -> memref<64xi32, #tpu.memory_space<hbm>>
          tpu.wait_dma2 semaphore(%run_scoped3A_369 : memref<!tpu.dma_semaphore, #tpu.memory_space<semaphore_mem>>) src(%dma_wait3A_385 : memref<64xi32, #tpu.memory_space<hbm>>) dst(%dma_wait3A_384 : memref<64xi32, #tpu.memory_space<vmem>>)
          tpu.yield
        }) : () -> ()
        "tpu.region"() ({
          %run_scoped3A_369 = tpu.sem_alloc : memref<!tpu.dma_semaphore, #tpu.memory_space<semaphore_mem>>
          %dma_start3A_370 = arith.constant 0 : i32
          %dma_start3A_371 = tpu.memref_slice %arg13[%rem3A_341, %dma_start3A_370] : memref<2x64xi32, #tpu.memory_space<vmem>> -> memref<1x64xi32, #tpu.memory_space<vmem>>
          %dma_start3A_372 = tpu.memref_squeeze %dma_start3A_371 : memref<1x64xi32, #tpu.memory_space<vmem>> -> memref<64xi32, #tpu.memory_space<vmem>>
          %dma_start3A_373 = tpu.memref_slice %arg6[%add3A_344] : memref<163840xi32, #tpu.memory_space<hbm>> -> memref<64xi32, #tpu.memory_space<hbm>>
          %dma_start3A_374 = arith.constant 0 : i32
          %dma_start3A_375 = tpu.memref_slice %arg13[%rem3A_341, %dma_start3A_374] : memref<2x64xi32, #tpu.memory_space<vmem>> -> memref<1x64xi32, #tpu.memory_space<vmem>>
          %dma_start3A_376 = tpu.memref_squeeze %dma_start3A_375 : memref<1x64xi32, #tpu.memory_space<vmem>> -> memref<64xi32, #tpu.memory_space<vmem>>
          %dma_start3A_377 = tpu.memref_slice %arg6[%add3A_344] : memref<163840xi32, #tpu.memory_space<hbm>> -> memref<64xi32, #tpu.memory_space<hbm>>
          tpu.enqueue_dma source(%dma_start3A_377 : memref<64xi32, #tpu.memory_space<hbm>>) target(%dma_start3A_376 : memref<64xi32, #tpu.memory_space<vmem>>) target_semaphore(%run_scoped3A_369 : memref<!tpu.dma_semaphore, #tpu.memory_space<semaphore_mem>>)
          %dma_wait3A_378 = arith.constant 0 : i32
          %dma_wait3A_379 = tpu.memref_slice %arg13[%rem3A_341, %dma_wait3A_378] : memref<2x64xi32, #tpu.memory_space<vmem>> -> memref<1x64xi32, #tpu.memory_space<vmem>>
          %dma_wait3A_380 = tpu.memref_squeeze %dma_wait3A_379 : memref<1x64xi32, #tpu.memory_space<vmem>> -> memref<64xi32, #tpu.memory_space<vmem>>
          %dma_wait3A_381 = tpu.memref_slice %arg6[%add3A_344] : memref<163840xi32, #tpu.memory_space<hbm>> -> memref<64xi32, #tpu.memory_space<hbm>>
          %dma_wait3A_382 = arith.constant 0 : i32
          %dma_wait3A_383 = tpu.memref_slice %arg13[%rem3A_341, %dma_wait3A_382] : memref<2x64xi32, #tpu.memory_space<vmem>> -> memref<1x64xi32, #tpu.memory_space<vmem>>
          %dma_wait3A_384 = tpu.memref_squeeze %dma_wait3A_383 : memref<1x64xi32, #tpu.memory_space<vmem>> -> memref<64xi32, #tpu.memory_space<vmem>>
          %dma_wait3A_385 = tpu.memref_slice %arg6[%add3A_344] : memref<163840xi32, #tpu.memory_space<hbm>> -> memref<64xi32, #tpu.memory_space<hbm>>
          tpu.wait_dma2 semaphore(%run_scoped3A_369 : memref<!tpu.dma_semaphore, #tpu.memory_space<semaphore_mem>>) src(%dma_wait3A_385 : memref<64xi32, #tpu.memory_space<hbm>>) dst(%dma_wait3A_384 : memref<64xi32, #tpu.memory_space<vmem>>)
          tpu.yield
        }) : () -> ()
        %dma_start3A_349 = arith.constant 0 : i32
        %dma_start3A_350 = arith.constant 0 : i32
        %dma_start3A_351 = tpu.memref_slice %arg10[%rem3A_341, %dma_start3A_349, %dma_start3A_350] : memref<2x64x256xf32, #tpu.memory_space<vmem>> -> memref<1x64x256xf32, #tpu.memory_space<vmem>>
        %dma_start3A_352 = tpu.memref_squeeze %dma_start3A_351 : memref<1x64x256xf32, #tpu.memory_space<vmem>> -> memref<64x256xf32, #tpu.memory_space<vmem>>
        %dma_start3A_353 = arith.constant 0 : i32
        %dma_start3A_354 = tpu.memref_slice %arg12[%rem3A_341, %dma_start3A_353] : memref<2x64xi32, #tpu.memory_space<vmem>> -> memref<1x64xi32, #tpu.memory_space<vmem>>
        %dma_start3A_355 = tpu.memref_squeeze %dma_start3A_354 : memref<1x64xi32, #tpu.memory_space<vmem>> -> memref<64xi32, #tpu.memory_space<vmem>>
        %dma_start3A_356 = arith.constant 0 : i32
        %dma_start3A_357 = arith.constant 0 : i32
        %dma_start3A_358 = tpu.memref_slice %arg2[%dma_start3A_356, %dma_start3A_357] : memref<10240x256xf32, #tpu.memory_space<hbm>> -> memref<10240x256xf32, #tpu.memory_space<hbm>>
        tpu.enqueue_indirect_dma source(%dma_start3A_358 : memref<10240x256xf32, #tpu.memory_space<hbm>>) target(%dma_start3A_352 : memref<64x256xf32, #tpu.memory_space<vmem>>) offsets(%dma_start3A_355 : memref<64xi32, #tpu.memory_space<vmem>>) semaphore(%arg15 : memref<!tpu.dma_semaphore, #tpu.memory_space<semaphore_mem>>)
        %dma_start3A_359 = arith.constant 0 : i32
        %dma_start3A_360 = arith.constant 0 : i32
        %dma_start3A_361 = tpu.memref_slice %arg11[%rem3A_341, %dma_start3A_359, %dma_start3A_360] : memref<2x64x256xf32, #tpu.memory_space<vmem>> -> memref<1x64x256xf32, #tpu.memory_space<vmem>>
        %dma_start3A_362 = tpu.memref_squeeze %dma_start3A_361 : memref<1x64x256xf32, #tpu.memory_space<vmem>> -> memref<64x256xf32, #tpu.memory_space<vmem>>
        %dma_start3A_363 = arith.constant 0 : i32
        %dma_start3A_364 = tpu.memref_slice %arg13[%rem3A_341, %dma_start3A_363] : memref<2x64xi32, #tpu.memory_space<vmem>> -> memref<1x64xi32, #tpu.memory_space<vmem>>
        %dma_start3A_365 = tpu.memref_squeeze %dma_start3A_364 : memref<1x64xi32, #tpu.memory_space<vmem>> -> memref<64xi32, #tpu.memory_space<vmem>>
        %dma_start3A_366 = arith.constant 0 : i32
        %dma_start3A_367 = arith.constant 0 : i32
        %dma_start3A_368 = tpu.memref_slice %arg3[%dma_start3A_366, %dma_start3A_367] : memref<10240x256xf32, #tpu.memory_space<hbm>> -> memref<10240x256xf32, #tpu.memory_space<hbm>>
        tpu.enqueue_indirect_dma source(%dma_start3A_368 : memref<10240x256xf32, #tpu.memory_space<hbm>>) target(%dma_start3A_362 : memref<64x256xf32, #tpu.memory_space<vmem>>) offsets(%dma_start3A_365 : memref<64xi32, #tpu.memory_space<vmem>>) semaphore(%arg16 : memref<!tpu.dma_semaphore, #tpu.memory_space<semaphore_mem>>)
      } else {
      }
      %dma_wait3A_75 = arith.constant 0 : i32
      %dma_wait3A_76 = arith.constant 0 : i32
      %dma_wait3A_77 = tpu.memref_slice %arg10[%rem3A_67, %dma_wait3A_75, %dma_wait3A_76] : memref<2x64x256xf32, #tpu.memory_space<vmem>> -> memref<1x64x256xf32, #tpu.memory_space<vmem>>
      %dma_wait3A_78 = tpu.memref_squeeze %dma_wait3A_77 : memref<1x64x256xf32, #tpu.memory_space<vmem>> -> memref<64x256xf32, #tpu.memory_space<vmem>>
      %dma_wait3A_79 = arith.constant 0 : i32
      %dma_wait3A_80 = tpu.memref_slice %arg12[%rem3A_67, %dma_wait3A_79] : memref<2x64xi32, #tpu.memory_space<vmem>> -> memref<1x64xi32, #tpu.memory_space<vmem>>
      %dma_wait3A_81 = tpu.memref_squeeze %dma_wait3A_80 : memref<1x64xi32, #tpu.memory_space<vmem>> -> memref<64xi32, #tpu.memory_space<vmem>>
      %dma_wait3A_82 = arith.constant 0 : i32
      %dma_wait3A_83 = arith.constant 0 : i32
      %dma_wait3A_84 = tpu.memref_slice %arg2[%dma_wait3A_82, %dma_wait3A_83] : memref<10240x256xf32, #tpu.memory_space<hbm>> -> memref<10240x256xf32, #tpu.memory_space<hbm>>
      tpu.wait_indirect_dma semaphore(%arg15 : memref<!tpu.dma_semaphore, #tpu.memory_space<semaphore_mem>>) src(%dma_wait3A_84 : memref<10240x256xf32, #tpu.memory_space<hbm>>) dst(%dma_wait3A_78 : memref<64x256xf32, #tpu.memory_space<vmem>>)
      %dma_wait3A_85 = arith.constant 0 : i32
      %dma_wait3A_86 = arith.constant 0 : i32
      %dma_wait3A_87 = tpu.memref_slice %arg11[%rem3A_67, %dma_wait3A_85, %dma_wait3A_86] : memref<2x64x256xf32, #tpu.memory_space<vmem>> -> memref<1x64x256xf32, #tpu.memory_space<vmem>>
      %dma_wait3A_88 = tpu.memref_squeeze %dma_wait3A_87 : memref<1x64x256xf32, #tpu.memory_space<vmem>> -> memref<64x256xf32, #tpu.memory_space<vmem>>
      %dma_wait3A_89 = arith.constant 0 : i32
      %dma_wait3A_90 = tpu.memref_slice %arg13[%rem3A_67, %dma_wait3A_89] : memref<2x64xi32, #tpu.memory_space<vmem>> -> memref<1x64xi32, #tpu.memory_space<vmem>>
      %dma_wait3A_91 = tpu.memref_squeeze %dma_wait3A_90 : memref<1x64xi32, #tpu.memory_space<vmem>> -> memref<64xi32, #tpu.memory_space<vmem>>
      %dma_wait3A_92 = arith.constant 0 : i32
      %dma_wait3A_93 = arith.constant 0 : i32
      %dma_wait3A_94 = tpu.memref_slice %arg3[%dma_wait3A_92, %dma_wait3A_93] : memref<10240x256xf32, #tpu.memory_space<hbm>> -> memref<10240x256xf32, #tpu.memory_space<hbm>>
      tpu.wait_indirect_dma semaphore(%arg16 : memref<!tpu.dma_semaphore, #tpu.memory_space<semaphore_mem>>) src(%dma_wait3A_94 : memref<10240x256xf32, #tpu.memory_space<hbm>>) dst(%dma_wait3A_88 : memref<64x256xf32, #tpu.memory_space<vmem>>)
      %scan3A_95 = arith.constant 0 : i32
      %scan3A_96 = arith.constant 0 : i32
      %mul3A_97 = arith.constant 16 : i32
      %mul3A_98 = arith.muli %scan3A_96, %mul3A_97 : i32
      %get3A = arith.index_cast %rem3A_67 : i32 to index
      %get3A_99 = arith.index_cast %mul3A_98 : i32 to index
      %get3A_100 = tpu.vector_load %arg12[%get3A, %get3A_99] {strides = array<i32>} : memref<2x64xi32, #tpu.memory_space<vmem>>, vector<16xi32>,
      %mul3A_101 = arith.constant 16 : i32
      %mul3A_102 = arith.muli %scan3A_96, %mul3A_101 : i32
      %get3A_103 = arith.index_cast %rem3A_67 : i32 to index
      %get3A_104 = arith.index_cast %mul3A_102 : i32 to index
      %get3A_105 = tpu.vector_load %arg13[%get3A_103, %get3A_104] {strides = array<i32>} : memref<2x64xi32, #tpu.memory_space<vmem>>, vector<16xi32>,
      %mul3A_106 = arith.constant 3 : i32
      %mul3A_107 = vector.broadcast %mul3A_106 : i32 to vector<16xi32>
      %mul3A_108 = arith.muli %get3A_100, %mul3A_107 : vector<16xi32>
      %mul3A_109 = arith.constant 3 : i32
      %mul3A_110 = vector.broadcast %mul3A_109 : i32 to vector<16xi32>
      %mul3A_111 = arith.muli %get3A_105, %mul3A_110 : vector<16xi32>
      %gather3A = tpu.vector_load_idx %arg9[%mul3A_108] : memref<30720xf32, #tpu.memory_space<vmem>>[vector<16xi32>], vector<16xf32>,
      %gather3A_112 = tpu.vector_load_idx %arg9[%mul3A_111] : memref<30720xf32, #tpu.memory_space<vmem>>[vector<16xi32>], vector<16xf32>,
      %sub3A = arith.subf %gather3A, %gather3A_112 : vector<16xf32>
      %add3A_113 = arith.constant 1 : i32
      %add3A_114 = vector.broadcast %add3A_113 : i32 to vector<16xi32>
      %add3A_115 = arith.addi %mul3A_108, %add3A_114 : vector<16xi32>
      %gather3A_116 = tpu.vector_load_idx %arg9[%add3A_115] : memref<30720xf32, #tpu.memory_space<vmem>>[vector<16xi32>], vector<16xf32>,
      %add3A_117 = arith.constant 1 : i32
      %add3A_118 = vector.broadcast %add3A_117 : i32 to vector<16xi32>
      %add3A_119 = arith.addi %mul3A_111, %add3A_118 : vector<16xi32>
      %gather3A_120 = tpu.vector_load_idx %arg9[%add3A_119] : memref<30720xf32, #tpu.memory_space<vmem>>[vector<16xi32>], vector<16xf32>,
      %sub3A_121 = arith.subf %gather3A_116, %gather3A_120 : vector<16xf32>
      %add3A_122 = arith.constant 2 : i32
      %add3A_123 = vector.broadcast %add3A_122 : i32 to vector<16xi32>
      %add3A_124 = arith.addi %mul3A_108, %add3A_123 : vector<16xi32>
      %gather3A_125 = tpu.vector_load_idx %arg9[%add3A_124] : memref<30720xf32, #tpu.memory_space<vmem>>[vector<16xi32>], vector<16xf32>,
      %add3A_126 = arith.constant 2 : i32
      %add3A_127 = vector.broadcast %add3A_126 : i32 to vector<16xi32>
      %add3A_128 = arith.addi %mul3A_111, %add3A_127 : vector<16xi32>
      %gather3A_129 = tpu.vector_load_idx %arg9[%add3A_128] : memref<30720xf32, #tpu.memory_space<vmem>>[vector<16xi32>], vector<16xf32>,
      %sub3A_130 = arith.subf %gather3A_125, %gather3A_129 : vector<16xf32>
      %mul3A_131 = arith.constant 16 : i32
      %mul3A_132 = arith.muli %scan3A_96, %mul3A_131 : i32
      %add3A_133 = vector.broadcast %mul3A_132 : i32 to vector<16xi32>
      %add3A_134 = arith.addi %add3A_133, %iota3A : vector<16xi32>
      %mul3A_135 = arith.constant 4 : i32
      %mul3A_136 = vector.broadcast %mul3A_135 : i32 to vector<16xi32>
      %mul3A_137 = arith.muli %add3A_134, %mul3A_136 : vector<16xi32>
      tpu.vector_store_idx %arg14[%mul3A_137], %sub3A : memref<256xf32, #tpu.memory_space<vmem>>[vector<16xi32>], vector<16xf32>,
      %add3A_138 = arith.constant 1 : i32
      %add3A_139 = vector.broadcast %add3A_138 : i32 to vector<16xi32>
      %add3A_140 = arith.addi %mul3A_137, %add3A_139 : vector<16xi32>
      tpu.vector_store_idx %arg14[%add3A_140], %sub3A_121 : memref<256xf32, #tpu.memory_space<vmem>>[vector<16xi32>], vector<16xf32>,
      %add3A_141 = arith.constant 2 : i32
      %add3A_142 = vector.broadcast %add3A_141 : i32 to vector<16xi32>
      %add3A_143 = arith.addi %mul3A_137, %add3A_142 : vector<16xi32>
      tpu.vector_store_idx %arg14[%add3A_143], %sub3A_130 : memref<256xf32, #tpu.memory_space<vmem>>[vector<16xi32>], vector<16xf32>,
      %add3A_144 = arith.constant 3 : i32
      %add3A_145 = vector.broadcast %add3A_144 : i32 to vector<16xi32>
      %add3A_146 = arith.addi %mul3A_137, %add3A_145 : vector<16xi32>
      tpu.vector_store_idx %arg14[%add3A_146], %broadcast_in_dim3A_3 : memref<256xf32, #tpu.memory_space<vmem>>[vector<16xi32>], vector<16xf32>,
      %scan3A_147 = arith.constant 0 : i32
      %scan3A_148 = arith.constant 1 : i32
      %mul3A_149 = arith.constant 16 : i32
      %mul3A_150 = arith.muli %scan3A_148, %mul3A_149 : i32
      %get3A_151 = arith.index_cast %rem3A_67 : i32 to index
      %get3A_152 = arith.index_cast %mul3A_150 : i32 to index
      %get3A_153 = tpu.vector_load %arg12[%get3A_151, %get3A_152] {strides = array<i32>} : memref<2x64xi32, #tpu.memory_space<vmem>>, vector<16xi32>,
      %mul3A_154 = arith.constant 16 : i32
      %mul3A_155 = arith.muli %scan3A_148, %mul3A_154 : i32
      %get3A_156 = arith.index_cast %rem3A_67 : i32 to index
      %get3A_157 = arith.index_cast %mul3A_155 : i32 to index
      %get3A_158 = tpu.vector_load %arg13[%get3A_156, %get3A_157] {strides = array<i32>} : memref<2x64xi32, #tpu.memory_space<vmem>>, vector<16xi32>,
      %mul3A_159 = arith.constant 3 : i32
      %mul3A_160 = vector.broadcast %mul3A_159 : i32 to vector<16xi32>
      %mul3A_161 = arith.muli %get3A_153, %mul3A_160 : vector<16xi32>
      %mul3A_162 = arith.constant 3 : i32
      %mul3A_163 = vector.broadcast %mul3A_162 : i32 to vector<16xi32>
      %mul3A_164 = arith.muli %get3A_158, %mul3A_163 : vector<16xi32>
      %gather3A_165 = tpu.vector_load_idx %arg9[%mul3A_161] : memref<30720xf32, #tpu.memory_space<vmem>>[vector<16xi32>], vector<16xf32>,
      %gather3A_166 = tpu.vector_load_idx %arg9[%mul3A_164] : memref<30720xf32, #tpu.memory_space<vmem>>[vector<16xi32>], vector<16xf32>,
      %sub3A_167 = arith.subf %gather3A_165, %gather3A_166 : vector<16xf32>
      %add3A_168 = arith.constant 1 : i32
      %add3A_169 = vector.broadcast %add3A_168 : i32 to vector<16xi32>
      %add3A_170 = arith.addi %mul3A_161, %add3A_169 : vector<16xi32>
      %gather3A_171 = tpu.vector_load_idx %arg9[%add3A_170] : memref<30720xf32, #tpu.memory_space<vmem>>[vector<16xi32>], vector<16xf32>,
      %add3A_172 = arith.constant 1 : i32
      %add3A_173 = vector.broadcast %add3A_172 : i32 to vector<16xi32>
      %add3A_174 = arith.addi %mul3A_164, %add3A_173 : vector<16xi32>
      %gather3A_175 = tpu.vector_load_idx %arg9[%add3A_174] : memref<30720xf32, #tpu.memory_space<vmem>>[vector<16xi32>], vector<16xf32>,
      %sub3A_176 = arith.subf %gather3A_171, %gather3A_175 : vector<16xf32>
      %add3A_177 = arith.constant 2 : i32
      %add3A_178 = vector.broadcast %add3A_177 : i32 to vector<16xi32>
      %add3A_179 = arith.addi %mul3A_161, %add3A_178 : vector<16xi32>
      %gather3A_180 = tpu.vector_load_idx %arg9[%add3A_179] : memref<30720xf32, #tpu.memory_space<vmem>>[vector<16xi32>], vector<16xf32>,
      %add3A_181 = arith.constant 2 : i32
      %add3A_182 = vector.broadcast %add3A_181 : i32 to vector<16xi32>
      %add3A_183 = arith.addi %mul3A_164, %add3A_182 : vector<16xi32>
      %gather3A_184 = tpu.vector_load_idx %arg9[%add3A_183] : memref<30720xf32, #tpu.memory_space<vmem>>[vector<16xi32>], vector<16xf32>,
      %sub3A_185 = arith.subf %gather3A_180, %gather3A_184 : vector<16xf32>
      %mul3A_186 = arith.constant 16 : i32
      %mul3A_187 = arith.muli %scan3A_148, %mul3A_186 : i32
      %add3A_188 = vector.broadcast %mul3A_187 : i32 to vector<16xi32>
      %add3A_189 = arith.addi %add3A_188, %iota3A : vector<16xi32>
      %mul3A_190 = arith.constant 4 : i32
      %mul3A_191 = vector.broadcast %mul3A_190 : i32 to vector<16xi32>
      %mul3A_192 = arith.muli %add3A_189, %mul3A_191 : vector<16xi32>
      tpu.vector_store_idx %arg14[%mul3A_192], %sub3A_167 : memref<256xf32, #tpu.memory_space<vmem>>[vector<16xi32>], vector<16xf32>,
      %add3A_193 = arith.constant 1 : i32
      %add3A_194 = vector.broadcast %add3A_193 : i32 to vector<16xi32>
      %add3A_195 = arith.addi %mul3A_192, %add3A_194 : vector<16xi32>
      tpu.vector_store_idx %arg14[%add3A_195], %sub3A_176 : memref<256xf32, #tpu.memory_space<vmem>>[vector<16xi32>], vector<16xf32>,
      %add3A_196 = arith.constant 2 : i32
      %add3A_197 = vector.broadcast %add3A_196 : i32 to vector<16xi32>
      %add3A_198 = arith.addi %mul3A_192, %add3A_197 : vector<16xi32>
      tpu.vector_store_idx %arg14[%add3A_198], %sub3A_185 : memref<256xf32, #tpu.memory_space<vmem>>[vector<16xi32>], vector<16xf32>,
      %add3A_199 = arith.constant 3 : i32
      %add3A_200 = vector.broadcast %add3A_199 : i32 to vector<16xi32>
      %add3A_201 = arith.addi %mul3A_192, %add3A_200 : vector<16xi32>
      tpu.vector_store_idx %arg14[%add3A_201], %broadcast_in_dim3A_3 : memref<256xf32, #tpu.memory_space<vmem>>[vector<16xi32>], vector<16xf32>,
      %scan3A_202 = arith.constant 0 : i32
      %scan3A_203 = arith.constant 2 : i32
      %mul3A_204 = arith.constant 16 : i32
      %mul3A_205 = arith.muli %scan3A_203, %mul3A_204 : i32
      %get3A_206 = arith.index_cast %rem3A_67 : i32 to index
      %get3A_207 = arith.index_cast %mul3A_205 : i32 to index
      %get3A_208 = tpu.vector_load %arg12[%get3A_206, %get3A_207] {strides = array<i32>} : memref<2x64xi32, #tpu.memory_space<vmem>>, vector<16xi32>,
      %mul3A_209 = arith.constant 16 : i32
      %mul3A_210 = arith.muli %scan3A_203, %mul3A_209 : i32
      %get3A_211 = arith.index_cast %rem3A_67 : i32 to index
      %get3A_212 = arith.index_cast %mul3A_210 : i32 to index
      %get3A_213 = tpu.vector_load %arg13[%get3A_211, %get3A_212] {strides = array<i32>} : memref<2x64xi32, #tpu.memory_space<vmem>>, vector<16xi32>,
      %mul3A_214 = arith.constant 3 : i32
      %mul3A_215 = vector.broadcast %mul3A_214 : i32 to vector<16xi32>
      %mul3A_216 = arith.muli %get3A_208, %mul3A_215 : vector<16xi32>
      %mul3A_217 = arith.constant 3 : i32
      %mul3A_218 = vector.broadcast %mul3A_217 : i32 to vector<16xi32>
      %mul3A_219 = arith.muli %get3A_213, %mul3A_218 : vector<16xi32>
      %gather3A_220 = tpu.vector_load_idx %arg9[%mul3A_216] : memref<30720xf32, #tpu.memory_space<vmem>>[vector<16xi32>], vector<16xf32>,
      %gather3A_221 = tpu.vector_load_idx %arg9[%mul3A_219] : memref<30720xf32, #tpu.memory_space<vmem>>[vector<16xi32>], vector<16xf32>,
      %sub3A_222 = arith.subf %gather3A_220, %gather3A_221 : vector<16xf32>
      %add3A_223 = arith.constant 1 : i32
      %add3A_224 = vector.broadcast %add3A_223 : i32 to vector<16xi32>
      %add3A_225 = arith.addi %mul3A_216, %add3A_224 : vector<16xi32>
      %gather3A_226 = tpu.vector_load_idx %arg9[%add3A_225] : memref<30720xf32, #tpu.memory_space<vmem>>[vector<16xi32>], vector<16xf32>,
      %add3A_227 = arith.constant 1 : i32
      %add3A_228 = vector.broadcast %add3A_227 : i32 to vector<16xi32>
      %add3A_229 = arith.addi %mul3A_219, %add3A_228 : vector<16xi32>
      %gather3A_230 = tpu.vector_load_idx %arg9[%add3A_229] : memref<30720xf32, #tpu.memory_space<vmem>>[vector<16xi32>], vector<16xf32>,
      %sub3A_231 = arith.subf %gather3A_226, %gather3A_230 : vector<16xf32>
      %add3A_232 = arith.constant 2 : i32
      %add3A_233 = vector.broadcast %add3A_232 : i32 to vector<16xi32>
      %add3A_234 = arith.addi %mul3A_216, %add3A_233 : vector<16xi32>
      %gather3A_235 = tpu.vector_load_idx %arg9[%add3A_234] : memref<30720xf32, #tpu.memory_space<vmem>>[vector<16xi32>], vector<16xf32>,
      %add3A_236 = arith.constant 2 : i32
      %add3A_237 = vector.broadcast %add3A_236 : i32 to vector<16xi32>
      %add3A_238 = arith.addi %mul3A_219, %add3A_237 : vector<16xi32>
      %gather3A_239 = tpu.vector_load_idx %arg9[%add3A_238] : memref<30720xf32, #tpu.memory_space<vmem>>[vector<16xi32>], vector<16xf32>,
      %sub3A_240 = arith.subf %gather3A_235, %gather3A_239 : vector<16xf32>
      %mul3A_241 = arith.constant 16 : i32
      %mul3A_242 = arith.muli %scan3A_203, %mul3A_241 : i32
      %add3A_243 = vector.broadcast %mul3A_242 : i32 to vector<16xi32>
      %add3A_244 = arith.addi %add3A_243, %iota3A : vector<16xi32>
      %mul3A_245 = arith.constant 4 : i32
      %mul3A_246 = vector.broadcast %mul3A_245 : i32 to vector<16xi32>
      %mul3A_247 = arith.muli %add3A_244, %mul3A_246 : vector<16xi32>
      tpu.vector_store_idx %arg14[%mul3A_247], %sub3A_222 : memref<256xf32, #tpu.memory_space<vmem>>[vector<16xi32>], vector<16xf32>,
      %add3A_248 = arith.constant 1 : i32
      %add3A_249 = vector.broadcast %add3A_248 : i32 to vector<16xi32>
      %add3A_250 = arith.addi %mul3A_247, %add3A_249 : vector<16xi32>
      tpu.vector_store_idx %arg14[%add3A_250], %sub3A_231 : memref<256xf32, #tpu.memory_space<vmem>>[vector<16xi32>], vector<16xf32>,
      %add3A_251 = arith.constant 2 : i32
      %add3A_252 = vector.broadcast %add3A_251 : i32 to vector<16xi32>
      %add3A_253 = arith.addi %mul3A_247, %add3A_252 : vector<16xi32>
      tpu.vector_store_idx %arg14[%add3A_253], %sub3A_240 : memref<256xf32, #tpu.memory_space<vmem>>[vector<16xi32>], vector<16xf32>,
      %add3A_254 = arith.constant 3 : i32
      %add3A_255 = vector.broadcast %add3A_254 : i32 to vector<16xi32>
      %add3A_256 = arith.addi %mul3A_247, %add3A_255 : vector<16xi32>
      tpu.vector_store_idx %arg14[%add3A_256], %broadcast_in_dim3A_3 : memref<256xf32, #tpu.memory_space<vmem>>[vector<16xi32>], vector<16xf32>,
      %scan3A_257 = arith.constant 0 : i32
      %scan3A_258 = arith.constant 3 : i32
      %mul3A_259 = arith.constant 16 : i32
      %mul3A_260 = arith.muli %scan3A_258, %mul3A_259 : i32
      %get3A_261 = arith.index_cast %rem3A_67 : i32 to index
      %get3A_262 = arith.index_cast %mul3A_260 : i32 to index
      %get3A_263 = tpu.vector_load %arg12[%get3A_261, %get3A_262] {strides = array<i32>} : memref<2x64xi32, #tpu.memory_space<vmem>>, vector<16xi32>,
      %mul3A_264 = arith.constant 16 : i32
      %mul3A_265 = arith.muli %scan3A_258, %mul3A_264 : i32
      %get3A_266 = arith.index_cast %rem3A_67 : i32 to index
      %get3A_267 = arith.index_cast %mul3A_265 : i32 to index
      %get3A_268 = tpu.vector_load %arg13[%get3A_266, %get3A_267] {strides = array<i32>} : memref<2x64xi32, #tpu.memory_space<vmem>>, vector<16xi32>,
      %mul3A_269 = arith.constant 3 : i32
      %mul3A_270 = vector.broadcast %mul3A_269 : i32 to vector<16xi32>
      %mul3A_271 = arith.muli %get3A_263, %mul3A_270 : vector<16xi32>
      %mul3A_272 = arith.constant 3 : i32
      %mul3A_273 = vector.broadcast %mul3A_272 : i32 to vector<16xi32>
      %mul3A_274 = arith.muli %get3A_268, %mul3A_273 : vector<16xi32>
      %gather3A_275 = tpu.vector_load_idx %arg9[%mul3A_271] : memref<30720xf32, #tpu.memory_space<vmem>>[vector<16xi32>], vector<16xf32>,
      %gather3A_276 = tpu.vector_load_idx %arg9[%mul3A_274] : memref<30720xf32, #tpu.memory_space<vmem>>[vector<16xi32>], vector<16xf32>,
      %sub3A_277 = arith.subf %gather3A_275, %gather3A_276 : vector<16xf32>
      %add3A_278 = arith.constant 1 : i32
      %add3A_279 = vector.broadcast %add3A_278 : i32 to vector<16xi32>
      %add3A_280 = arith.addi %mul3A_271, %add3A_279 : vector<16xi32>
      %gather3A_281 = tpu.vector_load_idx %arg9[%add3A_280] : memref<30720xf32, #tpu.memory_space<vmem>>[vector<16xi32>], vector<16xf32>,
      %add3A_282 = arith.constant 1 : i32
      %add3A_283 = vector.broadcast %add3A_282 : i32 to vector<16xi32>
      %add3A_284 = arith.addi %mul3A_274, %add3A_283 : vector<16xi32>
      %gather3A_285 = tpu.vector_load_idx %arg9[%add3A_284] : memref<30720xf32, #tpu.memory_space<vmem>>[vector<16xi32>], vector<16xf32>,
      %sub3A_286 = arith.subf %gather3A_281, %gather3A_285 : vector<16xf32>
      %add3A_287 = arith.constant 2 : i32
      %add3A_288 = vector.broadcast %add3A_287 : i32 to vector<16xi32>
      %add3A_289 = arith.addi %mul3A_271, %add3A_288 : vector<16xi32>
      %gather3A_290 = tpu.vector_load_idx %arg9[%add3A_289] : memref<30720xf32, #tpu.memory_space<vmem>>[vector<16xi32>], vector<16xf32>,
      %add3A_291 = arith.constant 2 : i32
      %add3A_292 = vector.broadcast %add3A_291 : i32 to vector<16xi32>
      %add3A_293 = arith.addi %mul3A_274, %add3A_292 : vector<16xi32>
      %gather3A_294 = tpu.vector_load_idx %arg9[%add3A_293] : memref<30720xf32, #tpu.memory_space<vmem>>[vector<16xi32>], vector<16xf32>,
      %sub3A_295 = arith.subf %gather3A_290, %gather3A_294 : vector<16xf32>
      %mul3A_296 = arith.constant 16 : i32
      %mul3A_297 = arith.muli %scan3A_258, %mul3A_296 : i32
      %add3A_298 = vector.broadcast %mul3A_297 : i32 to vector<16xi32>
      %add3A_299 = arith.addi %add3A_298, %iota3A : vector<16xi32>
      %mul3A_300 = arith.constant 4 : i32
      %mul3A_301 = vector.broadcast %mul3A_300 : i32 to vector<16xi32>
      %mul3A_302 = arith.muli %add3A_299, %mul3A_301 : vector<16xi32>
      tpu.vector_store_idx %arg14[%mul3A_302], %sub3A_277 : memref<256xf32, #tpu.memory_space<vmem>>[vector<16xi32>], vector<16xf32>,
      %add3A_303 = arith.constant 1 : i32
      %add3A_304 = vector.broadcast %add3A_303 : i32 to vector<16xi32>
      %add3A_305 = arith.addi %mul3A_302, %add3A_304 : vector<16xi32>
      tpu.vector_store_idx %arg14[%add3A_305], %sub3A_286 : memref<256xf32, #tpu.memory_space<vmem>>[vector<16xi32>], vector<16xf32>,
      %add3A_306 = arith.constant 2 : i32
      %add3A_307 = vector.broadcast %add3A_306 : i32 to vector<16xi32>
      %add3A_308 = arith.addi %mul3A_302, %add3A_307 : vector<16xi32>
      tpu.vector_store_idx %arg14[%add3A_308], %sub3A_295 : memref<256xf32, #tpu.memory_space<vmem>>[vector<16xi32>], vector<16xf32>,
      %add3A_309 = arith.constant 3 : i32
      %add3A_310 = vector.broadcast %add3A_309 : i32 to vector<16xi32>
      %add3A_311 = arith.addi %mul3A_302, %add3A_310 : vector<16xi32>
      tpu.vector_store_idx %arg14[%add3A_311], %broadcast_in_dim3A_3 : memref<256xf32, #tpu.memory_space<vmem>>[vector<16xi32>], vector<16xf32>,
      %scan3A_312 = arith.constant 0 : i32
      %scan3A_313 = arith.constant 4 : i32
      %scan3A_314 = arith.constant 0 : i32
      %scan3A_315 = arith.constant 0 : i32
      %scan3A_316 = arith.constant 64 : i32
      %scan3A_317 = arith.addi %scan3A_315, %scan3A_316 : i32
      %scan3A_318 = arith.constant 4 : i32
      %scan3A_319 = scf.for %scan3A_336 = %scan3A_315 to %scan3A_317 step %scan3A_318 iter_args(%scan3A_337 = %scan3A_314) -> (i32)  : i32 {
        %get3A_338 = arith.index_cast %rem3A_67 : i32 to index
        %get3A_339 = arith.index_cast %scan3A_336 : i32 to index
        %get3A_340 = arith.constant 0 : index
        %get3A_341 = tpu.vector_load %arg10[%get3A_338, %get3A_339, %get3A_340] {strides = array<i32>} : memref<2x64x256xf32, #tpu.memory_space<vmem>>, vector<16xf32>,
        %get3A_342 = arith.index_cast %rem3A_67 : i32 to index
        %get3A_343 = arith.index_cast %scan3A_336 : i32 to index
        %get3A_344 = arith.constant 0 : index
        %get3A_345 = tpu.vector_load %arg11[%get3A_342, %get3A_343, %get3A_344] {strides = array<i32>} : memref<2x64x256xf32, #tpu.memory_space<vmem>>, vector<16xf32>,
        %add3A_346 = arith.addf %get3A_341, %get3A_345 : vector<16xf32>
        %swap3A = arith.index_cast %rem3A_67 : i32 to index
        %swap3A_347 = arith.index_cast %scan3A_336 : i32 to index
        %swap3A_348 = arith.constant 0 : index
        %swap3A_349 = tpu.vector_load %arg10[%swap3A, %swap3A_347, %swap3A_348] {strides = array<i32>} : memref<2x64x256xf32, #tpu.memory_space<vmem>>, vector<16xf32>,
        tpu.vector_store %arg10[%swap3A, %swap3A_347, %swap3A_348], %add3A_346 {strides = array<i32>} : memref<2x64x256xf32, #tpu.memory_space<vmem>>, vector<16xf32>,
        %get3A_350 = arith.index_cast %rem3A_67 : i32 to index
        %get3A_351 = arith.index_cast %scan3A_336 : i32 to index
        %get3A_352 = arith.constant 16 : index
        %get3A_353 = tpu.vector_load %arg10[%get3A_350, %get3A_351, %get3A_352] {strides = array<i32>} : memref<2x64x256xf32, #tpu.memory_space<vmem>>, vector<16xf32>,
        %get3A_354 = arith.index_cast %rem3A_67 : i32 to index
        %get3A_355 = arith.index_cast %scan3A_336 : i32 to index
        %get3A_356 = arith.constant 16 : index
        %get3A_357 = tpu.vector_load %arg11[%get3A_354, %get3A_355, %get3A_356] {strides = array<i32>} : memref<2x64x256xf32, #tpu.memory_space<vmem>>, vector<16xf32>,
        %add3A_358 = arith.addf %get3A_353, %get3A_357 : vector<16xf32>
        %swap3A_359 = arith.index_cast %rem3A_67 : i32 to index
        %swap3A_360 = arith.index_cast %scan3A_336 : i32 to index
        %swap3A_361 = arith.constant 16 : index
        %swap3A_362 = tpu.vector_load %arg10[%swap3A_359, %swap3A_360, %swap3A_361] {strides = array<i32>} : memref<2x64x256xf32, #tpu.memory_space<vmem>>, vector<16xf32>,
        tpu.vector_store %arg10[%swap3A_359, %swap3A_360, %swap3A_361], %add3A_358 {strides = array<i32>} : memref<2x64x256xf32, #tpu.memory_space<vmem>>, vector<16xf32>,
        %get3A_363 = arith.index_cast %rem3A_67 : i32 to index
        %get3A_364 = arith.index_cast %scan3A_336 : i32 to index
        %get3A_365 = arith.constant 32 : index
        %get3A_366 = tpu.vector_load %arg10[%get3A_363, %get3A_364, %get3A_365] {strides = array<i32>} : memref<2x64x256xf32, #tpu.memory_space<vmem>>, vector<16xf32>,
        %get3A_367 = arith.index_cast %rem3A_67 : i32 to index
        %get3A_368 = arith.index_cast %scan3A_336 : i32 to index
        %get3A_369 = arith.constant 32 : index
        %get3A_370 = tpu.vector_load %arg11[%get3A_367, %get3A_368, %get3A_369] {strides = array<i32>} : memref<2x64x256xf32, #tpu.memory_space<vmem>>, vector<16xf32>,
        %add3A_371 = arith.addf %get3A_366, %get3A_370 : vector<16xf32>
        %swap3A_372 = arith.index_cast %rem3A_67 : i32 to index
        %swap3A_373 = arith.index_cast %scan3A_336 : i32 to index
        %swap3A_374 = arith.constant 32 : index
        %swap3A_375 = tpu.vector_load %arg10[%swap3A_372, %swap3A_373, %swap3A_374] {strides = array<i32>} : memref<2x64x256xf32, #tpu.memory_space<vmem>>, vector<16xf32>,
        tpu.vector_store %arg10[%swap3A_372, %swap3A_373, %swap3A_374], %add3A_371 {strides = array<i32>} : memref<2x64x256xf32, #tpu.memory_space<vmem>>, vector<16xf32>,
        %get3A_376 = arith.index_cast %rem3A_67 : i32 to index
        %get3A_377 = arith.index_cast %scan3A_336 : i32 to index
        %get3A_378 = arith.constant 48 : index
        %get3A_379 = tpu.vector_load %arg10[%get3A_376, %get3A_377, %get3A_378] {strides = array<i32>} : memref<2x64x256xf32, #tpu.memory_space<vmem>>, vector<16xf32>,
        %get3A_380 = arith.index_cast %rem3A_67 : i32 to index
        %get3A_381 = arith.index_cast %scan3A_336 : i32 to index
        %get3A_382 = arith.constant 48 : index
        %get3A_383 = tpu.vector_load %arg11[%get3A_380, %get3A_381, %get3A_382] {strides = array<i32>} : memref<2x64x256xf32, #tpu.memory_space<vmem>>, vector<16xf32>,
        %add3A_384 = arith.addf %get3A_379, %get3A_383 : vector<16xf32>
        %swap3A_385 = arith.index_cast %rem3A_67 : i32 to index
        %swap3A_386 = arith.index_cast %scan3A_336 : i32 to index
        %swap3A_387 = arith.constant 48 : index
        %swap3A_388 = tpu.vector_load %arg10[%swap3A_385, %swap3A_386, %swap3A_387] {strides = array<i32>} : memref<2x64x256xf32, #tpu.memory_space<vmem>>, vector<16xf32>,
        tpu.vector_store %arg10[%swap3A_385, %swap3A_386, %swap3A_387], %add3A_384 {strides = array<i32>} : memref<2x64x256xf32, #tpu.memory_space<vmem>>, vector<16xf32>,
        %get3A_389 = arith.index_cast %rem3A_67 : i32 to index
        %get3A_390 = arith.index_cast %scan3A_336 : i32 to index
        %get3A_391 = arith.constant 64 : index
        %get3A_392 = tpu.vector_load %arg10[%get3A_389, %get3A_390, %get3A_391] {strides = array<i32>} : memref<2x64x256xf32, #tpu.memory_space<vmem>>, vector<16xf32>,
        %get3A_393 = arith.index_cast %rem3A_67 : i32 to index
        %get3A_394 = arith.index_cast %scan3A_336 : i32 to index
        %get3A_395 = arith.constant 64 : index
        %get3A_396 = tpu.vector_load %arg11[%get3A_393, %get3A_394, %get3A_395] {strides = array<i32>} : memref<2x64x256xf32, #tpu.memory_space<vmem>>, vector<16xf32>,
        %add3A_397 = arith.addf %get3A_392, %get3A_396 : vector<16xf32>
        %swap3A_398 = arith.index_cast %rem3A_67 : i32 to index
        %swap3A_399 = arith.index_cast %scan3A_336 : i32 to index
        %swap3A_400 = arith.constant 64 : index
        %swap3A_401 = tpu.vector_load %arg10[%swap3A_398, %swap3A_399, %swap3A_400] {strides = array<i32>} : memref<2x64x256xf32, #tpu.memory_space<vmem>>, vector<16xf32>,
        tpu.vector_store %arg10[%swap3A_398, %swap3A_399, %swap3A_400], %add3A_397 {strides = array<i32>} : memref<2x64x256xf32, #tpu.memory_space<vmem>>, vector<16xf32>,
        %get3A_402 = arith.index_cast %rem3A_67 : i32 to index
        %get3A_403 = arith.index_cast %scan3A_336 : i32 to index
        %get3A_404 = arith.constant 80 : index
        %get3A_405 = tpu.vector_load %arg10[%get3A_402, %get3A_403, %get3A_404] {strides = array<i32>} : memref<2x64x256xf32, #tpu.memory_space<vmem>>, vector<16xf32>,
        %get3A_406 = arith.index_cast %rem3A_67 : i32 to index
        %get3A_407 = arith.index_cast %scan3A_336 : i32 to index
        %get3A_408 = arith.constant 80 : index
        %get3A_409 = tpu.vector_load %arg11[%get3A_406, %get3A_407, %get3A_408] {strides = array<i32>} : memref<2x64x256xf32, #tpu.memory_space<vmem>>, vector<16xf32>,
        %add3A_410 = arith.addf %get3A_405, %get3A_409 : vector<16xf32>
        %swap3A_411 = arith.index_cast %rem3A_67 : i32 to index
        %swap3A_412 = arith.index_cast %scan3A_336 : i32 to index
        %swap3A_413 = arith.constant 80 : index
        %swap3A_414 = tpu.vector_load %arg10[%swap3A_411, %swap3A_412, %swap3A_413] {strides = array<i32>} : memref<2x64x256xf32, #tpu.memory_space<vmem>>, vector<16xf32>,
        tpu.vector_store %arg10[%swap3A_411, %swap3A_412, %swap3A_413], %add3A_410 {strides = array<i32>} : memref<2x64x256xf32, #tpu.memory_space<vmem>>, vector<16xf32>,
        %get3A_415 = arith.index_cast %rem3A_67 : i32 to index
        %get3A_416 = arith.index_cast %scan3A_336 : i32 to index
        %get3A_417 = arith.constant 96 : index
        %get3A_418 = tpu.vector_load %arg10[%get3A_415, %get3A_416, %get3A_417] {strides = array<i32>} : memref<2x64x256xf32, #tpu.memory_space<vmem>>, vector<16xf32>,
        %get3A_419 = arith.index_cast %rem3A_67 : i32 to index
        %get3A_420 = arith.index_cast %scan3A_336 : i32 to index
        %get3A_421 = arith.constant 96 : index
        %get3A_422 = tpu.vector_load %arg11[%get3A_419, %get3A_420, %get3A_421] {strides = array<i32>} : memref<2x64x256xf32, #tpu.memory_space<vmem>>, vector<16xf32>,
        %add3A_423 = arith.addf %get3A_418, %get3A_422 : vector<16xf32>
        %swap3A_424 = arith.index_cast %rem3A_67 : i32 to index
        %swap3A_425 = arith.index_cast %scan3A_336 : i32 to index
        %swap3A_426 = arith.constant 96 : index
        %swap3A_427 = tpu.vector_load %arg10[%swap3A_424, %swap3A_425, %swap3A_426] {strides = array<i32>} : memref<2x64x256xf32, #tpu.memory_space<vmem>>, vector<16xf32>,
        tpu.vector_store %arg10[%swap3A_424, %swap3A_425, %swap3A_426], %add3A_423 {strides = array<i32>} : memref<2x64x256xf32, #tpu.memory_space<vmem>>, vector<16xf32>,
        %get3A_428 = arith.index_cast %rem3A_67 : i32 to index
        %get3A_429 = arith.index_cast %scan3A_336 : i32 to index
        %get3A_430 = arith.constant 112 : index
        %get3A_431 = tpu.vector_load %arg10[%get3A_428, %get3A_429, %get3A_430] {strides = array<i32>} : memref<2x64x256xf32, #tpu.memory_space<vmem>>, vector<16xf32>,
        %get3A_432 = arith.index_cast %rem3A_67 : i32 to index
        %get3A_433 = arith.index_cast %scan3A_336 : i32 to index
        %get3A_434 = arith.constant 112 : index
        %get3A_435 = tpu.vector_load %arg11[%get3A_432, %get3A_433, %get3A_434] {strides = array<i32>} : memref<2x64x256xf32, #tpu.memory_space<vmem>>, vector<16xf32>,
        %add3A_436 = arith.addf %get3A_431, %get3A_435 : vector<16xf32>
        %swap3A_437 = arith.index_cast %rem3A_67 : i32 to index
        %swap3A_438 = arith.index_cast %scan3A_336 : i32 to index
        %swap3A_439 = arith.constant 112 : index
        %swap3A_440 = tpu.vector_load %arg10[%swap3A_437, %swap3A_438, %swap3A_439] {strides = array<i32>} : memref<2x64x256xf32, #tpu.memory_space<vmem>>, vector<16xf32>,
        tpu.vector_store %arg10[%swap3A_437, %swap3A_438, %swap3A_439], %add3A_436 {strides = array<i32>} : memref<2x64x256xf32, #tpu.memory_space<vmem>>, vector<16xf32>,
        %get3A_441 = arith.index_cast %rem3A_67 : i32 to index
        %get3A_442 = arith.index_cast %scan3A_336 : i32 to index
        %get3A_443 = arith.constant 128 : index
        %get3A_444 = tpu.vector_load %arg10[%get3A_441, %get3A_442, %get3A_443] {strides = array<i32>} : memref<2x64x256xf32, #tpu.memory_space<vmem>>, vector<16xf32>,
        %get3A_445 = arith.index_cast %rem3A_67 : i32 to index
        %get3A_446 = arith.index_cast %scan3A_336 : i32 to index
        %get3A_447 = arith.constant 128 : index
        %get3A_448 = tpu.vector_load %arg11[%get3A_445, %get3A_446, %get3A_447] {strides = array<i32>} : memref<2x64x256xf32, #tpu.memory_space<vmem>>, vector<16xf32>,
        %add3A_449 = arith.addf %get3A_444, %get3A_448 : vector<16xf32>
        %swap3A_450 = arith.index_cast %rem3A_67 : i32 to index
        %swap3A_451 = arith.index_cast %scan3A_336 : i32 to index
        %swap3A_452 = arith.constant 128 : index
        %swap3A_453 = tpu.vector_load %arg10[%swap3A_450, %swap3A_451, %swap3A_452] {strides = array<i32>} : memref<2x64x256xf32, #tpu.memory_space<vmem>>, vector<16xf32>,
        tpu.vector_store %arg10[%swap3A_450, %swap3A_451, %swap3A_452], %add3A_449 {strides = array<i32>} : memref<2x64x256xf32, #tpu.memory_space<vmem>>, vector<16xf32>,
        %get3A_454 = arith.index_cast %rem3A_67 : i32 to index
        %get3A_455 = arith.index_cast %scan3A_336 : i32 to index
        %get3A_456 = arith.constant 144 : index
        %get3A_457 = tpu.vector_load %arg10[%get3A_454, %get3A_455, %get3A_456] {strides = array<i32>} : memref<2x64x256xf32, #tpu.memory_space<vmem>>, vector<16xf32>,
        %get3A_458 = arith.index_cast %rem3A_67 : i32 to index
        %get3A_459 = arith.index_cast %scan3A_336 : i32 to index
        %get3A_460 = arith.constant 144 : index
        %get3A_461 = tpu.vector_load %arg11[%get3A_458, %get3A_459, %get3A_460] {strides = array<i32>} : memref<2x64x256xf32, #tpu.memory_space<vmem>>, vector<16xf32>,
        %add3A_462 = arith.addf %get3A_457, %get3A_461 : vector<16xf32>
        %swap3A_463 = arith.index_cast %rem3A_67 : i32 to index
        %swap3A_464 = arith.index_cast %scan3A_336 : i32 to index
        %swap3A_465 = arith.constant 144 : index
        %swap3A_466 = tpu.vector_load %arg10[%swap3A_463, %swap3A_464, %swap3A_465] {strides = array<i32>} : memref<2x64x256xf32, #tpu.memory_space<vmem>>, vector<16xf32>,
        tpu.vector_store %arg10[%swap3A_463, %swap3A_464, %swap3A_465], %add3A_462 {strides = array<i32>} : memref<2x64x256xf32, #tpu.memory_space<vmem>>, vector<16xf32>,
        %get3A_467 = arith.index_cast %rem3A_67 : i32 to index
        %get3A_468 = arith.index_cast %scan3A_336 : i32 to index
        %get3A_469 = arith.constant 160 : index
        %get3A_470 = tpu.vector_load %arg10[%get3A_467, %get3A_468, %get3A_469] {strides = array<i32>} : memref<2x64x256xf32, #tpu.memory_space<vmem>>, vector<16xf32>,
        %get3A_471 = arith.index_cast %rem3A_67 : i32 to index
        %get3A_472 = arith.index_cast %scan3A_336 : i32 to index
        %get3A_473 = arith.constant 160 : index
        %get3A_474 = tpu.vector_load %arg11[%get3A_471, %get3A_472, %get3A_473] {strides = array<i32>} : memref<2x64x256xf32, #tpu.memory_space<vmem>>, vector<16xf32>,
        %add3A_475 = arith.addf %get3A_470, %get3A_474 : vector<16xf32>
        %swap3A_476 = arith.index_cast %rem3A_67 : i32 to index
        %swap3A_477 = arith.index_cast %scan3A_336 : i32 to index
        %swap3A_478 = arith.constant 160 : index
        %swap3A_479 = tpu.vector_load %arg10[%swap3A_476, %swap3A_477, %swap3A_478] {strides = array<i32>} : memref<2x64x256xf32, #tpu.memory_space<vmem>>, vector<16xf32>,
        tpu.vector_store %arg10[%swap3A_476, %swap3A_477, %swap3A_478], %add3A_475 {strides = array<i32>} : memref<2x64x256xf32, #tpu.memory_space<vmem>>, vector<16xf32>,
        %get3A_480 = arith.index_cast %rem3A_67 : i32 to index
        %get3A_481 = arith.index_cast %scan3A_336 : i32 to index
        %get3A_482 = arith.constant 176 : index
        %get3A_483 = tpu.vector_load %arg10[%get3A_480, %get3A_481, %get3A_482] {strides = array<i32>} : memref<2x64x256xf32, #tpu.memory_space<vmem>>, vector<16xf32>,
        %get3A_484 = arith.index_cast %rem3A_67 : i32 to index
        %get3A_485 = arith.index_cast %scan3A_336 : i32 to index
        %get3A_486 = arith.constant 176 : index
        %get3A_487 = tpu.vector_load %arg11[%get3A_484, %get3A_485, %get3A_486] {strides = array<i32>} : memref<2x64x256xf32, #tpu.memory_space<vmem>>, vector<16xf32>,
        %add3A_488 = arith.addf %get3A_483, %get3A_487 : vector<16xf32>
        %swap3A_489 = arith.index_cast %rem3A_67 : i32 to index
        %swap3A_490 = arith.index_cast %scan3A_336 : i32 to index
        %swap3A_491 = arith.constant 176 : index
        %swap3A_492 = tpu.vector_load %arg10[%swap3A_489, %swap3A_490, %swap3A_491] {strides = array<i32>} : memref<2x64x256xf32, #tpu.memory_space<vmem>>, vector<16xf32>,
        tpu.vector_store %arg10[%swap3A_489, %swap3A_490, %swap3A_491], %add3A_488 {strides = array<i32>} : memref<2x64x256xf32, #tpu.memory_space<vmem>>, vector<16xf32>,
        %get3A_493 = arith.index_cast %rem3A_67 : i32 to index
        %get3A_494 = arith.index_cast %scan3A_336 : i32 to index
        %get3A_495 = arith.constant 192 : index
        %get3A_496 = tpu.vector_load %arg10[%get3A_493, %get3A_494, %get3A_495] {strides = array<i32>} : memref<2x64x256xf32, #tpu.memory_space<vmem>>, vector<16xf32>,
        %get3A_497 = arith.index_cast %rem3A_67 : i32 to index
        %get3A_498 = arith.index_cast %scan3A_336 : i32 to index
        %get3A_499 = arith.constant 192 : index
        %get3A_500 = tpu.vector_load %arg11[%get3A_497, %get3A_498, %get3A_499] {strides = array<i32>} : memref<2x64x256xf32, #tpu.memory_space<vmem>>, vector<16xf32>,
        %add3A_501 = arith.addf %get3A_496, %get3A_500 : vector<16xf32>
        %swap3A_502 = arith.index_cast %rem3A_67 : i32 to index
        %swap3A_503 = arith.index_cast %scan3A_336 : i32 to index
        %swap3A_504 = arith.constant 192 : index
        %swap3A_505 = tpu.vector_load %arg10[%swap3A_502, %swap3A_503, %swap3A_504] {strides = array<i32>} : memref<2x64x256xf32, #tpu.memory_space<vmem>>, vector<16xf32>,
        tpu.vector_store %arg10[%swap3A_502, %swap3A_503, %swap3A_504], %add3A_501 {strides = array<i32>} : memref<2x64x256xf32, #tpu.memory_space<vmem>>, vector<16xf32>,
        %get3A_506 = arith.index_cast %rem3A_67 : i32 to index
        %get3A_507 = arith.index_cast %scan3A_336 : i32 to index
        %get3A_508 = arith.constant 208 : index
        %get3A_509 = tpu.vector_load %arg10[%get3A_506, %get3A_507, %get3A_508] {strides = array<i32>} : memref<2x64x256xf32, #tpu.memory_space<vmem>>, vector<16xf32>,
        %get3A_510 = arith.index_cast %rem3A_67 : i32 to index
        %get3A_511 = arith.index_cast %scan3A_336 : i32 to index
        %get3A_512 = arith.constant 208 : index
        %get3A_513 = tpu.vector_load %arg11[%get3A_510, %get3A_511, %get3A_512] {strides = array<i32>} : memref<2x64x256xf32, #tpu.memory_space<vmem>>, vector<16xf32>,
        %add3A_514 = arith.addf %get3A_509, %get3A_513 : vector<16xf32>
        %swap3A_515 = arith.index_cast %rem3A_67 : i32 to index
        %swap3A_516 = arith.index_cast %scan3A_336 : i32 to index
        %swap3A_517 = arith.constant 208 : index
        %swap3A_518 = tpu.vector_load %arg10[%swap3A_515, %swap3A_516, %swap3A_517] {strides = array<i32>} : memref<2x64x256xf32, #tpu.memory_space<vmem>>, vector<16xf32>,
        tpu.vector_store %arg10[%swap3A_515, %swap3A_516, %swap3A_517], %add3A_514 {strides = array<i32>} : memref<2x64x256xf32, #tpu.memory_space<vmem>>, vector<16xf32>,
        %get3A_519 = arith.index_cast %rem3A_67 : i32 to index
        %get3A_520 = arith.index_cast %scan3A_336 : i32 to index
        %get3A_521 = arith.constant 224 : index
        %get3A_522 = tpu.vector_load %arg10[%get3A_519, %get3A_520, %get3A_521] {strides = array<i32>} : memref<2x64x256xf32, #tpu.memory_space<vmem>>, vector<16xf32>,
        %get3A_523 = arith.index_cast %rem3A_67 : i32 to index
        %get3A_524 = arith.index_cast %scan3A_336 : i32 to index
        %get3A_525 = arith.constant 224 : index
        %get3A_526 = tpu.vector_load %arg11[%get3A_523, %get3A_524, %get3A_525] {strides = array<i32>} : memref<2x64x256xf32, #tpu.memory_space<vmem>>, vector<16xf32>,
        %add3A_527 = arith.addf %get3A_522, %get3A_526 : vector<16xf32>
        %swap3A_528 = arith.index_cast %rem3A_67 : i32 to index
        %swap3A_529 = arith.index_cast %scan3A_336 : i32 to index
        %swap3A_530 = arith.constant 224 : index
        %swap3A_531 = tpu.vector_load %arg10[%swap3A_528, %swap3A_529, %swap3A_530] {strides = array<i32>} : memref<2x64x256xf32, #tpu.memory_space<vmem>>, vector<16xf32>,
        tpu.vector_store %arg10[%swap3A_528, %swap3A_529, %swap3A_530], %add3A_527 {strides = array<i32>} : memref<2x64x256xf32, #tpu.memory_space<vmem>>, vector<16xf32>,
        %get3A_532 = arith.index_cast %rem3A_67 : i32 to index
        %get3A_533 = arith.index_cast %scan3A_336 : i32 to index
        %get3A_534 = arith.constant 240 : index
        %get3A_535 = tpu.vector_load %arg10[%get3A_532, %get3A_533, %get3A_534] {strides = array<i32>} : memref<2x64x256xf32, #tpu.memory_space<vmem>>, vector<16xf32>,
        %get3A_536 = arith.index_cast %rem3A_67 : i32 to index
        %get3A_537 = arith.index_cast %scan3A_336 : i32 to index
        %get3A_538 = arith.constant 240 : index
        %get3A_539 = tpu.vector_load %arg11[%get3A_536, %get3A_537, %get3A_538] {strides = array<i32>} : memref<2x64x256xf32, #tpu.memory_space<vmem>>, vector<16xf32>,
        %add3A_540 = arith.addf %get3A_535, %get3A_539 : vector<16xf32>
        %swap3A_541 = arith.index_cast %rem3A_67 : i32 to index
        %swap3A_542 = arith.index_cast %scan3A_336 : i32 to index
        %swap3A_543 = arith.constant 240 : index
        %swap3A_544 = tpu.vector_load %arg10[%swap3A_541, %swap3A_542, %swap3A_543] {strides = array<i32>} : memref<2x64x256xf32, #tpu.memory_space<vmem>>, vector<16xf32>,
        tpu.vector_store %arg10[%swap3A_541, %swap3A_542, %swap3A_543], %add3A_540 {strides = array<i32>} : memref<2x64x256xf32, #tpu.memory_space<vmem>>, vector<16xf32>,
        %scan3A_545 = arith.constant 0 : i32
        %scan3A_546 = arith.constant 1 : i32
        %scan3A_547 = arith.addi %scan3A_336, %scan3A_546 : i32
        %get3A_548 = arith.index_cast %rem3A_67 : i32 to index
        %get3A_549 = arith.index_cast %scan3A_547 : i32 to index
        %get3A_550 = arith.constant 0 : index
        %get3A_551 = tpu.vector_load %arg10[%get3A_548, %get3A_549, %get3A_550] {strides = array<i32>} : memref<2x64x256xf32, #tpu.memory_space<vmem>>, vector<16xf32>,
        %get3A_552 = arith.index_cast %rem3A_67 : i32 to index
        %get3A_553 = arith.index_cast %scan3A_547 : i32 to index
        %get3A_554 = arith.constant 0 : index
        %get3A_555 = tpu.vector_load %arg11[%get3A_552, %get3A_553, %get3A_554] {strides = array<i32>} : memref<2x64x256xf32, #tpu.memory_space<vmem>>, vector<16xf32>,
        %add3A_556 = arith.addf %get3A_551, %get3A_555 : vector<16xf32>
        %swap3A_557 = arith.index_cast %rem3A_67 : i32 to index
        %swap3A_558 = arith.index_cast %scan3A_547 : i32 to index
        %swap3A_559 = arith.constant 0 : index
        %swap3A_560 = tpu.vector_load %arg10[%swap3A_557, %swap3A_558, %swap3A_559] {strides = array<i32>} : memref<2x64x256xf32, #tpu.memory_space<vmem>>, vector<16xf32>,
        tpu.vector_store %arg10[%swap3A_557, %swap3A_558, %swap3A_559], %add3A_556 {strides = array<i32>} : memref<2x64x256xf32, #tpu.memory_space<vmem>>, vector<16xf32>,
        %get3A_561 = arith.index_cast %rem3A_67 : i32 to index
        %get3A_562 = arith.index_cast %scan3A_547 : i32 to index
        %get3A_563 = arith.constant 16 : index
        %get3A_564 = tpu.vector_load %arg10[%get3A_561, %get3A_562, %get3A_563] {strides = array<i32>} : memref<2x64x256xf32, #tpu.memory_space<vmem>>, vector<16xf32>,
        %get3A_565 = arith.index_cast %rem3A_67 : i32 to index
        %get3A_566 = arith.index_cast %scan3A_547 : i32 to index
        %get3A_567 = arith.constant 16 : index
        %get3A_568 = tpu.vector_load %arg11[%get3A_565, %get3A_566, %get3A_567] {strides = array<i32>} : memref<2x64x256xf32, #tpu.memory_space<vmem>>, vector<16xf32>,
        %add3A_569 = arith.addf %get3A_564, %get3A_568 : vector<16xf32>
        %swap3A_570 = arith.index_cast %rem3A_67 : i32 to index
        %swap3A_571 = arith.index_cast %scan3A_547 : i32 to index
        %swap3A_572 = arith.constant 16 : index
        %swap3A_573 = tpu.vector_load %arg10[%swap3A_570, %swap3A_571, %swap3A_572] {strides = array<i32>} : memref<2x64x256xf32, #tpu.memory_space<vmem>>, vector<16xf32>,
        tpu.vector_store %arg10[%swap3A_570, %swap3A_571, %swap3A_572], %add3A_569 {strides = array<i32>} : memref<2x64x256xf32, #tpu.memory_space<vmem>>, vector<16xf32>,
        %get3A_574 = arith.index_cast %rem3A_67 : i32 to index
        %get3A_575 = arith.index_cast %scan3A_547 : i32 to index
        %get3A_576 = arith.constant 32 : index
        %get3A_577 = tpu.vector_load %arg10[%get3A_574, %get3A_575, %get3A_576] {strides = array<i32>} : memref<2x64x256xf32, #tpu.memory_space<vmem>>, vector<16xf32>,
        %get3A_578 = arith.index_cast %rem3A_67 : i32 to index
        %get3A_579 = arith.index_cast %scan3A_547 : i32 to index
        %get3A_580 = arith.constant 32 : index
        %get3A_581 = tpu.vector_load %arg11[%get3A_578, %get3A_579, %get3A_580] {strides = array<i32>} : memref<2x64x256xf32, #tpu.memory_space<vmem>>, vector<16xf32>,
        %add3A_582 = arith.addf %get3A_577, %get3A_581 : vector<16xf32>
        %swap3A_583 = arith.index_cast %rem3A_67 : i32 to index
        %swap3A_584 = arith.index_cast %scan3A_547 : i32 to index
        %swap3A_585 = arith.constant 32 : index
        %swap3A_586 = tpu.vector_load %arg10[%swap3A_583, %swap3A_584, %swap3A_585] {strides = array<i32>} : memref<2x64x256xf32, #tpu.memory_space<vmem>>, vector<16xf32>,
        tpu.vector_store %arg10[%swap3A_583, %swap3A_584, %swap3A_585], %add3A_582 {strides = array<i32>} : memref<2x64x256xf32, #tpu.memory_space<vmem>>, vector<16xf32>,
        %get3A_587 = arith.index_cast %rem3A_67 : i32 to index
        %get3A_588 = arith.index_cast %scan3A_547 : i32 to index
        %get3A_589 = arith.constant 48 : index
        %get3A_590 = tpu.vector_load %arg10[%get3A_587, %get3A_588, %get3A_589] {strides = array<i32>} : memref<2x64x256xf32, #tpu.memory_space<vmem>>, vector<16xf32>,
        %get3A_591 = arith.index_cast %rem3A_67 : i32 to index
        %get3A_592 = arith.index_cast %scan3A_547 : i32 to index
        %get3A_593 = arith.constant 48 : index
        %get3A_594 = tpu.vector_load %arg11[%get3A_591, %get3A_592, %get3A_593] {strides = array<i32>} : memref<2x64x256xf32, #tpu.memory_space<vmem>>, vector<16xf32>,
        %add3A_595 = arith.addf %get3A_590, %get3A_594 : vector<16xf32>
        %swap3A_596 = arith.index_cast %rem3A_67 : i32 to index
        %swap3A_597 = arith.index_cast %scan3A_547 : i32 to index
        %swap3A_598 = arith.constant 48 : index
        %swap3A_599 = tpu.vector_load %arg10[%swap3A_596, %swap3A_597, %swap3A_598] {strides = array<i32>} : memref<2x64x256xf32, #tpu.memory_space<vmem>>, vector<16xf32>,
        tpu.vector_store %arg10[%swap3A_596, %swap3A_597, %swap3A_598], %add3A_595 {strides = array<i32>} : memref<2x64x256xf32, #tpu.memory_space<vmem>>, vector<16xf32>,
        %get3A_600 = arith.index_cast %rem3A_67 : i32 to index
        %get3A_601 = arith.index_cast %scan3A_547 : i32 to index
        %get3A_602 = arith.constant 64 : index
        %get3A_603 = tpu.vector_load %arg10[%get3A_600, %get3A_601, %get3A_602] {strides = array<i32>} : memref<2x64x256xf32, #tpu.memory_space<vmem>>, vector<16xf32>,
        %get3A_604 = arith.index_cast %rem3A_67 : i32 to index
        %get3A_605 = arith.index_cast %scan3A_547 : i32 to index
        %get3A_606 = arith.constant 64 : index
        %get3A_607 = tpu.vector_load %arg11[%get3A_604, %get3A_605, %get3A_606] {strides = array<i32>} : memref<2x64x256xf32, #tpu.memory_space<vmem>>, vector<16xf32>,
        %add3A_608 = arith.addf %get3A_603, %get3A_607 : vector<16xf32>
        %swap3A_609 = arith.index_cast %rem3A_67 : i32 to index
        %swap3A_610 = arith.index_cast %scan3A_547 : i32 to index
        %swap3A_611 = arith.constant 64 : index
        %swap3A_612 = tpu.vector_load %arg10[%swap3A_609, %swap3A_610, %swap3A_611] {strides = array<i32>} : memref<2x64x256xf32, #tpu.memory_space<vmem>>, vector<16xf32>,
        tpu.vector_store %arg10[%swap3A_609, %swap3A_610, %swap3A_611], %add3A_608 {strides = array<i32>} : memref<2x64x256xf32, #tpu.memory_space<vmem>>, vector<16xf32>,
        %get3A_613 = arith.index_cast %rem3A_67 : i32 to index
        %get3A_614 = arith.index_cast %scan3A_547 : i32 to index
        %get3A_615 = arith.constant 80 : index
        %get3A_616 = tpu.vector_load %arg10[%get3A_613, %get3A_614, %get3A_615] {strides = array<i32>} : memref<2x64x256xf32, #tpu.memory_space<vmem>>, vector<16xf32>,
        %get3A_617 = arith.index_cast %rem3A_67 : i32 to index
        %get3A_618 = arith.index_cast %scan3A_547 : i32 to index
        %get3A_619 = arith.constant 80 : index
        %get3A_620 = tpu.vector_load %arg11[%get3A_617, %get3A_618, %get3A_619] {strides = array<i32>} : memref<2x64x256xf32, #tpu.memory_space<vmem>>, vector<16xf32>,
        %add3A_621 = arith.addf %get3A_616, %get3A_620 : vector<16xf32>
        %swap3A_622 = arith.index_cast %rem3A_67 : i32 to index
        %swap3A_623 = arith.index_cast %scan3A_547 : i32 to index
        %swap3A_624 = arith.constant 80 : index
        %swap3A_625 = tpu.vector_load %arg10[%swap3A_622, %swap3A_623, %swap3A_624] {strides = array<i32>} : memref<2x64x256xf32, #tpu.memory_space<vmem>>, vector<16xf32>,
        tpu.vector_store %arg10[%swap3A_622, %swap3A_623, %swap3A_624], %add3A_621 {strides = array<i32>} : memref<2x64x256xf32, #tpu.memory_space<vmem>>, vector<16xf32>,
        %get3A_626 = arith.index_cast %rem3A_67 : i32 to index
        %get3A_627 = arith.index_cast %scan3A_547 : i32 to index
        %get3A_628 = arith.constant 96 : index
        %get3A_629 = tpu.vector_load %arg10[%get3A_626, %get3A_627, %get3A_628] {strides = array<i32>} : memref<2x64x256xf32, #tpu.memory_space<vmem>>, vector<16xf32>,
        %get3A_630 = arith.index_cast %rem3A_67 : i32 to index
        %get3A_631 = arith.index_cast %scan3A_547 : i32 to index
        %get3A_632 = arith.constant 96 : index
        %get3A_633 = tpu.vector_load %arg11[%get3A_630, %get3A_631, %get3A_632] {strides = array<i32>} : memref<2x64x256xf32, #tpu.memory_space<vmem>>, vector<16xf32>,
        %add3A_634 = arith.addf %get3A_629, %get3A_633 : vector<16xf32>
        %swap3A_635 = arith.index_cast %rem3A_67 : i32 to index
        %swap3A_636 = arith.index_cast %scan3A_547 : i32 to index
        %swap3A_637 = arith.constant 96 : index
        %swap3A_638 = tpu.vector_load %arg10[%swap3A_635, %swap3A_636, %swap3A_637] {strides = array<i32>} : memref<2x64x256xf32, #tpu.memory_space<vmem>>, vector<16xf32>,
        tpu.vector_store %arg10[%swap3A_635, %swap3A_636, %swap3A_637], %add3A_634 {strides = array<i32>} : memref<2x64x256xf32, #tpu.memory_space<vmem>>, vector<16xf32>,
        %get3A_639 = arith.index_cast %rem3A_67 : i32 to index
        %get3A_640 = arith.index_cast %scan3A_547 : i32 to index
        %get3A_641 = arith.constant 112 : index
        %get3A_642 = tpu.vector_load %arg10[%get3A_639, %get3A_640, %get3A_641] {strides = array<i32>} : memref<2x64x256xf32, #tpu.memory_space<vmem>>, vector<16xf32>,
        %get3A_643 = arith.index_cast %rem3A_67 : i32 to index
        %get3A_644 = arith.index_cast %scan3A_547 : i32 to index
        %get3A_645 = arith.constant 112 : index
        %get3A_646 = tpu.vector_load %arg11[%get3A_643, %get3A_644, %get3A_645] {strides = array<i32>} : memref<2x64x256xf32, #tpu.memory_space<vmem>>, vector<16xf32>,
        %add3A_647 = arith.addf %get3A_642, %get3A_646 : vector<16xf32>
        %swap3A_648 = arith.index_cast %rem3A_67 : i32 to index
        %swap3A_649 = arith.index_cast %scan3A_547 : i32 to index
        %swap3A_650 = arith.constant 112 : index
        %swap3A_651 = tpu.vector_load %arg10[%swap3A_648, %swap3A_649, %swap3A_650] {strides = array<i32>} : memref<2x64x256xf32, #tpu.memory_space<vmem>>, vector<16xf32>,
        tpu.vector_store %arg10[%swap3A_648, %swap3A_649, %swap3A_650], %add3A_647 {strides = array<i32>} : memref<2x64x256xf32, #tpu.memory_space<vmem>>, vector<16xf32>,
        %get3A_652 = arith.index_cast %rem3A_67 : i32 to index
        %get3A_653 = arith.index_cast %scan3A_547 : i32 to index
        %get3A_654 = arith.constant 128 : index
        %get3A_655 = tpu.vector_load %arg10[%get3A_652, %get3A_653, %get3A_654] {strides = array<i32>} : memref<2x64x256xf32, #tpu.memory_space<vmem>>, vector<16xf32>,
        %get3A_656 = arith.index_cast %rem3A_67 : i32 to index
        %get3A_657 = arith.index_cast %scan3A_547 : i32 to index
        %get3A_658 = arith.constant 128 : index
        %get3A_659 = tpu.vector_load %arg11[%get3A_656, %get3A_657, %get3A_658] {strides = array<i32>} : memref<2x64x256xf32, #tpu.memory_space<vmem>>, vector<16xf32>,
        %add3A_660 = arith.addf %get3A_655, %get3A_659 : vector<16xf32>
        %swap3A_661 = arith.index_cast %rem3A_67 : i32 to index
        %swap3A_662 = arith.index_cast %scan3A_547 : i32 to index
        %swap3A_663 = arith.constant 128 : index
        %swap3A_664 = tpu.vector_load %arg10[%swap3A_661, %swap3A_662, %swap3A_663] {strides = array<i32>} : memref<2x64x256xf32, #tpu.memory_space<vmem>>, vector<16xf32>,
        tpu.vector_store %arg10[%swap3A_661, %swap3A_662, %swap3A_663], %add3A_660 {strides = array<i32>} : memref<2x64x256xf32, #tpu.memory_space<vmem>>, vector<16xf32>,
        %get3A_665 = arith.index_cast %rem3A_67 : i32 to index
        %get3A_666 = arith.index_cast %scan3A_547 : i32 to index
        %get3A_667 = arith.constant 144 : index
        %get3A_668 = tpu.vector_load %arg10[%get3A_665, %get3A_666, %get3A_667] {strides = array<i32>} : memref<2x64x256xf32, #tpu.memory_space<vmem>>, vector<16xf32>,
        %get3A_669 = arith.index_cast %rem3A_67 : i32 to index
        %get3A_670 = arith.index_cast %scan3A_547 : i32 to index
        %get3A_671 = arith.constant 144 : index
        %get3A_672 = tpu.vector_load %arg11[%get3A_669, %get3A_670, %get3A_671] {strides = array<i32>} : memref<2x64x256xf32, #tpu.memory_space<vmem>>, vector<16xf32>,
        %add3A_673 = arith.addf %get3A_668, %get3A_672 : vector<16xf32>
        %swap3A_674 = arith.index_cast %rem3A_67 : i32 to index
        %swap3A_675 = arith.index_cast %scan3A_547 : i32 to index
        %swap3A_676 = arith.constant 144 : index
        %swap3A_677 = tpu.vector_load %arg10[%swap3A_674, %swap3A_675, %swap3A_676] {strides = array<i32>} : memref<2x64x256xf32, #tpu.memory_space<vmem>>, vector<16xf32>,
        tpu.vector_store %arg10[%swap3A_674, %swap3A_675, %swap3A_676], %add3A_673 {strides = array<i32>} : memref<2x64x256xf32, #tpu.memory_space<vmem>>, vector<16xf32>,
        %get3A_678 = arith.index_cast %rem3A_67 : i32 to index
        %get3A_679 = arith.index_cast %scan3A_547 : i32 to index
        %get3A_680 = arith.constant 160 : index
        %get3A_681 = tpu.vector_load %arg10[%get3A_678, %get3A_679, %get3A_680] {strides = array<i32>} : memref<2x64x256xf32, #tpu.memory_space<vmem>>, vector<16xf32>,
        %get3A_682 = arith.index_cast %rem3A_67 : i32 to index
        %get3A_683 = arith.index_cast %scan3A_547 : i32 to index
        %get3A_684 = arith.constant 160 : index
        %get3A_685 = tpu.vector_load %arg11[%get3A_682, %get3A_683, %get3A_684] {strides = array<i32>} : memref<2x64x256xf32, #tpu.memory_space<vmem>>, vector<16xf32>,
        %add3A_686 = arith.addf %get3A_681, %get3A_685 : vector<16xf32>
        %swap3A_687 = arith.index_cast %rem3A_67 : i32 to index
        %swap3A_688 = arith.index_cast %scan3A_547 : i32 to index
        %swap3A_689 = arith.constant 160 : index
        %swap3A_690 = tpu.vector_load %arg10[%swap3A_687, %swap3A_688, %swap3A_689] {strides = array<i32>} : memref<2x64x256xf32, #tpu.memory_space<vmem>>, vector<16xf32>,
        tpu.vector_store %arg10[%swap3A_687, %swap3A_688, %swap3A_689], %add3A_686 {strides = array<i32>} : memref<2x64x256xf32, #tpu.memory_space<vmem>>, vector<16xf32>,
        %get3A_691 = arith.index_cast %rem3A_67 : i32 to index
        %get3A_692 = arith.index_cast %scan3A_547 : i32 to index
        %get3A_693 = arith.constant 176 : index
        %get3A_694 = tpu.vector_load %arg10[%get3A_691, %get3A_692, %get3A_693] {strides = array<i32>} : memref<2x64x256xf32, #tpu.memory_space<vmem>>, vector<16xf32>,
        %get3A_695 = arith.index_cast %rem3A_67 : i32 to index
        %get3A_696 = arith.index_cast %scan3A_547 : i32 to index
        %get3A_697 = arith.constant 176 : index
        %get3A_698 = tpu.vector_load %arg11[%get3A_695, %get3A_696, %get3A_697] {strides = array<i32>} : memref<2x64x256xf32, #tpu.memory_space<vmem>>, vector<16xf32>,
        %add3A_699 = arith.addf %get3A_694, %get3A_698 : vector<16xf32>
        %swap3A_700 = arith.index_cast %rem3A_67 : i32 to index
        %swap3A_701 = arith.index_cast %scan3A_547 : i32 to index
        %swap3A_702 = arith.constant 176 : index
        %swap3A_703 = tpu.vector_load %arg10[%swap3A_700, %swap3A_701, %swap3A_702] {strides = array<i32>} : memref<2x64x256xf32, #tpu.memory_space<vmem>>, vector<16xf32>,
        tpu.vector_store %arg10[%swap3A_700, %swap3A_701, %swap3A_702], %add3A_699 {strides = array<i32>} : memref<2x64x256xf32, #tpu.memory_space<vmem>>, vector<16xf32>,
        %get3A_704 = arith.index_cast %rem3A_67 : i32 to index
        %get3A_705 = arith.index_cast %scan3A_547 : i32 to index
        %get3A_706 = arith.constant 192 : index
        %get3A_707 = tpu.vector_load %arg10[%get3A_704, %get3A_705, %get3A_706] {strides = array<i32>} : memref<2x64x256xf32, #tpu.memory_space<vmem>>, vector<16xf32>,
        %get3A_708 = arith.index_cast %rem3A_67 : i32 to index
        %get3A_709 = arith.index_cast %scan3A_547 : i32 to index
        %get3A_710 = arith.constant 192 : index
        %get3A_711 = tpu.vector_load %arg11[%get3A_708, %get3A_709, %get3A_710] {strides = array<i32>} : memref<2x64x256xf32, #tpu.memory_space<vmem>>, vector<16xf32>,
        %add3A_712 = arith.addf %get3A_707, %get3A_711 : vector<16xf32>
        %swap3A_713 = arith.index_cast %rem3A_67 : i32 to index
        %swap3A_714 = arith.index_cast %scan3A_547 : i32 to index
        %swap3A_715 = arith.constant 192 : index
        %swap3A_716 = tpu.vector_load %arg10[%swap3A_713, %swap3A_714, %swap3A_715] {strides = array<i32>} : memref<2x64x256xf32, #tpu.memory_space<vmem>>, vector<16xf32>,
        tpu.vector_store %arg10[%swap3A_713, %swap3A_714, %swap3A_715], %add3A_712 {strides = array<i32>} : memref<2x64x256xf32, #tpu.memory_space<vmem>>, vector<16xf32>,
        %get3A_717 = arith.index_cast %rem3A_67 : i32 to index
        %get3A_718 = arith.index_cast %scan3A_547 : i32 to index
        %get3A_719 = arith.constant 208 : index
        %get3A_720 = tpu.vector_load %arg10[%get3A_717, %get3A_718, %get3A_719] {strides = array<i32>} : memref<2x64x256xf32, #tpu.memory_space<vmem>>, vector<16xf32>,
        %get3A_721 = arith.index_cast %rem3A_67 : i32 to index
        %get3A_722 = arith.index_cast %scan3A_547 : i32 to index
        %get3A_723 = arith.constant 208 : index
        %get3A_724 = tpu.vector_load %arg11[%get3A_721, %get3A_722, %get3A_723] {strides = array<i32>} : memref<2x64x256xf32, #tpu.memory_space<vmem>>, vector<16xf32>,
        %add3A_725 = arith.addf %get3A_720, %get3A_724 : vector<16xf32>
        %swap3A_726 = arith.index_cast %rem3A_67 : i32 to index
        %swap3A_727 = arith.index_cast %scan3A_547 : i32 to index
        %swap3A_728 = arith.constant 208 : index
        %swap3A_729 = tpu.vector_load %arg10[%swap3A_726, %swap3A_727, %swap3A_728] {strides = array<i32>} : memref<2x64x256xf32, #tpu.memory_space<vmem>>, vector<16xf32>,
        tpu.vector_store %arg10[%swap3A_726, %swap3A_727, %swap3A_728], %add3A_725 {strides = array<i32>} : memref<2x64x256xf32, #tpu.memory_space<vmem>>, vector<16xf32>,
        %get3A_730 = arith.index_cast %rem3A_67 : i32 to index
        %get3A_731 = arith.index_cast %scan3A_547 : i32 to index
        %get3A_732 = arith.constant 224 : index
        %get3A_733 = tpu.vector_load %arg10[%get3A_730, %get3A_731, %get3A_732] {strides = array<i32>} : memref<2x64x256xf32, #tpu.memory_space<vmem>>, vector<16xf32>,
        %get3A_734 = arith.index_cast %rem3A_67 : i32 to index
        %get3A_735 = arith.index_cast %scan3A_547 : i32 to index
        %get3A_736 = arith.constant 224 : index
        %get3A_737 = tpu.vector_load %arg11[%get3A_734, %get3A_735, %get3A_736] {strides = array<i32>} : memref<2x64x256xf32, #tpu.memory_space<vmem>>, vector<16xf32>,
        %add3A_738 = arith.addf %get3A_733, %get3A_737 : vector<16xf32>
        %swap3A_739 = arith.index_cast %rem3A_67 : i32 to index
        %swap3A_740 = arith.index_cast %scan3A_547 : i32 to index
        %swap3A_741 = arith.constant 224 : index
        %swap3A_742 = tpu.vector_load %arg10[%swap3A_739, %swap3A_740, %swap3A_741] {strides = array<i32>} : memref<2x64x256xf32, #tpu.memory_space<vmem>>, vector<16xf32>,
        tpu.vector_store %arg10[%swap3A_739, %swap3A_740, %swap3A_741], %add3A_738 {strides = array<i32>} : memref<2x64x256xf32, #tpu.memory_space<vmem>>, vector<16xf32>,
        %get3A_743 = arith.index_cast %rem3A_67 : i32 to index
        %get3A_744 = arith.index_cast %scan3A_547 : i32 to index
        %get3A_745 = arith.constant 240 : index
        %get3A_746 = tpu.vector_load %arg10[%get3A_743, %get3A_744, %get3A_745] {strides = array<i32>} : memref<2x64x256xf32, #tpu.memory_space<vmem>>, vector<16xf32>,
        %get3A_747 = arith.index_cast %rem3A_67 : i32 to index
        %get3A_748 = arith.index_cast %scan3A_547 : i32 to index
        %get3A_749 = arith.constant 240 : index
        %get3A_750 = tpu.vector_load %arg11[%get3A_747, %get3A_748, %get3A_749] {strides = array<i32>} : memref<2x64x256xf32, #tpu.memory_space<vmem>>, vector<16xf32>,
        %add3A_751 = arith.addf %get3A_746, %get3A_750 : vector<16xf32>
        %swap3A_752 = arith.index_cast %rem3A_67 : i32 to index
        %swap3A_753 = arith.index_cast %scan3A_547 : i32 to index
        %swap3A_754 = arith.constant 240 : index
        %swap3A_755 = tpu.vector_load %arg10[%swap3A_752, %swap3A_753, %swap3A_754] {strides = array<i32>} : memref<2x64x256xf32, #tpu.memory_space<vmem>>, vector<16xf32>,
        tpu.vector_store %arg10[%swap3A_752, %swap3A_753, %swap3A_754], %add3A_751 {strides = array<i32>} : memref<2x64x256xf32, #tpu.memory_space<vmem>>, vector<16xf32>,
        %scan3A_756 = arith.constant 0 : i32
        %scan3A_757 = arith.constant 2 : i32
        %scan3A_758 = arith.addi %scan3A_336, %scan3A_757 : i32
        %get3A_759 = arith.index_cast %rem3A_67 : i32 to index
        %get3A_760 = arith.index_cast %scan3A_758 : i32 to index
        %get3A_761 = arith.constant 0 : index
        %get3A_762 = tpu.vector_load %arg10[%get3A_759, %get3A_760, %get3A_761] {strides = array<i32>} : memref<2x64x256xf32, #tpu.memory_space<vmem>>, vector<16xf32>,
        %get3A_763 = arith.index_cast %rem3A_67 : i32 to index
        %get3A_764 = arith.index_cast %scan3A_758 : i32 to index
        %get3A_765 = arith.constant 0 : index
        %get3A_766 = tpu.vector_load %arg11[%get3A_763, %get3A_764, %get3A_765] {strides = array<i32>} : memref<2x64x256xf32, #tpu.memory_space<vmem>>, vector<16xf32>,
        %add3A_767 = arith.addf %get3A_762, %get3A_766 : vector<16xf32>
        %swap3A_768 = arith.index_cast %rem3A_67 : i32 to index
        %swap3A_769 = arith.index_cast %scan3A_758 : i32 to index
        %swap3A_770 = arith.constant 0 : index
        %swap3A_771 = tpu.vector_load %arg10[%swap3A_768, %swap3A_769, %swap3A_770] {strides = array<i32>} : memref<2x64x256xf32, #tpu.memory_space<vmem>>, vector<16xf32>,
        tpu.vector_store %arg10[%swap3A_768, %swap3A_769, %swap3A_770], %add3A_767 {strides = array<i32>} : memref<2x64x256xf32, #tpu.memory_space<vmem>>, vector<16xf32>,
        %get3A_772 = arith.index_cast %rem3A_67 : i32 to index
        %get3A_773 = arith.index_cast %scan3A_758 : i32 to index
        %get3A_774 = arith.constant 16 : index
        %get3A_775 = tpu.vector_load %arg10[%get3A_772, %get3A_773, %get3A_774] {strides = array<i32>} : memref<2x64x256xf32, #tpu.memory_space<vmem>>, vector<16xf32>,
        %get3A_776 = arith.index_cast %rem3A_67 : i32 to index
        %get3A_777 = arith.index_cast %scan3A_758 : i32 to index
        %get3A_778 = arith.constant 16 : index
        %get3A_779 = tpu.vector_load %arg11[%get3A_776, %get3A_777, %get3A_778] {strides = array<i32>} : memref<2x64x256xf32, #tpu.memory_space<vmem>>, vector<16xf32>,
        %add3A_780 = arith.addf %get3A_775, %get3A_779 : vector<16xf32>
        %swap3A_781 = arith.index_cast %rem3A_67 : i32 to index
        %swap3A_782 = arith.index_cast %scan3A_758 : i32 to index
        %swap3A_783 = arith.constant 16 : index
        %swap3A_784 = tpu.vector_load %arg10[%swap3A_781, %swap3A_782, %swap3A_783] {strides = array<i32>} : memref<2x64x256xf32, #tpu.memory_space<vmem>>, vector<16xf32>,
        tpu.vector_store %arg10[%swap3A_781, %swap3A_782, %swap3A_783], %add3A_780 {strides = array<i32>} : memref<2x64x256xf32, #tpu.memory_space<vmem>>, vector<16xf32>,
        %get3A_785 = arith.index_cast %rem3A_67 : i32 to index
        %get3A_786 = arith.index_cast %scan3A_758 : i32 to index
        %get3A_787 = arith.constant 32 : index
        %get3A_788 = tpu.vector_load %arg10[%get3A_785, %get3A_786, %get3A_787] {strides = array<i32>} : memref<2x64x256xf32, #tpu.memory_space<vmem>>, vector<16xf32>,
        %get3A_789 = arith.index_cast %rem3A_67 : i32 to index
        %get3A_790 = arith.index_cast %scan3A_758 : i32 to index
        %get3A_791 = arith.constant 32 : index
        %get3A_792 = tpu.vector_load %arg11[%get3A_789, %get3A_790, %get3A_791] {strides = array<i32>} : memref<2x64x256xf32, #tpu.memory_space<vmem>>, vector<16xf32>,
        %add3A_793 = arith.addf %get3A_788, %get3A_792 : vector<16xf32>
        %swap3A_794 = arith.index_cast %rem3A_67 : i32 to index
        %swap3A_795 = arith.index_cast %scan3A_758 : i32 to index
        %swap3A_796 = arith.constant 32 : index
        %swap3A_797 = tpu.vector_load %arg10[%swap3A_794, %swap3A_795, %swap3A_796] {strides = array<i32>} : memref<2x64x256xf32, #tpu.memory_space<vmem>>, vector<16xf32>,
        tpu.vector_store %arg10[%swap3A_794, %swap3A_795, %swap3A_796], %add3A_793 {strides = array<i32>} : memref<2x64x256xf32, #tpu.memory_space<vmem>>, vector<16xf32>,
        %get3A_798 = arith.index_cast %rem3A_67 : i32 to index
        %get3A_799 = arith.index_cast %scan3A_758 : i32 to index
        %get3A_800 = arith.constant 48 : index
        %get3A_801 = tpu.vector_load %arg10[%get3A_798, %get3A_799, %get3A_800] {strides = array<i32>} : memref<2x64x256xf32, #tpu.memory_space<vmem>>, vector<16xf32>,
        %get3A_802 = arith.index_cast %rem3A_67 : i32 to index
        %get3A_803 = arith.index_cast %scan3A_758 : i32 to index
        %get3A_804 = arith.constant 48 : index
        %get3A_805 = tpu.vector_load %arg11[%get3A_802, %get3A_803, %get3A_804] {strides = array<i32>} : memref<2x64x256xf32, #tpu.memory_space<vmem>>, vector<16xf32>,
        %add3A_806 = arith.addf %get3A_801, %get3A_805 : vector<16xf32>
        %swap3A_807 = arith.index_cast %rem3A_67 : i32 to index
        %swap3A_808 = arith.index_cast %scan3A_758 : i32 to index
        %swap3A_809 = arith.constant 48 : index
        %swap3A_810 = tpu.vector_load %arg10[%swap3A_807, %swap3A_808, %swap3A_809] {strides = array<i32>} : memref<2x64x256xf32, #tpu.memory_space<vmem>>, vector<16xf32>,
        tpu.vector_store %arg10[%swap3A_807, %swap3A_808, %swap3A_809], %add3A_806 {strides = array<i32>} : memref<2x64x256xf32, #tpu.memory_space<vmem>>, vector<16xf32>,
        %get3A_811 = arith.index_cast %rem3A_67 : i32 to index
        %get3A_812 = arith.index_cast %scan3A_758 : i32 to index
        %get3A_813 = arith.constant 64 : index
        %get3A_814 = tpu.vector_load %arg10[%get3A_811, %get3A_812, %get3A_813] {strides = array<i32>} : memref<2x64x256xf32, #tpu.memory_space<vmem>>, vector<16xf32>,
        %get3A_815 = arith.index_cast %rem3A_67 : i32 to index
        %get3A_816 = arith.index_cast %scan3A_758 : i32 to index
        %get3A_817 = arith.constant 64 : index
        %get3A_818 = tpu.vector_load %arg11[%get3A_815, %get3A_816, %get3A_817] {strides = array<i32>} : memref<2x64x256xf32, #tpu.memory_space<vmem>>, vector<16xf32>,
        %add3A_819 = arith.addf %get3A_814, %get3A_818 : vector<16xf32>
        %swap3A_820 = arith.index_cast %rem3A_67 : i32 to index
        %swap3A_821 = arith.index_cast %scan3A_758 : i32 to index
        %swap3A_822 = arith.constant 64 : index
        %swap3A_823 = tpu.vector_load %arg10[%swap3A_820, %swap3A_821, %swap3A_822] {strides = array<i32>} : memref<2x64x256xf32, #tpu.memory_space<vmem>>, vector<16xf32>,
        tpu.vector_store %arg10[%swap3A_820, %swap3A_821, %swap3A_822], %add3A_819 {strides = array<i32>} : memref<2x64x256xf32, #tpu.memory_space<vmem>>, vector<16xf32>,
        %get3A_824 = arith.index_cast %rem3A_67 : i32 to index
        %get3A_825 = arith.index_cast %scan3A_758 : i32 to index
        %get3A_826 = arith.constant 80 : index
        %get3A_827 = tpu.vector_load %arg10[%get3A_824, %get3A_825, %get3A_826] {strides = array<i32>} : memref<2x64x256xf32, #tpu.memory_space<vmem>>, vector<16xf32>,
        %get3A_828 = arith.index_cast %rem3A_67 : i32 to index
        %get3A_829 = arith.index_cast %scan3A_758 : i32 to index
        %get3A_830 = arith.constant 80 : index
        %get3A_831 = tpu.vector_load %arg11[%get3A_828, %get3A_829, %get3A_830] {strides = array<i32>} : memref<2x64x256xf32, #tpu.memory_space<vmem>>, vector<16xf32>,
        %add3A_832 = arith.addf %get3A_827, %get3A_831 : vector<16xf32>
        %swap3A_833 = arith.index_cast %rem3A_67 : i32 to index
        %swap3A_834 = arith.index_cast %scan3A_758 : i32 to index
        %swap3A_835 = arith.constant 80 : index
        %swap3A_836 = tpu.vector_load %arg10[%swap3A_833, %swap3A_834, %swap3A_835] {strides = array<i32>} : memref<2x64x256xf32, #tpu.memory_space<vmem>>, vector<16xf32>,
        tpu.vector_store %arg10[%swap3A_833, %swap3A_834, %swap3A_835], %add3A_832 {strides = array<i32>} : memref<2x64x256xf32, #tpu.memory_space<vmem>>, vector<16xf32>,
        %get3A_837 = arith.index_cast %rem3A_67 : i32 to index
        %get3A_838 = arith.index_cast %scan3A_758 : i32 to index
        %get3A_839 = arith.constant 96 : index
        %get3A_840 = tpu.vector_load %arg10[%get3A_837, %get3A_838, %get3A_839] {strides = array<i32>} : memref<2x64x256xf32, #tpu.memory_space<vmem>>, vector<16xf32>,
        %get3A_841 = arith.index_cast %rem3A_67 : i32 to index
        %get3A_842 = arith.index_cast %scan3A_758 : i32 to index
        %get3A_843 = arith.constant 96 : index
        %get3A_844 = tpu.vector_load %arg11[%get3A_841, %get3A_842, %get3A_843] {strides = array<i32>} : memref<2x64x256xf32, #tpu.memory_space<vmem>>, vector<16xf32>,
        %add3A_845 = arith.addf %get3A_840, %get3A_844 : vector<16xf32>
        %swap3A_846 = arith.index_cast %rem3A_67 : i32 to index
        %swap3A_847 = arith.index_cast %scan3A_758 : i32 to index
        %swap3A_848 = arith.constant 96 : index
        %swap3A_849 = tpu.vector_load %arg10[%swap3A_846, %swap3A_847, %swap3A_848] {strides = array<i32>} : memref<2x64x256xf32, #tpu.memory_space<vmem>>, vector<16xf32>,
        tpu.vector_store %arg10[%swap3A_846, %swap3A_847, %swap3A_848], %add3A_845 {strides = array<i32>} : memref<2x64x256xf32, #tpu.memory_space<vmem>>, vector<16xf32>,
        %get3A_850 = arith.index_cast %rem3A_67 : i32 to index
        %get3A_851 = arith.index_cast %scan3A_758 : i32 to index
        %get3A_852 = arith.constant 112 : index
        %get3A_853 = tpu.vector_load %arg10[%get3A_850, %get3A_851, %get3A_852] {strides = array<i32>} : memref<2x64x256xf32, #tpu.memory_space<vmem>>, vector<16xf32>,
        %get3A_854 = arith.index_cast %rem3A_67 : i32 to index
        %get3A_855 = arith.index_cast %scan3A_758 : i32 to index
        %get3A_856 = arith.constant 112 : index
        %get3A_857 = tpu.vector_load %arg11[%get3A_854, %get3A_855, %get3A_856] {strides = array<i32>} : memref<2x64x256xf32, #tpu.memory_space<vmem>>, vector<16xf32>,
        %add3A_858 = arith.addf %get3A_853, %get3A_857 : vector<16xf32>
        %swap3A_859 = arith.index_cast %rem3A_67 : i32 to index
        %swap3A_860 = arith.index_cast %scan3A_758 : i32 to index
        %swap3A_861 = arith.constant 112 : index
        %swap3A_862 = tpu.vector_load %arg10[%swap3A_859, %swap3A_860, %swap3A_861] {strides = array<i32>} : memref<2x64x256xf32, #tpu.memory_space<vmem>>, vector<16xf32>,
        tpu.vector_store %arg10[%swap3A_859, %swap3A_860, %swap3A_861], %add3A_858 {strides = array<i32>} : memref<2x64x256xf32, #tpu.memory_space<vmem>>, vector<16xf32>,
        %get3A_863 = arith.index_cast %rem3A_67 : i32 to index
        %get3A_864 = arith.index_cast %scan3A_758 : i32 to index
        %get3A_865 = arith.constant 128 : index
        %get3A_866 = tpu.vector_load %arg10[%get3A_863, %get3A_864, %get3A_865] {strides = array<i32>} : memref<2x64x256xf32, #tpu.memory_space<vmem>>, vector<16xf32>,
        %get3A_867 = arith.index_cast %rem3A_67 : i32 to index
        %get3A_868 = arith.index_cast %scan3A_758 : i32 to index
        %get3A_869 = arith.constant 128 : index
        %get3A_870 = tpu.vector_load %arg11[%get3A_867, %get3A_868, %get3A_869] {strides = array<i32>} : memref<2x64x256xf32, #tpu.memory_space<vmem>>, vector<16xf32>,
        %add3A_871 = arith.addf %get3A_866, %get3A_870 : vector<16xf32>
        %swap3A_872 = arith.index_cast %rem3A_67 : i32 to index
        %swap3A_873 = arith.index_cast %scan3A_758 : i32 to index
        %swap3A_874 = arith.constant 128 : index
        %swap3A_875 = tpu.vector_load %arg10[%swap3A_872, %swap3A_873, %swap3A_874] {strides = array<i32>} : memref<2x64x256xf32, #tpu.memory_space<vmem>>, vector<16xf32>,
        tpu.vector_store %arg10[%swap3A_872, %swap3A_873, %swap3A_874], %add3A_871 {strides = array<i32>} : memref<2x64x256xf32, #tpu.memory_space<vmem>>, vector<16xf32>,
        %get3A_876 = arith.index_cast %rem3A_67 : i32 to index
        %get3A_877 = arith.index_cast %scan3A_758 : i32 to index
        %get3A_878 = arith.constant 144 : index
        %get3A_879 = tpu.vector_load %arg10[%get3A_876, %get3A_877, %get3A_878] {strides = array<i32>} : memref<2x64x256xf32, #tpu.memory_space<vmem>>, vector<16xf32>,
        %get3A_880 = arith.index_cast %rem3A_67 : i32 to index
        %get3A_881 = arith.index_cast %scan3A_758 : i32 to index
        %get3A_882 = arith.constant 144 : index
        %get3A_883 = tpu.vector_load %arg11[%get3A_880, %get3A_881, %get3A_882] {strides = array<i32>} : memref<2x64x256xf32, #tpu.memory_space<vmem>>, vector<16xf32>,
        %add3A_884 = arith.addf %get3A_879, %get3A_883 : vector<16xf32>
        %swap3A_885 = arith.index_cast %rem3A_67 : i32 to index
        %swap3A_886 = arith.index_cast %scan3A_758 : i32 to index
        %swap3A_887 = arith.constant 144 : index
        %swap3A_888 = tpu.vector_load %arg10[%swap3A_885, %swap3A_886, %swap3A_887] {strides = array<i32>} : memref<2x64x256xf32, #tpu.memory_space<vmem>>, vector<16xf32>,
        tpu.vector_store %arg10[%swap3A_885, %swap3A_886, %swap3A_887], %add3A_884 {strides = array<i32>} : memref<2x64x256xf32, #tpu.memory_space<vmem>>, vector<16xf32>,
        %get3A_889 = arith.index_cast %rem3A_67 : i32 to index
        %get3A_890 = arith.index_cast %scan3A_758 : i32 to index
        %get3A_891 = arith.constant 160 : index
        %get3A_892 = tpu.vector_load %arg10[%get3A_889, %get3A_890, %get3A_891] {strides = array<i32>} : memref<2x64x256xf32, #tpu.memory_space<vmem>>, vector<16xf32>,
        %get3A_893 = arith.index_cast %rem3A_67 : i32 to index
        %get3A_894 = arith.index_cast %scan3A_758 : i32 to index
        %get3A_895 = arith.constant 160 : index
        %get3A_896 = tpu.vector_load %arg11[%get3A_893, %get3A_894, %get3A_895] {strides = array<i32>} : memref<2x64x256xf32, #tpu.memory_space<vmem>>, vector<16xf32>,
        %add3A_897 = arith.addf %get3A_892, %get3A_896 : vector<16xf32>
        %swap3A_898 = arith.index_cast %rem3A_67 : i32 to index
        %swap3A_899 = arith.index_cast %scan3A_758 : i32 to index
        %swap3A_900 = arith.constant 160 : index
        %swap3A_901 = tpu.vector_load %arg10[%swap3A_898, %swap3A_899, %swap3A_900] {strides = array<i32>} : memref<2x64x256xf32, #tpu.memory_space<vmem>>, vector<16xf32>,
        tpu.vector_store %arg10[%swap3A_898, %swap3A_899, %swap3A_900], %add3A_897 {strides = array<i32>} : memref<2x64x256xf32, #tpu.memory_space<vmem>>, vector<16xf32>,
        %get3A_902 = arith.index_cast %rem3A_67 : i32 to index
        %get3A_903 = arith.index_cast %scan3A_758 : i32 to index
        %get3A_904 = arith.constant 176 : index
        %get3A_905 = tpu.vector_load %arg10[%get3A_902, %get3A_903, %get3A_904] {strides = array<i32>} : memref<2x64x256xf32, #tpu.memory_space<vmem>>, vector<16xf32>,
        %get3A_906 = arith.index_cast %rem3A_67 : i32 to index
        %get3A_907 = arith.index_cast %scan3A_758 : i32 to index
        %get3A_908 = arith.constant 176 : index
        %get3A_909 = tpu.vector_load %arg11[%get3A_906, %get3A_907, %get3A_908] {strides = array<i32>} : memref<2x64x256xf32, #tpu.memory_space<vmem>>, vector<16xf32>,
        %add3A_910 = arith.addf %get3A_905, %get3A_909 : vector<16xf32>
        %swap3A_911 = arith.index_cast %rem3A_67 : i32 to index
        %swap3A_912 = arith.index_cast %scan3A_758 : i32 to index
        %swap3A_913 = arith.constant 176 : index
        %swap3A_914 = tpu.vector_load %arg10[%swap3A_911, %swap3A_912, %swap3A_913] {strides = array<i32>} : memref<2x64x256xf32, #tpu.memory_space<vmem>>, vector<16xf32>,
        tpu.vector_store %arg10[%swap3A_911, %swap3A_912, %swap3A_913], %add3A_910 {strides = array<i32>} : memref<2x64x256xf32, #tpu.memory_space<vmem>>, vector<16xf32>,
        %get3A_915 = arith.index_cast %rem3A_67 : i32 to index
        %get3A_916 = arith.index_cast %scan3A_758 : i32 to index
        %get3A_917 = arith.constant 192 : index
        %get3A_918 = tpu.vector_load %arg10[%get3A_915, %get3A_916, %get3A_917] {strides = array<i32>} : memref<2x64x256xf32, #tpu.memory_space<vmem>>, vector<16xf32>,
        %get3A_919 = arith.index_cast %rem3A_67 : i32 to index
        %get3A_920 = arith.index_cast %scan3A_758 : i32 to index
        %get3A_921 = arith.constant 192 : index
        %get3A_922 = tpu.vector_load %arg11[%get3A_919, %get3A_920, %get3A_921] {strides = array<i32>} : memref<2x64x256xf32, #tpu.memory_space<vmem>>, vector<16xf32>,
        %add3A_923 = arith.addf %get3A_918, %get3A_922 : vector<16xf32>
        %swap3A_924 = arith.index_cast %rem3A_67 : i32 to index
        %swap3A_925 = arith.index_cast %scan3A_758 : i32 to index
        %swap3A_926 = arith.constant 192 : index
        %swap3A_927 = tpu.vector_load %arg10[%swap3A_924, %swap3A_925, %swap3A_926] {strides = array<i32>} : memref<2x64x256xf32, #tpu.memory_space<vmem>>, vector<16xf32>,
        tpu.vector_store %arg10[%swap3A_924, %swap3A_925, %swap3A_926], %add3A_923 {strides = array<i32>} : memref<2x64x256xf32, #tpu.memory_space<vmem>>, vector<16xf32>,
        %get3A_928 = arith.index_cast %rem3A_67 : i32 to index
        %get3A_929 = arith.index_cast %scan3A_758 : i32 to index
        %get3A_930 = arith.constant 208 : index
        %get3A_931 = tpu.vector_load %arg10[%get3A_928, %get3A_929, %get3A_930] {strides = array<i32>} : memref<2x64x256xf32, #tpu.memory_space<vmem>>, vector<16xf32>,
        %get3A_932 = arith.index_cast %rem3A_67 : i32 to index
        %get3A_933 = arith.index_cast %scan3A_758 : i32 to index
        %get3A_934 = arith.constant 208 : index
        %get3A_935 = tpu.vector_load %arg11[%get3A_932, %get3A_933, %get3A_934] {strides = array<i32>} : memref<2x64x256xf32, #tpu.memory_space<vmem>>, vector<16xf32>,
        %add3A_936 = arith.addf %get3A_931, %get3A_935 : vector<16xf32>
        %swap3A_937 = arith.index_cast %rem3A_67 : i32 to index
        %swap3A_938 = arith.index_cast %scan3A_758 : i32 to index
        %swap3A_939 = arith.constant 208 : index
        %swap3A_940 = tpu.vector_load %arg10[%swap3A_937, %swap3A_938, %swap3A_939] {strides = array<i32>} : memref<2x64x256xf32, #tpu.memory_space<vmem>>, vector<16xf32>,
        tpu.vector_store %arg10[%swap3A_937, %swap3A_938, %swap3A_939], %add3A_936 {strides = array<i32>} : memref<2x64x256xf32, #tpu.memory_space<vmem>>, vector<16xf32>,
        %get3A_941 = arith.index_cast %rem3A_67 : i32 to index
        %get3A_942 = arith.index_cast %scan3A_758 : i32 to index
        %get3A_943 = arith.constant 224 : index
        %get3A_944 = tpu.vector_load %arg10[%get3A_941, %get3A_942, %get3A_943] {strides = array<i32>} : memref<2x64x256xf32, #tpu.memory_space<vmem>>, vector<16xf32>,
        %get3A_945 = arith.index_cast %rem3A_67 : i32 to index
        %get3A_946 = arith.index_cast %scan3A_758 : i32 to index
        %get3A_947 = arith.constant 224 : index
        %get3A_948 = tpu.vector_load %arg11[%get3A_945, %get3A_946, %get3A_947] {strides = array<i32>} : memref<2x64x256xf32, #tpu.memory_space<vmem>>, vector<16xf32>,
        %add3A_949 = arith.addf %get3A_944, %get3A_948 : vector<16xf32>
        %swap3A_950 = arith.index_cast %rem3A_67 : i32 to index
        %swap3A_951 = arith.index_cast %scan3A_758 : i32 to index
        %swap3A_952 = arith.constant 224 : index
        %swap3A_953 = tpu.vector_load %arg10[%swap3A_950, %swap3A_951, %swap3A_952] {strides = array<i32>} : memref<2x64x256xf32, #tpu.memory_space<vmem>>, vector<16xf32>,
        tpu.vector_store %arg10[%swap3A_950, %swap3A_951, %swap3A_952], %add3A_949 {strides = array<i32>} : memref<2x64x256xf32, #tpu.memory_space<vmem>>, vector<16xf32>,
        %get3A_954 = arith.index_cast %rem3A_67 : i32 to index
        %get3A_955 = arith.index_cast %scan3A_758 : i32 to index
        %get3A_956 = arith.constant 240 : index
        %get3A_957 = tpu.vector_load %arg10[%get3A_954, %get3A_955, %get3A_956] {strides = array<i32>} : memref<2x64x256xf32, #tpu.memory_space<vmem>>, vector<16xf32>,
        %get3A_958 = arith.index_cast %rem3A_67 : i32 to index
        %get3A_959 = arith.index_cast %scan3A_758 : i32 to index
        %get3A_960 = arith.constant 240 : index
        %get3A_961 = tpu.vector_load %arg11[%get3A_958, %get3A_959, %get3A_960] {strides = array<i32>} : memref<2x64x256xf32, #tpu.memory_space<vmem>>, vector<16xf32>,
        %add3A_962 = arith.addf %get3A_957, %get3A_961 : vector<16xf32>
        %swap3A_963 = arith.index_cast %rem3A_67 : i32 to index
        %swap3A_964 = arith.index_cast %scan3A_758 : i32 to index
        %swap3A_965 = arith.constant 240 : index
        %swap3A_966 = tpu.vector_load %arg10[%swap3A_963, %swap3A_964, %swap3A_965] {strides = array<i32>} : memref<2x64x256xf32, #tpu.memory_space<vmem>>, vector<16xf32>,
        tpu.vector_store %arg10[%swap3A_963, %swap3A_964, %swap3A_965], %add3A_962 {strides = array<i32>} : memref<2x64x256xf32, #tpu.memory_space<vmem>>, vector<16xf32>,
        %scan3A_967 = arith.constant 0 : i32
        %scan3A_968 = arith.constant 3 : i32
        %scan3A_969 = arith.addi %scan3A_336, %scan3A_968 : i32
        %get3A_970 = arith.index_cast %rem3A_67 : i32 to index
        %get3A_971 = arith.index_cast %scan3A_969 : i32 to index
        %get3A_972 = arith.constant 0 : index
        %get3A_973 = tpu.vector_load %arg10[%get3A_970, %get3A_971, %get3A_972] {strides = array<i32>} : memref<2x64x256xf32, #tpu.memory_space<vmem>>, vector<16xf32>,
        %get3A_974 = arith.index_cast %rem3A_67 : i32 to index
        %get3A_975 = arith.index_cast %scan3A_969 : i32 to index
        %get3A_976 = arith.constant 0 : index
        %get3A_977 = tpu.vector_load %arg11[%get3A_974, %get3A_975, %get3A_976] {strides = array<i32>} : memref<2x64x256xf32, #tpu.memory_space<vmem>>, vector<16xf32>,
        %add3A_978 = arith.addf %get3A_973, %get3A_977 : vector<16xf32>
        %swap3A_979 = arith.index_cast %rem3A_67 : i32 to index
        %swap3A_980 = arith.index_cast %scan3A_969 : i32 to index
        %swap3A_981 = arith.constant 0 : index
        %swap3A_982 = tpu.vector_load %arg10[%swap3A_979, %swap3A_980, %swap3A_981] {strides = array<i32>} : memref<2x64x256xf32, #tpu.memory_space<vmem>>, vector<16xf32>,
        tpu.vector_store %arg10[%swap3A_979, %swap3A_980, %swap3A_981], %add3A_978 {strides = array<i32>} : memref<2x64x256xf32, #tpu.memory_space<vmem>>, vector<16xf32>,
        %get3A_983 = arith.index_cast %rem3A_67 : i32 to index
        %get3A_984 = arith.index_cast %scan3A_969 : i32 to index
        %get3A_985 = arith.constant 16 : index
        %get3A_986 = tpu.vector_load %arg10[%get3A_983, %get3A_984, %get3A_985] {strides = array<i32>} : memref<2x64x256xf32, #tpu.memory_space<vmem>>, vector<16xf32>,
        %get3A_987 = arith.index_cast %rem3A_67 : i32 to index
        %get3A_988 = arith.index_cast %scan3A_969 : i32 to index
        %get3A_989 = arith.constant 16 : index
        %get3A_990 = tpu.vector_load %arg11[%get3A_987, %get3A_988, %get3A_989] {strides = array<i32>} : memref<2x64x256xf32, #tpu.memory_space<vmem>>, vector<16xf32>,
        %add3A_991 = arith.addf %get3A_986, %get3A_990 : vector<16xf32>
        %swap3A_992 = arith.index_cast %rem3A_67 : i32 to index
        %swap3A_993 = arith.index_cast %scan3A_969 : i32 to index
        %swap3A_994 = arith.constant 16 : index
        %swap3A_995 = tpu.vector_load %arg10[%swap3A_992, %swap3A_993, %swap3A_994] {strides = array<i32>} : memref<2x64x256xf32, #tpu.memory_space<vmem>>, vector<16xf32>,
        tpu.vector_store %arg10[%swap3A_992, %swap3A_993, %swap3A_994], %add3A_991 {strides = array<i32>} : memref<2x64x256xf32, #tpu.memory_space<vmem>>, vector<16xf32>,
        %get3A_996 = arith.index_cast %rem3A_67 : i32 to index
        %get3A_997 = arith.index_cast %scan3A_969 : i32 to index
        %get3A_998 = arith.constant 32 : index
        %get3A_999 = tpu.vector_load %arg10[%get3A_996, %get3A_997, %get3A_998] {strides = array<i32>} : memref<2x64x256xf32, #tpu.memory_space<vmem>>, vector<16xf32>,
        %get3A_1000 = arith.index_cast %rem3A_67 : i32 to index
        %get3A_1001 = arith.index_cast %scan3A_969 : i32 to index
        %get3A_1002 = arith.constant 32 : index
        %get3A_1003 = tpu.vector_load %arg11[%get3A_1000, %get3A_1001, %get3A_1002] {strides = array<i32>} : memref<2x64x256xf32, #tpu.memory_space<vmem>>, vector<16xf32>,
        %add3A_1004 = arith.addf %get3A_999, %get3A_1003 : vector<16xf32>
        %swap3A_1005 = arith.index_cast %rem3A_67 : i32 to index
        %swap3A_1006 = arith.index_cast %scan3A_969 : i32 to index
        %swap3A_1007 = arith.constant 32 : index
        %swap3A_1008 = tpu.vector_load %arg10[%swap3A_1005, %swap3A_1006, %swap3A_1007] {strides = array<i32>} : memref<2x64x256xf32, #tpu.memory_space<vmem>>, vector<16xf32>,
        tpu.vector_store %arg10[%swap3A_1005, %swap3A_1006, %swap3A_1007], %add3A_1004 {strides = array<i32>} : memref<2x64x256xf32, #tpu.memory_space<vmem>>, vector<16xf32>,
        %get3A_1009 = arith.index_cast %rem3A_67 : i32 to index
        %get3A_1010 = arith.index_cast %scan3A_969 : i32 to index
        %get3A_1011 = arith.constant 48 : index
        %get3A_1012 = tpu.vector_load %arg10[%get3A_1009, %get3A_1010, %get3A_1011] {strides = array<i32>} : memref<2x64x256xf32, #tpu.memory_space<vmem>>, vector<16xf32>,
        %get3A_1013 = arith.index_cast %rem3A_67 : i32 to index
        %get3A_1014 = arith.index_cast %scan3A_969 : i32 to index
        %get3A_1015 = arith.constant 48 : index
        %get3A_1016 = tpu.vector_load %arg11[%get3A_1013, %get3A_1014, %get3A_1015] {strides = array<i32>} : memref<2x64x256xf32, #tpu.memory_space<vmem>>, vector<16xf32>,
        %add3A_1017 = arith.addf %get3A_1012, %get3A_1016 : vector<16xf32>
        %swap3A_1018 = arith.index_cast %rem3A_67 : i32 to index
        %swap3A_1019 = arith.index_cast %scan3A_969 : i32 to index
        %swap3A_1020 = arith.constant 48 : index
        %swap3A_1021 = tpu.vector_load %arg10[%swap3A_1018, %swap3A_1019, %swap3A_1020] {strides = array<i32>} : memref<2x64x256xf32, #tpu.memory_space<vmem>>, vector<16xf32>,
        tpu.vector_store %arg10[%swap3A_1018, %swap3A_1019, %swap3A_1020], %add3A_1017 {strides = array<i32>} : memref<2x64x256xf32, #tpu.memory_space<vmem>>, vector<16xf32>,
        %get3A_1022 = arith.index_cast %rem3A_67 : i32 to index
        %get3A_1023 = arith.index_cast %scan3A_969 : i32 to index
        %get3A_1024 = arith.constant 64 : index
        %get3A_1025 = tpu.vector_load %arg10[%get3A_1022, %get3A_1023, %get3A_1024] {strides = array<i32>} : memref<2x64x256xf32, #tpu.memory_space<vmem>>, vector<16xf32>,
        %get3A_1026 = arith.index_cast %rem3A_67 : i32 to index
        %get3A_1027 = arith.index_cast %scan3A_969 : i32 to index
        %get3A_1028 = arith.constant 64 : index
        %get3A_1029 = tpu.vector_load %arg11[%get3A_1026, %get3A_1027, %get3A_1028] {strides = array<i32>} : memref<2x64x256xf32, #tpu.memory_space<vmem>>, vector<16xf32>,
        %add3A_1030 = arith.addf %get3A_1025, %get3A_1029 : vector<16xf32>
        %swap3A_1031 = arith.index_cast %rem3A_67 : i32 to index
        %swap3A_1032 = arith.index_cast %scan3A_969 : i32 to index
        %swap3A_1033 = arith.constant 64 : index
        %swap3A_1034 = tpu.vector_load %arg10[%swap3A_1031, %swap3A_1032, %swap3A_1033] {strides = array<i32>} : memref<2x64x256xf32, #tpu.memory_space<vmem>>, vector<16xf32>,
        tpu.vector_store %arg10[%swap3A_1031, %swap3A_1032, %swap3A_1033], %add3A_1030 {strides = array<i32>} : memref<2x64x256xf32, #tpu.memory_space<vmem>>, vector<16xf32>,
        %get3A_1035 = arith.index_cast %rem3A_67 : i32 to index
        %get3A_1036 = arith.index_cast %scan3A_969 : i32 to index
        %get3A_1037 = arith.constant 80 : index
        %get3A_1038 = tpu.vector_load %arg10[%get3A_1035, %get3A_1036, %get3A_1037] {strides = array<i32>} : memref<2x64x256xf32, #tpu.memory_space<vmem>>, vector<16xf32>,
        %get3A_1039 = arith.index_cast %rem3A_67 : i32 to index
        %get3A_1040 = arith.index_cast %scan3A_969 : i32 to index
        %get3A_1041 = arith.constant 80 : index
        %get3A_1042 = tpu.vector_load %arg11[%get3A_1039, %get3A_1040, %get3A_1041] {strides = array<i32>} : memref<2x64x256xf32, #tpu.memory_space<vmem>>, vector<16xf32>,
        %add3A_1043 = arith.addf %get3A_1038, %get3A_1042 : vector<16xf32>
        %swap3A_1044 = arith.index_cast %rem3A_67 : i32 to index
        %swap3A_1045 = arith.index_cast %scan3A_969 : i32 to index
        %swap3A_1046 = arith.constant 80 : index
        %swap3A_1047 = tpu.vector_load %arg10[%swap3A_1044, %swap3A_1045, %swap3A_1046] {strides = array<i32>} : memref<2x64x256xf32, #tpu.memory_space<vmem>>, vector<16xf32>,
        tpu.vector_store %arg10[%swap3A_1044, %swap3A_1045, %swap3A_1046], %add3A_1043 {strides = array<i32>} : memref<2x64x256xf32, #tpu.memory_space<vmem>>, vector<16xf32>,
        %get3A_1048 = arith.index_cast %rem3A_67 : i32 to index
        %get3A_1049 = arith.index_cast %scan3A_969 : i32 to index
        %get3A_1050 = arith.constant 96 : index
        %get3A_1051 = tpu.vector_load %arg10[%get3A_1048, %get3A_1049, %get3A_1050] {strides = array<i32>} : memref<2x64x256xf32, #tpu.memory_space<vmem>>, vector<16xf32>,
        %get3A_1052 = arith.index_cast %rem3A_67 : i32 to index
        %get3A_1053 = arith.index_cast %scan3A_969 : i32 to index
        %get3A_1054 = arith.constant 96 : index
        %get3A_1055 = tpu.vector_load %arg11[%get3A_1052, %get3A_1053, %get3A_1054] {strides = array<i32>} : memref<2x64x256xf32, #tpu.memory_space<vmem>>, vector<16xf32>,
        %add3A_1056 = arith.addf %get3A_1051, %get3A_1055 : vector<16xf32>
        %swap3A_1057 = arith.index_cast %rem3A_67 : i32 to index
        %swap3A_1058 = arith.index_cast %scan3A_969 : i32 to index
        %swap3A_1059 = arith.constant 96 : index
        %swap3A_1060 = tpu.vector_load %arg10[%swap3A_1057, %swap3A_1058, %swap3A_1059] {strides = array<i32>} : memref<2x64x256xf32, #tpu.memory_space<vmem>>, vector<16xf32>,
        tpu.vector_store %arg10[%swap3A_1057, %swap3A_1058, %swap3A_1059], %add3A_1056 {strides = array<i32>} : memref<2x64x256xf32, #tpu.memory_space<vmem>>, vector<16xf32>,
        %get3A_1061 = arith.index_cast %rem3A_67 : i32 to index
        %get3A_1062 = arith.index_cast %scan3A_969 : i32 to index
        %get3A_1063 = arith.constant 112 : index
        %get3A_1064 = tpu.vector_load %arg10[%get3A_1061, %get3A_1062, %get3A_1063] {strides = array<i32>} : memref<2x64x256xf32, #tpu.memory_space<vmem>>, vector<16xf32>,
        %get3A_1065 = arith.index_cast %rem3A_67 : i32 to index
        %get3A_1066 = arith.index_cast %scan3A_969 : i32 to index
        %get3A_1067 = arith.constant 112 : index
        %get3A_1068 = tpu.vector_load %arg11[%get3A_1065, %get3A_1066, %get3A_1067] {strides = array<i32>} : memref<2x64x256xf32, #tpu.memory_space<vmem>>, vector<16xf32>,
        %add3A_1069 = arith.addf %get3A_1064, %get3A_1068 : vector<16xf32>
        %swap3A_1070 = arith.index_cast %rem3A_67 : i32 to index
        %swap3A_1071 = arith.index_cast %scan3A_969 : i32 to index
        %swap3A_1072 = arith.constant 112 : index
        %swap3A_1073 = tpu.vector_load %arg10[%swap3A_1070, %swap3A_1071, %swap3A_1072] {strides = array<i32>} : memref<2x64x256xf32, #tpu.memory_space<vmem>>, vector<16xf32>,
        tpu.vector_store %arg10[%swap3A_1070, %swap3A_1071, %swap3A_1072], %add3A_1069 {strides = array<i32>} : memref<2x64x256xf32, #tpu.memory_space<vmem>>, vector<16xf32>,
        %get3A_1074 = arith.index_cast %rem3A_67 : i32 to index
        %get3A_1075 = arith.index_cast %scan3A_969 : i32 to index
        %get3A_1076 = arith.constant 128 : index
        %get3A_1077 = tpu.vector_load %arg10[%get3A_1074, %get3A_1075, %get3A_1076] {strides = array<i32>} : memref<2x64x256xf32, #tpu.memory_space<vmem>>, vector<16xf32>,
        %get3A_1078 = arith.index_cast %rem3A_67 : i32 to index
        %get3A_1079 = arith.index_cast %scan3A_969 : i32 to index
        %get3A_1080 = arith.constant 128 : index
        %get3A_1081 = tpu.vector_load %arg11[%get3A_1078, %get3A_1079, %get3A_1080] {strides = array<i32>} : memref<2x64x256xf32, #tpu.memory_space<vmem>>, vector<16xf32>,
        %add3A_1082 = arith.addf %get3A_1077, %get3A_1081 : vector<16xf32>
        %swap3A_1083 = arith.index_cast %rem3A_67 : i32 to index
        %swap3A_1084 = arith.index_cast %scan3A_969 : i32 to index
        %swap3A_1085 = arith.constant 128 : index
        %swap3A_1086 = tpu.vector_load %arg10[%swap3A_1083, %swap3A_1084, %swap3A_1085] {strides = array<i32>} : memref<2x64x256xf32, #tpu.memory_space<vmem>>, vector<16xf32>,
        tpu.vector_store %arg10[%swap3A_1083, %swap3A_1084, %swap3A_1085], %add3A_1082 {strides = array<i32>} : memref<2x64x256xf32, #tpu.memory_space<vmem>>, vector<16xf32>,
        %get3A_1087 = arith.index_cast %rem3A_67 : i32 to index
        %get3A_1088 = arith.index_cast %scan3A_969 : i32 to index
        %get3A_1089 = arith.constant 144 : index
        %get3A_1090 = tpu.vector_load %arg10[%get3A_1087, %get3A_1088, %get3A_1089] {strides = array<i32>} : memref<2x64x256xf32, #tpu.memory_space<vmem>>, vector<16xf32>,
        %get3A_1091 = arith.index_cast %rem3A_67 : i32 to index
        %get3A_1092 = arith.index_cast %scan3A_969 : i32 to index
        %get3A_1093 = arith.constant 144 : index
        %get3A_1094 = tpu.vector_load %arg11[%get3A_1091, %get3A_1092, %get3A_1093] {strides = array<i32>} : memref<2x64x256xf32, #tpu.memory_space<vmem>>, vector<16xf32>,
        %add3A_1095 = arith.addf %get3A_1090, %get3A_1094 : vector<16xf32>
        %swap3A_1096 = arith.index_cast %rem3A_67 : i32 to index
        %swap3A_1097 = arith.index_cast %scan3A_969 : i32 to index
        %swap3A_1098 = arith.constant 144 : index
        %swap3A_1099 = tpu.vector_load %arg10[%swap3A_1096, %swap3A_1097, %swap3A_1098] {strides = array<i32>} : memref<2x64x256xf32, #tpu.memory_space<vmem>>, vector<16xf32>,
        tpu.vector_store %arg10[%swap3A_1096, %swap3A_1097, %swap3A_1098], %add3A_1095 {strides = array<i32>} : memref<2x64x256xf32, #tpu.memory_space<vmem>>, vector<16xf32>,
        %get3A_1100 = arith.index_cast %rem3A_67 : i32 to index
        %get3A_1101 = arith.index_cast %scan3A_969 : i32 to index
        %get3A_1102 = arith.constant 160 : index
        %get3A_1103 = tpu.vector_load %arg10[%get3A_1100, %get3A_1101, %get3A_1102] {strides = array<i32>} : memref<2x64x256xf32, #tpu.memory_space<vmem>>, vector<16xf32>,
        %get3A_1104 = arith.index_cast %rem3A_67 : i32 to index
        %get3A_1105 = arith.index_cast %scan3A_969 : i32 to index
        %get3A_1106 = arith.constant 160 : index
        %get3A_1107 = tpu.vector_load %arg11[%get3A_1104, %get3A_1105, %get3A_1106] {strides = array<i32>} : memref<2x64x256xf32, #tpu.memory_space<vmem>>, vector<16xf32>,
        %add3A_1108 = arith.addf %get3A_1103, %get3A_1107 : vector<16xf32>
        %swap3A_1109 = arith.index_cast %rem3A_67 : i32 to index
        %swap3A_1110 = arith.index_cast %scan3A_969 : i32 to index
        %swap3A_1111 = arith.constant 160 : index
        %swap3A_1112 = tpu.vector_load %arg10[%swap3A_1109, %swap3A_1110, %swap3A_1111] {strides = array<i32>} : memref<2x64x256xf32, #tpu.memory_space<vmem>>, vector<16xf32>,
        tpu.vector_store %arg10[%swap3A_1109, %swap3A_1110, %swap3A_1111], %add3A_1108 {strides = array<i32>} : memref<2x64x256xf32, #tpu.memory_space<vmem>>, vector<16xf32>,
        %get3A_1113 = arith.index_cast %rem3A_67 : i32 to index
        %get3A_1114 = arith.index_cast %scan3A_969 : i32 to index
        %get3A_1115 = arith.constant 176 : index
        %get3A_1116 = tpu.vector_load %arg10[%get3A_1113, %get3A_1114, %get3A_1115] {strides = array<i32>} : memref<2x64x256xf32, #tpu.memory_space<vmem>>, vector<16xf32>,
        %get3A_1117 = arith.index_cast %rem3A_67 : i32 to index
        %get3A_1118 = arith.index_cast %scan3A_969 : i32 to index
        %get3A_1119 = arith.constant 176 : index
        %get3A_1120 = tpu.vector_load %arg11[%get3A_1117, %get3A_1118, %get3A_1119] {strides = array<i32>} : memref<2x64x256xf32, #tpu.memory_space<vmem>>, vector<16xf32>,
        %add3A_1121 = arith.addf %get3A_1116, %get3A_1120 : vector<16xf32>
        %swap3A_1122 = arith.index_cast %rem3A_67 : i32 to index
        %swap3A_1123 = arith.index_cast %scan3A_969 : i32 to index
        %swap3A_1124 = arith.constant 176 : index
        %swap3A_1125 = tpu.vector_load %arg10[%swap3A_1122, %swap3A_1123, %swap3A_1124] {strides = array<i32>} : memref<2x64x256xf32, #tpu.memory_space<vmem>>, vector<16xf32>,
        tpu.vector_store %arg10[%swap3A_1122, %swap3A_1123, %swap3A_1124], %add3A_1121 {strides = array<i32>} : memref<2x64x256xf32, #tpu.memory_space<vmem>>, vector<16xf32>,
        %get3A_1126 = arith.index_cast %rem3A_67 : i32 to index
        %get3A_1127 = arith.index_cast %scan3A_969 : i32 to index
        %get3A_1128 = arith.constant 192 : index
        %get3A_1129 = tpu.vector_load %arg10[%get3A_1126, %get3A_1127, %get3A_1128] {strides = array<i32>} : memref<2x64x256xf32, #tpu.memory_space<vmem>>, vector<16xf32>,
        %get3A_1130 = arith.index_cast %rem3A_67 : i32 to index
        %get3A_1131 = arith.index_cast %scan3A_969 : i32 to index
        %get3A_1132 = arith.constant 192 : index
        %get3A_1133 = tpu.vector_load %arg11[%get3A_1130, %get3A_1131, %get3A_1132] {strides = array<i32>} : memref<2x64x256xf32, #tpu.memory_space<vmem>>, vector<16xf32>,
        %add3A_1134 = arith.addf %get3A_1129, %get3A_1133 : vector<16xf32>
        %swap3A_1135 = arith.index_cast %rem3A_67 : i32 to index
        %swap3A_1136 = arith.index_cast %scan3A_969 : i32 to index
        %swap3A_1137 = arith.constant 192 : index
        %swap3A_1138 = tpu.vector_load %arg10[%swap3A_1135, %swap3A_1136, %swap3A_1137] {strides = array<i32>} : memref<2x64x256xf32, #tpu.memory_space<vmem>>, vector<16xf32>,
        tpu.vector_store %arg10[%swap3A_1135, %swap3A_1136, %swap3A_1137], %add3A_1134 {strides = array<i32>} : memref<2x64x256xf32, #tpu.memory_space<vmem>>, vector<16xf32>,
        %get3A_1139 = arith.index_cast %rem3A_67 : i32 to index
        %get3A_1140 = arith.index_cast %scan3A_969 : i32 to index
        %get3A_1141 = arith.constant 208 : index
        %get3A_1142 = tpu.vector_load %arg10[%get3A_1139, %get3A_1140, %get3A_1141] {strides = array<i32>} : memref<2x64x256xf32, #tpu.memory_space<vmem>>, vector<16xf32>,
        %get3A_1143 = arith.index_cast %rem3A_67 : i32 to index
        %get3A_1144 = arith.index_cast %scan3A_969 : i32 to index
        %get3A_1145 = arith.constant 208 : index
        %get3A_1146 = tpu.vector_load %arg11[%get3A_1143, %get3A_1144, %get3A_1145] {strides = array<i32>} : memref<2x64x256xf32, #tpu.memory_space<vmem>>, vector<16xf32>,
        %add3A_1147 = arith.addf %get3A_1142, %get3A_1146 : vector<16xf32>
        %swap3A_1148 = arith.index_cast %rem3A_67 : i32 to index
        %swap3A_1149 = arith.index_cast %scan3A_969 : i32 to index
        %swap3A_1150 = arith.constant 208 : index
        %swap3A_1151 = tpu.vector_load %arg10[%swap3A_1148, %swap3A_1149, %swap3A_1150] {strides = array<i32>} : memref<2x64x256xf32, #tpu.memory_space<vmem>>, vector<16xf32>,
        tpu.vector_store %arg10[%swap3A_1148, %swap3A_1149, %swap3A_1150], %add3A_1147 {strides = array<i32>} : memref<2x64x256xf32, #tpu.memory_space<vmem>>, vector<16xf32>,
        %get3A_1152 = arith.index_cast %rem3A_67 : i32 to index
        %get3A_1153 = arith.index_cast %scan3A_969 : i32 to index
        %get3A_1154 = arith.constant 224 : index
        %get3A_1155 = tpu.vector_load %arg10[%get3A_1152, %get3A_1153, %get3A_1154] {strides = array<i32>} : memref<2x64x256xf32, #tpu.memory_space<vmem>>, vector<16xf32>,
        %get3A_1156 = arith.index_cast %rem3A_67 : i32 to index
        %get3A_1157 = arith.index_cast %scan3A_969 : i32 to index
        %get3A_1158 = arith.constant 224 : index
        %get3A_1159 = tpu.vector_load %arg11[%get3A_1156, %get3A_1157, %get3A_1158] {strides = array<i32>} : memref<2x64x256xf32, #tpu.memory_space<vmem>>, vector<16xf32>,
        %add3A_1160 = arith.addf %get3A_1155, %get3A_1159 : vector<16xf32>
        %swap3A_1161 = arith.index_cast %rem3A_67 : i32 to index
        %swap3A_1162 = arith.index_cast %scan3A_969 : i32 to index
        %swap3A_1163 = arith.constant 224 : index
        %swap3A_1164 = tpu.vector_load %arg10[%swap3A_1161, %swap3A_1162, %swap3A_1163] {strides = array<i32>} : memref<2x64x256xf32, #tpu.memory_space<vmem>>, vector<16xf32>,
        tpu.vector_store %arg10[%swap3A_1161, %swap3A_1162, %swap3A_1163], %add3A_1160 {strides = array<i32>} : memref<2x64x256xf32, #tpu.memory_space<vmem>>, vector<16xf32>,
        %get3A_1165 = arith.index_cast %rem3A_67 : i32 to index
        %get3A_1166 = arith.index_cast %scan3A_969 : i32 to index
        %get3A_1167 = arith.constant 240 : index
        %get3A_1168 = tpu.vector_load %arg10[%get3A_1165, %get3A_1166, %get3A_1167] {strides = array<i32>} : memref<2x64x256xf32, #tpu.memory_space<vmem>>, vector<16xf32>,
        %get3A_1169 = arith.index_cast %rem3A_67 : i32 to index
        %get3A_1170 = arith.index_cast %scan3A_969 : i32 to index
        %get3A_1171 = arith.constant 240 : index
        %get3A_1172 = tpu.vector_load %arg11[%get3A_1169, %get3A_1170, %get3A_1171] {strides = array<i32>} : memref<2x64x256xf32, #tpu.memory_space<vmem>>, vector<16xf32>,
        %add3A_1173 = arith.addf %get3A_1168, %get3A_1172 : vector<16xf32>
        %swap3A_1174 = arith.index_cast %rem3A_67 : i32 to index
        %swap3A_1175 = arith.index_cast %scan3A_969 : i32 to index
        %swap3A_1176 = arith.constant 240 : index
        %swap3A_1177 = tpu.vector_load %arg10[%swap3A_1174, %swap3A_1175, %swap3A_1176] {strides = array<i32>} : memref<2x64x256xf32, #tpu.memory_space<vmem>>, vector<16xf32>,
        tpu.vector_store %arg10[%swap3A_1174, %swap3A_1175, %swap3A_1176], %add3A_1173 {strides = array<i32>} : memref<2x64x256xf32, #tpu.memory_space<vmem>>, vector<16xf32>,
        %scan3A_1178 = arith.constant 0 : i32
        scf.yield %scan3A_1178 : i32
      }
      %scan3A_320 = arith.constant 64 : i32
      %dma_start3A_321 = arith.constant 0 : i32
      %dma_start3A_322 = arith.constant 0 : i32
      %dma_start3A_323 = tpu.memref_slice %arg10[%rem3A_67, %dma_start3A_321, %dma_start3A_322] : memref<2x64x256xf32, #tpu.memory_space<vmem>> -> memref<1x64x256xf32, #tpu.memory_space<vmem>>
      %dma_start3A_324 = tpu.memref_squeeze %dma_start3A_323 : memref<1x64x256xf32, #tpu.memory_space<vmem>> -> memref<64x256xf32, #tpu.memory_space<vmem>>
      %dma_start3A_325 = arith.constant 0 : i32
      %dma_start3A_326 = tpu.memref_slice %arg7[%add3A_70, %dma_start3A_325] : memref<163840x256xf32, #tpu.memory_space<hbm>> -> memref<64x256xf32, #tpu.memory_space<hbm>>
      %dma_start3A_327 = arith.constant 0 : i32
      %dma_start3A_328 = tpu.memref_slice %arg7[%add3A_70, %dma_start3A_327] : memref<163840x256xf32, #tpu.memory_space<hbm>> -> memref<64x256xf32, #tpu.memory_space<hbm>>
      %dma_start3A_329 = arith.constant 0 : i32
      %dma_start3A_330 = arith.constant 0 : i32
      %dma_start3A_331 = tpu.memref_slice %arg10[%rem3A_67, %dma_start3A_329, %dma_start3A_330] : memref<2x64x256xf32, #tpu.memory_space<vmem>> -> memref<1x64x256xf32, #tpu.memory_space<vmem>>
      %dma_start3A_332 = tpu.memref_squeeze %dma_start3A_331 : memref<1x64x256xf32, #tpu.memory_space<vmem>> -> memref<64x256xf32, #tpu.memory_space<vmem>>
      tpu.enqueue_dma source(%dma_start3A_332 : memref<64x256xf32, #tpu.memory_space<vmem>>) target(%dma_start3A_328 : memref<64x256xf32, #tpu.memory_space<hbm>>) target_semaphore(%arg17 : memref<!tpu.dma_semaphore, #tpu.memory_space<semaphore_mem>>)
      %mul3A_333 = arith.constant 4 : i32
      %mul3A_334 = arith.muli %add3A_70, %mul3A_333 : i32
      "tpu.region"() ({
        %run_scoped3A_336 = tpu.sem_alloc : memref<!tpu.dma_semaphore, #tpu.memory_space<semaphore_mem>>
        %dma_start3A_337 = tpu.memref_slice %arg8[%mul3A_334] : memref<655360xf32, #tpu.memory_space<hbm>> -> memref<256xf32, #tpu.memory_space<hbm>>
        %dma_start3A_338 = tpu.memref_slice %arg8[%mul3A_334] : memref<655360xf32, #tpu.memory_space<hbm>> -> memref<256xf32, #tpu.memory_space<hbm>>
        tpu.enqueue_dma source(%arg14 : memref<256xf32, #tpu.memory_space<vmem>>) target(%dma_start3A_338 : memref<256xf32, #tpu.memory_space<hbm>>) target_semaphore(%run_scoped3A_336 : memref<!tpu.dma_semaphore, #tpu.memory_space<semaphore_mem>>)
        %dma_wait3A_339 = tpu.memref_slice %arg8[%mul3A_334] : memref<655360xf32, #tpu.memory_space<hbm>> -> memref<256xf32, #tpu.memory_space<hbm>>
        %dma_wait3A_340 = tpu.memref_slice %arg8[%mul3A_334] : memref<655360xf32, #tpu.memory_space<hbm>> -> memref<256xf32, #tpu.memory_space<hbm>>
        tpu.wait_dma2 semaphore(%run_scoped3A_336 : memref<!tpu.dma_semaphore, #tpu.memory_space<semaphore_mem>>) src(%arg14 : memref<256xf32, #tpu.memory_space<vmem>>) dst(%dma_wait3A_340 : memref<256xf32, #tpu.memory_space<hbm>>)
        tpu.yield
      }) : () -> ()
      %scan3A_335 = arith.constant 0 : i32
      scf.yield %scan3A_335 : i32
    }
    %scan3A_35 = arith.constant 80 : i32
    %add3A_36 = arith.constant 4992 : i32
    %add3A_37 = arith.addi %mul3A_2, %add3A_36 : i32
    %dma_wait3A = arith.constant 0 : i32
    %dma_wait3A_38 = arith.constant 0 : i32
    %dma_wait3A_39 = arith.constant 0 : i32
    %dma_wait3A_40 = tpu.memref_slice %arg10[%dma_wait3A, %dma_wait3A_38, %dma_wait3A_39] : memref<2x64x256xf32, #tpu.memory_space<vmem>> -> memref<1x64x256xf32, #tpu.memory_space<vmem>>
    %dma_wait3A_41 = tpu.memref_squeeze %dma_wait3A_40 : memref<1x64x256xf32, #tpu.memory_space<vmem>> -> memref<64x256xf32, #tpu.memory_space<vmem>>
    %dma_wait3A_42 = arith.constant 0 : i32
    %dma_wait3A_43 = tpu.memref_slice %arg7[%add3A_37, %dma_wait3A_42] : memref<163840x256xf32, #tpu.memory_space<hbm>> -> memref<64x256xf32, #tpu.memory_space<hbm>>
    %dma_wait3A_44 = arith.constant 0 : i32
    %dma_wait3A_45 = tpu.memref_slice %arg7[%add3A_37, %dma_wait3A_44] : memref<163840x256xf32, #tpu.memory_space<hbm>> -> memref<64x256xf32, #tpu.memory_space<hbm>>
    %dma_wait3A_46 = arith.constant 0 : i32
    %dma_wait3A_47 = arith.constant 0 : i32
    %dma_wait3A_48 = tpu.memref_slice %arg10[%dma_wait3A, %dma_wait3A_46, %dma_wait3A_47] : memref<2x64x256xf32, #tpu.memory_space<vmem>> -> memref<1x64x256xf32, #tpu.memory_space<vmem>>
    %dma_wait3A_49 = tpu.memref_squeeze %dma_wait3A_48 : memref<1x64x256xf32, #tpu.memory_space<vmem>> -> memref<64x256xf32, #tpu.memory_space<vmem>>
    tpu.wait_dma2 semaphore(%arg17 : memref<!tpu.dma_semaphore, #tpu.memory_space<semaphore_mem>>) src(%dma_wait3A_49 : memref<64x256xf32, #tpu.memory_space<vmem>>) dst(%dma_wait3A_45 : memref<64x256xf32, #tpu.memory_space<hbm>>)
    %add3A_50 = arith.constant 5056 : i32
    %add3A_51 = arith.addi %mul3A_2, %add3A_50 : i32
    %dma_wait3A_52 = arith.constant 1 : i32
    %dma_wait3A_53 = arith.constant 0 : i32
    %dma_wait3A_54 = arith.constant 0 : i32
    %dma_wait3A_55 = tpu.memref_slice %arg10[%dma_wait3A_52, %dma_wait3A_53, %dma_wait3A_54] : memref<2x64x256xf32, #tpu.memory_space<vmem>> -> memref<1x64x256xf32, #tpu.memory_space<vmem>>
    %dma_wait3A_56 = tpu.memref_squeeze %dma_wait3A_55 : memref<1x64x256xf32, #tpu.memory_space<vmem>> -> memref<64x256xf32, #tpu.memory_space<vmem>>
    %dma_wait3A_57 = arith.constant 0 : i32
    %dma_wait3A_58 = tpu.memref_slice %arg7[%add3A_51, %dma_wait3A_57] : memref<163840x256xf32, #tpu.memory_space<hbm>> -> memref<64x256xf32, #tpu.memory_space<hbm>>
    %dma_wait3A_59 = arith.constant 0 : i32
    %dma_wait3A_60 = tpu.memref_slice %arg7[%add3A_51, %dma_wait3A_59] : memref<163840x256xf32, #tpu.memory_space<hbm>> -> memref<64x256xf32, #tpu.memory_space<hbm>>
    %dma_wait3A_61 = arith.constant 0 : i32
    %dma_wait3A_62 = arith.constant 0 : i32
    %dma_wait3A_63 = tpu.memref_slice %arg10[%dma_wait3A_52, %dma_wait3A_61, %dma_wait3A_62] : memref<2x64x256xf32, #tpu.memory_space<vmem>> -> memref<1x64x256xf32, #tpu.memory_space<vmem>>
    %dma_wait3A_64 = tpu.memref_squeeze %dma_wait3A_63 : memref<1x64x256xf32, #tpu.memory_space<vmem>> -> memref<64x256xf32, #tpu.memory_space<vmem>>
    tpu.wait_dma2 semaphore(%arg17 : memref<!tpu.dma_semaphore, #tpu.memory_space<semaphore_mem>>) src(%dma_wait3A_64 : memref<64x256xf32, #tpu.memory_space<vmem>>) dst(%dma_wait3A_60 : memref<64x256xf32, #tpu.memory_space<hbm>>)
    return
  }
}

#map = affine_map<(d0, d1) -> (0, 0, 0)>
#map1 = affine_map<(d0, d1) -> (0)>
#map2 = affine_map<(d0, d1) -> (0, 0, 0, 0)>
module attributes {stable_mosaic.version = 14 : i64} {
  func.func @_sc_aggcm_body(%arg0: i32, %arg1: i32, %arg2: memref<34x8x163840xf32, #tpu.memory_space<hbm>>, %arg3: memref<163840xi32, #tpu.memory_space<hbm>>, %arg4: memref<2x16x16x5120xf32, #tpu.memory_space<hbm>>, %arg5: memref<16x5120xf32, #tpu.memory_space<vmem>>, %arg6: memref<16x1024xf32, #tpu.memory_space<vmem>>, %arg7: memref<1024xi32, #tpu.memory_space<vmem>>) attributes {dimension_semantics = [#tpu.dimension_semantics<core_parallel>, #tpu.dimension_semantics<subcore_parallel>], iteration_bounds = array<i64: 2, 16>, scalar_prefetch = 0 : i64, scratch_operands = 3 : i64, tpu.core_type = #tpu.core_type<sc_vector_subcore>, window_params = [{transform_indices = #map}, {transform_indices = #map1}, {transform_indices = #map2}]} {
    %mul3A = arith.constant 5120 : i32
    %mul3A_0 = arith.muli %arg0, %mul3A : i32
    %iota3A = tpu.iota {dimensions = array<i32: 0>} : vector<16xi32>
    %broadcast_in_dim3A = arith.constant 0.000000e+00 : f32
    %broadcast_in_dim3A_1 = vector.broadcast %broadcast_in_dim3A : f32 to vector<16xf32>
    %scan3A = arith.constant 0 : i32
    %scan3A_2 = arith.constant 0 : i32
    %scan3A_3 = arith.constant 320 : i32
    %scan3A_4 = arith.addi %scan3A_2, %scan3A_3 : i32
    %scan3A_5 = arith.constant 1 : i32
    %scan3A_6 = scf.for %scan3A_15 = %scan3A_2 to %scan3A_4 step %scan3A_5 iter_args(%scan3A_16 = %scan3A) -> (i32)  : i32 {
      %mul3A_17 = arith.constant 16 : i32
      %mul3A_18 = arith.muli %scan3A_15, %mul3A_17 : i32
      %swap3A = arith.constant 0 : i32
      %swap3A_19 = arith.index_cast %swap3A : i32 to index
      %swap3A_20 = arith.index_cast %mul3A_18 : i32 to index
      %swap3A_21 = tpu.vector_load %arg5[%swap3A_19, %swap3A_20] {strides = array<i32>} : memref<16x5120xf32, #tpu.memory_space<vmem>>, vector<16xf32>,
      tpu.vector_store %arg5[%swap3A_19, %swap3A_20], %broadcast_in_dim3A_1 {strides = array<i32>} : memref<16x5120xf32, #tpu.memory_space<vmem>>, vector<16xf32>,
      %mul3A_22 = arith.constant 16 : i32
      %mul3A_23 = arith.muli %scan3A_15, %mul3A_22 : i32
      %swap3A_24 = arith.constant 1 : i32
      %swap3A_25 = arith.index_cast %swap3A_24 : i32 to index
      %swap3A_26 = arith.index_cast %mul3A_23 : i32 to index
      %swap3A_27 = tpu.vector_load %arg5[%swap3A_25, %swap3A_26] {strides = array<i32>} : memref<16x5120xf32, #tpu.memory_space<vmem>>, vector<16xf32>,
      tpu.vector_store %arg5[%swap3A_25, %swap3A_26], %broadcast_in_dim3A_1 {strides = array<i32>} : memref<16x5120xf32, #tpu.memory_space<vmem>>, vector<16xf32>,
      %mul3A_28 = arith.constant 16 : i32
      %mul3A_29 = arith.muli %scan3A_15, %mul3A_28 : i32
      %swap3A_30 = arith.constant 2 : i32
      %swap3A_31 = arith.index_cast %swap3A_30 : i32 to index
      %swap3A_32 = arith.index_cast %mul3A_29 : i32 to index
      %swap3A_33 = tpu.vector_load %arg5[%swap3A_31, %swap3A_32] {strides = array<i32>} : memref<16x5120xf32, #tpu.memory_space<vmem>>, vector<16xf32>,
      tpu.vector_store %arg5[%swap3A_31, %swap3A_32], %broadcast_in_dim3A_1 {strides = array<i32>} : memref<16x5120xf32, #tpu.memory_space<vmem>>, vector<16xf32>,
      %mul3A_34 = arith.constant 16 : i32
      %mul3A_35 = arith.muli %scan3A_15, %mul3A_34 : i32
      %swap3A_36 = arith.constant 3 : i32
      %swap3A_37 = arith.index_cast %swap3A_36 : i32 to index
      %swap3A_38 = arith.index_cast %mul3A_35 : i32 to index
      %swap3A_39 = tpu.vector_load %arg5[%swap3A_37, %swap3A_38] {strides = array<i32>} : memref<16x5120xf32, #tpu.memory_space<vmem>>, vector<16xf32>,
      tpu.vector_store %arg5[%swap3A_37, %swap3A_38], %broadcast_in_dim3A_1 {strides = array<i32>} : memref<16x5120xf32, #tpu.memory_space<vmem>>, vector<16xf32>,
      %mul3A_40 = arith.constant 16 : i32
      %mul3A_41 = arith.muli %scan3A_15, %mul3A_40 : i32
      %swap3A_42 = arith.constant 4 : i32
      %swap3A_43 = arith.index_cast %swap3A_42 : i32 to index
      %swap3A_44 = arith.index_cast %mul3A_41 : i32 to index
      %swap3A_45 = tpu.vector_load %arg5[%swap3A_43, %swap3A_44] {strides = array<i32>} : memref<16x5120xf32, #tpu.memory_space<vmem>>, vector<16xf32>,
      tpu.vector_store %arg5[%swap3A_43, %swap3A_44], %broadcast_in_dim3A_1 {strides = array<i32>} : memref<16x5120xf32, #tpu.memory_space<vmem>>, vector<16xf32>,
      %mul3A_46 = arith.constant 16 : i32
      %mul3A_47 = arith.muli %scan3A_15, %mul3A_46 : i32
      %swap3A_48 = arith.constant 5 : i32
      %swap3A_49 = arith.index_cast %swap3A_48 : i32 to index
      %swap3A_50 = arith.index_cast %mul3A_47 : i32 to index
      %swap3A_51 = tpu.vector_load %arg5[%swap3A_49, %swap3A_50] {strides = array<i32>} : memref<16x5120xf32, #tpu.memory_space<vmem>>, vector<16xf32>,
      tpu.vector_store %arg5[%swap3A_49, %swap3A_50], %broadcast_in_dim3A_1 {strides = array<i32>} : memref<16x5120xf32, #tpu.memory_space<vmem>>, vector<16xf32>,
      %mul3A_52 = arith.constant 16 : i32
      %mul3A_53 = arith.muli %scan3A_15, %mul3A_52 : i32
      %swap3A_54 = arith.constant 6 : i32
      %swap3A_55 = arith.index_cast %swap3A_54 : i32 to index
      %swap3A_56 = arith.index_cast %mul3A_53 : i32 to index
      %swap3A_57 = tpu.vector_load %arg5[%swap3A_55, %swap3A_56] {strides = array<i32>} : memref<16x5120xf32, #tpu.memory_space<vmem>>, vector<16xf32>,
      tpu.vector_store %arg5[%swap3A_55, %swap3A_56], %broadcast_in_dim3A_1 {strides = array<i32>} : memref<16x5120xf32, #tpu.memory_space<vmem>>, vector<16xf32>,
      %mul3A_58 = arith.constant 16 : i32
      %mul3A_59 = arith.muli %scan3A_15, %mul3A_58 : i32
      %swap3A_60 = arith.constant 7 : i32
      %swap3A_61 = arith.index_cast %swap3A_60 : i32 to index
      %swap3A_62 = arith.index_cast %mul3A_59 : i32 to index
      %swap3A_63 = tpu.vector_load %arg5[%swap3A_61, %swap3A_62] {strides = array<i32>} : memref<16x5120xf32, #tpu.memory_space<vmem>>, vector<16xf32>,
      tpu.vector_store %arg5[%swap3A_61, %swap3A_62], %broadcast_in_dim3A_1 {strides = array<i32>} : memref<16x5120xf32, #tpu.memory_space<vmem>>, vector<16xf32>,
      %mul3A_64 = arith.constant 16 : i32
      %mul3A_65 = arith.muli %scan3A_15, %mul3A_64 : i32
      %swap3A_66 = arith.constant 8 : i32
      %swap3A_67 = arith.index_cast %swap3A_66 : i32 to index
      %swap3A_68 = arith.index_cast %mul3A_65 : i32 to index
      %swap3A_69 = tpu.vector_load %arg5[%swap3A_67, %swap3A_68] {strides = array<i32>} : memref<16x5120xf32, #tpu.memory_space<vmem>>, vector<16xf32>,
      tpu.vector_store %arg5[%swap3A_67, %swap3A_68], %broadcast_in_dim3A_1 {strides = array<i32>} : memref<16x5120xf32, #tpu.memory_space<vmem>>, vector<16xf32>,
      %mul3A_70 = arith.constant 16 : i32
      %mul3A_71 = arith.muli %scan3A_15, %mul3A_70 : i32
      %swap3A_72 = arith.constant 9 : i32
      %swap3A_73 = arith.index_cast %swap3A_72 : i32 to index
      %swap3A_74 = arith.index_cast %mul3A_71 : i32 to index
      %swap3A_75 = tpu.vector_load %arg5[%swap3A_73, %swap3A_74] {strides = array<i32>} : memref<16x5120xf32, #tpu.memory_space<vmem>>, vector<16xf32>,
      tpu.vector_store %arg5[%swap3A_73, %swap3A_74], %broadcast_in_dim3A_1 {strides = array<i32>} : memref<16x5120xf32, #tpu.memory_space<vmem>>, vector<16xf32>,
      %mul3A_76 = arith.constant 16 : i32
      %mul3A_77 = arith.muli %scan3A_15, %mul3A_76 : i32
      %swap3A_78 = arith.constant 10 : i32
      %swap3A_79 = arith.index_cast %swap3A_78 : i32 to index
      %swap3A_80 = arith.index_cast %mul3A_77 : i32 to index
      %swap3A_81 = tpu.vector_load %arg5[%swap3A_79, %swap3A_80] {strides = array<i32>} : memref<16x5120xf32, #tpu.memory_space<vmem>>, vector<16xf32>,
      tpu.vector_store %arg5[%swap3A_79, %swap3A_80], %broadcast_in_dim3A_1 {strides = array<i32>} : memref<16x5120xf32, #tpu.memory_space<vmem>>, vector<16xf32>,
      %mul3A_82 = arith.constant 16 : i32
      %mul3A_83 = arith.muli %scan3A_15, %mul3A_82 : i32
      %swap3A_84 = arith.constant 11 : i32
      %swap3A_85 = arith.index_cast %swap3A_84 : i32 to index
      %swap3A_86 = arith.index_cast %mul3A_83 : i32 to index
      %swap3A_87 = tpu.vector_load %arg5[%swap3A_85, %swap3A_86] {strides = array<i32>} : memref<16x5120xf32, #tpu.memory_space<vmem>>, vector<16xf32>,
      tpu.vector_store %arg5[%swap3A_85, %swap3A_86], %broadcast_in_dim3A_1 {strides = array<i32>} : memref<16x5120xf32, #tpu.memory_space<vmem>>, vector<16xf32>,
      %mul3A_88 = arith.constant 16 : i32
      %mul3A_89 = arith.muli %scan3A_15, %mul3A_88 : i32
      %swap3A_90 = arith.constant 12 : i32
      %swap3A_91 = arith.index_cast %swap3A_90 : i32 to index
      %swap3A_92 = arith.index_cast %mul3A_89 : i32 to index
      %swap3A_93 = tpu.vector_load %arg5[%swap3A_91, %swap3A_92] {strides = array<i32>} : memref<16x5120xf32, #tpu.memory_space<vmem>>, vector<16xf32>,
      tpu.vector_store %arg5[%swap3A_91, %swap3A_92], %broadcast_in_dim3A_1 {strides = array<i32>} : memref<16x5120xf32, #tpu.memory_space<vmem>>, vector<16xf32>,
      %mul3A_94 = arith.constant 16 : i32
      %mul3A_95 = arith.muli %scan3A_15, %mul3A_94 : i32
      %swap3A_96 = arith.constant 13 : i32
      %swap3A_97 = arith.index_cast %swap3A_96 : i32 to index
      %swap3A_98 = arith.index_cast %mul3A_95 : i32 to index
      %swap3A_99 = tpu.vector_load %arg5[%swap3A_97, %swap3A_98] {strides = array<i32>} : memref<16x5120xf32, #tpu.memory_space<vmem>>, vector<16xf32>,
      tpu.vector_store %arg5[%swap3A_97, %swap3A_98], %broadcast_in_dim3A_1 {strides = array<i32>} : memref<16x5120xf32, #tpu.memory_space<vmem>>, vector<16xf32>,
      %mul3A_100 = arith.constant 16 : i32
      %mul3A_101 = arith.muli %scan3A_15, %mul3A_100 : i32
      %swap3A_102 = arith.constant 14 : i32
      %swap3A_103 = arith.index_cast %swap3A_102 : i32 to index
      %swap3A_104 = arith.index_cast %mul3A_101 : i32 to index
      %swap3A_105 = tpu.vector_load %arg5[%swap3A_103, %swap3A_104] {strides = array<i32>} : memref<16x5120xf32, #tpu.memory_space<vmem>>, vector<16xf32>,
      tpu.vector_store %arg5[%swap3A_103, %swap3A_104], %broadcast_in_dim3A_1 {strides = array<i32>} : memref<16x5120xf32, #tpu.memory_space<vmem>>, vector<16xf32>,
      %mul3A_106 = arith.constant 16 : i32
      %mul3A_107 = arith.muli %scan3A_15, %mul3A_106 : i32
      %swap3A_108 = arith.constant 15 : i32
      %swap3A_109 = arith.index_cast %swap3A_108 : i32 to index
      %swap3A_110 = arith.index_cast %mul3A_107 : i32 to index
      %swap3A_111 = tpu.vector_load %arg5[%swap3A_109, %swap3A_110] {strides = array<i32>} : memref<16x5120xf32, #tpu.memory_space<vmem>>, vector<16xf32>,
      tpu.vector_store %arg5[%swap3A_109, %swap3A_110], %broadcast_in_dim3A_1 {strides = array<i32>} : memref<16x5120xf32, #tpu.memory_space<vmem>>, vector<16xf32>,
      %scan3A_112 = arith.constant 0 : i32
      scf.yield %scan3A_112 : i32
    }
    %scan3A_7 = arith.constant 320 : i32
    %scan3A_8 = arith.constant 0 : i32
    %scan3A_9 = arith.constant 0 : i32
    %scan3A_10 = arith.constant 10 : i32
    %scan3A_11 = arith.addi %scan3A_9, %scan3A_10 : i32
    %scan3A_12 = arith.constant 1 : i32
    %scan3A_13 = scf.for %scan3A_15 = %scan3A_9 to %scan3A_11 step %scan3A_12 iter_args(%scan3A_16 = %scan3A_8) -> (i32)  : i32 {
      %mul3A_17 = arith.constant 10240 : i32
      %mul3A_18 = arith.muli %arg1, %mul3A_17 : i32
      %mul3A_19 = arith.constant 1024 : i32
      %mul3A_20 = arith.muli %scan3A_15, %mul3A_19 : i32
      %add3A = arith.addi %mul3A_18, %mul3A_20 : i32
      "tpu.region"() ({
        %run_scoped3A_30 = tpu.sem_alloc : memref<!tpu.dma_semaphore, #tpu.memory_space<semaphore_mem>>
        %dma_start3A = tpu.memref_slice %arg3[%add3A] : memref<163840xi32, #tpu.memory_space<hbm>> -> memref<1024xi32, #tpu.memory_space<hbm>>
        %dma_start3A_31 = tpu.memref_slice %arg3[%add3A] : memref<163840xi32, #tpu.memory_space<hbm>> -> memref<1024xi32, #tpu.memory_space<hbm>>
        tpu.enqueue_dma source(%dma_start3A_31 : memref<1024xi32, #tpu.memory_space<hbm>>) target(%arg7 : memref<1024xi32, #tpu.memory_space<vmem>>) target_semaphore(%run_scoped3A_30 : memref<!tpu.dma_semaphore, #tpu.memory_space<semaphore_mem>>)
        %dma_wait3A = tpu.memref_slice %arg3[%add3A] : memref<163840xi32, #tpu.memory_space<hbm>> -> memref<1024xi32, #tpu.memory_space<hbm>>
        %dma_wait3A_32 = tpu.memref_slice %arg3[%add3A] : memref<163840xi32, #tpu.memory_space<hbm>> -> memref<1024xi32, #tpu.memory_space<hbm>>
        tpu.wait_dma2 semaphore(%run_scoped3A_30 : memref<!tpu.dma_semaphore, #tpu.memory_space<semaphore_mem>>) src(%dma_wait3A_32 : memref<1024xi32, #tpu.memory_space<hbm>>) dst(%arg7 : memref<1024xi32, #tpu.memory_space<vmem>>)
        tpu.yield
      }) : () -> ()
      %run_scoped3A = arith.constant 32 : i32
      "tpu.region"() ({
        %run_scoped3A_30 = tpu.sem_alloc : memref<!tpu.dma_semaphore, #tpu.memory_space<semaphore_mem>>
        %dma_start3A = arith.constant 0 : i32
        %dma_start3A_31 = arith.constant 0 : i32
        %dma_start3A_32 = tpu.memref_slice %arg6[%dma_start3A, %dma_start3A_31] : memref<16x1024xf32, #tpu.memory_space<vmem>> -> memref<8x1024xf32, #tpu.memory_space<vmem>>
        %dma_start3A_33 = arith.constant 0 : i32
        %dma_start3A_34 = tpu.memref_slice %arg2[%run_scoped3A, %dma_start3A_33, %add3A] : memref<34x8x163840xf32, #tpu.memory_space<hbm>> -> memref<1x8x1024xf32, #tpu.memory_space<hbm>>
        %dma_start3A_35 = tpu.memref_squeeze %dma_start3A_34 : memref<1x8x1024xf32, #tpu.memory_space<hbm>> -> memref<8x1024xf32, #tpu.memory_space<hbm>>
        %dma_start3A_36 = arith.constant 0 : i32
        %dma_start3A_37 = arith.constant 0 : i32
        %dma_start3A_38 = tpu.memref_slice %arg6[%dma_start3A_36, %dma_start3A_37] : memref<16x1024xf32, #tpu.memory_space<vmem>> -> memref<8x1024xf32, #tpu.memory_space<vmem>>
        %dma_start3A_39 = arith.constant 0 : i32
        %dma_start3A_40 = tpu.memref_slice %arg2[%run_scoped3A, %dma_start3A_39, %add3A] : memref<34x8x163840xf32, #tpu.memory_space<hbm>> -> memref<1x8x1024xf32, #tpu.memory_space<hbm>>
        %dma_start3A_41 = tpu.memref_squeeze %dma_start3A_40 : memref<1x8x1024xf32, #tpu.memory_space<hbm>> -> memref<8x1024xf32, #tpu.memory_space<hbm>>
        tpu.enqueue_dma source(%dma_start3A_41 : memref<8x1024xf32, #tpu.memory_space<hbm>>) target(%dma_start3A_38 : memref<8x1024xf32, #tpu.memory_space<vmem>>) target_semaphore(%run_scoped3A_30 : memref<!tpu.dma_semaphore, #tpu.memory_space<semaphore_mem>>)
        %dma_wait3A = arith.constant 0 : i32
        %dma_wait3A_42 = arith.constant 0 : i32
        %dma_wait3A_43 = tpu.memref_slice %arg6[%dma_wait3A, %dma_wait3A_42] : memref<16x1024xf32, #tpu.memory_space<vmem>> -> memref<8x1024xf32, #tpu.memory_space<vmem>>
        %dma_wait3A_44 = arith.constant 0 : i32
        %dma_wait3A_45 = tpu.memref_slice %arg2[%run_scoped3A, %dma_wait3A_44, %add3A] : memref<34x8x163840xf32, #tpu.memory_space<hbm>> -> memref<1x8x1024xf32, #tpu.memory_space<hbm>>
        %dma_wait3A_46 = tpu.memref_squeeze %dma_wait3A_45 : memref<1x8x1024xf32, #tpu.memory_space<hbm>> -> memref<8x1024xf32, #tpu.memory_space<hbm>>
        %dma_wait3A_47 = arith.constant 0 : i32
        %dma_wait3A_48 = arith.constant 0 : i32
        %dma_wait3A_49 = tpu.memref_slice %arg6[%dma_wait3A_47, %dma_wait3A_48] : memref<16x1024xf32, #tpu.memory_space<vmem>> -> memref<8x1024xf32, #tpu.memory_space<vmem>>
        %dma_wait3A_50 = arith.constant 0 : i32
        %dma_wait3A_51 = tpu.memref_slice %arg2[%run_scoped3A, %dma_wait3A_50, %add3A] : memref<34x8x163840xf32, #tpu.memory_space<hbm>> -> memref<1x8x1024xf32, #tpu.memory_space<hbm>>
        %dma_wait3A_52 = tpu.memref_squeeze %dma_wait3A_51 : memref<1x8x1024xf32, #tpu.memory_space<hbm>> -> memref<8x1024xf32, #tpu.memory_space<hbm>>
        tpu.wait_dma2 semaphore(%run_scoped3A_30 : memref<!tpu.dma_semaphore, #tpu.memory_space<semaphore_mem>>) src(%dma_wait3A_52 : memref<8x1024xf32, #tpu.memory_space<hbm>>) dst(%dma_wait3A_49 : memref<8x1024xf32, #tpu.memory_space<vmem>>)
        tpu.yield
      }) : () -> ()
      %run_scoped3A_21 = arith.constant 33 : i32
      "tpu.region"() ({
        %run_scoped3A_30 = tpu.sem_alloc : memref<!tpu.dma_semaphore, #tpu.memory_space<semaphore_mem>>
        %dma_start3A = arith.constant 8 : i32
        %dma_start3A_31 = arith.constant 0 : i32
        %dma_start3A_32 = tpu.memref_slice %arg6[%dma_start3A, %dma_start3A_31] : memref<16x1024xf32, #tpu.memory_space<vmem>> -> memref<8x1024xf32, #tpu.memory_space<vmem>>
        %dma_start3A_33 = arith.constant 0 : i32
        %dma_start3A_34 = tpu.memref_slice %arg2[%run_scoped3A_21, %dma_start3A_33, %add3A] : memref<34x8x163840xf32, #tpu.memory_space<hbm>> -> memref<1x8x1024xf32, #tpu.memory_space<hbm>>
        %dma_start3A_35 = tpu.memref_squeeze %dma_start3A_34 : memref<1x8x1024xf32, #tpu.memory_space<hbm>> -> memref<8x1024xf32, #tpu.memory_space<hbm>>
        %dma_start3A_36 = arith.constant 8 : i32
        %dma_start3A_37 = arith.constant 0 : i32
        %dma_start3A_38 = tpu.memref_slice %arg6[%dma_start3A_36, %dma_start3A_37] : memref<16x1024xf32, #tpu.memory_space<vmem>> -> memref<8x1024xf32, #tpu.memory_space<vmem>>
        %dma_start3A_39 = arith.constant 0 : i32
        %dma_start3A_40 = tpu.memref_slice %arg2[%run_scoped3A_21, %dma_start3A_39, %add3A] : memref<34x8x163840xf32, #tpu.memory_space<hbm>> -> memref<1x8x1024xf32, #tpu.memory_space<hbm>>
        %dma_start3A_41 = tpu.memref_squeeze %dma_start3A_40 : memref<1x8x1024xf32, #tpu.memory_space<hbm>> -> memref<8x1024xf32, #tpu.memory_space<hbm>>
        tpu.enqueue_dma source(%dma_start3A_41 : memref<8x1024xf32, #tpu.memory_space<hbm>>) target(%dma_start3A_38 : memref<8x1024xf32, #tpu.memory_space<vmem>>) target_semaphore(%run_scoped3A_30 : memref<!tpu.dma_semaphore, #tpu.memory_space<semaphore_mem>>)
        %dma_wait3A = arith.constant 8 : i32
        %dma_wait3A_42 = arith.constant 0 : i32
        %dma_wait3A_43 = tpu.memref_slice %arg6[%dma_wait3A, %dma_wait3A_42] : memref<16x1024xf32, #tpu.memory_space<vmem>> -> memref<8x1024xf32, #tpu.memory_space<vmem>>
        %dma_wait3A_44 = arith.constant 0 : i32
        %dma_wait3A_45 = tpu.memref_slice %arg2[%run_scoped3A_21, %dma_wait3A_44, %add3A] : memref<34x8x163840xf32, #tpu.memory_space<hbm>> -> memref<1x8x1024xf32, #tpu.memory_space<hbm>>
        %dma_wait3A_46 = tpu.memref_squeeze %dma_wait3A_45 : memref<1x8x1024xf32, #tpu.memory_space<hbm>> -> memref<8x1024xf32, #tpu.memory_space<hbm>>
        %dma_wait3A_47 = arith.constant 8 : i32
        %dma_wait3A_48 = arith.constant 0 : i32
        %dma_wait3A_49 = tpu.memref_slice %arg6[%dma_wait3A_47, %dma_wait3A_48] : memref<16x1024xf32, #tpu.memory_space<vmem>> -> memref<8x1024xf32, #tpu.memory_space<vmem>>
        %dma_wait3A_50 = arith.constant 0 : i32
        %dma_wait3A_51 = tpu.memref_slice %arg2[%run_scoped3A_21, %dma_wait3A_50, %add3A] : memref<34x8x163840xf32, #tpu.memory_space<hbm>> -> memref<1x8x1024xf32, #tpu.memory_space<hbm>>
        %dma_wait3A_52 = tpu.memref_squeeze %dma_wait3A_51 : memref<1x8x1024xf32, #tpu.memory_space<hbm>> -> memref<8x1024xf32, #tpu.memory_space<hbm>>
        tpu.wait_dma2 semaphore(%run_scoped3A_30 : memref<!tpu.dma_semaphore, #tpu.memory_space<semaphore_mem>>) src(%dma_wait3A_52 : memref<8x1024xf32, #tpu.memory_space<hbm>>) dst(%dma_wait3A_49 : memref<8x1024xf32, #tpu.memory_space<vmem>>)
        tpu.yield
      }) : () -> ()
      %scan3A_22 = arith.constant 0 : i32
      %scan3A_23 = arith.constant 0 : i32
      %scan3A_24 = arith.constant 64 : i32
      %scan3A_25 = arith.addi %scan3A_23, %scan3A_24 : i32
      %scan3A_26 = arith.constant 1 : i32
      %scan3A_27 = scf.for %scan3A_30 = %scan3A_23 to %scan3A_25 step %scan3A_26 iter_args(%scan3A_31 = %scan3A_22) -> (i32)  : i32 {
        %mul3A_32 = arith.constant 16 : i32
        %mul3A_33 = arith.muli %scan3A_30, %mul3A_32 : i32
        %get3A = arith.index_cast %mul3A_33 : i32 to index
        %get3A_34 = tpu.vector_load %arg7[%get3A] {strides = array<i32>} : memref<1024xi32, #tpu.memory_space<vmem>>, vector<16xi32>,
        %sub3A = vector.broadcast %mul3A_0 : i32 to vector<16xi32>
        %sub3A_35 = arith.subi %get3A_34, %sub3A : vector<16xi32>
        %ge3A = arith.constant 0 : i32
        %ge3A_36 = vector.broadcast %ge3A : i32 to vector<16xi32>
        %ge3A_37 = arith.cmpi sge, %sub3A_35, %ge3A_36 : vector<16xi32>
        %lt3A = arith.constant 5120 : i32
        %lt3A_38 = vector.broadcast %lt3A : i32 to vector<16xi32>
        %lt3A_39 = arith.cmpi slt, %sub3A_35, %lt3A_38 : vector<16xi32>
        %and3A = arith.andi %ge3A_37, %lt3A_39 : vector<16xi1>
        %jit3A = arith.constant 0 : i32
        %broadcast_in_dim3A_40 = vector.broadcast %jit3A : i32 to vector<16xi32>
        %select_n3A = arith.select %and3A, %sub3A_35, %broadcast_in_dim3A_40 : vector<16xi1>, vector<16xi32>
        %broadcast_in_dim3A_41 = arith.constant 0 : i32
        %broadcast_in_dim3A_42 = vector.broadcast %broadcast_in_dim3A_41 : i32 to vector<16xi32>
        %mul3A_43 = arith.constant 16 : i32
        %mul3A_44 = arith.muli %scan3A_30, %mul3A_43 : i32
        %get3A_45 = arith.constant 0 : i32
        %get3A_46 = arith.index_cast %get3A_45 : i32 to index
        %get3A_47 = arith.index_cast %mul3A_44 : i32 to index
        %get3A_48 = tpu.vector_load %arg6[%get3A_46, %get3A_47] {strides = array<i32>} : memref<16x1024xf32, #tpu.memory_space<vmem>>, vector<16xf32>,
        tpu.vector_store_idx %arg5[%broadcast_in_dim3A_42, %select_n3A], %get3A_48 masked %and3A {add = true} : memref<16x5120xf32, #tpu.memory_space<vmem>>[vector<16xi32>, vector<16xi32>], vector<16xf32>, vector<16xi1>
        %broadcast_in_dim3A_49 = arith.constant 1 : i32
        %broadcast_in_dim3A_50 = vector.broadcast %broadcast_in_dim3A_49 : i32 to vector<16xi32>
        %mul3A_51 = arith.constant 16 : i32
        %mul3A_52 = arith.muli %scan3A_30, %mul3A_51 : i32
        %get3A_53 = arith.constant 1 : i32
        %get3A_54 = arith.index_cast %get3A_53 : i32 to index
        %get3A_55 = arith.index_cast %mul3A_52 : i32 to index
        %get3A_56 = tpu.vector_load %arg6[%get3A_54, %get3A_55] {strides = array<i32>} : memref<16x1024xf32, #tpu.memory_space<vmem>>, vector<16xf32>,
        tpu.vector_store_idx %arg5[%broadcast_in_dim3A_50, %select_n3A], %get3A_56 masked %and3A {add = true} : memref<16x5120xf32, #tpu.memory_space<vmem>>[vector<16xi32>, vector<16xi32>], vector<16xf32>, vector<16xi1>
        %broadcast_in_dim3A_57 = arith.constant 2 : i32
        %broadcast_in_dim3A_58 = vector.broadcast %broadcast_in_dim3A_57 : i32 to vector<16xi32>
        %mul3A_59 = arith.constant 16 : i32
        %mul3A_60 = arith.muli %scan3A_30, %mul3A_59 : i32
        %get3A_61 = arith.constant 2 : i32
        %get3A_62 = arith.index_cast %get3A_61 : i32 to index
        %get3A_63 = arith.index_cast %mul3A_60 : i32 to index
        %get3A_64 = tpu.vector_load %arg6[%get3A_62, %get3A_63] {strides = array<i32>} : memref<16x1024xf32, #tpu.memory_space<vmem>>, vector<16xf32>,
        tpu.vector_store_idx %arg5[%broadcast_in_dim3A_58, %select_n3A], %get3A_64 masked %and3A {add = true} : memref<16x5120xf32, #tpu.memory_space<vmem>>[vector<16xi32>, vector<16xi32>], vector<16xf32>, vector<16xi1>
        %broadcast_in_dim3A_65 = arith.constant 3 : i32
        %broadcast_in_dim3A_66 = vector.broadcast %broadcast_in_dim3A_65 : i32 to vector<16xi32>
        %mul3A_67 = arith.constant 16 : i32
        %mul3A_68 = arith.muli %scan3A_30, %mul3A_67 : i32
        %get3A_69 = arith.constant 3 : i32
        %get3A_70 = arith.index_cast %get3A_69 : i32 to index
        %get3A_71 = arith.index_cast %mul3A_68 : i32 to index
        %get3A_72 = tpu.vector_load %arg6[%get3A_70, %get3A_71] {strides = array<i32>} : memref<16x1024xf32, #tpu.memory_space<vmem>>, vector<16xf32>,
        tpu.vector_store_idx %arg5[%broadcast_in_dim3A_66, %select_n3A], %get3A_72 masked %and3A {add = true} : memref<16x5120xf32, #tpu.memory_space<vmem>>[vector<16xi32>, vector<16xi32>], vector<16xf32>, vector<16xi1>
        %broadcast_in_dim3A_73 = arith.constant 4 : i32
        %broadcast_in_dim3A_74 = vector.broadcast %broadcast_in_dim3A_73 : i32 to vector<16xi32>
        %mul3A_75 = arith.constant 16 : i32
        %mul3A_76 = arith.muli %scan3A_30, %mul3A_75 : i32
        %get3A_77 = arith.constant 4 : i32
        %get3A_78 = arith.index_cast %get3A_77 : i32 to index
        %get3A_79 = arith.index_cast %mul3A_76 : i32 to index
        %get3A_80 = tpu.vector_load %arg6[%get3A_78, %get3A_79] {strides = array<i32>} : memref<16x1024xf32, #tpu.memory_space<vmem>>, vector<16xf32>,
        tpu.vector_store_idx %arg5[%broadcast_in_dim3A_74, %select_n3A], %get3A_80 masked %and3A {add = true} : memref<16x5120xf32, #tpu.memory_space<vmem>>[vector<16xi32>, vector<16xi32>], vector<16xf32>, vector<16xi1>
        %broadcast_in_dim3A_81 = arith.constant 5 : i32
        %broadcast_in_dim3A_82 = vector.broadcast %broadcast_in_dim3A_81 : i32 to vector<16xi32>
        %mul3A_83 = arith.constant 16 : i32
        %mul3A_84 = arith.muli %scan3A_30, %mul3A_83 : i32
        %get3A_85 = arith.constant 5 : i32
        %get3A_86 = arith.index_cast %get3A_85 : i32 to index
        %get3A_87 = arith.index_cast %mul3A_84 : i32 to index
        %get3A_88 = tpu.vector_load %arg6[%get3A_86, %get3A_87] {strides = array<i32>} : memref<16x1024xf32, #tpu.memory_space<vmem>>, vector<16xf32>,
        tpu.vector_store_idx %arg5[%broadcast_in_dim3A_82, %select_n3A], %get3A_88 masked %and3A {add = true} : memref<16x5120xf32, #tpu.memory_space<vmem>>[vector<16xi32>, vector<16xi32>], vector<16xf32>, vector<16xi1>
        %broadcast_in_dim3A_89 = arith.constant 6 : i32
        %broadcast_in_dim3A_90 = vector.broadcast %broadcast_in_dim3A_89 : i32 to vector<16xi32>
        %mul3A_91 = arith.constant 16 : i32
        %mul3A_92 = arith.muli %scan3A_30, %mul3A_91 : i32
        %get3A_93 = arith.constant 6 : i32
        %get3A_94 = arith.index_cast %get3A_93 : i32 to index
        %get3A_95 = arith.index_cast %mul3A_92 : i32 to index
        %get3A_96 = tpu.vector_load %arg6[%get3A_94, %get3A_95] {strides = array<i32>} : memref<16x1024xf32, #tpu.memory_space<vmem>>, vector<16xf32>,
        tpu.vector_store_idx %arg5[%broadcast_in_dim3A_90, %select_n3A], %get3A_96 masked %and3A {add = true} : memref<16x5120xf32, #tpu.memory_space<vmem>>[vector<16xi32>, vector<16xi32>], vector<16xf32>, vector<16xi1>
        %broadcast_in_dim3A_97 = arith.constant 7 : i32
        %broadcast_in_dim3A_98 = vector.broadcast %broadcast_in_dim3A_97 : i32 to vector<16xi32>
        %mul3A_99 = arith.constant 16 : i32
        %mul3A_100 = arith.muli %scan3A_30, %mul3A_99 : i32
        %get3A_101 = arith.constant 7 : i32
        %get3A_102 = arith.index_cast %get3A_101 : i32 to index
        %get3A_103 = arith.index_cast %mul3A_100 : i32 to index
        %get3A_104 = tpu.vector_load %arg6[%get3A_102, %get3A_103] {strides = array<i32>} : memref<16x1024xf32, #tpu.memory_space<vmem>>, vector<16xf32>,
        tpu.vector_store_idx %arg5[%broadcast_in_dim3A_98, %select_n3A], %get3A_104 masked %and3A {add = true} : memref<16x5120xf32, #tpu.memory_space<vmem>>[vector<16xi32>, vector<16xi32>], vector<16xf32>, vector<16xi1>
        %broadcast_in_dim3A_105 = arith.constant 8 : i32
        %broadcast_in_dim3A_106 = vector.broadcast %broadcast_in_dim3A_105 : i32 to vector<16xi32>
        %mul3A_107 = arith.constant 16 : i32
        %mul3A_108 = arith.muli %scan3A_30, %mul3A_107 : i32
        %get3A_109 = arith.constant 8 : i32
        %get3A_110 = arith.index_cast %get3A_109 : i32 to index
        %get3A_111 = arith.index_cast %mul3A_108 : i32 to index
        %get3A_112 = tpu.vector_load %arg6[%get3A_110, %get3A_111] {strides = array<i32>} : memref<16x1024xf32, #tpu.memory_space<vmem>>, vector<16xf32>,
        tpu.vector_store_idx %arg5[%broadcast_in_dim3A_106, %select_n3A], %get3A_112 masked %and3A {add = true} : memref<16x5120xf32, #tpu.memory_space<vmem>>[vector<16xi32>, vector<16xi32>], vector<16xf32>, vector<16xi1>
        %broadcast_in_dim3A_113 = arith.constant 9 : i32
        %broadcast_in_dim3A_114 = vector.broadcast %broadcast_in_dim3A_113 : i32 to vector<16xi32>
        %mul3A_115 = arith.constant 16 : i32
        %mul3A_116 = arith.muli %scan3A_30, %mul3A_115 : i32
        %get3A_117 = arith.constant 9 : i32
        %get3A_118 = arith.index_cast %get3A_117 : i32 to index
        %get3A_119 = arith.index_cast %mul3A_116 : i32 to index
        %get3A_120 = tpu.vector_load %arg6[%get3A_118, %get3A_119] {strides = array<i32>} : memref<16x1024xf32, #tpu.memory_space<vmem>>, vector<16xf32>,
        tpu.vector_store_idx %arg5[%broadcast_in_dim3A_114, %select_n3A], %get3A_120 masked %and3A {add = true} : memref<16x5120xf32, #tpu.memory_space<vmem>>[vector<16xi32>, vector<16xi32>], vector<16xf32>, vector<16xi1>
        %broadcast_in_dim3A_121 = arith.constant 10 : i32
        %broadcast_in_dim3A_122 = vector.broadcast %broadcast_in_dim3A_121 : i32 to vector<16xi32>
        %mul3A_123 = arith.constant 16 : i32
        %mul3A_124 = arith.muli %scan3A_30, %mul3A_123 : i32
        %get3A_125 = arith.constant 10 : i32
        %get3A_126 = arith.index_cast %get3A_125 : i32 to index
        %get3A_127 = arith.index_cast %mul3A_124 : i32 to index
        %get3A_128 = tpu.vector_load %arg6[%get3A_126, %get3A_127] {strides = array<i32>} : memref<16x1024xf32, #tpu.memory_space<vmem>>, vector<16xf32>,
        tpu.vector_store_idx %arg5[%broadcast_in_dim3A_122, %select_n3A], %get3A_128 masked %and3A {add = true} : memref<16x5120xf32, #tpu.memory_space<vmem>>[vector<16xi32>, vector<16xi32>], vector<16xf32>, vector<16xi1>
        %broadcast_in_dim3A_129 = arith.constant 11 : i32
        %broadcast_in_dim3A_130 = vector.broadcast %broadcast_in_dim3A_129 : i32 to vector<16xi32>
        %mul3A_131 = arith.constant 16 : i32
        %mul3A_132 = arith.muli %scan3A_30, %mul3A_131 : i32
        %get3A_133 = arith.constant 11 : i32
        %get3A_134 = arith.index_cast %get3A_133 : i32 to index
        %get3A_135 = arith.index_cast %mul3A_132 : i32 to index
        %get3A_136 = tpu.vector_load %arg6[%get3A_134, %get3A_135] {strides = array<i32>} : memref<16x1024xf32, #tpu.memory_space<vmem>>, vector<16xf32>,
        tpu.vector_store_idx %arg5[%broadcast_in_dim3A_130, %select_n3A], %get3A_136 masked %and3A {add = true} : memref<16x5120xf32, #tpu.memory_space<vmem>>[vector<16xi32>, vector<16xi32>], vector<16xf32>, vector<16xi1>
        %broadcast_in_dim3A_137 = arith.constant 12 : i32
        %broadcast_in_dim3A_138 = vector.broadcast %broadcast_in_dim3A_137 : i32 to vector<16xi32>
        %mul3A_139 = arith.constant 16 : i32
        %mul3A_140 = arith.muli %scan3A_30, %mul3A_139 : i32
        %get3A_141 = arith.constant 12 : i32
        %get3A_142 = arith.index_cast %get3A_141 : i32 to index
        %get3A_143 = arith.index_cast %mul3A_140 : i32 to index
        %get3A_144 = tpu.vector_load %arg6[%get3A_142, %get3A_143] {strides = array<i32>} : memref<16x1024xf32, #tpu.memory_space<vmem>>, vector<16xf32>,
        tpu.vector_store_idx %arg5[%broadcast_in_dim3A_138, %select_n3A], %get3A_144 masked %and3A {add = true} : memref<16x5120xf32, #tpu.memory_space<vmem>>[vector<16xi32>, vector<16xi32>], vector<16xf32>, vector<16xi1>
        %broadcast_in_dim3A_145 = arith.constant 13 : i32
        %broadcast_in_dim3A_146 = vector.broadcast %broadcast_in_dim3A_145 : i32 to vector<16xi32>
        %mul3A_147 = arith.constant 16 : i32
        %mul3A_148 = arith.muli %scan3A_30, %mul3A_147 : i32
        %get3A_149 = arith.constant 13 : i32
        %get3A_150 = arith.index_cast %get3A_149 : i32 to index
        %get3A_151 = arith.index_cast %mul3A_148 : i32 to index
        %get3A_152 = tpu.vector_load %arg6[%get3A_150, %get3A_151] {strides = array<i32>} : memref<16x1024xf32, #tpu.memory_space<vmem>>, vector<16xf32>,
        tpu.vector_store_idx %arg5[%broadcast_in_dim3A_146, %select_n3A], %get3A_152 masked %and3A {add = true} : memref<16x5120xf32, #tpu.memory_space<vmem>>[vector<16xi32>, vector<16xi32>], vector<16xf32>, vector<16xi1>
        %broadcast_in_dim3A_153 = arith.constant 14 : i32
        %broadcast_in_dim3A_154 = vector.broadcast %broadcast_in_dim3A_153 : i32 to vector<16xi32>
        %mul3A_155 = arith.constant 16 : i32
        %mul3A_156 = arith.muli %scan3A_30, %mul3A_155 : i32
        %get3A_157 = arith.constant 14 : i32
        %get3A_158 = arith.index_cast %get3A_157 : i32 to index
        %get3A_159 = arith.index_cast %mul3A_156 : i32 to index
        %get3A_160 = tpu.vector_load %arg6[%get3A_158, %get3A_159] {strides = array<i32>} : memref<16x1024xf32, #tpu.memory_space<vmem>>, vector<16xf32>,
        tpu.vector_store_idx %arg5[%broadcast_in_dim3A_154, %select_n3A], %get3A_160 masked %and3A {add = true} : memref<16x5120xf32, #tpu.memory_space<vmem>>[vector<16xi32>, vector<16xi32>], vector<16xf32>, vector<16xi1>
        %broadcast_in_dim3A_161 = arith.constant 15 : i32
        %broadcast_in_dim3A_162 = vector.broadcast %broadcast_in_dim3A_161 : i32 to vector<16xi32>
        %mul3A_163 = arith.constant 16 : i32
        %mul3A_164 = arith.muli %scan3A_30, %mul3A_163 : i32
        %get3A_165 = arith.constant 15 : i32
        %get3A_166 = arith.index_cast %get3A_165 : i32 to index
        %get3A_167 = arith.index_cast %mul3A_164 : i32 to index
        %get3A_168 = tpu.vector_load %arg6[%get3A_166, %get3A_167] {strides = array<i32>} : memref<16x1024xf32, #tpu.memory_space<vmem>>, vector<16xf32>,
        tpu.vector_store_idx %arg5[%broadcast_in_dim3A_162, %select_n3A], %get3A_168 masked %and3A {add = true} : memref<16x5120xf32, #tpu.memory_space<vmem>>[vector<16xi32>, vector<16xi32>], vector<16xf32>, vector<16xi1>
        %scan3A_169 = arith.constant 0 : i32
        scf.yield %scan3A_169 : i32
      }
      %scan3A_28 = arith.constant 64 : i32
      %scan3A_29 = arith.constant 0 : i32
      scf.yield %scan3A_29 : i32
    }
    %scan3A_14 = arith.constant 10 : i32
    "tpu.region"() ({
      %run_scoped3A = tpu.sem_alloc : memref<!tpu.dma_semaphore, #tpu.memory_space<semaphore_mem>>
      %dma_start3A = arith.constant 0 : i32
      %dma_start3A_15 = arith.constant 0 : i32
      %dma_start3A_16 = tpu.memref_slice %arg4[%arg0, %arg1, %dma_start3A, %dma_start3A_15] : memref<2x16x16x5120xf32, #tpu.memory_space<hbm>> -> memref<1x1x16x5120xf32, #tpu.memory_space<hbm>>
      %dma_start3A_17 = tpu.memref_squeeze %dma_start3A_16 : memref<1x1x16x5120xf32, #tpu.memory_space<hbm>> -> memref<16x5120xf32, #tpu.memory_space<hbm>>
      %dma_start3A_18 = arith.constant 0 : i32
      %dma_start3A_19 = arith.constant 0 : i32
      %dma_start3A_20 = tpu.memref_slice %arg4[%arg0, %arg1, %dma_start3A_18, %dma_start3A_19] : memref<2x16x16x5120xf32, #tpu.memory_space<hbm>> -> memref<1x1x16x5120xf32, #tpu.memory_space<hbm>>
      %dma_start3A_21 = tpu.memref_squeeze %dma_start3A_20 : memref<1x1x16x5120xf32, #tpu.memory_space<hbm>> -> memref<16x5120xf32, #tpu.memory_space<hbm>>
      tpu.enqueue_dma source(%arg5 : memref<16x5120xf32, #tpu.memory_space<vmem>>) target(%dma_start3A_21 : memref<16x5120xf32, #tpu.memory_space<hbm>>) target_semaphore(%run_scoped3A : memref<!tpu.dma_semaphore, #tpu.memory_space<semaphore_mem>>)
      %dma_wait3A = arith.constant 0 : i32
      %dma_wait3A_22 = arith.constant 0 : i32
      %dma_wait3A_23 = tpu.memref_slice %arg4[%arg0, %arg1, %dma_wait3A, %dma_wait3A_22] : memref<2x16x16x5120xf32, #tpu.memory_space<hbm>> -> memref<1x1x16x5120xf32, #tpu.memory_space<hbm>>
      %dma_wait3A_24 = tpu.memref_squeeze %dma_wait3A_23 : memref<1x1x16x5120xf32, #tpu.memory_space<hbm>> -> memref<16x5120xf32, #tpu.memory_space<hbm>>
      %dma_wait3A_25 = arith.constant 0 : i32
      %dma_wait3A_26 = arith.constant 0 : i32
      %dma_wait3A_27 = tpu.memref_slice %arg4[%arg0, %arg1, %dma_wait3A_25, %dma_wait3A_26] : memref<2x16x16x5120xf32, #tpu.memory_space<hbm>> -> memref<1x1x16x5120xf32, #tpu.memory_space<hbm>>
      %dma_wait3A_28 = tpu.memref_squeeze %dma_wait3A_27 : memref<1x1x16x5120xf32, #tpu.memory_space<hbm>> -> memref<16x5120xf32, #tpu.memory_space<hbm>>
      tpu.wait_dma2 semaphore(%run_scoped3A : memref<!tpu.dma_semaphore, #tpu.memory_space<semaphore_mem>>) src(%arg5 : memref<16x5120xf32, #tpu.memory_space<vmem>>) dst(%dma_wait3A_28 : memref<16x5120xf32, #tpu.memory_space<hbm>>)
      tpu.yield
    }) : () -> ()
    return
  }
}

#map = affine_map<(d0, d1) -> (0, 0, 0)>
#map1 = affine_map<(d0, d1) -> (0)>
module attributes {stable_mosaic.version = 14 : i64} {
  func.func @_sc_aggm2_body(%arg0: i32, %arg1: i32, %arg2: memref<34x8x163840xf32, #tpu.memory_space<hbm>>, %arg3: memref<163840xi32, #tpu.memory_space<hbm>>, %arg4: memref<32x8x10240xf32, #tpu.memory_space<hbm>>, %arg5: memref<8x10240xf32, #tpu.memory_space<vmem>>, %arg6: memref<8x1024xf32, #tpu.memory_space<vmem>>, %arg7: memref<1024xi32, #tpu.memory_space<vmem>>) attributes {dimension_semantics = [#tpu.dimension_semantics<core_parallel>, #tpu.dimension_semantics<subcore_parallel>], iteration_bounds = array<i64: 2, 16>, scalar_prefetch = 0 : i64, scratch_operands = 3 : i64, tpu.core_type = #tpu.core_type<sc_vector_subcore>, window_params = [{transform_indices = #map}, {transform_indices = #map1}, {transform_indices = #map}]} {
    %mul3A = arith.constant 2 : i32
    %mul3A_0 = arith.muli %arg1, %mul3A : i32
    %add3A = arith.addi %mul3A_0, %arg0 : i32
    %broadcast_in_dim3A = arith.constant 0.000000e+00 : f32
    %broadcast_in_dim3A_1 = vector.broadcast %broadcast_in_dim3A : f32 to vector<16xf32>
    %scan3A = arith.constant 0 : i32
    %scan3A_2 = arith.constant 0 : i32
    %scan3A_3 = arith.constant 640 : i32
    %scan3A_4 = arith.addi %scan3A_2, %scan3A_3 : i32
    %scan3A_5 = arith.constant 1 : i32
    %scan3A_6 = scf.for %scan3A_15 = %scan3A_2 to %scan3A_4 step %scan3A_5 iter_args(%scan3A_16 = %scan3A) -> (i32)  : i32 {
      %mul3A_17 = arith.constant 16 : i32
      %mul3A_18 = arith.muli %scan3A_15, %mul3A_17 : i32
      %swap3A = arith.constant 0 : i32
      %swap3A_19 = arith.index_cast %swap3A : i32 to index
      %swap3A_20 = arith.index_cast %mul3A_18 : i32 to index
      %swap3A_21 = tpu.vector_load %arg5[%swap3A_19, %swap3A_20] {strides = array<i32>} : memref<8x10240xf32, #tpu.memory_space<vmem>>, vector<16xf32>,
      tpu.vector_store %arg5[%swap3A_19, %swap3A_20], %broadcast_in_dim3A_1 {strides = array<i32>} : memref<8x10240xf32, #tpu.memory_space<vmem>>, vector<16xf32>,
      %mul3A_22 = arith.constant 16 : i32
      %mul3A_23 = arith.muli %scan3A_15, %mul3A_22 : i32
      %swap3A_24 = arith.constant 1 : i32
      %swap3A_25 = arith.index_cast %swap3A_24 : i32 to index
      %swap3A_26 = arith.index_cast %mul3A_23 : i32 to index
      %swap3A_27 = tpu.vector_load %arg5[%swap3A_25, %swap3A_26] {strides = array<i32>} : memref<8x10240xf32, #tpu.memory_space<vmem>>, vector<16xf32>,
      tpu.vector_store %arg5[%swap3A_25, %swap3A_26], %broadcast_in_dim3A_1 {strides = array<i32>} : memref<8x10240xf32, #tpu.memory_space<vmem>>, vector<16xf32>,
      %mul3A_28 = arith.constant 16 : i32
      %mul3A_29 = arith.muli %scan3A_15, %mul3A_28 : i32
      %swap3A_30 = arith.constant 2 : i32
      %swap3A_31 = arith.index_cast %swap3A_30 : i32 to index
      %swap3A_32 = arith.index_cast %mul3A_29 : i32 to index
      %swap3A_33 = tpu.vector_load %arg5[%swap3A_31, %swap3A_32] {strides = array<i32>} : memref<8x10240xf32, #tpu.memory_space<vmem>>, vector<16xf32>,
      tpu.vector_store %arg5[%swap3A_31, %swap3A_32], %broadcast_in_dim3A_1 {strides = array<i32>} : memref<8x10240xf32, #tpu.memory_space<vmem>>, vector<16xf32>,
      %mul3A_34 = arith.constant 16 : i32
      %mul3A_35 = arith.muli %scan3A_15, %mul3A_34 : i32
      %swap3A_36 = arith.constant 3 : i32
      %swap3A_37 = arith.index_cast %swap3A_36 : i32 to index
      %swap3A_38 = arith.index_cast %mul3A_35 : i32 to index
      %swap3A_39 = tpu.vector_load %arg5[%swap3A_37, %swap3A_38] {strides = array<i32>} : memref<8x10240xf32, #tpu.memory_space<vmem>>, vector<16xf32>,
      tpu.vector_store %arg5[%swap3A_37, %swap3A_38], %broadcast_in_dim3A_1 {strides = array<i32>} : memref<8x10240xf32, #tpu.memory_space<vmem>>, vector<16xf32>,
      %mul3A_40 = arith.constant 16 : i32
      %mul3A_41 = arith.muli %scan3A_15, %mul3A_40 : i32
      %swap3A_42 = arith.constant 4 : i32
      %swap3A_43 = arith.index_cast %swap3A_42 : i32 to index
      %swap3A_44 = arith.index_cast %mul3A_41 : i32 to index
      %swap3A_45 = tpu.vector_load %arg5[%swap3A_43, %swap3A_44] {strides = array<i32>} : memref<8x10240xf32, #tpu.memory_space<vmem>>, vector<16xf32>,
      tpu.vector_store %arg5[%swap3A_43, %swap3A_44], %broadcast_in_dim3A_1 {strides = array<i32>} : memref<8x10240xf32, #tpu.memory_space<vmem>>, vector<16xf32>,
      %mul3A_46 = arith.constant 16 : i32
      %mul3A_47 = arith.muli %scan3A_15, %mul3A_46 : i32
      %swap3A_48 = arith.constant 5 : i32
      %swap3A_49 = arith.index_cast %swap3A_48 : i32 to index
      %swap3A_50 = arith.index_cast %mul3A_47 : i32 to index
      %swap3A_51 = tpu.vector_load %arg5[%swap3A_49, %swap3A_50] {strides = array<i32>} : memref<8x10240xf32, #tpu.memory_space<vmem>>, vector<16xf32>,
      tpu.vector_store %arg5[%swap3A_49, %swap3A_50], %broadcast_in_dim3A_1 {strides = array<i32>} : memref<8x10240xf32, #tpu.memory_space<vmem>>, vector<16xf32>,
      %mul3A_52 = arith.constant 16 : i32
      %mul3A_53 = arith.muli %scan3A_15, %mul3A_52 : i32
      %swap3A_54 = arith.constant 6 : i32
      %swap3A_55 = arith.index_cast %swap3A_54 : i32 to index
      %swap3A_56 = arith.index_cast %mul3A_53 : i32 to index
      %swap3A_57 = tpu.vector_load %arg5[%swap3A_55, %swap3A_56] {strides = array<i32>} : memref<8x10240xf32, #tpu.memory_space<vmem>>, vector<16xf32>,
      tpu.vector_store %arg5[%swap3A_55, %swap3A_56], %broadcast_in_dim3A_1 {strides = array<i32>} : memref<8x10240xf32, #tpu.memory_space<vmem>>, vector<16xf32>,
      %mul3A_58 = arith.constant 16 : i32
      %mul3A_59 = arith.muli %scan3A_15, %mul3A_58 : i32
      %swap3A_60 = arith.constant 7 : i32
      %swap3A_61 = arith.index_cast %swap3A_60 : i32 to index
      %swap3A_62 = arith.index_cast %mul3A_59 : i32 to index
      %swap3A_63 = tpu.vector_load %arg5[%swap3A_61, %swap3A_62] {strides = array<i32>} : memref<8x10240xf32, #tpu.memory_space<vmem>>, vector<16xf32>,
      tpu.vector_store %arg5[%swap3A_61, %swap3A_62], %broadcast_in_dim3A_1 {strides = array<i32>} : memref<8x10240xf32, #tpu.memory_space<vmem>>, vector<16xf32>,
      %scan3A_64 = arith.constant 0 : i32
      scf.yield %scan3A_64 : i32
    }
    %scan3A_7 = arith.constant 640 : i32
    %scan3A_8 = arith.constant 0 : i32
    %scan3A_9 = arith.constant 0 : i32
    %scan3A_10 = arith.constant 160 : i32
    %scan3A_11 = arith.addi %scan3A_9, %scan3A_10 : i32
    %scan3A_12 = arith.constant 1 : i32
    %scan3A_13 = scf.for %scan3A_15 = %scan3A_9 to %scan3A_11 step %scan3A_12 iter_args(%scan3A_16 = %scan3A_8) -> (i32)  : i32 {
      %mul3A_17 = arith.constant 1024 : i32
      %mul3A_18 = arith.muli %scan3A_15, %mul3A_17 : i32
      "tpu.region"() ({
        %run_scoped3A = tpu.sem_alloc : memref<!tpu.dma_semaphore, #tpu.memory_space<semaphore_mem>>
        %dma_start3A = tpu.memref_slice %arg3[%mul3A_18] : memref<163840xi32, #tpu.memory_space<hbm>> -> memref<1024xi32, #tpu.memory_space<hbm>>
        %dma_start3A_27 = tpu.memref_slice %arg3[%mul3A_18] : memref<163840xi32, #tpu.memory_space<hbm>> -> memref<1024xi32, #tpu.memory_space<hbm>>
        tpu.enqueue_dma source(%dma_start3A_27 : memref<1024xi32, #tpu.memory_space<hbm>>) target(%arg7 : memref<1024xi32, #tpu.memory_space<vmem>>) target_semaphore(%run_scoped3A : memref<!tpu.dma_semaphore, #tpu.memory_space<semaphore_mem>>)
        %dma_wait3A = tpu.memref_slice %arg3[%mul3A_18] : memref<163840xi32, #tpu.memory_space<hbm>> -> memref<1024xi32, #tpu.memory_space<hbm>>
        %dma_wait3A_28 = tpu.memref_slice %arg3[%mul3A_18] : memref<163840xi32, #tpu.memory_space<hbm>> -> memref<1024xi32, #tpu.memory_space<hbm>>
        tpu.wait_dma2 semaphore(%run_scoped3A : memref<!tpu.dma_semaphore, #tpu.memory_space<semaphore_mem>>) src(%dma_wait3A_28 : memref<1024xi32, #tpu.memory_space<hbm>>) dst(%arg7 : memref<1024xi32, #tpu.memory_space<vmem>>)
        tpu.yield
      }) : () -> ()
      "tpu.region"() ({
        %run_scoped3A = tpu.sem_alloc : memref<!tpu.dma_semaphore, #tpu.memory_space<semaphore_mem>>
        %dma_start3A = arith.constant 0 : i32
        %dma_start3A_27 = tpu.memref_slice %arg2[%add3A, %dma_start3A, %mul3A_18] : memref<34x8x163840xf32, #tpu.memory_space<hbm>> -> memref<1x8x1024xf32, #tpu.memory_space<hbm>>
        %dma_start3A_28 = tpu.memref_squeeze %dma_start3A_27 : memref<1x8x1024xf32, #tpu.memory_space<hbm>> -> memref<8x1024xf32, #tpu.memory_space<hbm>>
        %dma_start3A_29 = arith.constant 0 : i32
        %dma_start3A_30 = tpu.memref_slice %arg2[%add3A, %dma_start3A_29, %mul3A_18] : memref<34x8x163840xf32, #tpu.memory_space<hbm>> -> memref<1x8x1024xf32, #tpu.memory_space<hbm>>
        %dma_start3A_31 = tpu.memref_squeeze %dma_start3A_30 : memref<1x8x1024xf32, #tpu.memory_space<hbm>> -> memref<8x1024xf32, #tpu.memory_space<hbm>>
        tpu.enqueue_dma source(%dma_start3A_31 : memref<8x1024xf32, #tpu.memory_space<hbm>>) target(%arg6 : memref<8x1024xf32, #tpu.memory_space<vmem>>) target_semaphore(%run_scoped3A : memref<!tpu.dma_semaphore, #tpu.memory_space<semaphore_mem>>)
        %dma_wait3A = arith.constant 0 : i32
        %dma_wait3A_32 = tpu.memref_slice %arg2[%add3A, %dma_wait3A, %mul3A_18] : memref<34x8x163840xf32, #tpu.memory_space<hbm>> -> memref<1x8x1024xf32, #tpu.memory_space<hbm>>
        %dma_wait3A_33 = tpu.memref_squeeze %dma_wait3A_32 : memref<1x8x1024xf32, #tpu.memory_space<hbm>> -> memref<8x1024xf32, #tpu.memory_space<hbm>>
        %dma_wait3A_34 = arith.constant 0 : i32
        %dma_wait3A_35 = tpu.memref_slice %arg2[%add3A, %dma_wait3A_34, %mul3A_18] : memref<34x8x163840xf32, #tpu.memory_space<hbm>> -> memref<1x8x1024xf32, #tpu.memory_space<hbm>>
        %dma_wait3A_36 = tpu.memref_squeeze %dma_wait3A_35 : memref<1x8x1024xf32, #tpu.memory_space<hbm>> -> memref<8x1024xf32, #tpu.memory_space<hbm>>
        tpu.wait_dma2 semaphore(%run_scoped3A : memref<!tpu.dma_semaphore, #tpu.memory_space<semaphore_mem>>) src(%dma_wait3A_36 : memref<8x1024xf32, #tpu.memory_space<hbm>>) dst(%arg6 : memref<8x1024xf32, #tpu.memory_space<vmem>>)
        tpu.yield
      }) : () -> ()
      %scan3A_19 = arith.constant 0 : i32
      %scan3A_20 = arith.constant 0 : i32
      %scan3A_21 = arith.constant 64 : i32
      %scan3A_22 = arith.addi %scan3A_20, %scan3A_21 : i32
      %scan3A_23 = arith.constant 8 : i32
      %scan3A_24 = scf.for %scan3A_27 = %scan3A_20 to %scan3A_22 step %scan3A_23 iter_args(%scan3A_28 = %scan3A_19) -> (i32)  : i32 {
        %mul3A_29 = arith.constant 16 : i32
        %mul3A_30 = arith.muli %scan3A_27, %mul3A_29 : i32
        %get3A = arith.index_cast %mul3A_30 : i32 to index
        %get3A_31 = tpu.vector_load %arg7[%get3A] {strides = array<i32>} : memref<1024xi32, #tpu.memory_space<vmem>>, vector<16xi32>,
        %broadcast_in_dim3A_32 = arith.constant 0 : i32
        %broadcast_in_dim3A_33 = vector.broadcast %broadcast_in_dim3A_32 : i32 to vector<16xi32>
        %mul3A_34 = arith.constant 16 : i32
        %mul3A_35 = arith.muli %scan3A_27, %mul3A_34 : i32
        %get3A_36 = arith.constant 0 : i32
        %get3A_37 = arith.index_cast %get3A_36 : i32 to index
        %get3A_38 = arith.index_cast %mul3A_35 : i32 to index
        %get3A_39 = tpu.vector_load %arg6[%get3A_37, %get3A_38] {strides = array<i32>} : memref<8x1024xf32, #tpu.memory_space<vmem>>, vector<16xf32>,
        tpu.vector_store_idx %arg5[%broadcast_in_dim3A_33, %get3A_31], %get3A_39 {add = true} : memref<8x10240xf32, #tpu.memory_space<vmem>>[vector<16xi32>, vector<16xi32>], vector<16xf32>,
        %broadcast_in_dim3A_40 = arith.constant 1 : i32
        %broadcast_in_dim3A_41 = vector.broadcast %broadcast_in_dim3A_40 : i32 to vector<16xi32>
        %mul3A_42 = arith.constant 16 : i32
        %mul3A_43 = arith.muli %scan3A_27, %mul3A_42 : i32
        %get3A_44 = arith.constant 1 : i32
        %get3A_45 = arith.index_cast %get3A_44 : i32 to index
        %get3A_46 = arith.index_cast %mul3A_43 : i32 to index
        %get3A_47 = tpu.vector_load %arg6[%get3A_45, %get3A_46] {strides = array<i32>} : memref<8x1024xf32, #tpu.memory_space<vmem>>, vector<16xf32>,
        tpu.vector_store_idx %arg5[%broadcast_in_dim3A_41, %get3A_31], %get3A_47 {add = true} : memref<8x10240xf32, #tpu.memory_space<vmem>>[vector<16xi32>, vector<16xi32>], vector<16xf32>,
        %broadcast_in_dim3A_48 = arith.constant 2 : i32
        %broadcast_in_dim3A_49 = vector.broadcast %broadcast_in_dim3A_48 : i32 to vector<16xi32>
        %mul3A_50 = arith.constant 16 : i32
        %mul3A_51 = arith.muli %scan3A_27, %mul3A_50 : i32
        %get3A_52 = arith.constant 2 : i32
        %get3A_53 = arith.index_cast %get3A_52 : i32 to index
        %get3A_54 = arith.index_cast %mul3A_51 : i32 to index
        %get3A_55 = tpu.vector_load %arg6[%get3A_53, %get3A_54] {strides = array<i32>} : memref<8x1024xf32, #tpu.memory_space<vmem>>, vector<16xf32>,
        tpu.vector_store_idx %arg5[%broadcast_in_dim3A_49, %get3A_31], %get3A_55 {add = true} : memref<8x10240xf32, #tpu.memory_space<vmem>>[vector<16xi32>, vector<16xi32>], vector<16xf32>,
        %broadcast_in_dim3A_56 = arith.constant 3 : i32
        %broadcast_in_dim3A_57 = vector.broadcast %broadcast_in_dim3A_56 : i32 to vector<16xi32>
        %mul3A_58 = arith.constant 16 : i32
        %mul3A_59 = arith.muli %scan3A_27, %mul3A_58 : i32
        %get3A_60 = arith.constant 3 : i32
        %get3A_61 = arith.index_cast %get3A_60 : i32 to index
        %get3A_62 = arith.index_cast %mul3A_59 : i32 to index
        %get3A_63 = tpu.vector_load %arg6[%get3A_61, %get3A_62] {strides = array<i32>} : memref<8x1024xf32, #tpu.memory_space<vmem>>, vector<16xf32>,
        tpu.vector_store_idx %arg5[%broadcast_in_dim3A_57, %get3A_31], %get3A_63 {add = true} : memref<8x10240xf32, #tpu.memory_space<vmem>>[vector<16xi32>, vector<16xi32>], vector<16xf32>,
        %broadcast_in_dim3A_64 = arith.constant 4 : i32
        %broadcast_in_dim3A_65 = vector.broadcast %broadcast_in_dim3A_64 : i32 to vector<16xi32>
        %mul3A_66 = arith.constant 16 : i32
        %mul3A_67 = arith.muli %scan3A_27, %mul3A_66 : i32
        %get3A_68 = arith.constant 4 : i32
        %get3A_69 = arith.index_cast %get3A_68 : i32 to index
        %get3A_70 = arith.index_cast %mul3A_67 : i32 to index
        %get3A_71 = tpu.vector_load %arg6[%get3A_69, %get3A_70] {strides = array<i32>} : memref<8x1024xf32, #tpu.memory_space<vmem>>, vector<16xf32>,
        tpu.vector_store_idx %arg5[%broadcast_in_dim3A_65, %get3A_31], %get3A_71 {add = true} : memref<8x10240xf32, #tpu.memory_space<vmem>>[vector<16xi32>, vector<16xi32>], vector<16xf32>,
        %broadcast_in_dim3A_72 = arith.constant 5 : i32
        %broadcast_in_dim3A_73 = vector.broadcast %broadcast_in_dim3A_72 : i32 to vector<16xi32>
        %mul3A_74 = arith.constant 16 : i32
        %mul3A_75 = arith.muli %scan3A_27, %mul3A_74 : i32
        %get3A_76 = arith.constant 5 : i32
        %get3A_77 = arith.index_cast %get3A_76 : i32 to index
        %get3A_78 = arith.index_cast %mul3A_75 : i32 to index
        %get3A_79 = tpu.vector_load %arg6[%get3A_77, %get3A_78] {strides = array<i32>} : memref<8x1024xf32, #tpu.memory_space<vmem>>, vector<16xf32>,
        tpu.vector_store_idx %arg5[%broadcast_in_dim3A_73, %get3A_31], %get3A_79 {add = true} : memref<8x10240xf32, #tpu.memory_space<vmem>>[vector<16xi32>, vector<16xi32>], vector<16xf32>,
        %broadcast_in_dim3A_80 = arith.constant 6 : i32
        %broadcast_in_dim3A_81 = vector.broadcast %broadcast_in_dim3A_80 : i32 to vector<16xi32>
        %mul3A_82 = arith.constant 16 : i32
        %mul3A_83 = arith.muli %scan3A_27, %mul3A_82 : i32
        %get3A_84 = arith.constant 6 : i32
        %get3A_85 = arith.index_cast %get3A_84 : i32 to index
        %get3A_86 = arith.index_cast %mul3A_83 : i32 to index
        %get3A_87 = tpu.vector_load %arg6[%get3A_85, %get3A_86] {strides = array<i32>} : memref<8x1024xf32, #tpu.memory_space<vmem>>, vector<16xf32>,
        tpu.vector_store_idx %arg5[%broadcast_in_dim3A_81, %get3A_31], %get3A_87 {add = true} : memref<8x10240xf32, #tpu.memory_space<vmem>>[vector<16xi32>, vector<16xi32>], vector<16xf32>,
        %broadcast_in_dim3A_88 = arith.constant 7 : i32
        %broadcast_in_dim3A_89 = vector.broadcast %broadcast_in_dim3A_88 : i32 to vector<16xi32>
        %mul3A_90 = arith.constant 16 : i32
        %mul3A_91 = arith.muli %scan3A_27, %mul3A_90 : i32
        %get3A_92 = arith.constant 7 : i32
        %get3A_93 = arith.index_cast %get3A_92 : i32 to index
        %get3A_94 = arith.index_cast %mul3A_91 : i32 to index
        %get3A_95 = tpu.vector_load %arg6[%get3A_93, %get3A_94] {strides = array<i32>} : memref<8x1024xf32, #tpu.memory_space<vmem>>, vector<16xf32>,
        tpu.vector_store_idx %arg5[%broadcast_in_dim3A_89, %get3A_31], %get3A_95 {add = true} : memref<8x10240xf32, #tpu.memory_space<vmem>>[vector<16xi32>, vector<16xi32>], vector<16xf32>,
        %scan3A_96 = arith.constant 0 : i32
        %scan3A_97 = arith.constant 1 : i32
        %scan3A_98 = arith.addi %scan3A_27, %scan3A_97 : i32
        %mul3A_99 = arith.constant 16 : i32
        %mul3A_100 = arith.muli %scan3A_98, %mul3A_99 : i32
        %get3A_101 = arith.index_cast %mul3A_100 : i32 to index
        %get3A_102 = tpu.vector_load %arg7[%get3A_101] {strides = array<i32>} : memref<1024xi32, #tpu.memory_space<vmem>>, vector<16xi32>,
        %broadcast_in_dim3A_103 = arith.constant 0 : i32
        %broadcast_in_dim3A_104 = vector.broadcast %broadcast_in_dim3A_103 : i32 to vector<16xi32>
        %mul3A_105 = arith.constant 16 : i32
        %mul3A_106 = arith.muli %scan3A_98, %mul3A_105 : i32
        %get3A_107 = arith.constant 0 : i32
        %get3A_108 = arith.index_cast %get3A_107 : i32 to index
        %get3A_109 = arith.index_cast %mul3A_106 : i32 to index
        %get3A_110 = tpu.vector_load %arg6[%get3A_108, %get3A_109] {strides = array<i32>} : memref<8x1024xf32, #tpu.memory_space<vmem>>, vector<16xf32>,
        tpu.vector_store_idx %arg5[%broadcast_in_dim3A_104, %get3A_102], %get3A_110 {add = true} : memref<8x10240xf32, #tpu.memory_space<vmem>>[vector<16xi32>, vector<16xi32>], vector<16xf32>,
        %broadcast_in_dim3A_111 = arith.constant 1 : i32
        %broadcast_in_dim3A_112 = vector.broadcast %broadcast_in_dim3A_111 : i32 to vector<16xi32>
        %mul3A_113 = arith.constant 16 : i32
        %mul3A_114 = arith.muli %scan3A_98, %mul3A_113 : i32
        %get3A_115 = arith.constant 1 : i32
        %get3A_116 = arith.index_cast %get3A_115 : i32 to index
        %get3A_117 = arith.index_cast %mul3A_114 : i32 to index
        %get3A_118 = tpu.vector_load %arg6[%get3A_116, %get3A_117] {strides = array<i32>} : memref<8x1024xf32, #tpu.memory_space<vmem>>, vector<16xf32>,
        tpu.vector_store_idx %arg5[%broadcast_in_dim3A_112, %get3A_102], %get3A_118 {add = true} : memref<8x10240xf32, #tpu.memory_space<vmem>>[vector<16xi32>, vector<16xi32>], vector<16xf32>,
        %broadcast_in_dim3A_119 = arith.constant 2 : i32
        %broadcast_in_dim3A_120 = vector.broadcast %broadcast_in_dim3A_119 : i32 to vector<16xi32>
        %mul3A_121 = arith.constant 16 : i32
        %mul3A_122 = arith.muli %scan3A_98, %mul3A_121 : i32
        %get3A_123 = arith.constant 2 : i32
        %get3A_124 = arith.index_cast %get3A_123 : i32 to index
        %get3A_125 = arith.index_cast %mul3A_122 : i32 to index
        %get3A_126 = tpu.vector_load %arg6[%get3A_124, %get3A_125] {strides = array<i32>} : memref<8x1024xf32, #tpu.memory_space<vmem>>, vector<16xf32>,
        tpu.vector_store_idx %arg5[%broadcast_in_dim3A_120, %get3A_102], %get3A_126 {add = true} : memref<8x10240xf32, #tpu.memory_space<vmem>>[vector<16xi32>, vector<16xi32>], vector<16xf32>,
        %broadcast_in_dim3A_127 = arith.constant 3 : i32
        %broadcast_in_dim3A_128 = vector.broadcast %broadcast_in_dim3A_127 : i32 to vector<16xi32>
        %mul3A_129 = arith.constant 16 : i32
        %mul3A_130 = arith.muli %scan3A_98, %mul3A_129 : i32
        %get3A_131 = arith.constant 3 : i32
        %get3A_132 = arith.index_cast %get3A_131 : i32 to index
        %get3A_133 = arith.index_cast %mul3A_130 : i32 to index
        %get3A_134 = tpu.vector_load %arg6[%get3A_132, %get3A_133] {strides = array<i32>} : memref<8x1024xf32, #tpu.memory_space<vmem>>, vector<16xf32>,
        tpu.vector_store_idx %arg5[%broadcast_in_dim3A_128, %get3A_102], %get3A_134 {add = true} : memref<8x10240xf32, #tpu.memory_space<vmem>>[vector<16xi32>, vector<16xi32>], vector<16xf32>,
        %broadcast_in_dim3A_135 = arith.constant 4 : i32
        %broadcast_in_dim3A_136 = vector.broadcast %broadcast_in_dim3A_135 : i32 to vector<16xi32>
        %mul3A_137 = arith.constant 16 : i32
        %mul3A_138 = arith.muli %scan3A_98, %mul3A_137 : i32
        %get3A_139 = arith.constant 4 : i32
        %get3A_140 = arith.index_cast %get3A_139 : i32 to index
        %get3A_141 = arith.index_cast %mul3A_138 : i32 to index
        %get3A_142 = tpu.vector_load %arg6[%get3A_140, %get3A_141] {strides = array<i32>} : memref<8x1024xf32, #tpu.memory_space<vmem>>, vector<16xf32>,
        tpu.vector_store_idx %arg5[%broadcast_in_dim3A_136, %get3A_102], %get3A_142 {add = true} : memref<8x10240xf32, #tpu.memory_space<vmem>>[vector<16xi32>, vector<16xi32>], vector<16xf32>,
        %broadcast_in_dim3A_143 = arith.constant 5 : i32
        %broadcast_in_dim3A_144 = vector.broadcast %broadcast_in_dim3A_143 : i32 to vector<16xi32>
        %mul3A_145 = arith.constant 16 : i32
        %mul3A_146 = arith.muli %scan3A_98, %mul3A_145 : i32
        %get3A_147 = arith.constant 5 : i32
        %get3A_148 = arith.index_cast %get3A_147 : i32 to index
        %get3A_149 = arith.index_cast %mul3A_146 : i32 to index
        %get3A_150 = tpu.vector_load %arg6[%get3A_148, %get3A_149] {strides = array<i32>} : memref<8x1024xf32, #tpu.memory_space<vmem>>, vector<16xf32>,
        tpu.vector_store_idx %arg5[%broadcast_in_dim3A_144, %get3A_102], %get3A_150 {add = true} : memref<8x10240xf32, #tpu.memory_space<vmem>>[vector<16xi32>, vector<16xi32>], vector<16xf32>,
        %broadcast_in_dim3A_151 = arith.constant 6 : i32
        %broadcast_in_dim3A_152 = vector.broadcast %broadcast_in_dim3A_151 : i32 to vector<16xi32>
        %mul3A_153 = arith.constant 16 : i32
        %mul3A_154 = arith.muli %scan3A_98, %mul3A_153 : i32
        %get3A_155 = arith.constant 6 : i32
        %get3A_156 = arith.index_cast %get3A_155 : i32 to index
        %get3A_157 = arith.index_cast %mul3A_154 : i32 to index
        %get3A_158 = tpu.vector_load %arg6[%get3A_156, %get3A_157] {strides = array<i32>} : memref<8x1024xf32, #tpu.memory_space<vmem>>, vector<16xf32>,
        tpu.vector_store_idx %arg5[%broadcast_in_dim3A_152, %get3A_102], %get3A_158 {add = true} : memref<8x10240xf32, #tpu.memory_space<vmem>>[vector<16xi32>, vector<16xi32>], vector<16xf32>,
        %broadcast_in_dim3A_159 = arith.constant 7 : i32
        %broadcast_in_dim3A_160 = vector.broadcast %broadcast_in_dim3A_159 : i32 to vector<16xi32>
        %mul3A_161 = arith.constant 16 : i32
        %mul3A_162 = arith.muli %scan3A_98, %mul3A_161 : i32
        %get3A_163 = arith.constant 7 : i32
        %get3A_164 = arith.index_cast %get3A_163 : i32 to index
        %get3A_165 = arith.index_cast %mul3A_162 : i32 to index
        %get3A_166 = tpu.vector_load %arg6[%get3A_164, %get3A_165] {strides = array<i32>} : memref<8x1024xf32, #tpu.memory_space<vmem>>, vector<16xf32>,
        tpu.vector_store_idx %arg5[%broadcast_in_dim3A_160, %get3A_102], %get3A_166 {add = true} : memref<8x10240xf32, #tpu.memory_space<vmem>>[vector<16xi32>, vector<16xi32>], vector<16xf32>,
        %scan3A_167 = arith.constant 0 : i32
        %scan3A_168 = arith.constant 2 : i32
        %scan3A_169 = arith.addi %scan3A_27, %scan3A_168 : i32
        %mul3A_170 = arith.constant 16 : i32
        %mul3A_171 = arith.muli %scan3A_169, %mul3A_170 : i32
        %get3A_172 = arith.index_cast %mul3A_171 : i32 to index
        %get3A_173 = tpu.vector_load %arg7[%get3A_172] {strides = array<i32>} : memref<1024xi32, #tpu.memory_space<vmem>>, vector<16xi32>,
        %broadcast_in_dim3A_174 = arith.constant 0 : i32
        %broadcast_in_dim3A_175 = vector.broadcast %broadcast_in_dim3A_174 : i32 to vector<16xi32>
        %mul3A_176 = arith.constant 16 : i32
        %mul3A_177 = arith.muli %scan3A_169, %mul3A_176 : i32
        %get3A_178 = arith.constant 0 : i32
        %get3A_179 = arith.index_cast %get3A_178 : i32 to index
        %get3A_180 = arith.index_cast %mul3A_177 : i32 to index
        %get3A_181 = tpu.vector_load %arg6[%get3A_179, %get3A_180] {strides = array<i32>} : memref<8x1024xf32, #tpu.memory_space<vmem>>, vector<16xf32>,
        tpu.vector_store_idx %arg5[%broadcast_in_dim3A_175, %get3A_173], %get3A_181 {add = true} : memref<8x10240xf32, #tpu.memory_space<vmem>>[vector<16xi32>, vector<16xi32>], vector<16xf32>,
        %broadcast_in_dim3A_182 = arith.constant 1 : i32
        %broadcast_in_dim3A_183 = vector.broadcast %broadcast_in_dim3A_182 : i32 to vector<16xi32>
        %mul3A_184 = arith.constant 16 : i32
        %mul3A_185 = arith.muli %scan3A_169, %mul3A_184 : i32
        %get3A_186 = arith.constant 1 : i32
        %get3A_187 = arith.index_cast %get3A_186 : i32 to index
        %get3A_188 = arith.index_cast %mul3A_185 : i32 to index
        %get3A_189 = tpu.vector_load %arg6[%get3A_187, %get3A_188] {strides = array<i32>} : memref<8x1024xf32, #tpu.memory_space<vmem>>, vector<16xf32>,
        tpu.vector_store_idx %arg5[%broadcast_in_dim3A_183, %get3A_173], %get3A_189 {add = true} : memref<8x10240xf32, #tpu.memory_space<vmem>>[vector<16xi32>, vector<16xi32>], vector<16xf32>,
        %broadcast_in_dim3A_190 = arith.constant 2 : i32
        %broadcast_in_dim3A_191 = vector.broadcast %broadcast_in_dim3A_190 : i32 to vector<16xi32>
        %mul3A_192 = arith.constant 16 : i32
        %mul3A_193 = arith.muli %scan3A_169, %mul3A_192 : i32
        %get3A_194 = arith.constant 2 : i32
        %get3A_195 = arith.index_cast %get3A_194 : i32 to index
        %get3A_196 = arith.index_cast %mul3A_193 : i32 to index
        %get3A_197 = tpu.vector_load %arg6[%get3A_195, %get3A_196] {strides = array<i32>} : memref<8x1024xf32, #tpu.memory_space<vmem>>, vector<16xf32>,
        tpu.vector_store_idx %arg5[%broadcast_in_dim3A_191, %get3A_173], %get3A_197 {add = true} : memref<8x10240xf32, #tpu.memory_space<vmem>>[vector<16xi32>, vector<16xi32>], vector<16xf32>,
        %broadcast_in_dim3A_198 = arith.constant 3 : i32
        %broadcast_in_dim3A_199 = vector.broadcast %broadcast_in_dim3A_198 : i32 to vector<16xi32>
        %mul3A_200 = arith.constant 16 : i32
        %mul3A_201 = arith.muli %scan3A_169, %mul3A_200 : i32
        %get3A_202 = arith.constant 3 : i32
        %get3A_203 = arith.index_cast %get3A_202 : i32 to index
        %get3A_204 = arith.index_cast %mul3A_201 : i32 to index
        %get3A_205 = tpu.vector_load %arg6[%get3A_203, %get3A_204] {strides = array<i32>} : memref<8x1024xf32, #tpu.memory_space<vmem>>, vector<16xf32>,
        tpu.vector_store_idx %arg5[%broadcast_in_dim3A_199, %get3A_173], %get3A_205 {add = true} : memref<8x10240xf32, #tpu.memory_space<vmem>>[vector<16xi32>, vector<16xi32>], vector<16xf32>,
        %broadcast_in_dim3A_206 = arith.constant 4 : i32
        %broadcast_in_dim3A_207 = vector.broadcast %broadcast_in_dim3A_206 : i32 to vector<16xi32>
        %mul3A_208 = arith.constant 16 : i32
        %mul3A_209 = arith.muli %scan3A_169, %mul3A_208 : i32
        %get3A_210 = arith.constant 4 : i32
        %get3A_211 = arith.index_cast %get3A_210 : i32 to index
        %get3A_212 = arith.index_cast %mul3A_209 : i32 to index
        %get3A_213 = tpu.vector_load %arg6[%get3A_211, %get3A_212] {strides = array<i32>} : memref<8x1024xf32, #tpu.memory_space<vmem>>, vector<16xf32>,
        tpu.vector_store_idx %arg5[%broadcast_in_dim3A_207, %get3A_173], %get3A_213 {add = true} : memref<8x10240xf32, #tpu.memory_space<vmem>>[vector<16xi32>, vector<16xi32>], vector<16xf32>,
        %broadcast_in_dim3A_214 = arith.constant 5 : i32
        %broadcast_in_dim3A_215 = vector.broadcast %broadcast_in_dim3A_214 : i32 to vector<16xi32>
        %mul3A_216 = arith.constant 16 : i32
        %mul3A_217 = arith.muli %scan3A_169, %mul3A_216 : i32
        %get3A_218 = arith.constant 5 : i32
        %get3A_219 = arith.index_cast %get3A_218 : i32 to index
        %get3A_220 = arith.index_cast %mul3A_217 : i32 to index
        %get3A_221 = tpu.vector_load %arg6[%get3A_219, %get3A_220] {strides = array<i32>} : memref<8x1024xf32, #tpu.memory_space<vmem>>, vector<16xf32>,
        tpu.vector_store_idx %arg5[%broadcast_in_dim3A_215, %get3A_173], %get3A_221 {add = true} : memref<8x10240xf32, #tpu.memory_space<vmem>>[vector<16xi32>, vector<16xi32>], vector<16xf32>,
        %broadcast_in_dim3A_222 = arith.constant 6 : i32
        %broadcast_in_dim3A_223 = vector.broadcast %broadcast_in_dim3A_222 : i32 to vector<16xi32>
        %mul3A_224 = arith.constant 16 : i32
        %mul3A_225 = arith.muli %scan3A_169, %mul3A_224 : i32
        %get3A_226 = arith.constant 6 : i32
        %get3A_227 = arith.index_cast %get3A_226 : i32 to index
        %get3A_228 = arith.index_cast %mul3A_225 : i32 to index
        %get3A_229 = tpu.vector_load %arg6[%get3A_227, %get3A_228] {strides = array<i32>} : memref<8x1024xf32, #tpu.memory_space<vmem>>, vector<16xf32>,
        tpu.vector_store_idx %arg5[%broadcast_in_dim3A_223, %get3A_173], %get3A_229 {add = true} : memref<8x10240xf32, #tpu.memory_space<vmem>>[vector<16xi32>, vector<16xi32>], vector<16xf32>,
        %broadcast_in_dim3A_230 = arith.constant 7 : i32
        %broadcast_in_dim3A_231 = vector.broadcast %broadcast_in_dim3A_230 : i32 to vector<16xi32>
        %mul3A_232 = arith.constant 16 : i32
        %mul3A_233 = arith.muli %scan3A_169, %mul3A_232 : i32
        %get3A_234 = arith.constant 7 : i32
        %get3A_235 = arith.index_cast %get3A_234 : i32 to index
        %get3A_236 = arith.index_cast %mul3A_233 : i32 to index
        %get3A_237 = tpu.vector_load %arg6[%get3A_235, %get3A_236] {strides = array<i32>} : memref<8x1024xf32, #tpu.memory_space<vmem>>, vector<16xf32>,
        tpu.vector_store_idx %arg5[%broadcast_in_dim3A_231, %get3A_173], %get3A_237 {add = true} : memref<8x10240xf32, #tpu.memory_space<vmem>>[vector<16xi32>, vector<16xi32>], vector<16xf32>,
        %scan3A_238 = arith.constant 0 : i32
        %scan3A_239 = arith.constant 3 : i32
        %scan3A_240 = arith.addi %scan3A_27, %scan3A_239 : i32
        %mul3A_241 = arith.constant 16 : i32
        %mul3A_242 = arith.muli %scan3A_240, %mul3A_241 : i32
        %get3A_243 = arith.index_cast %mul3A_242 : i32 to index
        %get3A_244 = tpu.vector_load %arg7[%get3A_243] {strides = array<i32>} : memref<1024xi32, #tpu.memory_space<vmem>>, vector<16xi32>,
        %broadcast_in_dim3A_245 = arith.constant 0 : i32
        %broadcast_in_dim3A_246 = vector.broadcast %broadcast_in_dim3A_245 : i32 to vector<16xi32>
        %mul3A_247 = arith.constant 16 : i32
        %mul3A_248 = arith.muli %scan3A_240, %mul3A_247 : i32
        %get3A_249 = arith.constant 0 : i32
        %get3A_250 = arith.index_cast %get3A_249 : i32 to index
        %get3A_251 = arith.index_cast %mul3A_248 : i32 to index
        %get3A_252 = tpu.vector_load %arg6[%get3A_250, %get3A_251] {strides = array<i32>} : memref<8x1024xf32, #tpu.memory_space<vmem>>, vector<16xf32>,
        tpu.vector_store_idx %arg5[%broadcast_in_dim3A_246, %get3A_244], %get3A_252 {add = true} : memref<8x10240xf32, #tpu.memory_space<vmem>>[vector<16xi32>, vector<16xi32>], vector<16xf32>,
        %broadcast_in_dim3A_253 = arith.constant 1 : i32
        %broadcast_in_dim3A_254 = vector.broadcast %broadcast_in_dim3A_253 : i32 to vector<16xi32>
        %mul3A_255 = arith.constant 16 : i32
        %mul3A_256 = arith.muli %scan3A_240, %mul3A_255 : i32
        %get3A_257 = arith.constant 1 : i32
        %get3A_258 = arith.index_cast %get3A_257 : i32 to index
        %get3A_259 = arith.index_cast %mul3A_256 : i32 to index
        %get3A_260 = tpu.vector_load %arg6[%get3A_258, %get3A_259] {strides = array<i32>} : memref<8x1024xf32, #tpu.memory_space<vmem>>, vector<16xf32>,
        tpu.vector_store_idx %arg5[%broadcast_in_dim3A_254, %get3A_244], %get3A_260 {add = true} : memref<8x10240xf32, #tpu.memory_space<vmem>>[vector<16xi32>, vector<16xi32>], vector<16xf32>,
        %broadcast_in_dim3A_261 = arith.constant 2 : i32
        %broadcast_in_dim3A_262 = vector.broadcast %broadcast_in_dim3A_261 : i32 to vector<16xi32>
        %mul3A_263 = arith.constant 16 : i32
        %mul3A_264 = arith.muli %scan3A_240, %mul3A_263 : i32
        %get3A_265 = arith.constant 2 : i32
        %get3A_266 = arith.index_cast %get3A_265 : i32 to index
        %get3A_267 = arith.index_cast %mul3A_264 : i32 to index
        %get3A_268 = tpu.vector_load %arg6[%get3A_266, %get3A_267] {strides = array<i32>} : memref<8x1024xf32, #tpu.memory_space<vmem>>, vector<16xf32>,
        tpu.vector_store_idx %arg5[%broadcast_in_dim3A_262, %get3A_244], %get3A_268 {add = true} : memref<8x10240xf32, #tpu.memory_space<vmem>>[vector<16xi32>, vector<16xi32>], vector<16xf32>,
        %broadcast_in_dim3A_269 = arith.constant 3 : i32
        %broadcast_in_dim3A_270 = vector.broadcast %broadcast_in_dim3A_269 : i32 to vector<16xi32>
        %mul3A_271 = arith.constant 16 : i32
        %mul3A_272 = arith.muli %scan3A_240, %mul3A_271 : i32
        %get3A_273 = arith.constant 3 : i32
        %get3A_274 = arith.index_cast %get3A_273 : i32 to index
        %get3A_275 = arith.index_cast %mul3A_272 : i32 to index
        %get3A_276 = tpu.vector_load %arg6[%get3A_274, %get3A_275] {strides = array<i32>} : memref<8x1024xf32, #tpu.memory_space<vmem>>, vector<16xf32>,
        tpu.vector_store_idx %arg5[%broadcast_in_dim3A_270, %get3A_244], %get3A_276 {add = true} : memref<8x10240xf32, #tpu.memory_space<vmem>>[vector<16xi32>, vector<16xi32>], vector<16xf32>,
        %broadcast_in_dim3A_277 = arith.constant 4 : i32
        %broadcast_in_dim3A_278 = vector.broadcast %broadcast_in_dim3A_277 : i32 to vector<16xi32>
        %mul3A_279 = arith.constant 16 : i32
        %mul3A_280 = arith.muli %scan3A_240, %mul3A_279 : i32
        %get3A_281 = arith.constant 4 : i32
        %get3A_282 = arith.index_cast %get3A_281 : i32 to index
        %get3A_283 = arith.index_cast %mul3A_280 : i32 to index
        %get3A_284 = tpu.vector_load %arg6[%get3A_282, %get3A_283] {strides = array<i32>} : memref<8x1024xf32, #tpu.memory_space<vmem>>, vector<16xf32>,
        tpu.vector_store_idx %arg5[%broadcast_in_dim3A_278, %get3A_244], %get3A_284 {add = true} : memref<8x10240xf32, #tpu.memory_space<vmem>>[vector<16xi32>, vector<16xi32>], vector<16xf32>,
        %broadcast_in_dim3A_285 = arith.constant 5 : i32
        %broadcast_in_dim3A_286 = vector.broadcast %broadcast_in_dim3A_285 : i32 to vector<16xi32>
        %mul3A_287 = arith.constant 16 : i32
        %mul3A_288 = arith.muli %scan3A_240, %mul3A_287 : i32
        %get3A_289 = arith.constant 5 : i32
        %get3A_290 = arith.index_cast %get3A_289 : i32 to index
        %get3A_291 = arith.index_cast %mul3A_288 : i32 to index
        %get3A_292 = tpu.vector_load %arg6[%get3A_290, %get3A_291] {strides = array<i32>} : memref<8x1024xf32, #tpu.memory_space<vmem>>, vector<16xf32>,
        tpu.vector_store_idx %arg5[%broadcast_in_dim3A_286, %get3A_244], %get3A_292 {add = true} : memref<8x10240xf32, #tpu.memory_space<vmem>>[vector<16xi32>, vector<16xi32>], vector<16xf32>,
        %broadcast_in_dim3A_293 = arith.constant 6 : i32
        %broadcast_in_dim3A_294 = vector.broadcast %broadcast_in_dim3A_293 : i32 to vector<16xi32>
        %mul3A_295 = arith.constant 16 : i32
        %mul3A_296 = arith.muli %scan3A_240, %mul3A_295 : i32
        %get3A_297 = arith.constant 6 : i32
        %get3A_298 = arith.index_cast %get3A_297 : i32 to index
        %get3A_299 = arith.index_cast %mul3A_296 : i32 to index
        %get3A_300 = tpu.vector_load %arg6[%get3A_298, %get3A_299] {strides = array<i32>} : memref<8x1024xf32, #tpu.memory_space<vmem>>, vector<16xf32>,
        tpu.vector_store_idx %arg5[%broadcast_in_dim3A_294, %get3A_244], %get3A_300 {add = true} : memref<8x10240xf32, #tpu.memory_space<vmem>>[vector<16xi32>, vector<16xi32>], vector<16xf32>,
        %broadcast_in_dim3A_301 = arith.constant 7 : i32
        %broadcast_in_dim3A_302 = vector.broadcast %broadcast_in_dim3A_301 : i32 to vector<16xi32>
        %mul3A_303 = arith.constant 16 : i32
        %mul3A_304 = arith.muli %scan3A_240, %mul3A_303 : i32
        %get3A_305 = arith.constant 7 : i32
        %get3A_306 = arith.index_cast %get3A_305 : i32 to index
        %get3A_307 = arith.index_cast %mul3A_304 : i32 to index
        %get3A_308 = tpu.vector_load %arg6[%get3A_306, %get3A_307] {strides = array<i32>} : memref<8x1024xf32, #tpu.memory_space<vmem>>, vector<16xf32>,
        tpu.vector_store_idx %arg5[%broadcast_in_dim3A_302, %get3A_244], %get3A_308 {add = true} : memref<8x10240xf32, #tpu.memory_space<vmem>>[vector<16xi32>, vector<16xi32>], vector<16xf32>,
        %scan3A_309 = arith.constant 0 : i32
        %scan3A_310 = arith.constant 4 : i32
        %scan3A_311 = arith.addi %scan3A_27, %scan3A_310 : i32
        %mul3A_312 = arith.constant 16 : i32
        %mul3A_313 = arith.muli %scan3A_311, %mul3A_312 : i32
        %get3A_314 = arith.index_cast %mul3A_313 : i32 to index
        %get3A_315 = tpu.vector_load %arg7[%get3A_314] {strides = array<i32>} : memref<1024xi32, #tpu.memory_space<vmem>>, vector<16xi32>,
        %broadcast_in_dim3A_316 = arith.constant 0 : i32
        %broadcast_in_dim3A_317 = vector.broadcast %broadcast_in_dim3A_316 : i32 to vector<16xi32>
        %mul3A_318 = arith.constant 16 : i32
        %mul3A_319 = arith.muli %scan3A_311, %mul3A_318 : i32
        %get3A_320 = arith.constant 0 : i32
        %get3A_321 = arith.index_cast %get3A_320 : i32 to index
        %get3A_322 = arith.index_cast %mul3A_319 : i32 to index
        %get3A_323 = tpu.vector_load %arg6[%get3A_321, %get3A_322] {strides = array<i32>} : memref<8x1024xf32, #tpu.memory_space<vmem>>, vector<16xf32>,
        tpu.vector_store_idx %arg5[%broadcast_in_dim3A_317, %get3A_315], %get3A_323 {add = true} : memref<8x10240xf32, #tpu.memory_space<vmem>>[vector<16xi32>, vector<16xi32>], vector<16xf32>,
        %broadcast_in_dim3A_324 = arith.constant 1 : i32
        %broadcast_in_dim3A_325 = vector.broadcast %broadcast_in_dim3A_324 : i32 to vector<16xi32>
        %mul3A_326 = arith.constant 16 : i32
        %mul3A_327 = arith.muli %scan3A_311, %mul3A_326 : i32
        %get3A_328 = arith.constant 1 : i32
        %get3A_329 = arith.index_cast %get3A_328 : i32 to index
        %get3A_330 = arith.index_cast %mul3A_327 : i32 to index
        %get3A_331 = tpu.vector_load %arg6[%get3A_329, %get3A_330] {strides = array<i32>} : memref<8x1024xf32, #tpu.memory_space<vmem>>, vector<16xf32>,
        tpu.vector_store_idx %arg5[%broadcast_in_dim3A_325, %get3A_315], %get3A_331 {add = true} : memref<8x10240xf32, #tpu.memory_space<vmem>>[vector<16xi32>, vector<16xi32>], vector<16xf32>,
        %broadcast_in_dim3A_332 = arith.constant 2 : i32
        %broadcast_in_dim3A_333 = vector.broadcast %broadcast_in_dim3A_332 : i32 to vector<16xi32>
        %mul3A_334 = arith.constant 16 : i32
        %mul3A_335 = arith.muli %scan3A_311, %mul3A_334 : i32
        %get3A_336 = arith.constant 2 : i32
        %get3A_337 = arith.index_cast %get3A_336 : i32 to index
        %get3A_338 = arith.index_cast %mul3A_335 : i32 to index
        %get3A_339 = tpu.vector_load %arg6[%get3A_337, %get3A_338] {strides = array<i32>} : memref<8x1024xf32, #tpu.memory_space<vmem>>, vector<16xf32>,
        tpu.vector_store_idx %arg5[%broadcast_in_dim3A_333, %get3A_315], %get3A_339 {add = true} : memref<8x10240xf32, #tpu.memory_space<vmem>>[vector<16xi32>, vector<16xi32>], vector<16xf32>,
        %broadcast_in_dim3A_340 = arith.constant 3 : i32
        %broadcast_in_dim3A_341 = vector.broadcast %broadcast_in_dim3A_340 : i32 to vector<16xi32>
        %mul3A_342 = arith.constant 16 : i32
        %mul3A_343 = arith.muli %scan3A_311, %mul3A_342 : i32
        %get3A_344 = arith.constant 3 : i32
        %get3A_345 = arith.index_cast %get3A_344 : i32 to index
        %get3A_346 = arith.index_cast %mul3A_343 : i32 to index
        %get3A_347 = tpu.vector_load %arg6[%get3A_345, %get3A_346] {strides = array<i32>} : memref<8x1024xf32, #tpu.memory_space<vmem>>, vector<16xf32>,
        tpu.vector_store_idx %arg5[%broadcast_in_dim3A_341, %get3A_315], %get3A_347 {add = true} : memref<8x10240xf32, #tpu.memory_space<vmem>>[vector<16xi32>, vector<16xi32>], vector<16xf32>,
        %broadcast_in_dim3A_348 = arith.constant 4 : i32
        %broadcast_in_dim3A_349 = vector.broadcast %broadcast_in_dim3A_348 : i32 to vector<16xi32>
        %mul3A_350 = arith.constant 16 : i32
        %mul3A_351 = arith.muli %scan3A_311, %mul3A_350 : i32
        %get3A_352 = arith.constant 4 : i32
        %get3A_353 = arith.index_cast %get3A_352 : i32 to index
        %get3A_354 = arith.index_cast %mul3A_351 : i32 to index
        %get3A_355 = tpu.vector_load %arg6[%get3A_353, %get3A_354] {strides = array<i32>} : memref<8x1024xf32, #tpu.memory_space<vmem>>, vector<16xf32>,
        tpu.vector_store_idx %arg5[%broadcast_in_dim3A_349, %get3A_315], %get3A_355 {add = true} : memref<8x10240xf32, #tpu.memory_space<vmem>>[vector<16xi32>, vector<16xi32>], vector<16xf32>,
        %broadcast_in_dim3A_356 = arith.constant 5 : i32
        %broadcast_in_dim3A_357 = vector.broadcast %broadcast_in_dim3A_356 : i32 to vector<16xi32>
        %mul3A_358 = arith.constant 16 : i32
        %mul3A_359 = arith.muli %scan3A_311, %mul3A_358 : i32
        %get3A_360 = arith.constant 5 : i32
        %get3A_361 = arith.index_cast %get3A_360 : i32 to index
        %get3A_362 = arith.index_cast %mul3A_359 : i32 to index
        %get3A_363 = tpu.vector_load %arg6[%get3A_361, %get3A_362] {strides = array<i32>} : memref<8x1024xf32, #tpu.memory_space<vmem>>, vector<16xf32>,
        tpu.vector_store_idx %arg5[%broadcast_in_dim3A_357, %get3A_315], %get3A_363 {add = true} : memref<8x10240xf32, #tpu.memory_space<vmem>>[vector<16xi32>, vector<16xi32>], vector<16xf32>,
        %broadcast_in_dim3A_364 = arith.constant 6 : i32
        %broadcast_in_dim3A_365 = vector.broadcast %broadcast_in_dim3A_364 : i32 to vector<16xi32>
        %mul3A_366 = arith.constant 16 : i32
        %mul3A_367 = arith.muli %scan3A_311, %mul3A_366 : i32
        %get3A_368 = arith.constant 6 : i32
        %get3A_369 = arith.index_cast %get3A_368 : i32 to index
        %get3A_370 = arith.index_cast %mul3A_367 : i32 to index
        %get3A_371 = tpu.vector_load %arg6[%get3A_369, %get3A_370] {strides = array<i32>} : memref<8x1024xf32, #tpu.memory_space<vmem>>, vector<16xf32>,
        tpu.vector_store_idx %arg5[%broadcast_in_dim3A_365, %get3A_315], %get3A_371 {add = true} : memref<8x10240xf32, #tpu.memory_space<vmem>>[vector<16xi32>, vector<16xi32>], vector<16xf32>,
        %broadcast_in_dim3A_372 = arith.constant 7 : i32
        %broadcast_in_dim3A_373 = vector.broadcast %broadcast_in_dim3A_372 : i32 to vector<16xi32>
        %mul3A_374 = arith.constant 16 : i32
        %mul3A_375 = arith.muli %scan3A_311, %mul3A_374 : i32
        %get3A_376 = arith.constant 7 : i32
        %get3A_377 = arith.index_cast %get3A_376 : i32 to index
        %get3A_378 = arith.index_cast %mul3A_375 : i32 to index
        %get3A_379 = tpu.vector_load %arg6[%get3A_377, %get3A_378] {strides = array<i32>} : memref<8x1024xf32, #tpu.memory_space<vmem>>, vector<16xf32>,
        tpu.vector_store_idx %arg5[%broadcast_in_dim3A_373, %get3A_315], %get3A_379 {add = true} : memref<8x10240xf32, #tpu.memory_space<vmem>>[vector<16xi32>, vector<16xi32>], vector<16xf32>,
        %scan3A_380 = arith.constant 0 : i32
        %scan3A_381 = arith.constant 5 : i32
        %scan3A_382 = arith.addi %scan3A_27, %scan3A_381 : i32
        %mul3A_383 = arith.constant 16 : i32
        %mul3A_384 = arith.muli %scan3A_382, %mul3A_383 : i32
        %get3A_385 = arith.index_cast %mul3A_384 : i32 to index
        %get3A_386 = tpu.vector_load %arg7[%get3A_385] {strides = array<i32>} : memref<1024xi32, #tpu.memory_space<vmem>>, vector<16xi32>,
        %broadcast_in_dim3A_387 = arith.constant 0 : i32
        %broadcast_in_dim3A_388 = vector.broadcast %broadcast_in_dim3A_387 : i32 to vector<16xi32>
        %mul3A_389 = arith.constant 16 : i32
        %mul3A_390 = arith.muli %scan3A_382, %mul3A_389 : i32
        %get3A_391 = arith.constant 0 : i32
        %get3A_392 = arith.index_cast %get3A_391 : i32 to index
        %get3A_393 = arith.index_cast %mul3A_390 : i32 to index
        %get3A_394 = tpu.vector_load %arg6[%get3A_392, %get3A_393] {strides = array<i32>} : memref<8x1024xf32, #tpu.memory_space<vmem>>, vector<16xf32>,
        tpu.vector_store_idx %arg5[%broadcast_in_dim3A_388, %get3A_386], %get3A_394 {add = true} : memref<8x10240xf32, #tpu.memory_space<vmem>>[vector<16xi32>, vector<16xi32>], vector<16xf32>,
        %broadcast_in_dim3A_395 = arith.constant 1 : i32
        %broadcast_in_dim3A_396 = vector.broadcast %broadcast_in_dim3A_395 : i32 to vector<16xi32>
        %mul3A_397 = arith.constant 16 : i32
        %mul3A_398 = arith.muli %scan3A_382, %mul3A_397 : i32
        %get3A_399 = arith.constant 1 : i32
        %get3A_400 = arith.index_cast %get3A_399 : i32 to index
        %get3A_401 = arith.index_cast %mul3A_398 : i32 to index
        %get3A_402 = tpu.vector_load %arg6[%get3A_400, %get3A_401] {strides = array<i32>} : memref<8x1024xf32, #tpu.memory_space<vmem>>, vector<16xf32>,
        tpu.vector_store_idx %arg5[%broadcast_in_dim3A_396, %get3A_386], %get3A_402 {add = true} : memref<8x10240xf32, #tpu.memory_space<vmem>>[vector<16xi32>, vector<16xi32>], vector<16xf32>,
        %broadcast_in_dim3A_403 = arith.constant 2 : i32
        %broadcast_in_dim3A_404 = vector.broadcast %broadcast_in_dim3A_403 : i32 to vector<16xi32>
        %mul3A_405 = arith.constant 16 : i32
        %mul3A_406 = arith.muli %scan3A_382, %mul3A_405 : i32
        %get3A_407 = arith.constant 2 : i32
        %get3A_408 = arith.index_cast %get3A_407 : i32 to index
        %get3A_409 = arith.index_cast %mul3A_406 : i32 to index
        %get3A_410 = tpu.vector_load %arg6[%get3A_408, %get3A_409] {strides = array<i32>} : memref<8x1024xf32, #tpu.memory_space<vmem>>, vector<16xf32>,
        tpu.vector_store_idx %arg5[%broadcast_in_dim3A_404, %get3A_386], %get3A_410 {add = true} : memref<8x10240xf32, #tpu.memory_space<vmem>>[vector<16xi32>, vector<16xi32>], vector<16xf32>,
        %broadcast_in_dim3A_411 = arith.constant 3 : i32
        %broadcast_in_dim3A_412 = vector.broadcast %broadcast_in_dim3A_411 : i32 to vector<16xi32>
        %mul3A_413 = arith.constant 16 : i32
        %mul3A_414 = arith.muli %scan3A_382, %mul3A_413 : i32
        %get3A_415 = arith.constant 3 : i32
        %get3A_416 = arith.index_cast %get3A_415 : i32 to index
        %get3A_417 = arith.index_cast %mul3A_414 : i32 to index
        %get3A_418 = tpu.vector_load %arg6[%get3A_416, %get3A_417] {strides = array<i32>} : memref<8x1024xf32, #tpu.memory_space<vmem>>, vector<16xf32>,
        tpu.vector_store_idx %arg5[%broadcast_in_dim3A_412, %get3A_386], %get3A_418 {add = true} : memref<8x10240xf32, #tpu.memory_space<vmem>>[vector<16xi32>, vector<16xi32>], vector<16xf32>,
        %broadcast_in_dim3A_419 = arith.constant 4 : i32
        %broadcast_in_dim3A_420 = vector.broadcast %broadcast_in_dim3A_419 : i32 to vector<16xi32>
        %mul3A_421 = arith.constant 16 : i32
        %mul3A_422 = arith.muli %scan3A_382, %mul3A_421 : i32
        %get3A_423 = arith.constant 4 : i32
        %get3A_424 = arith.index_cast %get3A_423 : i32 to index
        %get3A_425 = arith.index_cast %mul3A_422 : i32 to index
        %get3A_426 = tpu.vector_load %arg6[%get3A_424, %get3A_425] {strides = array<i32>} : memref<8x1024xf32, #tpu.memory_space<vmem>>, vector<16xf32>,
        tpu.vector_store_idx %arg5[%broadcast_in_dim3A_420, %get3A_386], %get3A_426 {add = true} : memref<8x10240xf32, #tpu.memory_space<vmem>>[vector<16xi32>, vector<16xi32>], vector<16xf32>,
        %broadcast_in_dim3A_427 = arith.constant 5 : i32
        %broadcast_in_dim3A_428 = vector.broadcast %broadcast_in_dim3A_427 : i32 to vector<16xi32>
        %mul3A_429 = arith.constant 16 : i32
        %mul3A_430 = arith.muli %scan3A_382, %mul3A_429 : i32
        %get3A_431 = arith.constant 5 : i32
        %get3A_432 = arith.index_cast %get3A_431 : i32 to index
        %get3A_433 = arith.index_cast %mul3A_430 : i32 to index
        %get3A_434 = tpu.vector_load %arg6[%get3A_432, %get3A_433] {strides = array<i32>} : memref<8x1024xf32, #tpu.memory_space<vmem>>, vector<16xf32>,
        tpu.vector_store_idx %arg5[%broadcast_in_dim3A_428, %get3A_386], %get3A_434 {add = true} : memref<8x10240xf32, #tpu.memory_space<vmem>>[vector<16xi32>, vector<16xi32>], vector<16xf32>,
        %broadcast_in_dim3A_435 = arith.constant 6 : i32
        %broadcast_in_dim3A_436 = vector.broadcast %broadcast_in_dim3A_435 : i32 to vector<16xi32>
        %mul3A_437 = arith.constant 16 : i32
        %mul3A_438 = arith.muli %scan3A_382, %mul3A_437 : i32
        %get3A_439 = arith.constant 6 : i32
        %get3A_440 = arith.index_cast %get3A_439 : i32 to index
        %get3A_441 = arith.index_cast %mul3A_438 : i32 to index
        %get3A_442 = tpu.vector_load %arg6[%get3A_440, %get3A_441] {strides = array<i32>} : memref<8x1024xf32, #tpu.memory_space<vmem>>, vector<16xf32>,
        tpu.vector_store_idx %arg5[%broadcast_in_dim3A_436, %get3A_386], %get3A_442 {add = true} : memref<8x10240xf32, #tpu.memory_space<vmem>>[vector<16xi32>, vector<16xi32>], vector<16xf32>,
        %broadcast_in_dim3A_443 = arith.constant 7 : i32
        %broadcast_in_dim3A_444 = vector.broadcast %broadcast_in_dim3A_443 : i32 to vector<16xi32>
        %mul3A_445 = arith.constant 16 : i32
        %mul3A_446 = arith.muli %scan3A_382, %mul3A_445 : i32
        %get3A_447 = arith.constant 7 : i32
        %get3A_448 = arith.index_cast %get3A_447 : i32 to index
        %get3A_449 = arith.index_cast %mul3A_446 : i32 to index
        %get3A_450 = tpu.vector_load %arg6[%get3A_448, %get3A_449] {strides = array<i32>} : memref<8x1024xf32, #tpu.memory_space<vmem>>, vector<16xf32>,
        tpu.vector_store_idx %arg5[%broadcast_in_dim3A_444, %get3A_386], %get3A_450 {add = true} : memref<8x10240xf32, #tpu.memory_space<vmem>>[vector<16xi32>, vector<16xi32>], vector<16xf32>,
        %scan3A_451 = arith.constant 0 : i32
        %scan3A_452 = arith.constant 6 : i32
        %scan3A_453 = arith.addi %scan3A_27, %scan3A_452 : i32
        %mul3A_454 = arith.constant 16 : i32
        %mul3A_455 = arith.muli %scan3A_453, %mul3A_454 : i32
        %get3A_456 = arith.index_cast %mul3A_455 : i32 to index
        %get3A_457 = tpu.vector_load %arg7[%get3A_456] {strides = array<i32>} : memref<1024xi32, #tpu.memory_space<vmem>>, vector<16xi32>,
        %broadcast_in_dim3A_458 = arith.constant 0 : i32
        %broadcast_in_dim3A_459 = vector.broadcast %broadcast_in_dim3A_458 : i32 to vector<16xi32>
        %mul3A_460 = arith.constant 16 : i32
        %mul3A_461 = arith.muli %scan3A_453, %mul3A_460 : i32
        %get3A_462 = arith.constant 0 : i32
        %get3A_463 = arith.index_cast %get3A_462 : i32 to index
        %get3A_464 = arith.index_cast %mul3A_461 : i32 to index
        %get3A_465 = tpu.vector_load %arg6[%get3A_463, %get3A_464] {strides = array<i32>} : memref<8x1024xf32, #tpu.memory_space<vmem>>, vector<16xf32>,
        tpu.vector_store_idx %arg5[%broadcast_in_dim3A_459, %get3A_457], %get3A_465 {add = true} : memref<8x10240xf32, #tpu.memory_space<vmem>>[vector<16xi32>, vector<16xi32>], vector<16xf32>,
        %broadcast_in_dim3A_466 = arith.constant 1 : i32
        %broadcast_in_dim3A_467 = vector.broadcast %broadcast_in_dim3A_466 : i32 to vector<16xi32>
        %mul3A_468 = arith.constant 16 : i32
        %mul3A_469 = arith.muli %scan3A_453, %mul3A_468 : i32
        %get3A_470 = arith.constant 1 : i32
        %get3A_471 = arith.index_cast %get3A_470 : i32 to index
        %get3A_472 = arith.index_cast %mul3A_469 : i32 to index
        %get3A_473 = tpu.vector_load %arg6[%get3A_471, %get3A_472] {strides = array<i32>} : memref<8x1024xf32, #tpu.memory_space<vmem>>, vector<16xf32>,
        tpu.vector_store_idx %arg5[%broadcast_in_dim3A_467, %get3A_457], %get3A_473 {add = true} : memref<8x10240xf32, #tpu.memory_space<vmem>>[vector<16xi32>, vector<16xi32>], vector<16xf32>,
        %broadcast_in_dim3A_474 = arith.constant 2 : i32
        %broadcast_in_dim3A_475 = vector.broadcast %broadcast_in_dim3A_474 : i32 to vector<16xi32>
        %mul3A_476 = arith.constant 16 : i32
        %mul3A_477 = arith.muli %scan3A_453, %mul3A_476 : i32
        %get3A_478 = arith.constant 2 : i32
        %get3A_479 = arith.index_cast %get3A_478 : i32 to index
        %get3A_480 = arith.index_cast %mul3A_477 : i32 to index
        %get3A_481 = tpu.vector_load %arg6[%get3A_479, %get3A_480] {strides = array<i32>} : memref<8x1024xf32, #tpu.memory_space<vmem>>, vector<16xf32>,
        tpu.vector_store_idx %arg5[%broadcast_in_dim3A_475, %get3A_457], %get3A_481 {add = true} : memref<8x10240xf32, #tpu.memory_space<vmem>>[vector<16xi32>, vector<16xi32>], vector<16xf32>,
        %broadcast_in_dim3A_482 = arith.constant 3 : i32
        %broadcast_in_dim3A_483 = vector.broadcast %broadcast_in_dim3A_482 : i32 to vector<16xi32>
        %mul3A_484 = arith.constant 16 : i32
        %mul3A_485 = arith.muli %scan3A_453, %mul3A_484 : i32
        %get3A_486 = arith.constant 3 : i32
        %get3A_487 = arith.index_cast %get3A_486 : i32 to index
        %get3A_488 = arith.index_cast %mul3A_485 : i32 to index
        %get3A_489 = tpu.vector_load %arg6[%get3A_487, %get3A_488] {strides = array<i32>} : memref<8x1024xf32, #tpu.memory_space<vmem>>, vector<16xf32>,
        tpu.vector_store_idx %arg5[%broadcast_in_dim3A_483, %get3A_457], %get3A_489 {add = true} : memref<8x10240xf32, #tpu.memory_space<vmem>>[vector<16xi32>, vector<16xi32>], vector<16xf32>,
        %broadcast_in_dim3A_490 = arith.constant 4 : i32
        %broadcast_in_dim3A_491 = vector.broadcast %broadcast_in_dim3A_490 : i32 to vector<16xi32>
        %mul3A_492 = arith.constant 16 : i32
        %mul3A_493 = arith.muli %scan3A_453, %mul3A_492 : i32
        %get3A_494 = arith.constant 4 : i32
        %get3A_495 = arith.index_cast %get3A_494 : i32 to index
        %get3A_496 = arith.index_cast %mul3A_493 : i32 to index
        %get3A_497 = tpu.vector_load %arg6[%get3A_495, %get3A_496] {strides = array<i32>} : memref<8x1024xf32, #tpu.memory_space<vmem>>, vector<16xf32>,
        tpu.vector_store_idx %arg5[%broadcast_in_dim3A_491, %get3A_457], %get3A_497 {add = true} : memref<8x10240xf32, #tpu.memory_space<vmem>>[vector<16xi32>, vector<16xi32>], vector<16xf32>,
        %broadcast_in_dim3A_498 = arith.constant 5 : i32
        %broadcast_in_dim3A_499 = vector.broadcast %broadcast_in_dim3A_498 : i32 to vector<16xi32>
        %mul3A_500 = arith.constant 16 : i32
        %mul3A_501 = arith.muli %scan3A_453, %mul3A_500 : i32
        %get3A_502 = arith.constant 5 : i32
        %get3A_503 = arith.index_cast %get3A_502 : i32 to index
        %get3A_504 = arith.index_cast %mul3A_501 : i32 to index
        %get3A_505 = tpu.vector_load %arg6[%get3A_503, %get3A_504] {strides = array<i32>} : memref<8x1024xf32, #tpu.memory_space<vmem>>, vector<16xf32>,
        tpu.vector_store_idx %arg5[%broadcast_in_dim3A_499, %get3A_457], %get3A_505 {add = true} : memref<8x10240xf32, #tpu.memory_space<vmem>>[vector<16xi32>, vector<16xi32>], vector<16xf32>,
        %broadcast_in_dim3A_506 = arith.constant 6 : i32
        %broadcast_in_dim3A_507 = vector.broadcast %broadcast_in_dim3A_506 : i32 to vector<16xi32>
        %mul3A_508 = arith.constant 16 : i32
        %mul3A_509 = arith.muli %scan3A_453, %mul3A_508 : i32
        %get3A_510 = arith.constant 6 : i32
        %get3A_511 = arith.index_cast %get3A_510 : i32 to index
        %get3A_512 = arith.index_cast %mul3A_509 : i32 to index
        %get3A_513 = tpu.vector_load %arg6[%get3A_511, %get3A_512] {strides = array<i32>} : memref<8x1024xf32, #tpu.memory_space<vmem>>, vector<16xf32>,
        tpu.vector_store_idx %arg5[%broadcast_in_dim3A_507, %get3A_457], %get3A_513 {add = true} : memref<8x10240xf32, #tpu.memory_space<vmem>>[vector<16xi32>, vector<16xi32>], vector<16xf32>,
        %broadcast_in_dim3A_514 = arith.constant 7 : i32
        %broadcast_in_dim3A_515 = vector.broadcast %broadcast_in_dim3A_514 : i32 to vector<16xi32>
        %mul3A_516 = arith.constant 16 : i32
        %mul3A_517 = arith.muli %scan3A_453, %mul3A_516 : i32
        %get3A_518 = arith.constant 7 : i32
        %get3A_519 = arith.index_cast %get3A_518 : i32 to index
        %get3A_520 = arith.index_cast %mul3A_517 : i32 to index
        %get3A_521 = tpu.vector_load %arg6[%get3A_519, %get3A_520] {strides = array<i32>} : memref<8x1024xf32, #tpu.memory_space<vmem>>, vector<16xf32>,
        tpu.vector_store_idx %arg5[%broadcast_in_dim3A_515, %get3A_457], %get3A_521 {add = true} : memref<8x10240xf32, #tpu.memory_space<vmem>>[vector<16xi32>, vector<16xi32>], vector<16xf32>,
        %scan3A_522 = arith.constant 0 : i32
        %scan3A_523 = arith.constant 7 : i32
        %scan3A_524 = arith.addi %scan3A_27, %scan3A_523 : i32
        %mul3A_525 = arith.constant 16 : i32
        %mul3A_526 = arith.muli %scan3A_524, %mul3A_525 : i32
        %get3A_527 = arith.index_cast %mul3A_526 : i32 to index
        %get3A_528 = tpu.vector_load %arg7[%get3A_527] {strides = array<i32>} : memref<1024xi32, #tpu.memory_space<vmem>>, vector<16xi32>,
        %broadcast_in_dim3A_529 = arith.constant 0 : i32
        %broadcast_in_dim3A_530 = vector.broadcast %broadcast_in_dim3A_529 : i32 to vector<16xi32>
        %mul3A_531 = arith.constant 16 : i32
        %mul3A_532 = arith.muli %scan3A_524, %mul3A_531 : i32
        %get3A_533 = arith.constant 0 : i32
        %get3A_534 = arith.index_cast %get3A_533 : i32 to index
        %get3A_535 = arith.index_cast %mul3A_532 : i32 to index
        %get3A_536 = tpu.vector_load %arg6[%get3A_534, %get3A_535] {strides = array<i32>} : memref<8x1024xf32, #tpu.memory_space<vmem>>, vector<16xf32>,
        tpu.vector_store_idx %arg5[%broadcast_in_dim3A_530, %get3A_528], %get3A_536 {add = true} : memref<8x10240xf32, #tpu.memory_space<vmem>>[vector<16xi32>, vector<16xi32>], vector<16xf32>,
        %broadcast_in_dim3A_537 = arith.constant 1 : i32
        %broadcast_in_dim3A_538 = vector.broadcast %broadcast_in_dim3A_537 : i32 to vector<16xi32>
        %mul3A_539 = arith.constant 16 : i32
        %mul3A_540 = arith.muli %scan3A_524, %mul3A_539 : i32
        %get3A_541 = arith.constant 1 : i32
        %get3A_542 = arith.index_cast %get3A_541 : i32 to index
        %get3A_543 = arith.index_cast %mul3A_540 : i32 to index
        %get3A_544 = tpu.vector_load %arg6[%get3A_542, %get3A_543] {strides = array<i32>} : memref<8x1024xf32, #tpu.memory_space<vmem>>, vector<16xf32>,
        tpu.vector_store_idx %arg5[%broadcast_in_dim3A_538, %get3A_528], %get3A_544 {add = true} : memref<8x10240xf32, #tpu.memory_space<vmem>>[vector<16xi32>, vector<16xi32>], vector<16xf32>,
        %broadcast_in_dim3A_545 = arith.constant 2 : i32
        %broadcast_in_dim3A_546 = vector.broadcast %broadcast_in_dim3A_545 : i32 to vector<16xi32>
        %mul3A_547 = arith.constant 16 : i32
        %mul3A_548 = arith.muli %scan3A_524, %mul3A_547 : i32
        %get3A_549 = arith.constant 2 : i32
        %get3A_550 = arith.index_cast %get3A_549 : i32 to index
        %get3A_551 = arith.index_cast %mul3A_548 : i32 to index
        %get3A_552 = tpu.vector_load %arg6[%get3A_550, %get3A_551] {strides = array<i32>} : memref<8x1024xf32, #tpu.memory_space<vmem>>, vector<16xf32>,
        tpu.vector_store_idx %arg5[%broadcast_in_dim3A_546, %get3A_528], %get3A_552 {add = true} : memref<8x10240xf32, #tpu.memory_space<vmem>>[vector<16xi32>, vector<16xi32>], vector<16xf32>,
        %broadcast_in_dim3A_553 = arith.constant 3 : i32
        %broadcast_in_dim3A_554 = vector.broadcast %broadcast_in_dim3A_553 : i32 to vector<16xi32>
        %mul3A_555 = arith.constant 16 : i32
        %mul3A_556 = arith.muli %scan3A_524, %mul3A_555 : i32
        %get3A_557 = arith.constant 3 : i32
        %get3A_558 = arith.index_cast %get3A_557 : i32 to index
        %get3A_559 = arith.index_cast %mul3A_556 : i32 to index
        %get3A_560 = tpu.vector_load %arg6[%get3A_558, %get3A_559] {strides = array<i32>} : memref<8x1024xf32, #tpu.memory_space<vmem>>, vector<16xf32>,
        tpu.vector_store_idx %arg5[%broadcast_in_dim3A_554, %get3A_528], %get3A_560 {add = true} : memref<8x10240xf32, #tpu.memory_space<vmem>>[vector<16xi32>, vector<16xi32>], vector<16xf32>,
        %broadcast_in_dim3A_561 = arith.constant 4 : i32
        %broadcast_in_dim3A_562 = vector.broadcast %broadcast_in_dim3A_561 : i32 to vector<16xi32>
        %mul3A_563 = arith.constant 16 : i32
        %mul3A_564 = arith.muli %scan3A_524, %mul3A_563 : i32
        %get3A_565 = arith.constant 4 : i32
        %get3A_566 = arith.index_cast %get3A_565 : i32 to index
        %get3A_567 = arith.index_cast %mul3A_564 : i32 to index
        %get3A_568 = tpu.vector_load %arg6[%get3A_566, %get3A_567] {strides = array<i32>} : memref<8x1024xf32, #tpu.memory_space<vmem>>, vector<16xf32>,
        tpu.vector_store_idx %arg5[%broadcast_in_dim3A_562, %get3A_528], %get3A_568 {add = true} : memref<8x10240xf32, #tpu.memory_space<vmem>>[vector<16xi32>, vector<16xi32>], vector<16xf32>,
        %broadcast_in_dim3A_569 = arith.constant 5 : i32
        %broadcast_in_dim3A_570 = vector.broadcast %broadcast_in_dim3A_569 : i32 to vector<16xi32>
        %mul3A_571 = arith.constant 16 : i32
        %mul3A_572 = arith.muli %scan3A_524, %mul3A_571 : i32
        %get3A_573 = arith.constant 5 : i32
        %get3A_574 = arith.index_cast %get3A_573 : i32 to index
        %get3A_575 = arith.index_cast %mul3A_572 : i32 to index
        %get3A_576 = tpu.vector_load %arg6[%get3A_574, %get3A_575] {strides = array<i32>} : memref<8x1024xf32, #tpu.memory_space<vmem>>, vector<16xf32>,
        tpu.vector_store_idx %arg5[%broadcast_in_dim3A_570, %get3A_528], %get3A_576 {add = true} : memref<8x10240xf32, #tpu.memory_space<vmem>>[vector<16xi32>, vector<16xi32>], vector<16xf32>,
        %broadcast_in_dim3A_577 = arith.constant 6 : i32
        %broadcast_in_dim3A_578 = vector.broadcast %broadcast_in_dim3A_577 : i32 to vector<16xi32>
        %mul3A_579 = arith.constant 16 : i32
        %mul3A_580 = arith.muli %scan3A_524, %mul3A_579 : i32
        %get3A_581 = arith.constant 6 : i32
        %get3A_582 = arith.index_cast %get3A_581 : i32 to index
        %get3A_583 = arith.index_cast %mul3A_580 : i32 to index
        %get3A_584 = tpu.vector_load %arg6[%get3A_582, %get3A_583] {strides = array<i32>} : memref<8x1024xf32, #tpu.memory_space<vmem>>, vector<16xf32>,
        tpu.vector_store_idx %arg5[%broadcast_in_dim3A_578, %get3A_528], %get3A_584 {add = true} : memref<8x10240xf32, #tpu.memory_space<vmem>>[vector<16xi32>, vector<16xi32>], vector<16xf32>,
        %broadcast_in_dim3A_585 = arith.constant 7 : i32
        %broadcast_in_dim3A_586 = vector.broadcast %broadcast_in_dim3A_585 : i32 to vector<16xi32>
        %mul3A_587 = arith.constant 16 : i32
        %mul3A_588 = arith.muli %scan3A_524, %mul3A_587 : i32
        %get3A_589 = arith.constant 7 : i32
        %get3A_590 = arith.index_cast %get3A_589 : i32 to index
        %get3A_591 = arith.index_cast %mul3A_588 : i32 to index
        %get3A_592 = tpu.vector_load %arg6[%get3A_590, %get3A_591] {strides = array<i32>} : memref<8x1024xf32, #tpu.memory_space<vmem>>, vector<16xf32>,
        tpu.vector_store_idx %arg5[%broadcast_in_dim3A_586, %get3A_528], %get3A_592 {add = true} : memref<8x10240xf32, #tpu.memory_space<vmem>>[vector<16xi32>, vector<16xi32>], vector<16xf32>,
        %scan3A_593 = arith.constant 0 : i32
        scf.yield %scan3A_593 : i32
      }
      %scan3A_25 = arith.constant 64 : i32
      %scan3A_26 = arith.constant 0 : i32
      scf.yield %scan3A_26 : i32
    }
    %scan3A_14 = arith.constant 160 : i32
    "tpu.region"() ({
      %run_scoped3A = tpu.sem_alloc : memref<!tpu.dma_semaphore, #tpu.memory_space<semaphore_mem>>
      %dma_start3A = arith.constant 0 : i32
      %dma_start3A_15 = arith.constant 0 : i32
      %dma_start3A_16 = tpu.memref_slice %arg4[%add3A, %dma_start3A, %dma_start3A_15] : memref<32x8x10240xf32, #tpu.memory_space<hbm>> -> memref<1x8x10240xf32, #tpu.memory_space<hbm>>
      %dma_start3A_17 = tpu.memref_squeeze %dma_start3A_16 : memref<1x8x10240xf32, #tpu.memory_space<hbm>> -> memref<8x10240xf32, #tpu.memory_space<hbm>>
      %dma_start3A_18 = arith.constant 0 : i32
      %dma_start3A_19 = arith.constant 0 : i32
      %dma_start3A_20 = tpu.memref_slice %arg4[%add3A, %dma_start3A_18, %dma_start3A_19] : memref<32x8x10240xf32, #tpu.memory_space<hbm>> -> memref<1x8x10240xf32, #tpu.memory_space<hbm>>
      %dma_start3A_21 = tpu.memref_squeeze %dma_start3A_20 : memref<1x8x10240xf32, #tpu.memory_space<hbm>> -> memref<8x10240xf32, #tpu.memory_space<hbm>>
      tpu.enqueue_dma source(%arg5 : memref<8x10240xf32, #tpu.memory_space<vmem>>) target(%dma_start3A_21 : memref<8x10240xf32, #tpu.memory_space<hbm>>) target_semaphore(%run_scoped3A : memref<!tpu.dma_semaphore, #tpu.memory_space<semaphore_mem>>)
      %dma_wait3A = arith.constant 0 : i32
      %dma_wait3A_22 = arith.constant 0 : i32
      %dma_wait3A_23 = tpu.memref_slice %arg4[%add3A, %dma_wait3A, %dma_wait3A_22] : memref<32x8x10240xf32, #tpu.memory_space<hbm>> -> memref<1x8x10240xf32, #tpu.memory_space<hbm>>
      %dma_wait3A_24 = tpu.memref_squeeze %dma_wait3A_23 : memref<1x8x10240xf32, #tpu.memory_space<hbm>> -> memref<8x10240xf32, #tpu.memory_space<hbm>>
      %dma_wait3A_25 = arith.constant 0 : i32
      %dma_wait3A_26 = arith.constant 0 : i32
      %dma_wait3A_27 = tpu.memref_slice %arg4[%add3A, %dma_wait3A_25, %dma_wait3A_26] : memref<32x8x10240xf32, #tpu.memory_space<hbm>> -> memref<1x8x10240xf32, #tpu.memory_space<hbm>>
      %dma_wait3A_28 = tpu.memref_squeeze %dma_wait3A_27 : memref<1x8x10240xf32, #tpu.memory_space<hbm>> -> memref<8x10240xf32, #tpu.memory_space<hbm>>
      tpu.wait_dma2 semaphore(%run_scoped3A : memref<!tpu.dma_semaphore, #tpu.memory_space<semaphore_mem>>) src(%arg5 : memref<8x10240xf32, #tpu.memory_space<vmem>>) dst(%dma_wait3A_28 : memref<8x10240xf32, #tpu.memory_space<hbm>>)
      tpu.yield
    }) : () -> ()
    return
  }
}

module attributes {stable_mosaic.version = 14 : i64} {
  func.func @_prep_body(%arg0: i32, %arg1: memref<256x256xf32, #tpu.memory_space<vmem>>, %arg2: memref<256x256xf32, #tpu.memory_space<vmem>>, %arg3: memref<256x256xf32, #tpu.memory_space<vmem>>, %arg4: memref<256x256xf32, #tpu.memory_space<vmem>>, %arg5: memref<1x256xf32, #tpu.memory_space<vmem>>, %arg6: memref<256x256xf32, #tpu.memory_space<vmem>>, %arg7: memref<256x256xf32, #tpu.memory_space<vmem>>, %arg8: memref<256x256xf32, #tpu.memory_space<vmem>>) attributes {dimension_semantics = [#tpu.dimension_semantics<arbitrary>], iteration_bounds = array<i64: 40>, scalar_prefetch = 0 : i64, scratch_operands = 0 : i64, tpu.core_type = #tpu.core_type<tc>, window_params = [{transform_indices = @transform_0, window_bounds = array<i64: 256, 256>}, {transform_indices = @transform_1, window_bounds = array<i64: 256, 256>}, {pipeline_mode = #tpu.pipeline_mode<synchronous>, transform_indices = @transform_2, window_bounds = array<i64: 256, 256>}, {pipeline_mode = #tpu.pipeline_mode<synchronous>, transform_indices = @transform_3, window_bounds = array<i64: 256, 256>}, {pipeline_mode = #tpu.pipeline_mode<synchronous>, transform_indices = @transform_4, window_bounds = array<i64: 1, 256>}, {transform_indices = @transform_5, window_bounds = array<i64: 256, 256>}, {transform_indices = @transform_6, window_bounds = array<i64: 256, 256>}, {transform_indices = @transform_7, window_bounds = array<i64: 256, 256>}]} {
    %get3A = arith.constant 0 : index
    %get3A_0 = arith.constant 0 : index
    %get3A_1 = vector.load %arg1[%get3A, %get3A_0] : memref<256x256xf32, #tpu.memory_space<vmem>>, vector<256x256xf32>
    %get3A_2 = arith.constant 0 : index
    %get3A_3 = arith.constant 0 : index
    %get3A_4 = vector.load %arg2[%get3A_2, %get3A_3] : memref<256x256xf32, #tpu.memory_space<vmem>>, vector<256x256xf32>
    %add3A = arith.addf %get3A_1, %get3A_4 : vector<256x256xf32>
    %swap3A = arith.constant 0 : index
    %swap3A_5 = arith.constant 0 : index
    %swap3A_6 = vector.load %arg6[%swap3A, %swap3A_5] : memref<256x256xf32, #tpu.memory_space<vmem>>, vector<256x256xf32>
    tpu.vector_store %arg6[%swap3A, %swap3A_5], %add3A {strides = array<i32>} : memref<256x256xf32, #tpu.memory_space<vmem>>, vector<256x256xf32>,
    %get3A_7 = arith.constant 0 : index
    %get3A_8 = arith.constant 0 : index
    %get3A_9 = vector.load %arg3[%get3A_7, %get3A_8] : memref<256x256xf32, #tpu.memory_space<vmem>>, vector<256x256xf32>
    %convert_element_type3A = arith.truncf %add3A : vector<256x256xf32> to vector<256x256xbf16>
    %convert_element_type3A_10 = arith.truncf %get3A_9 : vector<256x256xf32> to vector<256x256xbf16>
    %dot_general3A = arith.constant dense<0.000000e+00> : vector<256x256xf32>
    %dot_general3A_11 = tpu.matmul %convert_element_type3A, %convert_element_type3A_10, %dot_general3A {dimension_numbers = #tpu.dot_dimension_numbers<[1], [0], [0], [1], [0, 0, 1, 1], [], []>, transpose_lhs_hint = false} : vector<256x256xbf16>, vector<256x256xbf16>, vector<256x256xf32> -> vector<256x256xf32>
    %get3A_12 = arith.constant 0 : index
    %get3A_13 = arith.constant 0 : index
    %get3A_14 = vector.load %arg5[%get3A_12, %get3A_13] : memref<1x256xf32, #tpu.memory_space<vmem>>, vector<1x256xf32>
    %add3A_15 = vector.broadcast %get3A_14 : vector<1x256xf32> to vector<256x256xf32>
    %add3A_16 = arith.addf %dot_general3A_11, %add3A_15 : vector<256x256xf32>
    %swap3A_17 = arith.constant 0 : index
    %swap3A_18 = arith.constant 0 : index
    %swap3A_19 = vector.load %arg7[%swap3A_17, %swap3A_18] : memref<256x256xf32, #tpu.memory_space<vmem>>, vector<256x256xf32>
    tpu.vector_store %arg7[%swap3A_17, %swap3A_18], %add3A_16 {strides = array<i32>} : memref<256x256xf32, #tpu.memory_space<vmem>>, vector<256x256xf32>,
    %get3A_20 = arith.constant 0 : index
    %get3A_21 = arith.constant 0 : index
    %get3A_22 = vector.load %arg4[%get3A_20, %get3A_21] : memref<256x256xf32, #tpu.memory_space<vmem>>, vector<256x256xf32>
    %convert_element_type3A_23 = arith.truncf %add3A : vector<256x256xf32> to vector<256x256xbf16>
    %convert_element_type3A_24 = arith.truncf %get3A_22 : vector<256x256xf32> to vector<256x256xbf16>
    %dot_general3A_25 = arith.constant dense<0.000000e+00> : vector<256x256xf32>
    %dot_general3A_26 = tpu.matmul %convert_element_type3A_23, %convert_element_type3A_24, %dot_general3A_25 {dimension_numbers = #tpu.dot_dimension_numbers<[1], [0], [0], [1], [0, 0, 1, 1], [], []>, transpose_lhs_hint = false} : vector<256x256xbf16>, vector<256x256xbf16>, vector<256x256xf32> -> vector<256x256xf32>
    %swap3A_27 = arith.constant 0 : index
    %swap3A_28 = arith.constant 0 : index
    %swap3A_29 = vector.load %arg8[%swap3A_27, %swap3A_28] : memref<256x256xf32, #tpu.memory_space<vmem>>, vector<256x256xf32>
    tpu.vector_store %arg8[%swap3A_27, %swap3A_28], %dot_general3A_26 {strides = array<i32>} : memref<256x256xf32, #tpu.memory_space<vmem>>, vector<256x256xf32>,
    return
  }
  func.func @transform_0(%arg0: i32) -> (i32, i32) {
    %c0_i32 = arith.constant 0 : i32
    %c0_i32_0 = arith.constant 0 : i32
    return %arg0, %c0_i32 : i32, i32
  }
  func.func @transform_1(%arg0: i32) -> (i32, i32) {
    %c0_i32 = arith.constant 0 : i32
    %c0_i32_0 = arith.constant 0 : i32
    return %arg0, %c0_i32 : i32, i32
  }
  func.func @transform_2(%arg0: i32) -> (i32, i32) {
    %c0_i32 = arith.constant 0 : i32
    %c0_i32_0 = arith.constant 0 : i32
    %c0_i32_1 = arith.constant 0 : i32
    return %c0_i32, %c0_i32_0 : i32, i32
  }
  func.func @transform_3(%arg0: i32) -> (i32, i32) {
    %c0_i32 = arith.constant 0 : i32
    %c0_i32_0 = arith.constant 0 : i32
    %c0_i32_1 = arith.constant 0 : i32
    return %c0_i32, %c0_i32_0 : i32, i32
  }
  func.func @transform_4(%arg0: i32) -> (i32, i32) {
    %c0_i32 = arith.constant 0 : i32
    %c0_i32_0 = arith.constant 0 : i32
    %c0_i32_1 = arith.constant 0 : i32
    return %c0_i32, %c0_i32_0 : i32, i32
  }
  func.func @transform_5(%arg0: i32) -> (i32, i32) {
    %c0_i32 = arith.constant 0 : i32
    %c0_i32_0 = arith.constant 0 : i32
    return %arg0, %c0_i32 : i32, i32
  }
  func.func @transform_6(%arg0: i32) -> (i32, i32) {
    %c0_i32 = arith.constant 0 : i32
    %c0_i32_0 = arith.constant 0 : i32
    return %arg0, %c0_i32 : i32, i32
  }
  func.func @transform_7(%arg0: i32) -> (i32, i32) {
    %c0_i32 = arith.constant 0 : i32
    %c0_i32_0 = arith.constant 0 : i32
    return %arg0, %c0_i32 : i32, i32
  }
}

module attributes {stable_mosaic.version = 14 : i64} {
  func.func @_edge_body(%arg0: i32, %arg1: memref<1024x256xf32, #tpu.memory_space<vmem>>, %arg2: memref<1024x4xf32, #tpu.memory_space<vmem>>, %arg3: memref<1x256xf32, #tpu.memory_space<vmem>>, %arg4: memref<256x256xf32, #tpu.memory_space<vmem>>, %arg5: memref<1x256xf32, #tpu.memory_space<vmem>>, %arg6: memref<256x256xf32, #tpu.memory_space<vmem>>, %arg7: memref<1x256xf32, #tpu.memory_space<vmem>>, %arg8: memref<1x256xf32, #tpu.memory_space<vmem>>, %arg9: memref<1x1xf32, #tpu.memory_space<vmem>>, %arg10: memref<34x8x1024xf32, #tpu.memory_space<vmem>>) attributes {dimension_semantics = [#tpu.dimension_semantics<arbitrary>], iteration_bounds = array<i64: 160>, scalar_prefetch = 0 : i64, scratch_operands = 0 : i64, tpu.core_type = #tpu.core_type<tc>, window_params = [{transform_indices = @transform_0, window_bounds = array<i64: 1024, 256>}, {transform_indices = @transform_1, window_bounds = array<i64: 1024, 4>}, {pipeline_mode = #tpu.pipeline_mode<synchronous>, transform_indices = @transform_2, window_bounds = array<i64: 1, 256>}, {pipeline_mode = #tpu.pipeline_mode<synchronous>, transform_indices = @transform_3, window_bounds = array<i64: 256, 256>}, {pipeline_mode = #tpu.pipeline_mode<synchronous>, transform_indices = @transform_4, window_bounds = array<i64: 1, 256>}, {pipeline_mode = #tpu.pipeline_mode<synchronous>, transform_indices = @transform_5, window_bounds = array<i64: 256, 256>}, {pipeline_mode = #tpu.pipeline_mode<synchronous>, transform_indices = @transform_6, window_bounds = array<i64: 1, 256>}, {pipeline_mode = #tpu.pipeline_mode<synchronous>, transform_indices = @transform_7, window_bounds = array<i64: 1, 256>}, {pipeline_mode = #tpu.pipeline_mode<synchronous>, transform_indices = @transform_8, window_bounds = array<i64: 1, 1>}, {transform_indices = @transform_9, window_bounds = array<i64: 34, 8, 1024>}]} {
    %get3A = arith.constant 0 : index
    %get3A_0 = arith.constant 0 : index
    %get3A_1 = vector.load %arg2[%get3A, %get3A_0] : memref<1024x4xf32, #tpu.memory_space<vmem>>, vector<1024x4xf32>
    %mul3A = arith.mulf %get3A_1, %get3A_1 : vector<1024x4xf32>
    %reduce_sum3A = arith.constant dense<0.000000e+00> : vector<1024xf32>
    %reduce_sum3A_2 = vector.multi_reduction <add>, %mul3A, %reduce_sum3A [1] : vector<1024x4xf32> to vector<1024xf32>
    %broadcast_in_dim3A = vector.shape_cast %reduce_sum3A_2 : vector<1024xf32> to vector<1024x1xf32>
    %get3A_3 = arith.constant 0 : index
    %get3A_4 = arith.constant 0 : index
    %get3A_5 = vector.load %arg1[%get3A_3, %get3A_4] : memref<1024x256xf32, #tpu.memory_space<vmem>>, vector<1024x256xf32>
    %get3A_6 = arith.constant 0 : index
    %get3A_7 = arith.constant 0 : index
    %get3A_8 = vector.load %arg3[%get3A_6, %get3A_7] : memref<1x256xf32, #tpu.memory_space<vmem>>, vector<1x256xf32>
    %mul3A_9 = vector.broadcast %broadcast_in_dim3A : vector<1024x1xf32> to vector<1024x256xf32>
    %mul3A_10 = vector.broadcast %get3A_8 : vector<1x256xf32> to vector<1024x256xf32>
    %mul3A_11 = arith.mulf %mul3A_9, %mul3A_10 : vector<1024x256xf32>
    %add3A = arith.addf %get3A_5, %mul3A_11 : vector<1024x256xf32>
    %logistic3A = arith.negf %add3A : vector<1024x256xf32>
    %logistic3A_12 = math.exp %logistic3A : vector<1024x256xf32>
    %logistic3A_13 = arith.constant 1.000000e+00 : f32
    %logistic3A_14 = vector.broadcast %logistic3A_13 : f32 to vector<1024x256xf32>
    %logistic3A_15 = arith.addf %logistic3A_14, %logistic3A_12 : vector<1024x256xf32>
    %logistic3A_16 = arith.divf %logistic3A_14, %logistic3A_15 : vector<1024x256xf32>
    %mul3A_17 = arith.mulf %add3A, %logistic3A_16 : vector<1024x256xf32>
    %get3A_18 = arith.constant 0 : index
    %get3A_19 = arith.constant 0 : index
    %get3A_20 = vector.load %arg4[%get3A_18, %get3A_19] : memref<256x256xf32, #tpu.memory_space<vmem>>, vector<256x256xf32>
    %convert_element_type3A = arith.truncf %mul3A_17 : vector<1024x256xf32> to vector<1024x256xbf16>
    %convert_element_type3A_21 = arith.truncf %get3A_20 : vector<256x256xf32> to vector<256x256xbf16>
    %dot_general3A = arith.constant dense<0.000000e+00> : vector<1024x256xf32>
    %dot_general3A_22 = tpu.matmul %convert_element_type3A, %convert_element_type3A_21, %dot_general3A {dimension_numbers = #tpu.dot_dimension_numbers<[1], [0], [0], [1], [0, 0, 1, 1], [], []>, transpose_lhs_hint = false} : vector<1024x256xbf16>, vector<256x256xbf16>, vector<1024x256xf32> -> vector<1024x256xf32>
    %get3A_23 = arith.constant 0 : index
    %get3A_24 = arith.constant 0 : index
    %get3A_25 = vector.load %arg5[%get3A_23, %get3A_24] : memref<1x256xf32, #tpu.memory_space<vmem>>, vector<1x256xf32>
    %add3A_26 = vector.broadcast %get3A_25 : vector<1x256xf32> to vector<1024x256xf32>
    %add3A_27 = arith.addf %dot_general3A_22, %add3A_26 : vector<1024x256xf32>
    %logistic3A_28 = arith.negf %add3A_27 : vector<1024x256xf32>
    %logistic3A_29 = math.exp %logistic3A_28 : vector<1024x256xf32>
    %logistic3A_30 = arith.constant 1.000000e+00 : f32
    %logistic3A_31 = vector.broadcast %logistic3A_30 : f32 to vector<1024x256xf32>
    %logistic3A_32 = arith.addf %logistic3A_31, %logistic3A_29 : vector<1024x256xf32>
    %logistic3A_33 = arith.divf %logistic3A_31, %logistic3A_32 : vector<1024x256xf32>
    %mul3A_34 = arith.mulf %add3A_27, %logistic3A_33 : vector<1024x256xf32>
    %get3A_35 = arith.constant 0 : index
    %get3A_36 = arith.constant 0 : index
    %get3A_37 = vector.load %arg6[%get3A_35, %get3A_36] : memref<256x256xf32, #tpu.memory_space<vmem>>, vector<256x256xf32>
    %convert_element_type3A_38 = arith.truncf %mul3A_34 : vector<1024x256xf32> to vector<1024x256xbf16>
    %convert_element_type3A_39 = arith.truncf %get3A_37 : vector<256x256xf32> to vector<256x256xbf16>
    %dot_general3A_40 = arith.constant dense<0.000000e+00> : vector<1024x256xf32>
    %dot_general3A_41 = tpu.matmul %convert_element_type3A_38, %convert_element_type3A_39, %dot_general3A_40 {dimension_numbers = #tpu.dot_dimension_numbers<[1], [0], [0], [1], [0, 0, 1, 1], [], []>, transpose_lhs_hint = false} : vector<1024x256xbf16>, vector<256x256xbf16>, vector<1024x256xf32> -> vector<1024x256xf32>
    %get3A_42 = arith.constant 0 : index
    %get3A_43 = arith.constant 0 : index
    %get3A_44 = vector.load %arg7[%get3A_42, %get3A_43] : memref<1x256xf32, #tpu.memory_space<vmem>>, vector<1x256xf32>
    %add3A_45 = vector.broadcast %get3A_44 : vector<1x256xf32> to vector<1024x256xf32>
    %add3A_46 = arith.addf %dot_general3A_41, %add3A_45 : vector<1024x256xf32>
    %logistic3A_47 = arith.negf %add3A_46 : vector<1024x256xf32>
    %logistic3A_48 = math.exp %logistic3A_47 : vector<1024x256xf32>
    %logistic3A_49 = arith.constant 1.000000e+00 : f32
    %logistic3A_50 = vector.broadcast %logistic3A_49 : f32 to vector<1024x256xf32>
    %logistic3A_51 = arith.addf %logistic3A_50, %logistic3A_48 : vector<1024x256xf32>
    %logistic3A_52 = arith.divf %logistic3A_50, %logistic3A_51 : vector<1024x256xf32>
    %mul3A_53 = arith.mulf %add3A_46, %logistic3A_52 : vector<1024x256xf32>
    %get3A_54 = arith.constant 0 : index
    %get3A_55 = arith.constant 0 : index
    %get3A_56 = vector.load %arg8[%get3A_54, %get3A_55] : memref<1x256xf32, #tpu.memory_space<vmem>>, vector<1x256xf32>
    %mul3A_57 = vector.broadcast %get3A_56 : vector<1x256xf32> to vector<1024x256xf32>
    %mul3A_58 = arith.mulf %mul3A_53, %mul3A_57 : vector<1024x256xf32>
    %reduce_sum3A_59 = arith.constant dense<0.000000e+00> : vector<1024xf32>
    %reduce_sum3A_60 = vector.multi_reduction <add>, %mul3A_58, %reduce_sum3A_59 [1] : vector<1024x256xf32> to vector<1024xf32>
    %broadcast_in_dim3A_61 = vector.shape_cast %reduce_sum3A_60 : vector<1024xf32> to vector<1024x1xf32>
    %get3A_62 = arith.constant 0 : index
    %get3A_63 = arith.constant 0 : index
    %get3A_64 = vector.load %arg9[%get3A_62, %get3A_63] : memref<1x1xf32, #tpu.memory_space<vmem>>, vector<1x1xf32>
    %add3A_65 = vector.broadcast %get3A_64 : vector<1x1xf32> to vector<1024x1xf32>
    %add3A_66 = arith.addf %broadcast_in_dim3A_61, %add3A_65 : vector<1024x1xf32>
    %mul3A_67 = vector.broadcast %add3A_66 : vector<1024x1xf32> to vector<1024x4xf32>
    %mul3A_68 = arith.mulf %get3A_1, %mul3A_67 : vector<1024x4xf32>
    %broadcast_in_dim3A_69 = arith.constant 1.000000e+00 : f32
    %broadcast_in_dim3A_70 = vector.broadcast %broadcast_in_dim3A_69 : f32 to vector<1024x1xf32>
    %broadcast_in_dim3A_71 = arith.constant 0.000000e+00 : f32
    %broadcast_in_dim3A_72 = vector.broadcast %broadcast_in_dim3A_71 : f32 to vector<1024x11xf32>
    %concatenate3A = tpu.concatenate %mul3A_34, %mul3A_68, %broadcast_in_dim3A_70, %broadcast_in_dim3A_72 in 1 : vector<1024x256xf32>, vector<1024x4xf32>, vector<1024x1xf32>, vector<1024x11xf32> -> vector<1024x272xf32>
    %transpose3A = tpu.transpose %concatenate3A, [1, 0] : vector<1024x272xf32> -> vector<272x1024xf32>
    %reshape3A = vector.shape_cast %transpose3A : vector<272x1024xf32> to vector<34x8x1024xf32>
    %swap3A = arith.constant 0 : index
    %swap3A_73 = arith.constant 0 : index
    %swap3A_74 = arith.constant 0 : index
    %swap3A_75 = vector.load %arg10[%swap3A, %swap3A_73, %swap3A_74] : memref<34x8x1024xf32, #tpu.memory_space<vmem>>, vector<34x8x1024xf32>
    tpu.vector_store %arg10[%swap3A, %swap3A_73, %swap3A_74], %reshape3A {strides = array<i32>} : memref<34x8x1024xf32, #tpu.memory_space<vmem>>, vector<34x8x1024xf32>,
    return
  }
  func.func @transform_0(%arg0: i32) -> (i32, i32) {
    %c0_i32 = arith.constant 0 : i32
    %c0_i32_0 = arith.constant 0 : i32
    return %arg0, %c0_i32 : i32, i32
  }
  func.func @transform_1(%arg0: i32) -> (i32, i32) {
    %c0_i32 = arith.constant 0 : i32
    %c0_i32_0 = arith.constant 0 : i32
    return %arg0, %c0_i32 : i32, i32
  }
  func.func @transform_2(%arg0: i32) -> (i32, i32) {
    %c0_i32 = arith.constant 0 : i32
    %c0_i32_0 = arith.constant 0 : i32
    %c0_i32_1 = arith.constant 0 : i32
    return %c0_i32, %c0_i32_0 : i32, i32
  }
  func.func @transform_3(%arg0: i32) -> (i32, i32) {
    %c0_i32 = arith.constant 0 : i32
    %c0_i32_0 = arith.constant 0 : i32
    %c0_i32_1 = arith.constant 0 : i32
    return %c0_i32, %c0_i32_0 : i32, i32
  }
  func.func @transform_4(%arg0: i32) -> (i32, i32) {
    %c0_i32 = arith.constant 0 : i32
    %c0_i32_0 = arith.constant 0 : i32
    %c0_i32_1 = arith.constant 0 : i32
    return %c0_i32, %c0_i32_0 : i32, i32
  }
  func.func @transform_5(%arg0: i32) -> (i32, i32) {
    %c0_i32 = arith.constant 0 : i32
    %c0_i32_0 = arith.constant 0 : i32
    %c0_i32_1 = arith.constant 0 : i32
    return %c0_i32, %c0_i32_0 : i32, i32
  }
  func.func @transform_6(%arg0: i32) -> (i32, i32) {
    %c0_i32 = arith.constant 0 : i32
    %c0_i32_0 = arith.constant 0 : i32
    %c0_i32_1 = arith.constant 0 : i32
    return %c0_i32, %c0_i32_0 : i32, i32
  }
  func.func @transform_7(%arg0: i32) -> (i32, i32) {
    %c0_i32 = arith.constant 0 : i32
    %c0_i32_0 = arith.constant 0 : i32
    %c0_i32_1 = arith.constant 0 : i32
    return %c0_i32, %c0_i32_0 : i32, i32
  }
  func.func @transform_8(%arg0: i32) -> (i32, i32) {
    %c0_i32 = arith.constant 0 : i32
    %c0_i32_0 = arith.constant 0 : i32
    %c0_i32_1 = arith.constant 0 : i32
    return %c0_i32, %c0_i32_0 : i32, i32
  }
  func.func @transform_9(%arg0: i32) -> (i32, i32, i32) {
    %c0_i32 = arith.constant 0 : i32
    %c0_i32_0 = arith.constant 0 : i32
    %c0_i32_1 = arith.constant 0 : i32
    return %c0_i32, %c0_i32_0, %arg0 : i32, i32, i32
  }
}

module attributes {stable_mosaic.version = 14 : i64} {
  func.func @_node_body(%arg0: i32, %arg1: memref<256x256xf32, #tpu.memory_space<vmem>>, %arg2: memref<256x256xf32, #tpu.memory_space<vmem>>, %arg3: memref<1x16x256x16xf32, #tpu.memory_space<vmem>>, %arg4: memref<256x4xf32, #tpu.memory_space<vmem>>, %arg5: memref<256x256xf32, #tpu.memory_space<vmem>>, %arg6: memref<256x256xf32, #tpu.memory_space<vmem>>, %arg7: memref<1x256xf32, #tpu.memory_space<vmem>>, %arg8: memref<256x256xf32, #tpu.memory_space<vmem>>, %arg9: memref<1x256xf32, #tpu.memory_space<vmem>>, %arg10: memref<256x256xf32, #tpu.memory_space<vmem>>, %arg11: memref<256x4xf32, #tpu.memory_space<vmem>>) attributes {dimension_semantics = [#tpu.dimension_semantics<arbitrary>], iteration_bounds = array<i64: 40>, scalar_prefetch = 0 : i64, scratch_operands = 0 : i64, tpu.core_type = #tpu.core_type<tc>, window_params = [{transform_indices = @transform_0, window_bounds = array<i64: 256, 256>}, {transform_indices = @transform_1, window_bounds = array<i64: 256, 256>}, {transform_indices = @transform_2, window_bounds = array<i64: 1, 16, 256, 16>}, {transform_indices = @transform_3, window_bounds = array<i64: 256, 4>}, {pipeline_mode = #tpu.pipeline_mode<synchronous>, transform_indices = @transform_4, window_bounds = array<i64: 256, 256>}, {pipeline_mode = #tpu.pipeline_mode<synchronous>, transform_indices = @transform_5, window_bounds = array<i64: 256, 256>}, {pipeline_mode = #tpu.pipeline_mode<synchronous>, transform_indices = @transform_6, window_bounds = array<i64: 1, 256>}, {pipeline_mode = #tpu.pipeline_mode<synchronous>, transform_indices = @transform_7, window_bounds = array<i64: 256, 256>}, {pipeline_mode = #tpu.pipeline_mode<synchronous>, transform_indices = @transform_8, window_bounds = array<i64: 1, 256>}, {transform_indices = @transform_9, window_bounds = array<i64: 256, 256>}, {transform_indices = @transform_10, window_bounds = array<i64: 256, 4>}]} {
    %get3A = arith.constant 0 : index
    %get3A_0 = arith.constant 0 : index
    %get3A_1 = vector.load %arg1[%get3A, %get3A_0] : memref<256x256xf32, #tpu.memory_space<vmem>>, vector<256x256xf32>
    %get3A_2 = arith.constant 0 : index
    %get3A_3 = arith.constant 0 : index
    %get3A_4 = vector.load %arg5[%get3A_2, %get3A_3] : memref<256x256xf32, #tpu.memory_space<vmem>>, vector<256x256xf32>
    %convert_element_type3A = arith.truncf %get3A_1 : vector<256x256xf32> to vector<256x256xbf16>
    %convert_element_type3A_5 = arith.truncf %get3A_4 : vector<256x256xf32> to vector<256x256xbf16>
    %dot_general3A = arith.constant dense<0.000000e+00> : vector<256x256xf32>
    %dot_general3A_6 = tpu.matmul %convert_element_type3A, %convert_element_type3A_5, %dot_general3A {dimension_numbers = #tpu.dot_dimension_numbers<[1], [0], [0], [1], [0, 0, 1, 1], [], []>, transpose_lhs_hint = false} : vector<256x256xbf16>, vector<256x256xbf16>, vector<256x256xf32> -> vector<256x256xf32>
    %get3A_7 = arith.constant 0 : index
    %get3A_8 = arith.constant 0 : index
    %get3A_9 = vector.load %arg2[%get3A_7, %get3A_8] : memref<256x256xf32, #tpu.memory_space<vmem>>, vector<256x256xf32>
    %get3A_10 = arith.constant 0 : index
    %get3A_11 = arith.constant 0 : index
    %get3A_12 = vector.load %arg6[%get3A_10, %get3A_11] : memref<256x256xf32, #tpu.memory_space<vmem>>, vector<256x256xf32>
    %convert_element_type3A_13 = arith.truncf %get3A_9 : vector<256x256xf32> to vector<256x256xbf16>
    %convert_element_type3A_14 = arith.truncf %get3A_12 : vector<256x256xf32> to vector<256x256xbf16>
    %dot_general3A_15 = arith.constant dense<0.000000e+00> : vector<256x256xf32>
    %dot_general3A_16 = tpu.matmul %convert_element_type3A_13, %convert_element_type3A_14, %dot_general3A_15 {dimension_numbers = #tpu.dot_dimension_numbers<[1], [0], [0], [1], [0, 0, 1, 1], [], []>, transpose_lhs_hint = false} : vector<256x256xbf16>, vector<256x256xbf16>, vector<256x256xf32> -> vector<256x256xf32>
    %add3A = arith.addf %dot_general3A_6, %dot_general3A_16 : vector<256x256xf32>
    %get3A_17 = arith.constant 0 : index
    %get3A_18 = arith.constant 0 : index
    %get3A_19 = vector.load %arg7[%get3A_17, %get3A_18] : memref<1x256xf32, #tpu.memory_space<vmem>>, vector<1x256xf32>
    %add3A_20 = vector.broadcast %get3A_19 : vector<1x256xf32> to vector<256x256xf32>
    %add3A_21 = arith.addf %add3A, %add3A_20 : vector<256x256xf32>
    %logistic3A = arith.negf %add3A_21 : vector<256x256xf32>
    %logistic3A_22 = math.exp %logistic3A : vector<256x256xf32>
    %logistic3A_23 = arith.constant 1.000000e+00 : f32
    %logistic3A_24 = vector.broadcast %logistic3A_23 : f32 to vector<256x256xf32>
    %logistic3A_25 = arith.addf %logistic3A_24, %logistic3A_22 : vector<256x256xf32>
    %logistic3A_26 = arith.divf %logistic3A_24, %logistic3A_25 : vector<256x256xf32>
    %mul3A = arith.mulf %add3A_21, %logistic3A_26 : vector<256x256xf32>
    %get3A_27 = arith.constant 0 : index
    %get3A_28 = arith.constant 0 : index
    %get3A_29 = vector.load %arg8[%get3A_27, %get3A_28] : memref<256x256xf32, #tpu.memory_space<vmem>>, vector<256x256xf32>
    %convert_element_type3A_30 = arith.truncf %mul3A : vector<256x256xf32> to vector<256x256xbf16>
    %convert_element_type3A_31 = arith.truncf %get3A_29 : vector<256x256xf32> to vector<256x256xbf16>
    %dot_general3A_32 = arith.constant dense<0.000000e+00> : vector<256x256xf32>
    %dot_general3A_33 = tpu.matmul %convert_element_type3A_30, %convert_element_type3A_31, %dot_general3A_32 {dimension_numbers = #tpu.dot_dimension_numbers<[1], [0], [0], [1], [0, 0, 1, 1], [], []>, transpose_lhs_hint = false} : vector<256x256xbf16>, vector<256x256xbf16>, vector<256x256xf32> -> vector<256x256xf32>
    %get3A_34 = arith.constant 0 : index
    %get3A_35 = arith.constant 0 : index
    %get3A_36 = vector.load %arg9[%get3A_34, %get3A_35] : memref<1x256xf32, #tpu.memory_space<vmem>>, vector<1x256xf32>
    %add3A_37 = vector.broadcast %get3A_36 : vector<1x256xf32> to vector<256x256xf32>
    %add3A_38 = arith.addf %dot_general3A_33, %add3A_37 : vector<256x256xf32>
    %add3A_39 = arith.addf %get3A_1, %add3A_38 : vector<256x256xf32>
    %swap3A = arith.constant 0 : index
    %swap3A_40 = arith.constant 0 : index
    %swap3A_41 = vector.load %arg10[%swap3A, %swap3A_40] : memref<256x256xf32, #tpu.memory_space<vmem>>, vector<256x256xf32>
    tpu.vector_store %arg10[%swap3A, %swap3A_40], %add3A_39 {strides = array<i32>} : memref<256x256xf32, #tpu.memory_space<vmem>>, vector<256x256xf32>,
    %get3A_42 = arith.constant 0 : index
    %get3A_43 = arith.constant 0 : index
    %get3A_44 = arith.constant 0 : index
    %get3A_45 = arith.constant 0 : index
    %get3A_46 = vector.load %arg3[%get3A_42, %get3A_43, %get3A_44, %get3A_45] : memref<1x16x256x16xf32, #tpu.memory_space<vmem>>, vector<1x16x256x16xf32>
    %get3A_47 = vector.shape_cast %get3A_46 : vector<1x16x256x16xf32> to vector<16x256x16xf32>
    %reduce_sum3A = arith.constant dense<0.000000e+00> : vector<256x16xf32>
    %reduce_sum3A_48 = vector.multi_reduction <add>, %get3A_47, %reduce_sum3A [0] : vector<16x256x16xf32> to vector<256x16xf32>
    %slice3A = vector.extract_strided_slice %reduce_sum3A_48 {offsets = [0, 4], sizes = [256, 1], strides = [1, 1]} : vector<256x16xf32> to vector<256x1xf32>
    %max3A = arith.constant 1.000000e+00 : f32
    %max3A_49 = vector.broadcast %max3A : f32 to vector<256x1xf32>
    %max3A_50 = arith.maximumf %slice3A, %max3A_49 : vector<256x1xf32>
    %get3A_51 = arith.constant 0 : index
    %get3A_52 = arith.constant 0 : index
    %get3A_53 = vector.load %arg4[%get3A_51, %get3A_52] : memref<256x4xf32, #tpu.memory_space<vmem>>, vector<256x4xf32>
    %slice3A_54 = vector.extract_strided_slice %reduce_sum3A_48 {offsets = [0, 0], sizes = [256, 4], strides = [1, 1]} : vector<256x16xf32> to vector<256x4xf32>
    %div3A = vector.broadcast %max3A_50 : vector<256x1xf32> to vector<256x4xf32>
    %div3A_55 = arith.divf %slice3A_54, %div3A : vector<256x4xf32>
    %add3A_56 = arith.addf %get3A_53, %div3A_55 : vector<256x4xf32>
    %swap3A_57 = arith.constant 0 : index
    %swap3A_58 = arith.constant 0 : index
    %swap3A_59 = vector.load %arg11[%swap3A_57, %swap3A_58] : memref<256x4xf32, #tpu.memory_space<vmem>>, vector<256x4xf32>
    tpu.vector_store %arg11[%swap3A_57, %swap3A_58], %add3A_56 {strides = array<i32>} : memref<256x4xf32, #tpu.memory_space<vmem>>, vector<256x4xf32>,
    return
  }
  func.func @transform_0(%arg0: i32) -> (i32, i32) {
    %c0_i32 = arith.constant 0 : i32
    %c0_i32_0 = arith.constant 0 : i32
    return %arg0, %c0_i32 : i32, i32
  }
  func.func @transform_1(%arg0: i32) -> (i32, i32) {
    %c0_i32 = arith.constant 0 : i32
    %c0_i32_0 = arith.constant 0 : i32
    return %arg0, %c0_i32 : i32, i32
  }
  func.func @transform_2(%arg0: i32) -> (i32, i32, i32, i32) {
    %jit3A = arith.constant 20 : i32
    %div3A = arith.divsi %arg0, %jit3A : i32
    %sign3A = arith.constant 0 : i32
    %sign3A_0 = arith.cmpi sgt, %arg0, %sign3A : i32
    %sign3A_1 = arith.extui %sign3A_0 : i1 to i32
    %sign3A_2 = arith.constant 0 : i32
    %sign3A_3 = arith.cmpi slt, %arg0, %sign3A_2 : i32
    %sign3A_4 = arith.extui %sign3A_3 : i1 to i32
    %sign3A_5 = arith.subi %sign3A_1, %sign3A_4 : i32
    %sign3A_6 = arith.constant 0 : i32
    %sign3A_7 = arith.cmpi sgt, %jit3A, %sign3A_6 : i32
    %sign3A_8 = arith.extui %sign3A_7 : i1 to i32
    %sign3A_9 = arith.constant 0 : i32
    %sign3A_10 = arith.cmpi slt, %jit3A, %sign3A_9 : i32
    %sign3A_11 = arith.extui %sign3A_10 : i1 to i32
    %sign3A_12 = arith.subi %sign3A_8, %sign3A_11 : i32
    %ne3A = arith.cmpi ne, %sign3A_5, %sign3A_12 : i32
    %rem3A = arith.remsi %arg0, %jit3A : i32
    %ne3A_13 = arith.constant 0 : i32
    %ne3A_14 = arith.cmpi ne, %rem3A, %ne3A_13 : i32
    %and3A = arith.andi %ne3A, %ne3A_14 : i1
    %sub3A = arith.constant 1 : i32
    %sub3A_15 = arith.subi %div3A, %sub3A : i32
    %select_n3A = arith.select %and3A, %sub3A_15, %div3A : i32
    %jit3A_16 = arith.constant 20 : i32
    %eq3A = arith.constant 0 : i32
    %eq3A_17 = arith.cmpi eq, %jit3A_16, %eq3A : i32
    %jit3A_18 = arith.constant 1 : i32
    %select_n3A_19 = arith.select %eq3A_17, %jit3A_18, %jit3A_16 : i32
    %rem3A_20 = arith.remsi %arg0, %select_n3A_19 : i32
    %ne3A_21 = arith.constant 0 : i32
    %ne3A_22 = arith.cmpi ne, %rem3A_20, %ne3A_21 : i32
    %lt3A = arith.constant 0 : i32
    %lt3A_23 = arith.cmpi slt, %rem3A_20, %lt3A : i32
    %lt3A_24 = arith.constant 0 : i32
    %lt3A_25 = arith.cmpi slt, %select_n3A_19, %lt3A_24 : i32
    %ne3A_26 = arith.xori %lt3A_23, %lt3A_25 : i1
    %and3A_27 = arith.andi %ne3A_26, %ne3A_22 : i1
    %add3A = arith.addi %rem3A_20, %select_n3A_19 : i32
    %select_n3A_28 = arith.select %and3A_27, %add3A, %rem3A_20 : i32
    %c0_i32 = arith.constant 0 : i32
    %c0_i32_29 = arith.constant 0 : i32
    %c0_i32_30 = arith.constant 0 : i32
    return %select_n3A, %c0_i32, %select_n3A_28, %c0_i32_29 : i32, i32, i32, i32
  }
  func.func @transform_3(%arg0: i32) -> (i32, i32) {
    %c0_i32 = arith.constant 0 : i32
    %c0_i32_0 = arith.constant 0 : i32
    return %arg0, %c0_i32 : i32, i32
  }
  func.func @transform_4(%arg0: i32) -> (i32, i32) {
    %c0_i32 = arith.constant 0 : i32
    %c0_i32_0 = arith.constant 0 : i32
    %c0_i32_1 = arith.constant 0 : i32
    return %c0_i32, %c0_i32_0 : i32, i32
  }
  func.func @transform_5(%arg0: i32) -> (i32, i32) {
    %c0_i32 = arith.constant 0 : i32
    %c0_i32_0 = arith.constant 0 : i32
    %c0_i32_1 = arith.constant 0 : i32
    return %c0_i32, %c0_i32_0 : i32, i32
  }
  func.func @transform_6(%arg0: i32) -> (i32, i32) {
    %c0_i32 = arith.constant 0 : i32
    %c0_i32_0 = arith.constant 0 : i32
    %c0_i32_1 = arith.constant 0 : i32
    return %c0_i32, %c0_i32_0 : i32, i32
  }
  func.func @transform_7(%arg0: i32) -> (i32, i32) {
    %c0_i32 = arith.constant 0 : i32
    %c0_i32_0 = arith.constant 0 : i32
    %c0_i32_1 = arith.constant 0 : i32
    return %c0_i32, %c0_i32_0 : i32, i32
  }
  func.func @transform_8(%arg0: i32) -> (i32, i32) {
    %c0_i32 = arith.constant 0 : i32
    %c0_i32_0 = arith.constant 0 : i32
    %c0_i32_1 = arith.constant 0 : i32
    return %c0_i32, %c0_i32_0 : i32, i32
  }
  func.func @transform_9(%arg0: i32) -> (i32, i32) {
    %c0_i32 = arith.constant 0 : i32
    %c0_i32_0 = arith.constant 0 : i32
    return %arg0, %c0_i32 : i32, i32
  }
  func.func @transform_10(%arg0: i32) -> (i32, i32) {
    %c0_i32 = arith.constant 0 : i32
    %c0_i32_0 = arith.constant 0 : i32
    return %arg0, %c0_i32 : i32, i32
  }
}

</mosaic_0001>

<sc_bundles>
// kernel: kernel.11.cloned.1.call-start
scs
__scs_entry_jumppad:
0x0: {  	(pc) =	sbr.rel $0x88, $3  }
0x1: {  	(tag) =	ssettag $0x0;
	lr =	simm.s32 $0x1  }
0x2: {  	[smem:$0x3F91] =	sst lr;
	_ =	strace $0xD0000000  }
0x3: {  	_ = 	snop  }
0x4: {  	_ = 	snop  }
0x5: {  	_ = 	snop  }
0x6: {  	_ = 	snop  }
0x7: {  	_ = 	snop  }
__scs_overlays_trampoline_lowered:
0x8: {  	[smem:$0x3FA0] =	sst s0  }
0x9: {  	[smem:$0x3FA1] =	sst s1  }
0xa: {  	[smem:$0x3FA2] =	sst s2  }
0xb: {  	[smem:$0x3FA3] =	sst s3  }
0xc: {  	[smem:$0x3FA4] =	sst s4  }
0xd: {  	[smem:$0x3FA5] =	sst s5  }
0xe: {  	[smem:$0x3FA6] =	sst s6  }
0xf: {  	[smem:$0x3FA7] =	sst s7  }
0x10: {  	[smem:$0x3FA8] =	sst s8  }
0x11: {  	[smem:$0x3FA9] =	sst s9;
	s0 =	simm.s32 @!p0 $0x0  }
0x12: {  	s1 =	sld [smem:$0x3F8F];
	s0 =	simm.s32 @p0 $0x1  }
0x13: {  	[smem:$0x3FAA] =	sst s0;
	s0 =	simm.s32 @!p1 $0x0  }
0x14: {  	s2 =	sld [smem:$0x3F8E];
	s0 =	simm.s32 @p1 $0x1  }
0x15: {  	[smem:$0x3FAB] =	sst s0;
	s0 =	simm.s32 @!p2 $0x0  }
0x16: {  	s3 =	sld [smem:$0x3FDB];
	s0 =	simm.s32 @p2 $0x1  }
0x17: {  	s4 =	simm.s32 $0x1BF5;
	[smem:$0x3FAD] =	sst s0  }
0x18: {  	s0 =	sld [smem:$0x3F90];
	_ =	swait.ge [sflag:s4], $0x0  }
0x19: {  	s7 =	sld [smem:$0x3F91]  }
0x1a: {  	s8 =	sadd.s32 $0xFFFFE003, lr  }
0x1b: {  	s9 =	sadd.s32 $0xFFFFFEF7, lr;
	s5 =	simm.s32 $0xFFFFFFFF;
	p2 =	slt.u32 s8, $0xFFFFF086  }
0x1c: {  	p1 =	slt.u32 s9, $0xF7A;
	s5 =	simm.s32 @!p2 $0x0  }
0x1d: {  	s5 =	simm.s32 @p1 $0x1;
	p0 =	seq.s32 s7, s2  }
0x1e: {  	s7 =	smul.u32 @!p0 $0xF7A, s2;
	p2 =	seq.s32 @!p0 s5, $0x0  }
0x1f: {  	s9 =	smul.u32 $0xF7A, s1;
	s8 =	simm.s32 @!p0 $0x1BF5;
	p2 =	por !p2, p0  }
0x20: {  	[sflag:s8] =	ssyncset.s32 @!p0 $0xFFFFF086;
	s6 =	sadd.s32 @!p0 s3, s7;
	s7 =	simm.s32 @!p0 $0x108  }
0x21: {  	s3 =	sadd.s32 s3, s9;
	s6 =	sadd.s32 @!p0 $0x88, s6;
	s7 =	simm.s32 @p2 $0x1082  }
0x22: {  	[simem:s7], [sflag:s8] =	dma.local @!p0 [hbm:s6], $0xF7A  }
0x23: {  	s9 =	sor.u32 $0xD0000000, s2;
	s6 =	simm.s32 $0x108;
	_ =	swait.ge @!p0 [sflag:s8], $0x0  }
0x24: {  	s3 =	sadd.s32 $0x88, s3;
	s6 =	simm.s32 @!p1 $0x1082;
	[sflag:s4] =	ssyncset.s32 $0xFFFFF086  }
0x25: {  	[simem:s6], [sflag:s4] =	dma.local [hbm:s3], $0xF7A  }
0x26: {  	[smem:$0x3F91] =	sst s1;
	(tag) =	ssettag s2;
	_ =	strace s9  }
0x27: {  	s1 =	sld [smem:$0x3FA1]  }
0x28: {  	s2 =	sld [smem:$0x3FA2]  }
0x29: {  	s4 =	sld [smem:$0x3FA4]  }
0x2a: {  	p0 =	seq.s32 s5, $0x0;
	s5 =	sld [smem:$0x3FA5]  }
0x2b: {  	s6 =	sld [smem:$0x3FA6]  }
0x2c: {  	s7 =	sld [smem:$0x3FA7]  }
0x2d: {  	s3 =	simm.s32 $0x108;
	s8 =	sld [smem:$0x3FA8]  }
0x2e: {  	s3 =	simm.s32 @!p0 $0x1082;
	s9 =	sld [smem:$0x3FA9]  }
0x2f: {  	lr =	sadd.s32 s0, s3;
	s0 =	sld [smem:$0x3FA0]  }
0x30: {  	s3 =	sld [smem:$0x3FA3]  }
0x31: {  	[smem:$0x3FAC] =	sst s10  }
0x32: {  	s10 =	sld [smem:$0x3FAA];
	_ =	sdelay $0x3  }
0x33: {  	p0 =	seq.s32 s10, $0x1;
	s10 =	sld [smem:$0x3FAC];
	_ =	sdelay $0x3  }
0x34: {  	[smem:$0x3FAC] =	sst s10  }
0x35: {  	s10 =	sld [smem:$0x3FAB];
	_ =	sdelay $0x3  }
0x36: {  	p1 =	seq.s32 s10, $0x1;
	s10 =	sld [smem:$0x3FAC];
	_ =	sdelay $0x3  }
0x37: {  	[smem:$0x3FAC] =	sst s10  }
0x38: {  	s10 =	sld [smem:$0x3FAD]  }
0x39: {  	_ = 	snop;
	(pc) =	sbr.ind lr, $3  }
0x3a: {  	_ = 	snop  }
0x3b: {  	_ = 	snop  }
0x3c: {  	p2 =	seq.s32 s10, $0x1;
	s10 =	sld [smem:$0x3FAC]  }
0x3d: {  	_ =	shalt  }
0x3e: {  	_ =	shalt  }
0x3f: {  	_ =	shalt  }
0x40: {  	_ =	shalt  }
0x41: {  	_ =	shalt  }
0x42: {  	_ =	shalt  }
0x43: {  	_ =	shalt  }
0x44: {  	_ =	shalt  }
0x45: {  	_ =	shalt  }
0x46: {  	_ =	shalt  }
0x47: {  	_ =	shalt  }
0x48: {  	_ =	shalt  }
0x49: {  	_ =	shalt  }
0x4a: {  	_ =	shalt  }
0x4b: {  	_ =	shalt  }
0x4c: {  	_ =	shalt  }
0x4d: {  	_ =	shalt  }
0x4e: {  	_ =	shalt  }
0x4f: {  	_ =	shalt  }
0x50: {  	_ =	shalt  }
0x51: {  	_ =	shalt  }
0x52: {  	_ =	shalt  }
0x53: {  	_ =	shalt  }
0x54: {  	_ =	shalt  }
0x55: {  	_ =	shalt  }
0x56: {  	_ =	shalt  }
0x57: {  	_ =	shalt  }
0x58: {  	_ =	shalt  }
0x59: {  	_ =	shalt  }
0x5a: {  	_ =	shalt  }
0x5b: {  	_ =	shalt  }
0x5c: {  	_ =	shalt  }
0x5d: {  	_ =	shalt  }
0x5e: {  	_ =	shalt  }
0x5f: {  	_ =	shalt  }
0x60: {  	_ =	shalt  }
0x61: {  	_ =	shalt  }
0x62: {  	_ =	shalt  }
0x63: {  	_ =	shalt  }
0x64: {  	_ =	shalt  }
0x65: {  	_ =	shalt  }
0x66: {  	_ =	shalt  }
0x67: {  	_ =	shalt  }
0x68: {  	_ =	shalt  }
0x69: {  	_ =	shalt  }
0x6a: {  	_ =	shalt  }
0x6b: {  	_ =	shalt  }
0x6c: {  	_ =	shalt  }
0x6d: {  	_ =	shalt  }
0x6e: {  	_ =	shalt  }
0x6f: {  	_ =	shalt  }
0x70: {  	_ =	shalt  }
0x71: {  	_ =	shalt  }
0x72: {  	_ =	shalt  }
0x73: {  	_ =	shalt  }
0x74: {  	_ =	shalt  }
0x75: {  	_ =	shalt  }
0x76: {  	_ =	shalt  }
0x77: {  	_ =	shalt  }
0x78: {  	_ =	shalt  }
0x79: {  	_ =	shalt  }
0x7a: {  	_ =	shalt  }
0x7b: {  	_ =	shalt  }
0x7c: {  	_ =	shalt  }
0x7d: {  	_ =	shalt  }
0x7e: {  	_ =	shalt  }
0x7f: {  	_ =	shalt  }
0x80: {  	_ =	shalt  }
0x81: {  	_ =	shalt  }
0x82: {  	_ =	shalt  }
0x83: {  	_ =	shalt  }
0x84: {  	_ =	shalt  }
0x85: {  	_ =	shalt  }
0x86: {  	_ =	shalt  }
0x87: {  	_ =	shalt  }
.Lfunc_end0:
.L_simem_size_0:
called_computation.1_lowered:
.L_overlay_start_0:
0x88: {  	s2 =	sld [smem:$0x3FD9]  }
0x89: {  	s3 =	sld [smem:$0x3FFE];
	_ =	sdelay $0x1  }
0x8a: {  	s1 =	srdreg.scid  }
0x8b: {  	s0 =	sand.u32 $0x1, s1  }
0x8c: {  	s16 =	sshll.u32 s0, $0xA;
	s2 =	sadd.s32 s3, s2  }
0x8d: {  	s2 =	sadd.s32 s2, s16  }
0x8e: {  	[smem:$0x3FB8] =	sst s2  }
0x8f: {  	_ = 	snop  }
0x90: {  	(tm) =	ssettm $0x1  }
0x91: {  	s17 =	sld [smem:$0x3FFB];
	_ =	sdelay $0x3  }
0x92: {  	_ =	strace s17  }
0x93: {  	s2 =	sld [smem:$0x3FFC];
	_ =	sdelay $0x3  }
0x94: {  	_ =	strace s2  }
0x95: {  	s2 =	sld [smem:$0x3FFD];
	_ =	sdelay $0x3  }
0x96: {  	_ =	strace s2  }
0x97: {  	_ =	strace $0x8FFFFFFF  }
0x98: {  	s18 =	sld [smem:$0x3FDB];
	_ =	sdelay $0x1  }
0x99: {  	s19 =	simm.s32 $_scs_section_size  }
0x9a: {  	s4 =	simm.s32 $_size__tile_overlayer_lowered;
	s5 =	simm.s32 $_tile_overlayer_lowered  }
0x9b: {  	s22 =	simm.s32 $0x1BFF;
	s21 =	sshll.u32 s5, $0x1;
	s2 =	sadd.s32 s19, s18  }
0x9c: {  	s6 =	simm.s32 $0x0;
	s20 =	sshll.u32 s4, $0x1;
	s4 =	sadd.s32 s21, s2  }
0x9d: {  	[timem:s6], [sflag:s22] =	dma.local [hbm:s4], s20  }
0x9e: {  	_ =	swait.ge [sflag:s22], s20  }
0x9f: {  	s3 =	ssub.s32 $0x0, s20;
	[sflag:s22] =	ssyncset.done $0x0  }
0xa0: {  	[sflag:s22] =	ssyncadd.s32 s3;
	_ =	sdelay $0x1  }
0xa1: {  	s23 =	simm.s32 $0x1B8B  }
0xa2: {  	_ =	swait.ge [sflag:s23], $0x1  }
0xa3: {  	[sflag:s23] =	ssyncset.done $0x0  }
0xa4: {  	s25 =	simm.s32 $0x1B8E;
	s24 =	sld [smem:$0x3FFE];
	[sflag:s23] =	ssyncadd.s32 $0xFFFFFFFF  }
0xa5: {  	s26 =	simm.s32 $execute0_lowered;
	[smem:$0x3FD2] =	sst s25  }
0xa6: {  	s4 =	sshll.u32 s26, $0x1;
	_ =	strace $0x80000049;
	[dreg:$0x1] =	wrdreg $0xFFFFFFFF  }
0xa7: {  	s28 =	simm.s32 $_size_execute0_lowered;
	s2 =	sadd.s32 s2, s4;
	[dreg:$0x0] =	wrdreg $0x0  }
0xa8: {  	s4 =	sshll.u32 s28, $0x1;
	[dreg:$0x2] =	wrdreg s2  }
0xa9: {  	[dreg:$0x3] =	wrdreg s4  }
0xaa: {  	[dreg:$0x4] =	wrdreg $0xC0  }
0xab: {  	_ =	task [dreg:s6], $0x5FFFF  }
0xac: {  	[dreg:$0x1] =	wrdreg $0xFFFFFFFF  }
0xad: {  	[dreg:$0x0] =	wrdreg $0x60  }
0xae: {  	[dreg:$0x2] =	wrdreg s24  }
0xaf: {  	[dreg:$0x3] =	wrdreg $0x9  }
0xb0: {  	_ =	task.clear_ibuf [dreg:s6], $0x4FFFF;
	_ =	strace $0x90000049  }
0xb1: {  	s29 =	simm.s32 $0x9;
	_ =	strace $0x8000004B  }
0xb2: {  	_ =	swait.ge [sflag:s29], $0x1  }
0xb3: {  	[sflag:s29] =	ssyncadd.s32 $0xFFFFFFFF  }
0xb4: {  	_ =	strace $0x9000004B  }
0xb5: {  	_ =	sfence  }
0xb6: {  	s30 =	sld [smem:$0x0];
	_ =	sdelay $0x2  }
0xb7: {  	s31 =	sshll.u32 s1, $0xD;
	s1 =	sshrl.u32 s1, $0x2  }
0xb8: {  	s3 =	sand.u32 $0x4000, s31;
	s1 =	sadd.s32 s1, s30  }
0xb9: {  	s0 =	sor.u32 s3, s0;
	s1 =	sshll.u32 s1, $0x11  }
0xba: {  	s0 =	sor.u32 s1, s0  }
0xbb: {  	s0 =	sadd.s32 $0x8F2B, s0  }
0xbc: {  	[sflag:s0] =	ssyncadd.remote.s32 $0x1  }
0xbd: {  	_ =	sfence.sel $0xFFFF  }
0xbe: {  	[dreg:$0x0] =	wrdreg $0xFFFFFFFF;
	(pc) =	sbr.abs _section_cstart, $3  }
0xbf: {  	[dreg:$0x1] =	wrdreg $0xFFFFFFFF  }
0xc0: {  	_ =	task.clear_ibuf [dreg:s6], $0x2FFFF;
	_ =	strace $0x9FFFFFFF  }
0xc1: {  	(tm) =	ssettm $0x7FFFFFFF  }
tec
execute0_lowered:
.L_overlay_start_1:
0x0: {  	(tag) =	ssettag $0x1  }
0x1: {  	s5 =	rddreg [dreg:$0x0]  }
0x2: {  	s0 =	rddreg [dreg:$0x1];
	s3 =	srdreg.scid  }
0x3: {  	s1 =	stileid.u32;
	s2 =	simm.s32 $0x0;
	s10 =	simm.s32 $0x14000  }
0x4: {  	s11 =	simm.s32 $0x0;
	s3 =	sand.u32 $0x1, s3;
	s4 =	sshll.u32 s1, $0x1  }
0x5: {  	[smem:$0x7FF] =	sst s2;
	s6 =	sor.u32 s3, s4;
	s8 =	ssub.s32 $0x2, s3  }
0x6: {  	_ =	strace $0x8000004A;
	s7 =	smul.u32 $0x2800, s6;
	s9 =	sshrl.u32 s8, $0x1  }
0x7: {  	s3 =	sadd.s32 $0x87DE00, s5;
	s4 =	sadd.s32 $0xA3C00, s5;
	s8 =	ssub.s32 s8, s9  }
0x8: {  	s9 =	simm.s32 $0x1;
	s7 =	sadd.s32 s7, s5;
	s5 =	smul.u32 $0x140000, s6  }
0x9: {  	v0 =	vimm.f32 $0.0e+00;
	s6 =	sadd.s32 $0x3C00, s7;
	s7 =	smax.u32 s8, $0x1;
	s8 =	simm.s32 $0x16000  }
.LBB2_1:
0xa: {  	s12 =	sand.u32 $0x70, s2;
	s13 =	sand.u32 $0x1FC00, s2  }
0xb: {  	s12 =	sor.u32 s12, s13  }
0xc: {  	[tilespmem:s12+$0x80] =	vst v0  }
0xd: {  	[tilespmem:s12+$0x100] =	vst v0  }
0xe: {  	s16 =	sand.u32 $0x7, s2;
	[tilespmem:s12+$0x180] =	vst v0  }
0xf: {  	s14 =	simm.s32 $0x10;
	s15 =	simm.s32 $0x0;
	s13 =	simm.s32 $0x0;
	[tilespmem:s12+$0x200] =	vst v0  }
.LBB2_2:
0x10: {  	p0 =	sne.s32 s14, $0x27F0;
	s16 =	sshll.u32 s16, $0x4;
	[tilespmem:s12+$0x280] =	vst v0  }
0x11: {  	s16 =	sadd.s32 s16, s13;
	[tilespmem:s12+$0x300] =	vst v0;
	s13 =	sadd.s32 $0x80, s13  }
0x12: {  	s17 =	sand.u32 $0x70, s14;
	s18 =	sand.u32 $0x1FC00, s13;
	[tilespmem:s12+$0x0] =	vst v0;
	s16 =	sor.u32 $0x380, s16  }
.Ltmp0:
0x13: {  	s12 =	sor.u32 s17, s18;
	[tilespmem:s16+$0x0] =	vst v0;
	(pc) =	sbr.rel @p0 .LBB2_2-.Ltmp0, $4  }
0x14: {  	[tilespmem:s12+$0x80] =	vst v0  }
0x15: {  	[tilespmem:s12+$0x100] =	vst v0  }
0x16: {  	s15 =	sadd.s32 $0x1, s15;
	[tilespmem:s12+$0x180] =	vst v0  }
0x17: {  	s14 =	sadd.s32 $0x10, s14;
	s16 =	sand.u32 $0x7, s15;
	[tilespmem:s12+$0x200] =	vst v0  }
0x18: {  	s14 =	sshll.u32 s16, $0x4;
	[tilespmem:s12+$0x280] =	vst v0  }
0x19: {  	[tilespmem:s12+$0x300] =	vst v0;
	s13 =	sadd.s32 s14, s13  }
0x1a: {  	[tilespmem:s12+$0x0] =	vst v0;
	s31 =	sor.u32 $0x380, s13  }
0x1b: {  	s12 =	simm.s32 $0x0;
	[tilespmem:s31+$0x0] =	vst v0  }
.LBB2_4:
0x1c: {  	s13 =	sshll.u32 s12, $0x7  }
0x1d: {  	s31 =	sshll.u32 s12, $0xD;
	s13 =	sadd.s32 s4, s13  }
0x1e: {  	[tilespmem:s8], [sflag:$0x1] =	stream.linear.gather [hbm4b:s13+s2], $0x400, $0x38;
	[tilespmem:$0x16400] =	vst v63  }
0x1f: {  	s13 =	sadd.s32 s5, s31;
	_ =	swait.ge [sflag:s9], $0x400  }
0x20: {  	s13 =	sshrl.u32 s13, $0x3;
	[sflag:s9] =	ssyncset.done $0x0  }
0x21: {  	s13 =	sadd.s32 s3, s13;
	[sflag:s9] =	ssyncadd.s32 $0xFFFFFC00  }
0x22: {  	[tilespmem:s10], [sflag:$0x1] =	stream.linear.gather [hbm4b:s13+s2], $0x2000, $0x38;
	[tilespmem:$0x16400] =	vst v63  }
0x23: {  	_ =	swait.ge [sflag:s9], $0x2000  }
0x24: {  	s14 =	simm.s32 $0x14200;
	[sflag:s9] =	ssyncset.done $0x0  }
0x25: {  	s15 =	simm.s32 $0x16040;
	s13 =	simm.s32 $0xFFFFFFF8;
	[sflag:s9] =	ssyncadd.s32 $0xFFFFE000  }
.LBB2_5:
0x26: {  	v1 =	vld [tilespmem:s15+$0xFFFFFFC0];
	_ =	sdelay $0x4  }
0x27: {  	v2 =	vshll.u32 v1, $0x3  }
0x28: {  	v1 =	vand.u32 $0x7F, v1;
	v2 =	vand.u32 $0xFFFFFC00, v2  }
0x29: {  	v3 =	vld [tilespmem:s14+$0xFFFFFE00];
	v1 =	vor.u32 v1, v2;
	_ =	sdelay $0x4  }
0x2a: {  	[tilespmem:v1+s2+$0x0] =	vst.idx.add.f32.msk $0xffff, v3  }
0x2b: {  	v3 =	vor.u32 $0x80, v1;
	v2 =	vld [tilespmem:s14+$0xFFFFFE80];
	_ =	sdelay $0x4  }
0x2c: {  	[tilespmem:v3+s2+$0x0] =	vst.idx.add.f32.msk $0xffff, v2  }
0x2d: {  	v3 =	vor.u32 $0x100, v1;
	v2 =	vld [tilespmem:s14+$0xFFFFFF00];
	_ =	sdelay $0x4  }
0x2e: {  	[tilespmem:v3+s2+$0x0] =	vst.idx.add.f32.msk $0xffff, v2  }
0x2f: {  	v3 =	vor.u32 $0x180, v1;
	v2 =	vld [tilespmem:s14+$0xFFFFFF80];
	_ =	sdelay $0x4  }
0x30: {  	[tilespmem:v3+s2+$0x0] =	vst.idx.add.f32.msk $0xffff, v2  }
0x31: {  	v3 =	vor.u32 $0x200, v1;
	v2 =	vld [tilespmem:s14+$0x0];
	_ =	sdelay $0x4  }
0x32: {  	[tilespmem:v3+s2+$0x0] =	vst.idx.add.f32.msk $0xffff, v2  }
0x33: {  	v3 =	vor.u32 $0x280, v1;
	v2 =	vld [tilespmem:s14+$0x80];
	_ =	sdelay $0x4  }
0x34: {  	[tilespmem:v3+s2+$0x0] =	vst.idx.add.f32.msk $0xffff, v2  }
0x35: {  	v3 =	vor.u32 $0x300, v1;
	v2 =	vld [tilespmem:s14+$0x100];
	_ =	sdelay $0x4  }
0x36: {  	[tilespmem:v3+s2+$0x0] =	vst.idx.add.f32.msk $0xffff, v2  }
0x37: {  	v1 =	vor.u32 $0x380, v1;
	v2 =	vld [tilespmem:s14+$0x180];
	_ =	sdelay $0x4  }
0x38: {  	[tilespmem:v1+s2+$0x0] =	vst.idx.add.f32.msk $0xffff, v2  }
0x39: {  	v1 =	vld [tilespmem:s15+$0xFFFFFFD0];
	_ =	sdelay $0x4  }
0x3a: {  	v2 =	vshll.u32 v1, $0x3  }
0x3b: {  	v1 =	vand.u32 $0x7F, v1;
	v2 =	vand.u32 $0xFFFFFC00, v2  }
0x3c: {  	v3 =	vld [tilespmem:s14+$0xFFFFFE10];
	v1 =	vor.u32 v1, v2;
	_ =	sdelay $0x4  }
0x3d: {  	[tilespmem:v1+s2+$0x0] =	vst.idx.add.f32.msk $0xffff, v3  }
0x3e: {  	v3 =	vor.u32 $0x80, v1;
	v2 =	vld [tilespmem:s14+$0xFFFFFE90];
	_ =	sdelay $0x4  }
0x3f: {  	[tilespmem:v3+s2+$0x0] =	vst.idx.add.f32.msk $0xffff, v2  }
0x40: {  	v3 =	vor.u32 $0x100, v1;
	v2 =	vld [tilespmem:s14+$0xFFFFFF10];
	_ =	sdelay $0x4  }
0x41: {  	[tilespmem:v3+s2+$0x0] =	vst.idx.add.f32.msk $0xffff, v2  }
0x42: {  	v3 =	vor.u32 $0x180, v1;
	v2 =	vld [tilespmem:s14+$0xFFFFFF90];
	_ =	sdelay $0x4  }
0x43: {  	[tilespmem:v3+s2+$0x0] =	vst.idx.add.f32.msk $0xffff, v2  }
0x44: {  	v3 =	vor.u32 $0x200, v1;
	v2 =	vld [tilespmem:s14+$0x10];
	_ =	sdelay $0x4  }
0x45: {  	[tilespmem:v3+s2+$0x0] =	vst.idx.add.f32.msk $0xffff, v2  }
0x46: {  	v3 =	vor.u32 $0x280, v1;
	v2 =	vld [tilespmem:s14+$0x90];
	_ =	sdelay $0x4  }
0x47: {  	[tilespmem:v3+s2+$0x0] =	vst.idx.add.f32.msk $0xffff, v2  }
0x48: {  	v3 =	vor.u32 $0x300, v1;
	v2 =	vld [tilespmem:s14+$0x110];
	_ =	sdelay $0x4  }
0x49: {  	[tilespmem:v3+s2+$0x0] =	vst.idx.add.f32.msk $0xffff, v2  }
0x4a: {  	v1 =	vor.u32 $0x380, v1;
	v2 =	vld [tilespmem:s14+$0x190];
	_ =	sdelay $0x4  }
0x4b: {  	[tilespmem:v1+s2+$0x0] =	vst.idx.add.f32.msk $0xffff, v2  }
0x4c: {  	v1 =	vld [tilespmem:s15+$0xFFFFFFE0];
	_ =	sdelay $0x4  }
0x4d: {  	v2 =	vshll.u32 v1, $0x3  }
0x4e: {  	v1 =	vand.u32 $0x7F, v1;
	v2 =	vand.u32 $0xFFFFFC00, v2  }
0x4f: {  	v3 =	vld [tilespmem:s14+$0xFFFFFE20];
	v1 =	vor.u32 v1, v2;
	_ =	sdelay $0x4  }
0x50: {  	[tilespmem:v1+s2+$0x0] =	vst.idx.add.f32.msk $0xffff, v3  }
0x51: {  	v3 =	vor.u32 $0x80, v1;
	v2 =	vld [tilespmem:s14+$0xFFFFFEA0];
	_ =	sdelay $0x4  }
0x52: {  	[tilespmem:v3+s2+$0x0] =	vst.idx.add.f32.msk $0xffff, v2  }
0x53: {  	v3 =	vor.u32 $0x100, v1;
	v2 =	vld [tilespmem:s14+$0xFFFFFF20];
	_ =	sdelay $0x4  }
0x54: {  	[tilespmem:v3+s2+$0x0] =	vst.idx.add.f32.msk $0xffff, v2  }
0x55: {  	v3 =	vor.u32 $0x180, v1;
	v2 =	vld [tilespmem:s14+$0xFFFFFFA0];
	_ =	sdelay $0x4  }
0x56: {  	[tilespmem:v3+s2+$0x0] =	vst.idx.add.f32.msk $0xffff, v2  }
0x57: {  	v3 =	vor.u32 $0x200, v1;
	v2 =	vld [tilespmem:s14+$0x20];
	_ =	sdelay $0x4  }
0x58: {  	[tilespmem:v3+s2+$0x0] =	vst.idx.add.f32.msk $0xffff, v2  }
0x59: {  	v3 =	vor.u32 $0x280, v1;
	v2 =	vld [tilespmem:s14+$0xA0];
	_ =	sdelay $0x4  }
0x5a: {  	[tilespmem:v3+s2+$0x0] =	vst.idx.add.f32.msk $0xffff, v2  }
0x5b: {  	v3 =	vor.u32 $0x300, v1;
	v2 =	vld [tilespmem:s14+$0x120];
	_ =	sdelay $0x4  }
0x5c: {  	[tilespmem:v3+s2+$0x0] =	vst.idx.add.f32.msk $0xffff, v2  }
0x5d: {  	v1 =	vor.u32 $0x380, v1;
	v2 =	vld [tilespmem:s14+$0x1A0];
	_ =	sdelay $0x4  }
0x5e: {  	[tilespmem:v1+s2+$0x0] =	vst.idx.add.f32.msk $0xffff, v2  }
0x5f: {  	v1 =	vld [tilespmem:s15+$0xFFFFFFF0];
	_ =	sdelay $0x4  }
0x60: {  	v2 =	vshll.u32 v1, $0x3  }
0x61: {  	v1 =	vand.u32 $0x7F, v1;
	v2 =	vand.u32 $0xFFFFFC00, v2  }
0x62: {  	v3 =	vld [tilespmem:s14+$0xFFFFFE30];
	v1 =	vor.u32 v1, v2;
	_ =	sdelay $0x4  }
0x63: {  	[tilespmem:v1+s2+$0x0] =	vst.idx.add.f32.msk $0xffff, v3  }
0x64: {  	v3 =	vor.u32 $0x80, v1;
	v2 =	vld [tilespmem:s14+$0xFFFFFEB0];
	_ =	sdelay $0x4  }
0x65: {  	[tilespmem:v3+s2+$0x0] =	vst.idx.add.f32.msk $0xffff, v2  }
0x66: {  	v3 =	vor.u32 $0x100, v1;
	v2 =	vld [tilespmem:s14+$0xFFFFFF30];
	_ =	sdelay $0x4  }
0x67: {  	[tilespmem:v3+s2+$0x0] =	vst.idx.add.f32.msk $0xffff, v2  }
0x68: {  	v3 =	vor.u32 $0x180, v1;
	v2 =	vld [tilespmem:s14+$0xFFFFFFB0];
	_ =	sdelay $0x4  }
0x69: {  	[tilespmem:v3+s2+$0x0] =	vst.idx.add.f32.msk $0xffff, v2  }
0x6a: {  	v3 =	vor.u32 $0x200, v1;
	v2 =	vld [tilespmem:s14+$0x30];
	_ =	sdelay $0x4  }
0x6b: {  	[tilespmem:v3+s2+$0x0] =	vst.idx.add.f32.msk $0xffff, v2  }
0x6c: {  	v3 =	vor.u32 $0x280, v1;
	v2 =	vld [tilespmem:s14+$0xB0];
	_ =	sdelay $0x4  }
0x6d: {  	[tilespmem:v3+s2+$0x0] =	vst.idx.add.f32.msk $0xffff, v2  }
0x6e: {  	v3 =	vor.u32 $0x300, v1;
	v2 =	vld [tilespmem:s14+$0x130];
	_ =	sdelay $0x4  }
0x6f: {  	[tilespmem:v3+s2+$0x0] =	vst.idx.add.f32.msk $0xffff, v2  }
0x70: {  	v1 =	vor.u32 $0x380, v1;
	v2 =	vld [tilespmem:s14+$0x1B0];
	_ =	sdelay $0x4  }
0x71: {  	[tilespmem:v1+s2+$0x0] =	vst.idx.add.f32.msk $0xffff, v2  }
0x72: {  	v1 =	vld [tilespmem:s15+$0x0];
	_ =	sdelay $0x4  }
0x73: {  	v2 =	vshll.u32 v1, $0x3  }
0x74: {  	v1 =	vand.u32 $0x7F, v1;
	v2 =	vand.u32 $0xFFFFFC00, v2  }
0x75: {  	v3 =	vld [tilespmem:s14+$0xFFFFFE40];
	v1 =	vor.u32 v1, v2;
	_ =	sdelay $0x4  }
0x76: {  	[tilespmem:v1+s2+$0x0] =	vst.idx.add.f32.msk $0xffff, v3  }
0x77: {  	v3 =	vor.u32 $0x80, v1;
	v2 =	vld [tilespmem:s14+$0xFFFFFEC0];
	_ =	sdelay $0x4  }
0x78: {  	[tilespmem:v3+s2+$0x0] =	vst.idx.add.f32.msk $0xffff, v2  }
0x79: {  	v3 =	vor.u32 $0x100, v1;
	v2 =	vld [tilespmem:s14+$0xFFFFFF40];
	_ =	sdelay $0x4  }
0x7a: {  	[tilespmem:v3+s2+$0x0] =	vst.idx.add.f32.msk $0xffff, v2  }
0x7b: {  	v3 =	vor.u32 $0x180, v1;
	v2 =	vld [tilespmem:s14+$0xFFFFFFC0];
	_ =	sdelay $0x4  }
0x7c: {  	[tilespmem:v3+s2+$0x0] =	vst.idx.add.f32.msk $0xffff, v2  }
0x7d: {  	v3 =	vor.u32 $0x200, v1;
	v2 =	vld [tilespmem:s14+$0x40];
	_ =	sdelay $0x4  }
0x7e: {  	[tilespmem:v3+s2+$0x0] =	vst.idx.add.f32.msk $0xffff, v2  }
0x7f: {  	v3 =	vor.u32 $0x280, v1;
	v2 =	vld [tilespmem:s14+$0xC0];
	_ =	sdelay $0x4  }
0x80: {  	[tilespmem:v3+s2+$0x0] =	vst.idx.add.f32.msk $0xffff, v2  }
0x81: {  	v3 =	vor.u32 $0x300, v1;
	v2 =	vld [tilespmem:s14+$0x140];
	_ =	sdelay $0x4  }
0x82: {  	[tilespmem:v3+s2+$0x0] =	vst.idx.add.f32.msk $0xffff, v2  }
0x83: {  	v1 =	vor.u32 $0x380, v1;
	v2 =	vld [tilespmem:s14+$0x1C0];
	_ =	sdelay $0x4  }
0x84: {  	[tilespmem:v1+s2+$0x0] =	vst.idx.add.f32.msk $0xffff, v2  }
0x85: {  	v1 =	vld [tilespmem:s15+$0x10];
	_ =	sdelay $0x4  }
0x86: {  	v2 =	vshll.u32 v1, $0x3  }
0x87: {  	v1 =	vand.u32 $0x7F, v1;
	v2 =	vand.u32 $0xFFFFFC00, v2  }
0x88: {  	v3 =	vld [tilespmem:s14+$0xFFFFFE50];
	v1 =	vor.u32 v1, v2;
	_ =	sdelay $0x4  }
0x89: {  	[tilespmem:v1+s2+$0x0] =	vst.idx.add.f32.msk $0xffff, v3  }
0x8a: {  	v3 =	vor.u32 $0x80, v1;
	v2 =	vld [tilespmem:s14+$0xFFFFFED0];
	_ =	sdelay $0x4  }
0x8b: {  	[tilespmem:v3+s2+$0x0] =	vst.idx.add.f32.msk $0xffff, v2  }
0x8c: {  	v3 =	vor.u32 $0x100, v1;
	v2 =	vld [tilespmem:s14+$0xFFFFFF50];
	_ =	sdelay $0x4  }
0x8d: {  	[tilespmem:v3+s2+$0x0] =	vst.idx.add.f32.msk $0xffff, v2  }
0x8e: {  	v3 =	vor.u32 $0x180, v1;
	v2 =	vld [tilespmem:s14+$0xFFFFFFD0];
	_ =	sdelay $0x4  }
0x8f: {  	[tilespmem:v3+s2+$0x0] =	vst.idx.add.f32.msk $0xffff, v2  }
0x90: {  	v3 =	vor.u32 $0x200, v1;
	v2 =	vld [tilespmem:s14+$0x50];
	_ =	sdelay $0x4  }
0x91: {  	[tilespmem:v3+s2+$0x0] =	vst.idx.add.f32.msk $0xffff, v2  }
0x92: {  	v3 =	vor.u32 $0x280, v1;
	v2 =	vld [tilespmem:s14+$0xD0];
	_ =	sdelay $0x4  }
0x93: {  	[tilespmem:v3+s2+$0x0] =	vst.idx.add.f32.msk $0xffff, v2  }
0x94: {  	v3 =	vor.u32 $0x300, v1;
	v2 =	vld [tilespmem:s14+$0x150];
	_ =	sdelay $0x4  }
0x95: {  	[tilespmem:v3+s2+$0x0] =	vst.idx.add.f32.msk $0xffff, v2  }
0x96: {  	v1 =	vor.u32 $0x380, v1;
	v2 =	vld [tilespmem:s14+$0x1D0];
	_ =	sdelay $0x4  }
0x97: {  	[tilespmem:v1+s2+$0x0] =	vst.idx.add.f32.msk $0xffff, v2  }
0x98: {  	v1 =	vld [tilespmem:s15+$0x20];
	_ =	sdelay $0x4  }
0x99: {  	v2 =	vshll.u32 v1, $0x3  }
0x9a: {  	v1 =	vand.u32 $0x7F, v1;
	v2 =	vand.u32 $0xFFFFFC00, v2  }
0x9b: {  	v3 =	vld [tilespmem:s14+$0xFFFFFE60];
	v1 =	vor.u32 v1, v2;
	_ =	sdelay $0x4  }
0x9c: {  	[tilespmem:v1+s2+$0x0] =	vst.idx.add.f32.msk $0xffff, v3  }
0x9d: {  	v3 =	vor.u32 $0x80, v1;
	v2 =	vld [tilespmem:s14+$0xFFFFFEE0];
	_ =	sdelay $0x4  }
0x9e: {  	[tilespmem:v3+s2+$0x0] =	vst.idx.add.f32.msk $0xffff, v2  }
0x9f: {  	v3 =	vor.u32 $0x100, v1;
	v2 =	vld [tilespmem:s14+$0xFFFFFF60];
	_ =	sdelay $0x4  }
0xa0: {  	[tilespmem:v3+s2+$0x0] =	vst.idx.add.f32.msk $0xffff, v2  }
0xa1: {  	v3 =	vor.u32 $0x180, v1;
	v2 =	vld [tilespmem:s14+$0xFFFFFFE0];
	_ =	sdelay $0x4  }
0xa2: {  	[tilespmem:v3+s2+$0x0] =	vst.idx.add.f32.msk $0xffff, v2  }
0xa3: {  	v3 =	vor.u32 $0x200, v1;
	v2 =	vld [tilespmem:s14+$0x60];
	_ =	sdelay $0x4  }
0xa4: {  	[tilespmem:v3+s2+$0x0] =	vst.idx.add.f32.msk $0xffff, v2  }
0xa5: {  	v3 =	vor.u32 $0x280, v1;
	v2 =	vld [tilespmem:s14+$0xE0];
	_ =	sdelay $0x4  }
0xa6: {  	[tilespmem:v3+s2+$0x0] =	vst.idx.add.f32.msk $0xffff, v2  }
0xa7: {  	v3 =	vor.u32 $0x300, v1;
	v2 =	vld [tilespmem:s14+$0x160];
	_ =	sdelay $0x4  }
0xa8: {  	[tilespmem:v3+s2+$0x0] =	vst.idx.add.f32.msk $0xffff, v2  }
0xa9: {  	v1 =	vor.u32 $0x380, v1;
	v2 =	vld [tilespmem:s14+$0x1E0];
	_ =	sdelay $0x4  }
0xaa: {  	[tilespmem:v1+s2+$0x0] =	vst.idx.add.f32.msk $0xffff, v2  }
0xab: {  	v1 =	vld [tilespmem:s15+$0x30];
	_ =	sdelay $0x4  }
0xac: {  	v2 =	vshll.u32 v1, $0x3  }
0xad: {  	v1 =	vand.u32 $0x7F, v1;
	v2 =	vand.u32 $0xFFFFFC00, v2  }
0xae: {  	v3 =	vld [tilespmem:s14+$0xFFFFFE70];
	v1 =	vor.u32 v1, v2;
	_ =	sdelay $0x4  }
0xaf: {  	[tilespmem:v1+s2+$0x0] =	vst.idx.add.f32.msk $0xffff, v3  }
0xb0: {  	v3 =	vor.u32 $0x80, v1;
	v2 =	vld [tilespmem:s14+$0xFFFFFEF0];
	_ =	sdelay $0x4  }
0xb1: {  	[tilespmem:v3+s2+$0x0] =	vst.idx.add.f32.msk $0xffff, v2  }
0xb2: {  	v3 =	vor.u32 $0x100, v1;
	v2 =	vld [tilespmem:s14+$0xFFFFFF70];
	_ =	sdelay $0x4  }
0xb3: {  	[tilespmem:v3+s2+$0x0] =	vst.idx.add.f32.msk $0xffff, v2  }
0xb4: {  	v3 =	vor.u32 $0x180, v1;
	v2 =	vld [tilespmem:s14+$0xFFFFFFF0];
	_ =	sdelay $0x4  }
0xb5: {  	[tilespmem:v3+s2+$0x0] =	vst.idx.add.f32.msk $0xffff, v2  }
0xb6: {  	v3 =	vor.u32 $0x200, v1;
	v2 =	vld [tilespmem:s14+$0x70];
	_ =	sdelay $0x4  }
0xb7: {  	[tilespmem:v3+s2+$0x0] =	vst.idx.add.f32.msk $0xffff, v2  }
0xb8: {  	v3 =	vor.u32 $0x280, v1;
	v2 =	vld [tilespmem:s14+$0xF0];
	_ =	sdelay $0x4  }
0xb9: {  	[tilespmem:v3+s2+$0x0] =	vst.idx.add.f32.msk $0xffff, v2  }
0xba: {  	v3 =	vor.u32 $0x300, v1;
	v2 =	vld [tilespmem:s14+$0x170];
	_ =	sdelay $0x4  }
0xbb: {  	s13 =	sadd.s32 $0x8, s13;
	[tilespmem:v3+s2+$0x0] =	vst.idx.add.f32.msk $0xffff, v2  }
0xbc: {  	p0 =	slt.u32 s13, $0x38;
	v1 =	vor.u32 $0x380, v1;
	v2 =	vld [tilespmem:s14+$0x1F0]  }
.Ltmp1:
0xbd: {  	_ = 	snop;
	(pc) =	sbr.rel @p0 .LBB2_5-.Ltmp1, $2  }
0xbe: {  	_ =	sdelay $0x2  }
0xbf: {  	s15 =	sadd.s32 $0x80, s15;
	s14 =	sadd.s32 $0x400, s14;
	[tilespmem:v1+s2+$0x0] =	vst.idx.add.f32.msk $0xffff, v2  }
0xc0: {  	s12 =	sadd.s32 $0x1, s12  }
0xc1: {  	p0 =	sne.s32 s12, $0xA0  }
.Ltmp2:
0xc2: {  	_ = 	snop;
	(pc) =	sbr.rel @p0 .LBB2_4-.Ltmp2, $1  }
0xc3: {  	_ =	sdelay $0x3  }
0xc4: {  	s11 =	sadd.s32 $0x1, s11  }
0xc5: {  	p0 =	sne.s32 s11, s7  }
.Ltmp3:
0xc6: {  	_ = 	snop;
	(pc) =	sbr.rel @p0 .LBB2_1-.Ltmp3, $4  }
0xc7: {  	[hbm4b:s6+s2] =	stream.linear.scatter [tilespmem:s2], [sflag:$0x1], $0x14000, $0x38;
	[tilespmem:$0x16400] =	vst v63  }
0xc8: {  	_ =	swait.ge [sflag:s9], $0x14000  }
0xc9: {  	[sflag:s9] =	ssyncset.done $0x0  }
0xca: {  	[sflag:s9] =	ssyncadd.s32 $0xFFFEC000  }
0xcb: {  	_ =	sfence.sel $0x180000  }
0xcc: {  	[bflag:$0x0] =	sbarrier.arrive $0xFFFF  }
0xcd: {  	p0 =	sne.s32 s1, $0x0;
	_ =	strace $0x9000004A  }
0xce: {  	s0 =	sadd.s32 @!p0 $0x100000, s0;
	[bflag:$0x2] =	sbarrier.arrive $0xFFFF  }
0xcf: {  	[sflag:s0] =	ssyncadd.tile.s32 @!p0 $0x1;
	_ =	shalt  }
.Lfunc_end2:
_tile_overlayer_lowered:
.L_overlay_start_2:
0xd0: {  	(tag) =	ssettag $0x2  }
0xd1: {  	s0 =	rddreg [dreg:$0x0];
	s2 =	stileid.u32  }
0xd2: {  	s1 =	rddreg [dreg:$0x1];
	p0 =	sne.s32 s2, $0x0  }
0xd3: {  	s3 =	rddreg [dreg:$0x2];
	[bflag:$0x3] =	sbarrier.arrive $0xFFFF;
	s2 =	simm.s32 @!p0 $0x1C01  }
0xd4: {  	[timem:s3], [sflag:s2] =	dma.local @!p0 [hbm:s0], s1  }
0xd5: {  	s0 =	simm.s32 @!p0 $0x1  }
0xd6: {  	_ =	swait.ge @!p0 [sflag:s0], s1  }
0xd7: {  	s1 =	ssub.s32 @!p0 $0x0, s1;
	[sflag:s0] =	ssyncset.done @!p0 $0x0  }
0xd8: {  	[sflag:s0] =	ssyncadd.s32 @!p0 s1  }
0xd9: {  	[bflag:$0x3] =	sbarrier.arrive $0xFFFF  }
0xda: {  	_ =	shalt  }

// kernel: kernel.14.cloned.1.call-start
scs
__scs_entry_jumppad:
0x0: {  	(pc) =	sbr.rel $0x88, $3  }
0x1: {  	(tag) =	ssettag $0x0;
	lr =	simm.s32 $0x1  }
0x2: {  	[smem:$0x3F91] =	sst lr;
	_ =	strace $0xD0000000  }
0x3: {  	_ = 	snop  }
0x4: {  	_ = 	snop  }
0x5: {  	_ = 	snop  }
0x6: {  	_ = 	snop  }
0x7: {  	_ = 	snop  }
__scs_overlays_trampoline_lowered:
0x8: {  	[smem:$0x3FA0] =	sst s0  }
0x9: {  	[smem:$0x3FA1] =	sst s1  }
0xa: {  	[smem:$0x3FA2] =	sst s2  }
0xb: {  	[smem:$0x3FA3] =	sst s3  }
0xc: {  	[smem:$0x3FA4] =	sst s4  }
0xd: {  	[smem:$0x3FA5] =	sst s5  }
0xe: {  	[smem:$0x3FA6] =	sst s6  }
0xf: {  	[smem:$0x3FA7] =	sst s7  }
0x10: {  	[smem:$0x3FA8] =	sst s8  }
0x11: {  	[smem:$0x3FA9] =	sst s9;
	s0 =	simm.s32 @!p0 $0x0  }
0x12: {  	s1 =	sld [smem:$0x3F8F];
	s0 =	simm.s32 @p0 $0x1  }
0x13: {  	[smem:$0x3FAA] =	sst s0;
	s0 =	simm.s32 @!p1 $0x0  }
0x14: {  	s2 =	sld [smem:$0x3F8E];
	s0 =	simm.s32 @p1 $0x1  }
0x15: {  	[smem:$0x3FAB] =	sst s0;
	s0 =	simm.s32 @!p2 $0x0  }
0x16: {  	s3 =	sld [smem:$0x3FDB];
	s0 =	simm.s32 @p2 $0x1  }
0x17: {  	s4 =	simm.s32 $0x1BF5;
	[smem:$0x3FAD] =	sst s0  }
0x18: {  	s0 =	sld [smem:$0x3F90];
	_ =	swait.ge [sflag:s4], $0x0  }
0x19: {  	s7 =	sld [smem:$0x3F91]  }
0x1a: {  	s8 =	sadd.s32 $0xFFFFE003, lr  }
0x1b: {  	s9 =	sadd.s32 $0xFFFFFEF7, lr;
	s5 =	simm.s32 $0xFFFFFFFF;
	p2 =	slt.u32 s8, $0xFFFFF086  }
0x1c: {  	p1 =	slt.u32 s9, $0xF7A;
	s5 =	simm.s32 @!p2 $0x0  }
0x1d: {  	s5 =	simm.s32 @p1 $0x1;
	p0 =	seq.s32 s7, s2  }
0x1e: {  	s7 =	smul.u32 @!p0 $0xF7A, s2;
	p2 =	seq.s32 @!p0 s5, $0x0  }
0x1f: {  	s9 =	smul.u32 $0xF7A, s1;
	s8 =	simm.s32 @!p0 $0x1BF5;
	p2 =	por !p2, p0  }
0x20: {  	[sflag:s8] =	ssyncset.s32 @!p0 $0xFFFFF086;
	s6 =	sadd.s32 @!p0 s3, s7;
	s7 =	simm.s32 @!p0 $0x108  }
0x21: {  	s3 =	sadd.s32 s3, s9;
	s6 =	sadd.s32 @!p0 $0x88, s6;
	s7 =	simm.s32 @p2 $0x1082  }
0x22: {  	[simem:s7], [sflag:s8] =	dma.local @!p0 [hbm:s6], $0xF7A  }
0x23: {  	s9 =	sor.u32 $0xD0000000, s2;
	s6 =	simm.s32 $0x108;
	_ =	swait.ge @!p0 [sflag:s8], $0x0  }
0x24: {  	s3 =	sadd.s32 $0x88, s3;
	s6 =	simm.s32 @!p1 $0x1082;
	[sflag:s4] =	ssyncset.s32 $0xFFFFF086  }
0x25: {  	[simem:s6], [sflag:s4] =	dma.local [hbm:s3], $0xF7A  }
0x26: {  	[smem:$0x3F91] =	sst s1;
	(tag) =	ssettag s2;
	_ =	strace s9  }
0x27: {  	s1 =	sld [smem:$0x3FA1]  }
0x28: {  	s2 =	sld [smem:$0x3FA2]  }
0x29: {  	s4 =	sld [smem:$0x3FA4]  }
0x2a: {  	p0 =	seq.s32 s5, $0x0;
	s5 =	sld [smem:$0x3FA5]  }
0x2b: {  	s6 =	sld [smem:$0x3FA6]  }
0x2c: {  	s7 =	sld [smem:$0x3FA7]  }
0x2d: {  	s3 =	simm.s32 $0x108;
	s8 =	sld [smem:$0x3FA8]  }
0x2e: {  	s3 =	simm.s32 @!p0 $0x1082;
	s9 =	sld [smem:$0x3FA9]  }
0x2f: {  	lr =	sadd.s32 s0, s3;
	s0 =	sld [smem:$0x3FA0]  }
0x30: {  	s3 =	sld [smem:$0x3FA3]  }
0x31: {  	[smem:$0x3FAC] =	sst s10  }
0x32: {  	s10 =	sld [smem:$0x3FAA];
	_ =	sdelay $0x3  }
0x33: {  	p0 =	seq.s32 s10, $0x1;
	s10 =	sld [smem:$0x3FAC];
	_ =	sdelay $0x3  }
0x34: {  	[smem:$0x3FAC] =	sst s10  }
0x35: {  	s10 =	sld [smem:$0x3FAB];
	_ =	sdelay $0x3  }
0x36: {  	p1 =	seq.s32 s10, $0x1;
	s10 =	sld [smem:$0x3FAC];
	_ =	sdelay $0x3  }
0x37: {  	[smem:$0x3FAC] =	sst s10  }
0x38: {  	s10 =	sld [smem:$0x3FAD]  }
0x39: {  	_ = 	snop;
	(pc) =	sbr.ind lr, $3  }
0x3a: {  	_ = 	snop  }
0x3b: {  	_ = 	snop  }
0x3c: {  	p2 =	seq.s32 s10, $0x1;
	s10 =	sld [smem:$0x3FAC]  }
0x3d: {  	_ =	shalt  }
0x3e: {  	_ =	shalt  }
0x3f: {  	_ =	shalt  }
0x40: {  	_ =	shalt  }
0x41: {  	_ =	shalt  }
0x42: {  	_ =	shalt  }
0x43: {  	_ =	shalt  }
0x44: {  	_ =	shalt  }
0x45: {  	_ =	shalt  }
0x46: {  	_ =	shalt  }
0x47: {  	_ =	shalt  }
0x48: {  	_ =	shalt  }
0x49: {  	_ =	shalt  }
0x4a: {  	_ =	shalt  }
0x4b: {  	_ =	shalt  }
0x4c: {  	_ =	shalt  }
0x4d: {  	_ =	shalt  }
0x4e: {  	_ =	shalt  }
0x4f: {  	_ =	shalt  }
0x50: {  	_ =	shalt  }
0x51: {  	_ =	shalt  }
0x52: {  	_ =	shalt  }
0x53: {  	_ =	shalt  }
0x54: {  	_ =	shalt  }
0x55: {  	_ =	shalt  }
0x56: {  	_ =	shalt  }
0x57: {  	_ =	shalt  }
0x58: {  	_ =	shalt  }
0x59: {  	_ =	shalt  }
0x5a: {  	_ =	shalt  }
0x5b: {  	_ =	shalt  }
0x5c: {  	_ =	shalt  }
0x5d: {  	_ =	shalt  }
0x5e: {  	_ =	shalt  }
0x5f: {  	_ =	shalt  }
0x60: {  	_ =	shalt  }
0x61: {  	_ =	shalt  }
0x62: {  	_ =	shalt  }
0x63: {  	_ =	shalt  }
0x64: {  	_ =	shalt  }
0x65: {  	_ =	shalt  }
0x66: {  	_ =	shalt  }
0x67: {  	_ =	shalt  }
0x68: {  	_ =	shalt  }
0x69: {  	_ =	shalt  }
0x6a: {  	_ =	shalt  }
0x6b: {  	_ =	shalt  }
0x6c: {  	_ =	shalt  }
0x6d: {  	_ =	shalt  }
0x6e: {  	_ =	shalt  }
0x6f: {  	_ =	shalt  }
0x70: {  	_ =	shalt  }
0x71: {  	_ =	shalt  }
0x72: {  	_ =	shalt  }
0x73: {  	_ =	shalt  }
0x74: {  	_ =	shalt  }
0x75: {  	_ =	shalt  }
0x76: {  	_ =	shalt  }
0x77: {  	_ =	shalt  }
0x78: {  	_ =	shalt  }
0x79: {  	_ =	shalt  }
0x7a: {  	_ =	shalt  }
0x7b: {  	_ =	shalt  }
0x7c: {  	_ =	shalt  }
0x7d: {  	_ =	shalt  }
0x7e: {  	_ =	shalt  }
0x7f: {  	_ =	shalt  }
0x80: {  	_ =	shalt  }
0x81: {  	_ =	shalt  }
0x82: {  	_ =	shalt  }
0x83: {  	_ =	shalt  }
0x84: {  	_ =	shalt  }
0x85: {  	_ =	shalt  }
0x86: {  	_ =	shalt  }
0x87: {  	_ =	shalt  }
.Lfunc_end0:
.L_simem_size_0:
called_computation.2_lowered:
.L_overlay_start_0:
0x88: {  	s2 =	sld [smem:$0x3FD9]  }
0x89: {  	s3 =	sld [smem:$0x3FFE];
	_ =	sdelay $0x1  }
0x8a: {  	s1 =	srdreg.scid  }
0x8b: {  	s0 =	sand.u32 $0x1, s1  }
0x8c: {  	s17 =	sshll.u32 s0, $0xA;
	s2 =	sadd.s32 s3, s2  }
0x8d: {  	s2 =	sadd.s32 s2, s17  }
0x8e: {  	[smem:$0x3FB8] =	sst s2  }
0x8f: {  	_ = 	snop  }
0x90: {  	(tm) =	ssettm $0x1  }
0x91: {  	s18 =	sld [smem:$0x3FFB];
	_ =	sdelay $0x3  }
0x92: {  	_ =	strace s18  }
0x93: {  	s2 =	sld [smem:$0x3FFC];
	_ =	sdelay $0x3  }
0x94: {  	_ =	strace s2  }
0x95: {  	s2 =	sld [smem:$0x3FFD];
	_ =	sdelay $0x3  }
0x96: {  	_ =	strace s2  }
0x97: {  	_ =	strace $0x8FFFFFFF  }
0x98: {  	s19 =	sld [smem:$0x3FDB];
	_ =	sdelay $0x1  }
0x99: {  	s20 =	simm.s32 $_scs_section_size  }
0x9a: {  	s4 =	simm.s32 $_size__tile_overlayer_lowered;
	s5 =	simm.s32 $_tile_overlayer_lowered  }
0x9b: {  	s6 =	simm.s32 $0x1BFF;
	s21 =	sshll.u32 s5, $0x1;
	s3 =	sadd.s32 s20, s19  }
0x9c: {  	s22 =	simm.s32 $0x0;
	s4 =	sshll.u32 s4, $0x1;
	s5 =	sadd.s32 s21, s3  }
0x9d: {  	[timem:s22], [sflag:s6] =	dma.local [hbm:s5], s4  }
0x9e: {  	_ =	swait.ge [sflag:s6], s4  }
0x9f: {  	s4 =	ssub.s32 $0x0, s4;
	[sflag:s6] =	ssyncset.done $0x0  }
0xa0: {  	[sflag:s6] =	ssyncadd.s32 s4;
	_ =	sdelay $0x1  }
0xa1: {  	s23 =	simm.s32 $0x1B8B  }
0xa2: {  	_ =	swait.ge [sflag:s23], $0x1  }
0xa3: {  	[sflag:s23] =	ssyncset.done $0x0  }
0xa4: {  	[sflag:s23] =	ssyncadd.s32 $0xFFFFFFFF  }
0xa5: {  	s4 =	sld [smem:$0x0]  }
0xa6: {  	s5 =	sand.u32 $0xFFFFFFFE, s1  }
0xa7: {  	p0 =	sne.s32 s1, s5  }
0xa8: {  	s5 =	sshll.u32 @p0 s5, $0xE  }
0xa9: {  	s5 =	sadd.s32 @p0 $0x11B8D, s5;
	s6 =	sshll.u32 @p0 s4, $0x11  }
0xaa: {  	s5 =	sor.u32 @p0 s6, s5  }
0xab: {  	[sflag:s5] =	ssyncadd.remote.s32 @p0 $0x1;
	_ =	sdelay $0x1  }
0xac: {  	s5 =	simm.s32 @p0 $0x1B8D  }
0xad: {  	_ =	swait.eq @p0 [sflag:s5], $0x1  }
0xae: {  	[sflag:s5] =	ssyncadd.s32 @p0 $0xFFFFFFFF  }
0xaf: {  	s6 =	sshll.u32 @!p0 s1, $0xE  }
0xb0: {  	s6 =	sor.u32 @!p0 $0x4000, s6;
	s5 =	simm.s32 @!p0 $0x1B8D  }
0xb1: {  	s4 =	sshll.u32 @!p0 s4, $0x11;
	s6 =	sadd.s32 @!p0 $0x11B8D, s6;
	_ =	swait.eq @!p0 [sflag:s5], $0x1  }
0xb2: {  	s4 =	sor.u32 @!p0 s4, s6;
	[sflag:s5] =	ssyncadd.s32 @!p0 $0xFFFFFFFF  }
0xb3: {  	s25 =	simm.s32 $0x1B8E;
	s24 =	sld [smem:$0x3FFE];
	[sflag:s4] =	ssyncadd.remote.s32 @!p0 $0x1  }
0xb4: {  	s26 =	simm.s32 $execute0_lowered;
	[smem:$0x3FD2] =	sst s25  }
0xb5: {  	s5 =	sshll.u32 s26, $0x1;
	_ =	strace $0x8000004C;
	[dreg:$0x1] =	wrdreg $0xFFFFFFFF  }
0xb6: {  	s28 =	simm.s32 $_size_execute0_lowered;
	s3 =	sadd.s32 s3, s5;
	[dreg:$0x0] =	wrdreg $0x0  }
0xb7: {  	s5 =	sshll.u32 s28, $0x1;
	[dreg:$0x2] =	wrdreg s3  }
0xb8: {  	[dreg:$0x3] =	wrdreg s5  }
0xb9: {  	[dreg:$0x4] =	wrdreg $0xC0  }
0xba: {  	_ =	task [dreg:s22], $0x5FFFF  }
0xbb: {  	[dreg:$0x1] =	wrdreg $0xFFFFFFFF  }
0xbc: {  	[dreg:$0x0] =	wrdreg $0x60  }
0xbd: {  	[dreg:$0x2] =	wrdreg s24  }
0xbe: {  	[dreg:$0x3] =	wrdreg $0xA  }
0xbf: {  	_ =	task.clear_ibuf [dreg:s22], $0x4FFFF;
	_ =	strace $0x9000004C  }
0xc0: {  	s29 =	simm.s32 $0xA;
	_ =	strace $0x8000004E  }
0xc1: {  	_ =	swait.ge [sflag:s29], $0x1  }
0xc2: {  	[sflag:s29] =	ssyncadd.s32 $0xFFFFFFFF  }
0xc3: {  	_ =	strace $0x9000004E  }
0xc4: {  	_ =	sfence  }
0xc5: {  	s30 =	sld [smem:$0x0];
	_ =	sdelay $0x2  }
0xc6: {  	s31 =	sshll.u32 s1, $0xD;
	s1 =	sshrl.u32 s1, $0x2  }
0xc7: {  	s4 =	sand.u32 $0x4000, s31;
	s1 =	sadd.s32 s1, s30  }
0xc8: {  	s0 =	sor.u32 s4, s0;
	s1 =	sshll.u32 s1, $0x11  }
0xc9: {  	s0 =	sor.u32 s1, s0  }
0xca: {  	s0 =	sadd.s32 $0x8F2B, s0  }
0xcb: {  	[sflag:s0] =	ssyncadd.remote.s32 $0x1  }
0xcc: {  	_ =	sfence.sel $0xFFFF  }
0xcd: {  	[dreg:$0x0] =	wrdreg $0xFFFFFFFF;
	(pc) =	sbr.abs _section_cstart, $3  }
0xce: {  	[dreg:$0x1] =	wrdreg $0xFFFFFFFF  }
0xcf: {  	_ =	task.clear_ibuf [dreg:s22], $0x2FFFF;
	_ =	strace $0x9FFFFFFF  }
0xd0: {  	(tm) =	ssettm $0x7FFFFFFF  }
0xd1: {  	_ =	shalt  }
tec
execute0_lowered:
.L_overlay_start_1:
0x0: {  	(tag) =	ssettag $0x1  }
0x1: {  	s0 =	srdreg.scid  }
0x2: {  	s6 =	rddreg [dreg:$0x0];
	s1 =	stileid.u32  }
0x3: {  	s2 =	simm.s32 $0x0;
	s11 =	simm.s32 $0x16000;
	s12 =	simm.s32 $0x0  }
0x4: {  	s4 =	sand.u32 $0x1, s0;
	s0 =	rddreg [dreg:$0x1];
	s7 =	smul.u32 $0x14000, s1  }
0x5: {  	[smem:$0x7FF] =	sst s2;
	s3 =	sadd.s32 $0xA3C00, s6;
	s5 =	smul.u32 $0x140000, s4  }
0x6: {  	_ =	strace $0x8000004D;
	s30 =	ssub.s32 $0x2, s4;
	s10 =	smul.u32 $0xFFFFEC00, s4  }
0x7: {  	s4 =	smul.u32 $0x2800, s1;
	s31 =	sshrl.u32 s30, $0x1;
	s5 =	sadd.s32 s7, s5  }
0x8: {  	s9 =	ssub.s32 s30, s31;
	v0 =	vmov s10;
	s10 =	simm.s32 $0x14000;
	s5 =	sshrl.u32 s5, $0x3  }
0x9: {  	s8 =	sadd.s32 s5, s6;
	s5 =	sadd.s32 $0xD7DE00, s6;
	s6 =	sadd.s32 $0xDA5E00, s6  }
0xa: {  	v1 =	vimm.f32 $0.0e+00;
	s7 =	sadd.s32 $0xA8C00, s8;
	s8 =	smax.u32 s9, $0x1;
	s9 =	simm.s32 $0x1  }
.LBB2_1:
0xb: {  	s13 =	sand.u32 $0x70, s2;
	s14 =	sand.u32 $0xFC00, s2  }
0xc: {  	s14 =	sor.u32 s13, s14  }
0xd: {  	[tilespmem:s14+$0x80] =	vst v1  }
0xe: {  	[tilespmem:s14+$0x100] =	vst v1  }
0xf: {  	s17 =	sand.u32 $0x7, s2;
	[tilespmem:s14+$0x180] =	vst v1  }
0x10: {  	s15 =	simm.s32 $0x10;
	s16 =	simm.s32 $0x0;
	s13 =	simm.s32 $0x0;
	[tilespmem:s14+$0x200] =	vst v1  }
.LBB2_2:
0x11: {  	p0 =	sne.s32 s15, $0x13F0;
	s17 =	sshll.u32 s17, $0x4;
	[tilespmem:s14+$0x280] =	vst v1  }
0x12: {  	s17 =	sadd.s32 s17, s13;
	[tilespmem:s14+$0x300] =	vst v1  }
0x13: {  	[tilespmem:s14+$0x0] =	vst v1;
	s17 =	sor.u32 $0x380, s17  }
0x14: {  	[tilespmem:s17+$0x0] =	vst v1  }
0x15: {  	[tilespmem:s14+$0xA000] =	vst v1  }
0x16: {  	[tilespmem:s14+$0xA080] =	vst v1  }
0x17: {  	[tilespmem:s14+$0xA100] =	vst v1  }
0x18: {  	[tilespmem:s14+$0xA180] =	vst v1  }
0x19: {  	[tilespmem:s14+$0xA200] =	vst v1  }
0x1a: {  	s13 =	sadd.s32 $0x80, s13;
	[tilespmem:s14+$0xA280] =	vst v1  }
0x1b: {  	s18 =	sand.u32 $0xFC00, s13;
	s17 =	sand.u32 $0x70, s15;
	[tilespmem:s14+$0xA300] =	vst v1  }
.Ltmp0:
0x1c: {  	[tilespmem:s14+$0xA380] =	vst v1;
	s14 =	sor.u32 s17, s18;
	(pc) =	sbr.rel @p0 .LBB2_2-.Ltmp0, $4  }
0x1d: {  	[tilespmem:s14+$0x80] =	vst v1  }
0x1e: {  	[tilespmem:s14+$0x100] =	vst v1  }
0x1f: {  	s16 =	sadd.s32 $0x1, s16;
	[tilespmem:s14+$0x180] =	vst v1  }
0x20: {  	s15 =	sadd.s32 $0x10, s15;
	s17 =	sand.u32 $0x7, s16;
	[tilespmem:s14+$0x200] =	vst v1  }
0x21: {  	s15 =	sshll.u32 s17, $0x4;
	[tilespmem:s14+$0x280] =	vst v1  }
0x22: {  	[tilespmem:s14+$0x300] =	vst v1;
	s13 =	sadd.s32 s15, s13  }
0x23: {  	[tilespmem:s14+$0x0] =	vst v1;
	s13 =	sor.u32 $0x380, s13  }
0x24: {  	[tilespmem:s13+$0x0] =	vst v1  }
0x25: {  	[tilespmem:s14+$0xA000] =	vst v1  }
0x26: {  	[tilespmem:s14+$0xA080] =	vst v1  }
0x27: {  	[tilespmem:s14+$0xA100] =	vst v1  }
0x28: {  	[tilespmem:s14+$0xA180] =	vst v1  }
0x29: {  	[tilespmem:s14+$0xA200] =	vst v1  }
0x2a: {  	[tilespmem:s14+$0xA280] =	vst v1  }
0x2b: {  	[tilespmem:s14+$0xA300] =	vst v1  }
0x2c: {  	s13 =	simm.s32 $0x0;
	[tilespmem:s14+$0xA380] =	vst v1;
	s14 =	simm.s32 $0x0  }
.LBB2_4:
0x2d: {  	s15 =	sshll.u32 s14, $0xA  }
0x2e: {  	s16 =	sadd.s32 s4, s15  }
0x2f: {  	s15 =	sshrl.u32 s16, $0x3  }
0x30: {  	s17 =	sadd.s32 s3, s15;
	s15 =	simm.s32 $0x18000  }
0x31: {  	[tilespmem:s15], [sflag:$0x1] =	stream.linear.gather [hbm4b:s17+s13], $0x400, $0x38;
	[tilespmem:$0x18400] =	vst v63  }
0x32: {  	_ =	swait.ge [sflag:s9], $0x400  }
0x33: {  	[sflag:s9] =	ssyncset.done $0x0  }
0x34: {  	s28 =	sadd.s32 s16, s5;
	[sflag:s9] =	ssyncadd.s32 $0xFFFFFC00  }
0x35: {  	[tilespmem:s10], [sflag:$0x1] =	stream.linear.gather [hbm4b:s28+s13], $0x2000, $0x38;
	[tilespmem:$0x18400] =	vst v63  }
0x36: {  	_ =	swait.ge [sflag:s9], $0x2000  }
0x37: {  	[sflag:s9] =	ssyncset.done $0x0  }
0x38: {  	s16 =	sadd.s32 s16, s6;
	[sflag:s9] =	ssyncadd.s32 $0xFFFFE000  }
0x39: {  	[tilespmem:s11], [sflag:$0x1] =	stream.linear.gather [hbm4b:s16+s13], $0x2000, $0x38;
	[tilespmem:$0x18400] =	vst v63  }
0x3a: {  	_ =	swait.ge [sflag:s9], $0x2000  }
0x3b: {  	[sflag:s9] =	ssyncset.done $0x0  }
0x3c: {  	[sflag:s9] =	ssyncadd.s32 $0xFFFFE000  }
0x3d: {  	v2 =	vld [tilespmem:s15+$0x0];
	_ =	sdelay $0x4  }
0x3e: {  	v2 =	vadd.s32 v0, v2  }
0x3f: {  	vm0 =	vlt.u32 v2, $0x1400  }
0x40: {  	v2 =	vnsel vm0, $0x0, v2  }
0x41: {  	s29 =	sand.u32 $0x70, s13;
	s30 =	sand.u32 $0x1C00, s13;
	v3 =	vshll.u32 v2, $0x3  }
0x42: {  	s17 =	sor.u32 s29, s30;
	v2 =	vand.u32 $0x7F, v2;
	v3 =	vand.u32 $0xFFFFFC00, v3  }
0x43: {  	v4 =	vld [tilespmem:s17+$0x14000];
	v2 =	vor.u32 v2, v3;
	_ =	sdelay $0x4  }
0x44: {  	[tilespmem:v2+s2+$0x0] =	vst.idx.add.f32.msk vm0, v4  }
0x45: {  	v4 =	vor.u32 $0x80, v2;
	v3 =	vld [tilespmem:s17+$0x14080];
	_ =	sdelay $0x4  }
0x46: {  	[tilespmem:v4+s2+$0x0] =	vst.idx.add.f32.msk vm0, v3  }
0x47: {  	v4 =	vor.u32 $0x100, v2;
	v3 =	vld [tilespmem:s17+$0x14100];
	_ =	sdelay $0x4  }
0x48: {  	[tilespmem:v4+s2+$0x0] =	vst.idx.add.f32.msk vm0, v3  }
0x49: {  	v4 =	vor.u32 $0x180, v2;
	v3 =	vld [tilespmem:s17+$0x14180];
	_ =	sdelay $0x4  }
0x4a: {  	[tilespmem:v4+s2+$0x0] =	vst.idx.add.f32.msk vm0, v3  }
0x4b: {  	v4 =	vor.u32 $0x200, v2;
	v3 =	vld [tilespmem:s17+$0x14200];
	_ =	sdelay $0x4  }
0x4c: {  	[tilespmem:v4+s2+$0x0] =	vst.idx.add.f32.msk vm0, v3  }
0x4d: {  	v4 =	vor.u32 $0x280, v2;
	v3 =	vld [tilespmem:s17+$0x14280];
	_ =	sdelay $0x4  }
0x4e: {  	[tilespmem:v4+s2+$0x0] =	vst.idx.add.f32.msk vm0, v3  }
0x4f: {  	v4 =	vor.u32 $0x300, v2;
	v3 =	vld [tilespmem:s17+$0x14300];
	_ =	sdelay $0x3  }
0x50: {  	s31 =	sor.u32 s13, s13  }
0x51: {  	s16 =	sor.u32 $0x380, s31;
	[tilespmem:v4+s2+$0x0] =	vst.idx.add.f32.msk vm0, v3  }
0x52: {  	v4 =	vor.u32 $0x380, v2;
	v3 =	vld [tilespmem:s16+$0x14000];
	_ =	sdelay $0x4  }
0x53: {  	[tilespmem:v4+s2+$0x0] =	vst.idx.add.f32.msk vm0, v3  }
0x54: {  	v4 =	vadd.s32 $0xA000, v2;
	v3 =	vld [tilespmem:s17+$0x16000];
	_ =	sdelay $0x4  }
0x55: {  	[tilespmem:v4+s2+$0x0] =	vst.idx.add.f32.msk vm0, v3  }
0x56: {  	v4 =	vadd.s32 $0xA080, v2;
	v3 =	vld [tilespmem:s17+$0x16080];
	_ =	sdelay $0x4  }
0x57: {  	[tilespmem:v4+s2+$0x0] =	vst.idx.add.f32.msk vm0, v3  }
0x58: {  	v4 =	vadd.s32 $0xA100, v2;
	v3 =	vld [tilespmem:s17+$0x16100];
	_ =	sdelay $0x4  }
0x59: {  	[tilespmem:v4+s2+$0x0] =	vst.idx.add.f32.msk vm0, v3  }
0x5a: {  	v4 =	vadd.s32 $0xA180, v2;
	v3 =	vld [tilespmem:s17+$0x16180];
	_ =	sdelay $0x4  }
0x5b: {  	[tilespmem:v4+s2+$0x0] =	vst.idx.add.f32.msk vm0, v3  }
0x5c: {  	v4 =	vadd.s32 $0xA200, v2;
	v3 =	vld [tilespmem:s17+$0x16200];
	_ =	sdelay $0x4  }
0x5d: {  	[tilespmem:v4+s2+$0x0] =	vst.idx.add.f32.msk vm0, v3  }
0x5e: {  	v4 =	vadd.s32 $0xA280, v2;
	v3 =	vld [tilespmem:s17+$0x16280];
	_ =	sdelay $0x4  }
0x5f: {  	[tilespmem:v4+s2+$0x0] =	vst.idx.add.f32.msk vm0, v3  }
0x60: {  	v4 =	vadd.s32 $0xA300, v2;
	v3 =	vld [tilespmem:s17+$0x16300];
	_ =	sdelay $0x4  }
0x61: {  	[tilespmem:v4+s2+$0x0] =	vst.idx.add.f32.msk vm0, v3  }
0x62: {  	s16 =	simm.s32 $0x10;
	v2 =	vadd.s32 $0xA380, v2;
	v3 =	vld [tilespmem:s17+$0x16380];
	s17 =	simm.s32 $0x0  }
.LBB2_5:
0x63: {  	_ =	sdelay $0x3  }
0x64: {  	p0 =	sne.s32 s16, $0x3F0;
	s17 =	sadd.s32 $0x80, s17;
	s15 =	sadd.s32 $0x10, s15;
	[tilespmem:v2+s2+$0x0] =	vst.idx.add.f32.msk vm0, v3  }
0x65: {  	s19 =	smov.u32 s16;
	s16 =	sadd.s32 $0x10, s16;
	v2 =	vld [tilespmem:s15+$0x0];
	_ =	sdelay $0x4  }
0x66: {  	v2 =	vadd.s32 v0, v2  }
0x67: {  	vm0 =	vlt.u32 v2, $0x1400  }
0x68: {  	v2 =	vnsel vm0, $0x0, v2  }
0x69: {  	s18 =	sand.u32 $0x70, s19;
	s20 =	sand.u32 $0x1C00, s17;
	v3 =	vshll.u32 v2, $0x3  }
0x6a: {  	s18 =	sor.u32 s18, s20;
	v2 =	vand.u32 $0x7F, v2;
	v3 =	vand.u32 $0xFFFFFC00, v3  }
0x6b: {  	v4 =	vld [tilespmem:s18+$0x14000];
	v2 =	vor.u32 v2, v3;
	_ =	sdelay $0x4  }
0x6c: {  	[tilespmem:v2+s2+$0x0] =	vst.idx.add.f32.msk vm0, v4  }
0x6d: {  	v4 =	vor.u32 $0x80, v2;
	v3 =	vld [tilespmem:s18+$0x14080];
	_ =	sdelay $0x4  }
0x6e: {  	[tilespmem:v4+s2+$0x0] =	vst.idx.add.f32.msk vm0, v3  }
0x6f: {  	v4 =	vor.u32 $0x100, v2;
	v3 =	vld [tilespmem:s18+$0x14100];
	_ =	sdelay $0x4  }
0x70: {  	[tilespmem:v4+s2+$0x0] =	vst.idx.add.f32.msk vm0, v3  }
0x71: {  	v4 =	vor.u32 $0x180, v2;
	v3 =	vld [tilespmem:s18+$0x14180];
	_ =	sdelay $0x4  }
0x72: {  	[tilespmem:v4+s2+$0x0] =	vst.idx.add.f32.msk vm0, v3  }
0x73: {  	v4 =	vor.u32 $0x200, v2;
	v3 =	vld [tilespmem:s18+$0x14200];
	_ =	sdelay $0x4  }
0x74: {  	[tilespmem:v4+s2+$0x0] =	vst.idx.add.f32.msk vm0, v3  }
0x75: {  	v4 =	vor.u32 $0x280, v2;
	v3 =	vld [tilespmem:s18+$0x14280];
	_ =	sdelay $0x4  }
0x76: {  	[tilespmem:v4+s2+$0x0] =	vst.idx.add.f32.msk vm0, v3  }
0x77: {  	v4 =	vor.u32 $0x300, v2;
	v3 =	vld [tilespmem:s18+$0x14300];
	_ =	sdelay $0x3  }
0x78: {  	s19 =	sor.u32 s17, s19  }
0x79: {  	s19 =	sor.u32 $0x380, s19;
	[tilespmem:v4+s2+$0x0] =	vst.idx.add.f32.msk vm0, v3  }
0x7a: {  	v4 =	vor.u32 $0x380, v2;
	v3 =	vld [tilespmem:s19+$0x14000];
	_ =	sdelay $0x4  }
0x7b: {  	[tilespmem:v4+s2+$0x0] =	vst.idx.add.f32.msk vm0, v3  }
0x7c: {  	v4 =	vadd.s32 $0xA000, v2;
	v3 =	vld [tilespmem:s18+$0x16000];
	_ =	sdelay $0x4  }
0x7d: {  	[tilespmem:v4+s2+$0x0] =	vst.idx.add.f32.msk vm0, v3  }
0x7e: {  	v4 =	vadd.s32 $0xA080, v2;
	v3 =	vld [tilespmem:s18+$0x16080];
	_ =	sdelay $0x4  }
0x7f: {  	[tilespmem:v4+s2+$0x0] =	vst.idx.add.f32.msk vm0, v3  }
0x80: {  	v4 =	vadd.s32 $0xA100, v2;
	v3 =	vld [tilespmem:s18+$0x16100];
	_ =	sdelay $0x4  }
0x81: {  	[tilespmem:v4+s2+$0x0] =	vst.idx.add.f32.msk vm0, v3  }
0x82: {  	v4 =	vadd.s32 $0xA180, v2;
	v3 =	vld [tilespmem:s18+$0x16180];
	_ =	sdelay $0x4  }
0x83: {  	[tilespmem:v4+s2+$0x0] =	vst.idx.add.f32.msk vm0, v3  }
0x84: {  	v4 =	vadd.s32 $0xA200, v2;
	v3 =	vld [tilespmem:s18+$0x16200];
	_ =	sdelay $0x4  }
0x85: {  	[tilespmem:v4+s2+$0x0] =	vst.idx.add.f32.msk vm0, v3  }
0x86: {  	v4 =	vadd.s32 $0xA280, v2;
	v3 =	vld [tilespmem:s18+$0x16280];
	_ =	sdelay $0x4  }
0x87: {  	[tilespmem:v4+s2+$0x0] =	vst.idx.add.f32.msk vm0, v3  }
0x88: {  	v4 =	vadd.s32 $0xA300, v2;
	v3 =	vld [tilespmem:s18+$0x16300];
	_ =	sdelay $0x1  }
.Ltmp1:
0x89: {  	(pc) =	sbr.rel @p0 .LBB2_5-.Ltmp1, $3  }
0x8a: {  	_ =	sdelay $0x1  }
0x8b: {  	[tilespmem:v4+s2+$0x0] =	vst.idx.add.f32.msk vm0, v3  }
0x8c: {  	v2 =	vadd.s32 $0xA380, v2;
	v3 =	vld [tilespmem:s18+$0x16380]  }
0x8d: {  	s14 =	sadd.s32 $0x1, s14  }
0x8e: {  	p0 =	sne.s32 s14, $0xA  }
.Ltmp2:
0x8f: {  	_ = 	snop;
	(pc) =	sbr.rel @p0 .LBB2_4-.Ltmp2, $2  }
0x90: {  	_ =	sdelay $0x2  }
0x91: {  	[tilespmem:v2+s2+$0x0] =	vst.idx.add.f32.msk vm0, v3  }
0x92: {  	s12 =	sadd.s32 $0x1, s12  }
0x93: {  	p0 =	sne.s32 s12, s8  }
.Ltmp3:
0x94: {  	_ = 	snop;
	(pc) =	sbr.rel @p0 .LBB2_1-.Ltmp3, $4  }
0x95: {  	[hbm4b:s7+s2] =	stream.linear.scatter [tilespmem:s2], [sflag:$0x1], $0x14000, $0x38;
	[tilespmem:$0x18400] =	vst v63  }
0x96: {  	_ =	swait.ge [sflag:s9], $0x14000  }
0x97: {  	[sflag:s9] =	ssyncset.done $0x0  }
0x98: {  	[sflag:s9] =	ssyncadd.s32 $0xFFFEC000  }
0x99: {  	_ =	sfence.sel $0x180000  }
0x9a: {  	[bflag:$0x0] =	sbarrier.arrive $0xFFFF  }
0x9b: {  	p0 =	sne.s32 s1, $0x0;
	_ =	strace $0x9000004D  }
0x9c: {  	s0 =	sadd.s32 @!p0 $0x100000, s0;
	[bflag:$0x2] =	sbarrier.arrive $0xFFFF  }
0x9d: {  	[sflag:s0] =	ssyncadd.tile.s32 @!p0 $0x1;
	_ =	shalt  }
.Lfunc_end2:
_tile_overlayer_lowered:
.L_overlay_start_2:
0x9e: {  	(tag) =	ssettag $0x2  }
0x9f: {  	s0 =	rddreg [dreg:$0x0];
	s2 =	stileid.u32  }
0xa0: {  	s1 =	rddreg [dreg:$0x1];
	p0 =	sne.s32 s2, $0x0  }
0xa1: {  	s3 =	rddreg [dreg:$0x2];
	[bflag:$0x3] =	sbarrier.arrive $0xFFFF;
	s2 =	simm.s32 @!p0 $0x1C01  }
0xa2: {  	[timem:s3], [sflag:s2] =	dma.local @!p0 [hbm:s0], s1  }
0xa3: {  	s0 =	simm.s32 @!p0 $0x1  }
0xa4: {  	_ =	swait.ge @!p0 [sflag:s0], s1  }
0xa5: {  	s1 =	ssub.s32 @!p0 $0x0, s1;
	[sflag:s0] =	ssyncset.done @!p0 $0x0  }
0xa6: {  	[sflag:s0] =	ssyncadd.s32 @!p0 s1  }
0xa7: {  	[bflag:$0x3] =	sbarrier.arrive $0xFFFF  }
0xa8: {  	_ =	shalt  }

// kernel: kernel.8.cloned.1.call-start
scs
__scs_entry_jumppad:
0x0: {  	(pc) =	sbr.rel $0x88, $3  }
0x1: {  	(tag) =	ssettag $0x0;
	lr =	simm.s32 $0x1  }
0x2: {  	[smem:$0x3F91] =	sst lr;
	_ =	strace $0xD0000000  }
0x3: {  	_ = 	snop  }
0x4: {  	_ = 	snop  }
0x5: {  	_ = 	snop  }
0x6: {  	_ = 	snop  }
0x7: {  	_ = 	snop  }
__scs_overlays_trampoline_lowered:
0x8: {  	[smem:$0x3FA0] =	sst s0  }
0x9: {  	[smem:$0x3FA1] =	sst s1  }
0xa: {  	[smem:$0x3FA2] =	sst s2  }
0xb: {  	[smem:$0x3FA3] =	sst s3  }
0xc: {  	[smem:$0x3FA4] =	sst s4  }
0xd: {  	[smem:$0x3FA5] =	sst s5  }
0xe: {  	[smem:$0x3FA6] =	sst s6  }
0xf: {  	[smem:$0x3FA7] =	sst s7  }
0x10: {  	[smem:$0x3FA8] =	sst s8  }
0x11: {  	[smem:$0x3FA9] =	sst s9;
	s0 =	simm.s32 @!p0 $0x0  }
0x12: {  	s1 =	sld [smem:$0x3F8F];
	s0 =	simm.s32 @p0 $0x1  }
0x13: {  	[smem:$0x3FAA] =	sst s0;
	s0 =	simm.s32 @!p1 $0x0  }
0x14: {  	s2 =	sld [smem:$0x3F8E];
	s0 =	simm.s32 @p1 $0x1  }
0x15: {  	[smem:$0x3FAB] =	sst s0;
	s0 =	simm.s32 @!p2 $0x0  }
0x16: {  	s3 =	sld [smem:$0x3FDB];
	s0 =	simm.s32 @p2 $0x1  }
0x17: {  	s4 =	simm.s32 $0x1BF5;
	[smem:$0x3FAD] =	sst s0  }
0x18: {  	s0 =	sld [smem:$0x3F90];
	_ =	swait.ge [sflag:s4], $0x0  }
0x19: {  	s7 =	sld [smem:$0x3F91]  }
0x1a: {  	s8 =	sadd.s32 $0xFFFFE003, lr  }
0x1b: {  	s9 =	sadd.s32 $0xFFFFFEF7, lr;
	s5 =	simm.s32 $0xFFFFFFFF;
	p2 =	slt.u32 s8, $0xFFFFF086  }
0x1c: {  	p1 =	slt.u32 s9, $0xF7A;
	s5 =	simm.s32 @!p2 $0x0  }
0x1d: {  	s5 =	simm.s32 @p1 $0x1;
	p0 =	seq.s32 s7, s2  }
0x1e: {  	s7 =	smul.u32 @!p0 $0xF7A, s2;
	p2 =	seq.s32 @!p0 s5, $0x0  }
0x1f: {  	s9 =	smul.u32 $0xF7A, s1;
	s8 =	simm.s32 @!p0 $0x1BF5;
	p2 =	por !p2, p0  }
0x20: {  	[sflag:s8] =	ssyncset.s32 @!p0 $0xFFFFF086;
	s6 =	sadd.s32 @!p0 s3, s7;
	s7 =	simm.s32 @!p0 $0x108  }
0x21: {  	s3 =	sadd.s32 s3, s9;
	s6 =	sadd.s32 @!p0 $0x88, s6;
	s7 =	simm.s32 @p2 $0x1082  }
0x22: {  	[simem:s7], [sflag:s8] =	dma.local @!p0 [hbm:s6], $0xF7A  }
0x23: {  	s9 =	sor.u32 $0xD0000000, s2;
	s6 =	simm.s32 $0x108;
	_ =	swait.ge @!p0 [sflag:s8], $0x0  }
0x24: {  	s3 =	sadd.s32 $0x88, s3;
	s6 =	simm.s32 @!p1 $0x1082;
	[sflag:s4] =	ssyncset.s32 $0xFFFFF086  }
0x25: {  	[simem:s6], [sflag:s4] =	dma.local [hbm:s3], $0xF7A  }
0x26: {  	[smem:$0x3F91] =	sst s1;
	(tag) =	ssettag s2;
	_ =	strace s9  }
0x27: {  	s1 =	sld [smem:$0x3FA1]  }
0x28: {  	s2 =	sld [smem:$0x3FA2]  }
0x29: {  	s4 =	sld [smem:$0x3FA4]  }
0x2a: {  	p0 =	seq.s32 s5, $0x0;
	s5 =	sld [smem:$0x3FA5]  }
0x2b: {  	s6 =	sld [smem:$0x3FA6]  }
0x2c: {  	s7 =	sld [smem:$0x3FA7]  }
0x2d: {  	s3 =	simm.s32 $0x108;
	s8 =	sld [smem:$0x3FA8]  }
0x2e: {  	s3 =	simm.s32 @!p0 $0x1082;
	s9 =	sld [smem:$0x3FA9]  }
0x2f: {  	lr =	sadd.s32 s0, s3;
	s0 =	sld [smem:$0x3FA0]  }
0x30: {  	s3 =	sld [smem:$0x3FA3]  }
0x31: {  	[smem:$0x3FAC] =	sst s10  }
0x32: {  	s10 =	sld [smem:$0x3FAA];
	_ =	sdelay $0x3  }
0x33: {  	p0 =	seq.s32 s10, $0x1;
	s10 =	sld [smem:$0x3FAC];
	_ =	sdelay $0x3  }
0x34: {  	[smem:$0x3FAC] =	sst s10  }
0x35: {  	s10 =	sld [smem:$0x3FAB];
	_ =	sdelay $0x3  }
0x36: {  	p1 =	seq.s32 s10, $0x1;
	s10 =	sld [smem:$0x3FAC];
	_ =	sdelay $0x3  }
0x37: {  	[smem:$0x3FAC] =	sst s10  }
0x38: {  	s10 =	sld [smem:$0x3FAD]  }
0x39: {  	_ = 	snop;
	(pc) =	sbr.ind lr, $3  }
0x3a: {  	_ = 	snop  }
0x3b: {  	_ = 	snop  }
0x3c: {  	p2 =	seq.s32 s10, $0x1;
	s10 =	sld [smem:$0x3FAC]  }
0x3d: {  	_ =	shalt  }
0x3e: {  	_ =	shalt  }
0x3f: {  	_ =	shalt  }
0x40: {  	_ =	shalt  }
0x41: {  	_ =	shalt  }
0x42: {  	_ =	shalt  }
0x43: {  	_ =	shalt  }
0x44: {  	_ =	shalt  }
0x45: {  	_ =	shalt  }
0x46: {  	_ =	shalt  }
0x47: {  	_ =	shalt  }
0x48: {  	_ =	shalt  }
0x49: {  	_ =	shalt  }
0x4a: {  	_ =	shalt  }
0x4b: {  	_ =	shalt  }
0x4c: {  	_ =	shalt  }
0x4d: {  	_ =	shalt  }
0x4e: {  	_ =	shalt  }
0x4f: {  	_ =	shalt  }
0x50: {  	_ =	shalt  }
0x51: {  	_ =	shalt  }
0x52: {  	_ =	shalt  }
0x53: {  	_ =	shalt  }
0x54: {  	_ =	shalt  }
0x55: {  	_ =	shalt  }
0x56: {  	_ =	shalt  }
0x57: {  	_ =	shalt  }
0x58: {  	_ =	shalt  }
0x59: {  	_ =	shalt  }
0x5a: {  	_ =	shalt  }
0x5b: {  	_ =	shalt  }
0x5c: {  	_ =	shalt  }
0x5d: {  	_ =	shalt  }
0x5e: {  	_ =	shalt  }
0x5f: {  	_ =	shalt  }
0x60: {  	_ =	shalt  }
0x61: {  	_ =	shalt  }
0x62: {  	_ =	shalt  }
0x63: {  	_ =	shalt  }
0x64: {  	_ =	shalt  }
0x65: {  	_ =	shalt  }
0x66: {  	_ =	shalt  }
0x67: {  	_ =	shalt  }
0x68: {  	_ =	shalt  }
0x69: {  	_ =	shalt  }
0x6a: {  	_ =	shalt  }
0x6b: {  	_ =	shalt  }
0x6c: {  	_ =	shalt  }
0x6d: {  	_ =	shalt  }
0x6e: {  	_ =	shalt  }
0x6f: {  	_ =	shalt  }
0x70: {  	_ =	shalt  }
0x71: {  	_ =	shalt  }
0x72: {  	_ =	shalt  }
0x73: {  	_ =	shalt  }
0x74: {  	_ =	shalt  }
0x75: {  	_ =	shalt  }
0x76: {  	_ =	shalt  }
0x77: {  	_ =	shalt  }
0x78: {  	_ =	shalt  }
0x79: {  	_ =	shalt  }
0x7a: {  	_ =	shalt  }
0x7b: {  	_ =	shalt  }
0x7c: {  	_ =	shalt  }
0x7d: {  	_ =	shalt  }
0x7e: {  	_ =	shalt  }
0x7f: {  	_ =	shalt  }
0x80: {  	_ =	shalt  }
0x81: {  	_ =	shalt  }
0x82: {  	_ =	shalt  }
0x83: {  	_ =	shalt  }
0x84: {  	_ =	shalt  }
0x85: {  	_ =	shalt  }
0x86: {  	_ =	shalt  }
0x87: {  	_ =	shalt  }
.Lfunc_end0:
.L_simem_size_0:
called_computation_lowered:
.L_overlay_start_0:
0x88: {  	s2 =	sld [smem:$0x3FD9]  }
0x89: {  	s3 =	sld [smem:$0x3FFE];
	_ =	sdelay $0x1  }
0x8a: {  	s1 =	srdreg.scid  }
0x8b: {  	s0 =	sand.u32 $0x1, s1  }
0x8c: {  	s14 =	sshll.u32 s0, $0xA;
	s2 =	sadd.s32 s3, s2  }
0x8d: {  	s2 =	sadd.s32 s2, s14  }
0x8e: {  	[smem:$0x3FB8] =	sst s2  }
0x8f: {  	_ = 	snop  }
0x90: {  	s2 =	sld [smem:$0x3FD0];
	_ =	sdelay $0x2  }
0x91: {  	s15 =	simm.s32 $0xB;
	s4 =	simm.s32 $0x10  }
0x92: {  	[smem:s4], [sflag:s15] =	dma.local [hbm:s2], $0x1  }
0x93: {  	_ =	swait.eq [sflag:s15], $0x1  }
0x94: {  	[sflag:s15] =	ssyncset.done $0x0  }
0x95: {  	s16 =	sld [smem:$0x10];
	[sflag:s15] =	ssyncadd.s32 $0xFFFFFFFF  }
0x96: {  	s17 =	sld [smem:$0x11];
	(tm) =	ssettm $0x1  }
0x97: {  	s18 =	sld [smem:$0x3FFB];
	_ =	sdelay $0x3  }
0x98: {  	_ =	strace s18  }
0x99: {  	s4 =	sld [smem:$0x3FFC];
	_ =	sdelay $0x3  }
0x9a: {  	_ =	strace s4  }
0x9b: {  	s4 =	sld [smem:$0x3FFD];
	_ =	sdelay $0x3  }
0x9c: {  	_ =	strace s4  }
0x9d: {  	_ =	strace $0x8FFFFFFF  }
0x9e: {  	s19 =	sld [smem:$0x3FDB];
	_ =	sdelay $0x1  }
0x9f: {  	s5 =	simm.s32 $_scs_section_size  }
0xa0: {  	s6 =	simm.s32 $_size__tile_overlayer_lowered;
	s7 =	simm.s32 $_tile_overlayer_lowered  }
0xa1: {  	s22 =	simm.s32 $0x1BFF;
	s21 =	sshll.u32 s7, $0x1;
	s4 =	sadd.s32 s5, s19  }
0xa2: {  	s8 =	simm.s32 $0x0;
	s20 =	sshll.u32 s6, $0x1;
	s6 =	sadd.s32 s21, s4  }
0xa3: {  	[timem:s8], [sflag:s22] =	dma.local [hbm:s6], s20  }
0xa4: {  	_ =	swait.ge [sflag:s22], s20  }
0xa5: {  	s5 =	ssub.s32 $0x0, s20;
	[sflag:s22] =	ssyncset.done $0x0  }
0xa6: {  	[sflag:s22] =	ssyncadd.s32 s5;
	_ =	sdelay $0x1  }
0xa7: {  	s23 =	simm.s32 $0x1B8B  }
0xa8: {  	_ =	swait.ge [sflag:s23], $0x1  }
0xa9: {  	[sflag:s23] =	ssyncset.done $0x0  }
0xaa: {  	s25 =	simm.s32 $0x1B8E;
	s24 =	sld [smem:$0x3FFE];
	[sflag:s23] =	ssyncadd.s32 $0xFFFFFFFF  }
0xab: {  	s26 =	simm.s32 $execute0_lowered;
	[smem:$0x3FD2] =	sst s25  }
0xac: {  	s6 =	sshll.u32 s26, $0x1;
	_ =	strace $0x80000046;
	[dreg:$0x1] =	wrdreg $0xFFFFFFFF  }
0xad: {  	s28 =	simm.s32 $_size_execute0_lowered;
	s4 =	sadd.s32 s4, s6;
	[dreg:$0x0] =	wrdreg $0x0  }
0xae: {  	s6 =	sshll.u32 s28, $0x1;
	[dreg:$0x2] =	wrdreg s4  }
0xaf: {  	[dreg:$0x3] =	wrdreg s6  }
0xb0: {  	[dreg:$0x4] =	wrdreg $0xC0  }
0xb1: {  	_ =	task [dreg:s8], $0x5FFFF  }
0xb2: {  	[dreg:$0x1] =	wrdreg $0xFFFFFFFF  }
0xb3: {  	[dreg:$0x0] =	wrdreg $0x60  }
0xb4: {  	[dreg:$0x2] =	wrdreg s24  }
0xb5: {  	[dreg:$0x3] =	wrdreg s17  }
0xb6: {  	[dreg:$0x4] =	wrdreg s16  }
0xb7: {  	[dreg:$0x5] =	wrdreg $0x9  }
0xb8: {  	_ =	task.clear_ibuf [dreg:s8], $0x6FFFF;
	_ =	strace $0x90000046  }
0xb9: {  	s29 =	simm.s32 $0x9;
	_ =	strace $0x80000048  }
0xba: {  	_ =	swait.ge [sflag:s29], $0x1  }
0xbb: {  	[sflag:s29] =	ssyncadd.s32 $0xFFFFFFFF  }
0xbc: {  	_ =	strace $0x90000048  }
0xbd: {  	_ =	sfence  }
0xbe: {  	s30 =	sld [smem:$0x0];
	_ =	sdelay $0x2  }
0xbf: {  	s31 =	sshll.u32 s1, $0xD;
	s1 =	sshrl.u32 s1, $0x2  }
0xc0: {  	s3 =	sand.u32 $0x4000, s31;
	s1 =	sadd.s32 s1, s30  }
0xc1: {  	s0 =	sor.u32 s3, s0;
	s1 =	sshll.u32 s1, $0x11  }
0xc2: {  	s0 =	sor.u32 s1, s0  }
0xc3: {  	s0 =	sadd.s32 $0x8F2B, s0  }
0xc4: {  	[sflag:s0] =	ssyncadd.remote.s32 $0x1  }
0xc5: {  	_ =	sfence.sel $0xFFFF  }
0xc6: {  	[dreg:$0x0] =	wrdreg $0xFFFFFFFF;
	(pc) =	sbr.abs _section_cstart, $3  }
0xc7: {  	[dreg:$0x1] =	wrdreg $0xFFFFFFFF  }
0xc8: {  	_ =	task.clear_ibuf [dreg:s8], $0x2FFFF;
	_ =	strace $0x9FFFFFFF  }
0xc9: {  	(tm) =	ssettm $0x7FFFFFFF  }
tec
execute0_lowered:
.L_overlay_start_1:
0x0: {  	(tag) =	ssettag $0x1  }
0x1: {  	s0 =	rddreg [dreg:$0x0];
	s4 =	simm.s32 $0x0;
	v0 =	vlaneseq.u32  }
0x2: {  	[smem:$0x7FF] =	sst s4;
	v3 =	vand.u32 $0x7, v0  }
0x3: {  	s3 =	rddreg [dreg:$0x2];
	v1 =	vshrl.u32 v0, $0x3;
	v2 =	vmul.u32 $0x4, v0;
	v0 =	vor.u32 $0x8, v0;
	_ =	strace $0x80000047;
	[tilespmem:$0x1FED0] =	vst v3  }
0x4: {  	v1 =	vmul.u32 $0x8, v1;
	[tilespmem:$0x1FEF0] =	vst v0  }
0x5: {  	[tilespmem:$0x1FFE0] =	vst v2  }
0x6: {  	v49 =	vor.u32 $0x1, v2;
	[tilespmem:$0x1FEE0] =	vst v1  }
0x7: {  	v50 =	vor.u32 $0x2, v2;
	[tilespmem:$0x1FF00] =	vst v49  }
0x8: {  	v51 =	vor.u32 $0x3, v2;
	[tilespmem:$0x1FF10] =	vst v50  }
0x9: {  	v52 =	vor.u32 $0x40, v2;
	[tilespmem:$0x1FF20] =	vst v51  }
0xa: {  	v53 =	vor.u32 $0x41, v2;
	[tilespmem:$0x1FF30] =	vst v52  }
0xb: {  	v54 =	vor.u32 $0x42, v2;
	[tilespmem:$0x1FF40] =	vst v53  }
0xc: {  	s1 =	srdreg.scid;
	s2 =	stileid.u32;
	v55 =	vor.u32 $0x43, v2;
	[tilespmem:$0x1FF50] =	vst v54  }
0xd: {  	s14 =	simm.s32 $0x4;
	s29 =	simm.s32 $0x11000;
	s30 =	simm.s32 $0x11800;
	v56 =	vor.u32 $0x80, v2;
	[tilespmem:$0x1FF60] =	vst v55  }
0xe: {  	s31 =	simm.s32 $0x12000;
	s15 =	simm.s32 $0x2;
	s16 =	simm.s32 $0x17A00;
	v57 =	vor.u32 $0x81, v2;
	[tilespmem:$0x1FF70] =	vst v56  }
0xf: {  	s17 =	simm.s32 $0x3;
	s18 =	simm.s32 $0x0;
	s1 =	sand.u32 $0x1, s1;
	v58 =	vor.u32 $0x82, v2;
	[tilespmem:$0x1FF80] =	vst v57  }
0x10: {  	s2 =	sshll.u32 s2, $0x1;
	s5 =	sadd.s32 $0x3C00, s0;
	s6 =	sadd.s32 $0xADC00, s0;
	v59 =	vor.u32 $0x83, v2;
	[tilespmem:$0x1FF90] =	vst v58  }
0x11: {  	s8 =	sadd.s32 $0xA3C00, s0;
	s9 =	sadd.s32 $0xA8C00, s0;
	s2 =	sor.u32 s1, s2;
	v60 =	vor.u32 $0xC0, v2;
	[tilespmem:$0x1FFA0] =	vst v59  }
0x12: {  	s10 =	sadd.s32 $0xFDC00, s0;
	s1 =	ssub.s32 $0x2, s1;
	s7 =	smul.u32 $0x1400, s2;
	v61 =	vor.u32 $0xC1, v2;
	[tilespmem:$0x1FFB0] =	vst v60  }
0x13: {  	s0 =	simm.s32 $0x12800;
	s25 =	sshrl.u32 s1, $0x1;
	s2 =	simm.s32 $0x13000;
	v62 =	vor.u32 $0xC2, v2;
	[tilespmem:$0x1FFC0] =	vst v61  }
0x14: {  	v63 =	vor.u32 $0xC3, v2;
	s26 =	ssub.s32 s1, s25;
	s1 =	simm.s32 $0x1;
	[tilespmem:$0x1FFD0] =	vst v62;
	s28 =	sshrl.u32 s7, $0x3  }
0x15: {  	vm0 =	vmmov $0xffff;
	[tilespmem:$0x1FFF0] =	vst v63;
	s13 =	smax.u32 s26, $0x1;
	s11 =	sadd.s32 s8, s28;
	s12 =	sadd.s32 s9, s28  }
.LBB2_1:
0x16: {  	s19 =	rddreg [dreg:$0x1]  }
0x17: {  	[tilespmem:s4], [sflag:$0x4] =	stream.linear.gather [hbm4b:s19+s4], $0x7800, $0x38;
	[tilespmem:$0x17B00] =	vst v63  }
0x18: {  	_ =	swait.ge [sflag:s14], $0x7800  }
0x19: {  	[sflag:s14] =	ssyncset.done $0x0  }
0x1a: {  	s23 =	simm.s32 $0x17800;
	[sflag:s14] =	ssyncadd.s32 $0xFFFF8800  }
0x1b: {  	[tilespmem:s23], [sflag:$0x4] =	stream.linear.gather [hbm4b:s11+s4], $0x40, $0x38;
	[tilespmem:$0x17B00] =	vst v63  }
0x1c: {  	_ =	swait.ge [sflag:s14], $0x40  }
0x1d: {  	[sflag:s14] =	ssyncset.done $0x0  }
0x1e: {  	s24 =	simm.s32 $0x17900;
	[sflag:s14] =	ssyncadd.s32 $0xFFFFFFC0  }
0x1f: {  	[tilespmem:s24], [sflag:$0x4] =	stream.linear.gather [hbm4b:s12+s4], $0x40, $0x38;
	[tilespmem:$0x17B00] =	vst v63  }
0x20: {  	_ =	swait.ge [sflag:s14], $0x40  }
0x21: {  	[sflag:s14] =	ssyncset.done $0x0  }
0x22: {  	[sflag:s14] =	ssyncadd.s32 $0xFFFFFFC0  }
0x23: {  	v0 =	vld [tilespmem:$0x17800];
	_ =	sdelay $0x2  }
0x24: {  	v2 =	vld [tilespmem:$0x1FED0]  }
0x25: {  	v3 =	vld [tilespmem:$0x1FEE0]  }
0x26: {  	v4 =	vld [tilespmem:$0x1FEF0];
	v1 =	vshll.u32 v0, $0x1  }
0x27: {  	v0 =	vand.u32 $0x7, v0;
	v1 =	vand.u32 $0xFFFFFFF0, v1  }
0x28: {  	v0 =	vor.u32 v0, v1  }
0x29: {  	v1 =	vperm.xlane v0, v2;
	_ =	sdelay $0x1  }
0x2a: {  	v0 =	vperm.xlane v0, v4;
	v1 =	vadd.s32 v3, v1;
	_ =	sdelay $0x1  }
0x2b: {  	v0 =	vadd.s32 v3, v0;
	_ =	sdelay $0x1  }
0x2c: {  	s25 =	simm.s32 $0x7800  }
0x2d: {  	[tilespmem:s25], [sflag:$0x1] =	stream.indirect_vreg.gather [hbm4b:s5+s4], $0x80, v1, vm0, $0xb8;
	[tilespmem:$0x17B00] =	vst v63  }
0x2e: {  	s26 =	simm.s32 $0x8000  }
0x2f: {  	[tilespmem:s26], [sflag:$0x1] =	stream.indirect_vreg.gather [hbm4b:s5+s4], $0x80, v0, vm0, $0xb8;
	[tilespmem:$0x17B00] =	vst v63  }
0x30: {  	v0 =	vld [tilespmem:$0x17810];
	_ =	sdelay $0x4  }
0x31: {  	v57 =	vshll.u32 v0, $0x1  }
0x32: {  	v0 =	vand.u32 $0x7, v0;
	v1 =	vand.u32 $0xFFFFFFF0, v57  }
0x33: {  	v0 =	vor.u32 v0, v1  }
0x34: {  	v1 =	vperm.xlane v0, v2;
	_ =	sdelay $0x1  }
0x35: {  	v0 =	vperm.xlane v0, v4;
	v1 =	vadd.s32 v3, v1;
	_ =	sdelay $0x1  }
0x36: {  	v0 =	vadd.s32 v3, v0;
	_ =	sdelay $0x1  }
0x37: {  	s28 =	simm.s32 $0x8800  }
0x38: {  	[tilespmem:s28], [sflag:$0x1] =	stream.indirect_vreg.gather [hbm4b:s5+s4], $0x80, v1, vm0, $0xb8;
	[tilespmem:$0x17B00] =	vst v63  }
0x39: {  	s20 =	simm.s32 $0x9000  }
0x3a: {  	[tilespmem:s20], [sflag:$0x1] =	stream.indirect_vreg.gather [hbm4b:s5+s4], $0x80, v0, vm0, $0xb8;
	[tilespmem:$0x17B00] =	vst v63  }
0x3b: {  	v0 =	vld [tilespmem:$0x17820];
	_ =	sdelay $0x4  }
0x3c: {  	v58 =	vshll.u32 v0, $0x1  }
0x3d: {  	v0 =	vand.u32 $0x7, v0;
	v1 =	vand.u32 $0xFFFFFFF0, v58  }
0x3e: {  	v0 =	vor.u32 v0, v1  }
0x3f: {  	v1 =	vperm.xlane v0, v2;
	_ =	sdelay $0x1  }
0x40: {  	v0 =	vperm.xlane v0, v4;
	v1 =	vadd.s32 v3, v1;
	_ =	sdelay $0x1  }
0x41: {  	v0 =	vadd.s32 v3, v0;
	_ =	sdelay $0x1  }
0x42: {  	s21 =	simm.s32 $0x9800  }
0x43: {  	[tilespmem:s21], [sflag:$0x1] =	stream.indirect_vreg.gather [hbm4b:s5+s4], $0x80, v1, vm0, $0xb8;
	[tilespmem:$0x17B00] =	vst v63  }
0x44: {  	s22 =	simm.s32 $0xA000  }
0x45: {  	[tilespmem:s22], [sflag:$0x1] =	stream.indirect_vreg.gather [hbm4b:s5+s4], $0x80, v0, vm0, $0xb8;
	[tilespmem:$0x17B00] =	vst v63  }
0x46: {  	v0 =	vld [tilespmem:$0x17830];
	_ =	sdelay $0x4  }
0x47: {  	v59 =	vshll.u32 v0, $0x1  }
0x48: {  	v0 =	vand.u32 $0x7, v0;
	v1 =	vand.u32 $0xFFFFFFF0, v59  }
0x49: {  	v0 =	vor.u32 v0, v1  }
0x4a: {  	v1 =	vperm.xlane v0, v2;
	_ =	sdelay $0x1  }
0x4b: {  	v0 =	vperm.xlane v0, v4;
	v1 =	vadd.s32 v3, v1;
	_ =	sdelay $0x1  }
0x4c: {  	v0 =	vadd.s32 v3, v0;
	_ =	sdelay $0x1  }
0x4d: {  	s23 =	simm.s32 $0xA800  }
0x4e: {  	[tilespmem:s23], [sflag:$0x1] =	stream.indirect_vreg.gather [hbm4b:s5+s4], $0x80, v1, vm0, $0xb8;
	[tilespmem:$0x17B00] =	vst v63  }
0x4f: {  	s24 =	simm.s32 $0xB000  }
0x50: {  	[tilespmem:s24], [sflag:$0x1] =	stream.indirect_vreg.gather [hbm4b:s5+s4], $0x80, v0, vm0, $0xb8;
	[tilespmem:$0x17B00] =	vst v63  }
0x51: {  	v0 =	vld [tilespmem:$0x17900];
	_ =	sdelay $0x4  }
0x52: {  	v60 =	vshll.u32 v0, $0x1  }
0x53: {  	v0 =	vand.u32 $0x7, v0;
	v1 =	vand.u32 $0xFFFFFFF0, v60  }
0x54: {  	v0 =	vor.u32 v0, v1  }
0x55: {  	v1 =	vperm.xlane v0, v2;
	_ =	sdelay $0x1  }
0x56: {  	v0 =	vperm.xlane v0, v4;
	v1 =	vadd.s32 v3, v1;
	_ =	sdelay $0x1  }
0x57: {  	v0 =	vadd.s32 v3, v0;
	_ =	sdelay $0x1  }
0x58: {  	s25 =	simm.s32 $0xF800  }
0x59: {  	[tilespmem:s25], [sflag:$0x2] =	stream.indirect_vreg.gather [hbm4b:s6+s4], $0x80, v1, vm0, $0xb8;
	[tilespmem:$0x17B00] =	vst v63  }
0x5a: {  	s26 =	simm.s32 $0x10000  }
0x5b: {  	[tilespmem:s26], [sflag:$0x2] =	stream.indirect_vreg.gather [hbm4b:s6+s4], $0x80, v0, vm0, $0xb8;
	[tilespmem:$0x17B00] =	vst v63  }
0x5c: {  	v0 =	vld [tilespmem:$0x17910];
	_ =	sdelay $0x4  }
0x5d: {  	v61 =	vshll.u32 v0, $0x1  }
0x5e: {  	v0 =	vand.u32 $0x7, v0;
	v1 =	vand.u32 $0xFFFFFFF0, v61  }
0x5f: {  	v0 =	vor.u32 v0, v1  }
0x60: {  	v1 =	vperm.xlane v0, v2;
	_ =	sdelay $0x1  }
0x61: {  	v0 =	vperm.xlane v0, v4;
	v1 =	vadd.s32 v3, v1;
	_ =	sdelay $0x1  }
0x62: {  	v0 =	vadd.s32 v3, v0;
	_ =	sdelay $0x1  }
0x63: {  	s28 =	simm.s32 $0x10800  }
0x64: {  	[tilespmem:s28], [sflag:$0x2] =	stream.indirect_vreg.gather [hbm4b:s6+s4], $0x80, v1, vm0, $0xb8;
	[tilespmem:$0x17B00] =	vst v63  }
0x65: {  	_ = 	snop  }
0x66: {  	[tilespmem:s29], [sflag:$0x2] =	stream.indirect_vreg.gather [hbm4b:s6+s4], $0x80, v0, vm0, $0xb8;
	[tilespmem:$0x17B00] =	vst v63  }
0x67: {  	v0 =	vld [tilespmem:$0x17920];
	_ =	sdelay $0x4  }
0x68: {  	v62 =	vshll.u32 v0, $0x1  }
0x69: {  	v0 =	vand.u32 $0x7, v0;
	v1 =	vand.u32 $0xFFFFFFF0, v62  }
0x6a: {  	v0 =	vor.u32 v0, v1  }
0x6b: {  	v1 =	vperm.xlane v0, v2;
	_ =	sdelay $0x1  }
0x6c: {  	v0 =	vperm.xlane v0, v4;
	v1 =	vadd.s32 v3, v1;
	_ =	sdelay $0x1  }
0x6d: {  	v0 =	vadd.s32 v3, v0;
	_ =	sdelay $0x2  }
0x6e: {  	[tilespmem:s30], [sflag:$0x2] =	stream.indirect_vreg.gather [hbm4b:s6+s4], $0x80, v1, vm0, $0xb8;
	[tilespmem:$0x17B00] =	vst v63  }
0x6f: {  	_ = 	snop  }
0x70: {  	[tilespmem:s31], [sflag:$0x2] =	stream.indirect_vreg.gather [hbm4b:s6+s4], $0x80, v0, vm0, $0xb8;
	[tilespmem:$0x17B00] =	vst v63  }
0x71: {  	v0 =	vld [tilespmem:$0x17930];
	_ =	sdelay $0x4  }
0x72: {  	v63 =	vshll.u32 v0, $0x1  }
0x73: {  	v0 =	vand.u32 $0x7, v0;
	v1 =	vand.u32 $0xFFFFFFF0, v63  }
0x74: {  	v0 =	vor.u32 v0, v1  }
0x75: {  	v1 =	vperm.xlane v0, v2;
	_ =	sdelay $0x1  }
0x76: {  	v0 =	vperm.xlane v0, v4;
	v1 =	vadd.s32 v3, v1;
	_ =	sdelay $0x1  }
0x77: {  	v0 =	vadd.s32 v3, v0;
	_ =	sdelay $0x2  }
0x78: {  	[tilespmem:s0], [sflag:$0x2] =	stream.indirect_vreg.gather [hbm4b:s6+s4], $0x80, v1, vm0, $0xb8;
	[tilespmem:$0x17B00] =	vst v63  }
0x79: {  	s19 =	simm.s32 $0x0  }
0x7a: {  	[tilespmem:s2], [sflag:$0x2] =	stream.indirect_vreg.gather [hbm4b:s6+s4], $0x80, v0, vm0, $0xb8;
	[tilespmem:$0x17B00] =	vst v63  }
.LBB2_2:
0x7b: {  	p0 =	seq.s32 s19, $0x4F  }
.Ltmp0:
0x7c: {  	_ = 	snop;
	(pc) =	sbr.rel @p0 .LBB2_4-.Ltmp0, $2  }
0x7d: {  	_ =	sdelay $0x2  }
0x7e: {  	s23 =	sadd.s32 $0x1, s19  }
0x7f: {  	p0 =	seq.s32 s19, $0x0  }
0x80: {  	s20 =	sshll.u32 s23, $0x6;
	s21 =	simm.s32 @!p0 $0x3  }
0x81: {  	s22 =	sand.u32 $0x1, s23;
	s24 =	sadd.s32 s7, s20;
	_ =	swait.ge @!p0 [sflag:s21], $0x4000  }
0x82: {  	s20 =	sshll.u32 s22, $0x7;
	s24 =	sshrl.u32 s24, $0x3;
	[sflag:s21] =	ssyncset.done @!p0 $0x0  }
0x83: {  	s26 =	sor.u32 $0x17800, s20;
	s25 =	sadd.s32 s8, s24;
	[sflag:s21] =	ssyncadd.s32 @!p0 $0xFFFFC000  }
0x84: {  	[tilespmem:s26], [sflag:$0x4] =	stream.linear.gather [hbm4b:s25+s4], $0x40, $0x38;
	[tilespmem:$0x17B00] =	vst v63  }
0x85: {  	_ =	swait.ge [sflag:s14], $0x40  }
0x86: {  	[sflag:s14] =	ssyncset.done $0x0  }
0x87: {  	s28 =	sor.u32 $0x17900, s20;
	s24 =	sadd.s32 s9, s24;
	[sflag:s14] =	ssyncadd.s32 $0xFFFFFFC0  }
0x88: {  	[tilespmem:s28], [sflag:$0x4] =	stream.linear.gather [hbm4b:s24+s4], $0x40, $0x38;
	[tilespmem:$0x17B00] =	vst v63  }
0x89: {  	_ =	swait.ge [sflag:s14], $0x40  }
0x8a: {  	[sflag:s14] =	ssyncset.done $0x0  }
0x8b: {  	[sflag:s14] =	ssyncadd.s32 $0xFFFFFFC0  }
0x8c: {  	v0 =	vld [tilespmem:s20+$0x17800];
	_ =	sdelay $0x2  }
0x8d: {  	v2 =	vld [tilespmem:$0x1FED0]  }
0x8e: {  	v3 =	vld [tilespmem:$0x1FEE0]  }
0x8f: {  	v4 =	vld [tilespmem:$0x1FEF0];
	v1 =	vshll.u32 v0, $0x1  }
0x90: {  	v0 =	vand.u32 $0x7, v0;
	v1 =	vand.u32 $0xFFFFFFF0, v1  }
0x91: {  	v0 =	vor.u32 v0, v1  }
0x92: {  	v1 =	vperm.xlane v0, v2;
	_ =	sdelay $0x1  }
0x93: {  	v0 =	vperm.xlane v0, v4;
	v1 =	vadd.s32 v3, v1;
	_ =	sdelay $0x1  }
0x94: {  	v0 =	vadd.s32 v3, v0  }
0x95: {  	s21 =	sshll.u32 s22, $0xE  }
0x96: {  	s22 =	sadd.s32 $0x7800, s21  }
0x97: {  	[tilespmem:s22], [sflag:$0x1] =	stream.indirect_vreg.gather [hbm4b:s5+s4], $0x80, v1, vm0, $0xb8;
	[tilespmem:$0x17B00] =	vst v63  }
0x98: {  	s25 =	sor.u32 $0x8000, s21  }
0x99: {  	[tilespmem:s25], [sflag:$0x1] =	stream.indirect_vreg.gather [hbm4b:s5+s4], $0x80, v0, vm0, $0xb8;
	[tilespmem:$0x17B00] =	vst v63  }
0x9a: {  	v0 =	vld [tilespmem:s20+$0x17810];
	_ =	sdelay $0x4  }
0x9b: {  	v57 =	vshll.u32 v0, $0x1  }
0x9c: {  	v0 =	vand.u32 $0x7, v0;
	v1 =	vand.u32 $0xFFFFFFF0, v57  }
0x9d: {  	v0 =	vor.u32 v0, v1  }
0x9e: {  	v1 =	vperm.xlane v0, v2;
	_ =	sdelay $0x1  }
0x9f: {  	v0 =	vperm.xlane v0, v4;
	v1 =	vadd.s32 v3, v1;
	_ =	sdelay $0x1  }
0xa0: {  	v0 =	vadd.s32 v3, v0;
	_ =	sdelay $0x1  }
0xa1: {  	s26 =	sor.u32 $0x8800, s21  }
0xa2: {  	[tilespmem:s26], [sflag:$0x1] =	stream.indirect_vreg.gather [hbm4b:s5+s4], $0x80, v1, vm0, $0xb8;
	[tilespmem:$0x17B00] =	vst v63  }
0xa3: {  	s28 =	sor.u32 $0x9000, s21  }
0xa4: {  	[tilespmem:s28], [sflag:$0x1] =	stream.indirect_vreg.gather [hbm4b:s5+s4], $0x80, v0, vm0, $0xb8;
	[tilespmem:$0x17B00] =	vst v63  }
0xa5: {  	v0 =	vld [tilespmem:s20+$0x17820];
	_ =	sdelay $0x4  }
0xa6: {  	v58 =	vshll.u32 v0, $0x1  }
0xa7: {  	v0 =	vand.u32 $0x7, v0;
	v1 =	vand.u32 $0xFFFFFFF0, v58  }
0xa8: {  	v0 =	vor.u32 v0, v1  }
0xa9: {  	v1 =	vperm.xlane v0, v2;
	_ =	sdelay $0x1  }
0xaa: {  	v0 =	vperm.xlane v0, v4;
	v1 =	vadd.s32 v3, v1;
	_ =	sdelay $0x1  }
0xab: {  	v0 =	vadd.s32 v3, v0;
	_ =	sdelay $0x1  }
0xac: {  	s24 =	sor.u32 $0x9800, s21  }
0xad: {  	[tilespmem:s24], [sflag:$0x1] =	stream.indirect_vreg.gather [hbm4b:s5+s4], $0x80, v1, vm0, $0xb8;
	[tilespmem:$0x17B00] =	vst v63  }
0xae: {  	s25 =	sor.u32 $0xA000, s21  }
0xaf: {  	[tilespmem:s25], [sflag:$0x1] =	stream.indirect_vreg.gather [hbm4b:s5+s4], $0x80, v0, vm0, $0xb8;
	[tilespmem:$0x17B00] =	vst v63  }
0xb0: {  	v0 =	vld [tilespmem:s20+$0x17830];
	_ =	sdelay $0x4  }
0xb1: {  	v59 =	vshll.u32 v0, $0x1  }
0xb2: {  	v0 =	vand.u32 $0x7, v0;
	v1 =	vand.u32 $0xFFFFFFF0, v59  }
0xb3: {  	v0 =	vor.u32 v0, v1  }
0xb4: {  	v1 =	vperm.xlane v0, v2;
	_ =	sdelay $0x1  }
0xb5: {  	v0 =	vperm.xlane v0, v4;
	v1 =	vadd.s32 v3, v1;
	_ =	sdelay $0x1  }
0xb6: {  	v0 =	vadd.s32 v3, v0;
	_ =	sdelay $0x1  }
0xb7: {  	s26 =	sor.u32 $0xA800, s21  }
0xb8: {  	[tilespmem:s26], [sflag:$0x1] =	stream.indirect_vreg.gather [hbm4b:s5+s4], $0x80, v1, vm0, $0xb8;
	[tilespmem:$0x17B00] =	vst v63  }
0xb9: {  	s28 =	sor.u32 $0xB000, s21  }
0xba: {  	[tilespmem:s28], [sflag:$0x1] =	stream.indirect_vreg.gather [hbm4b:s5+s4], $0x80, v0, vm0, $0xb8;
	[tilespmem:$0x17B00] =	vst v63  }
0xbb: {  	v0 =	vld [tilespmem:s20+$0x17900];
	_ =	sdelay $0x4  }
0xbc: {  	v60 =	vshll.u32 v0, $0x1  }
0xbd: {  	v0 =	vand.u32 $0x7, v0;
	v1 =	vand.u32 $0xFFFFFFF0, v60  }
0xbe: {  	v0 =	vor.u32 v0, v1  }
0xbf: {  	v1 =	vperm.xlane v0, v2;
	_ =	sdelay $0x1  }
0xc0: {  	v0 =	vperm.xlane v0, v4;
	v1 =	vadd.s32 v3, v1;
	_ =	sdelay $0x1  }
0xc1: {  	v0 =	vadd.s32 v3, v0;
	_ =	sdelay $0x1  }
0xc2: {  	s24 =	sadd.s32 $0xF800, s21  }
0xc3: {  	[tilespmem:s24], [sflag:$0x2] =	stream.indirect_vreg.gather [hbm4b:s6+s4], $0x80, v1, vm0, $0xb8;
	[tilespmem:$0x17B00] =	vst v63  }
0xc4: {  	s25 =	sor.u32 $0x10000, s21  }
0xc5: {  	[tilespmem:s25], [sflag:$0x2] =	stream.indirect_vreg.gather [hbm4b:s6+s4], $0x80, v0, vm0, $0xb8;
	[tilespmem:$0x17B00] =	vst v63  }
0xc6: {  	v0 =	vld [tilespmem:s20+$0x17910];
	_ =	sdelay $0x4  }
0xc7: {  	v61 =	vshll.u32 v0, $0x1  }
0xc8: {  	v0 =	vand.u32 $0x7, v0;
	v1 =	vand.u32 $0xFFFFFFF0, v61  }
0xc9: {  	v0 =	vor.u32 v0, v1  }
0xca: {  	v1 =	vperm.xlane v0, v2;
	_ =	sdelay $0x1  }
0xcb: {  	v0 =	vperm.xlane v0, v4;
	v1 =	vadd.s32 v3, v1;
	_ =	sdelay $0x1  }
0xcc: {  	v0 =	vadd.s32 v3, v0;
	_ =	sdelay $0x1  }
0xcd: {  	s26 =	sor.u32 $0x10800, s21  }
0xce: {  	[tilespmem:s26], [sflag:$0x2] =	stream.indirect_vreg.gather [hbm4b:s6+s4], $0x80, v1, vm0, $0xb8;
	[tilespmem:$0x17B00] =	vst v63  }
0xcf: {  	s28 =	sor.u32 $0x11000, s21  }
0xd0: {  	[tilespmem:s28], [sflag:$0x2] =	stream.indirect_vreg.gather [hbm4b:s6+s4], $0x80, v0, vm0, $0xb8;
	[tilespmem:$0x17B00] =	vst v63  }
0xd1: {  	v0 =	vld [tilespmem:s20+$0x17920];
	_ =	sdelay $0x4  }
0xd2: {  	v62 =	vshll.u32 v0, $0x1  }
0xd3: {  	v0 =	vand.u32 $0x7, v0;
	v1 =	vand.u32 $0xFFFFFFF0, v62  }
0xd4: {  	v0 =	vor.u32 v0, v1  }
0xd5: {  	v1 =	vperm.xlane v0, v2;
	_ =	sdelay $0x1  }
0xd6: {  	v0 =	vperm.xlane v0, v4;
	v1 =	vadd.s32 v3, v1;
	_ =	sdelay $0x1  }
0xd7: {  	v0 =	vadd.s32 v3, v0;
	_ =	sdelay $0x1  }
0xd8: {  	s24 =	sor.u32 $0x11800, s21  }
0xd9: {  	[tilespmem:s24], [sflag:$0x2] =	stream.indirect_vreg.gather [hbm4b:s6+s4], $0x80, v1, vm0, $0xb8;
	[tilespmem:$0x17B00] =	vst v63  }
0xda: {  	s25 =	sor.u32 $0x12000, s21  }
0xdb: {  	[tilespmem:s25], [sflag:$0x2] =	stream.indirect_vreg.gather [hbm4b:s6+s4], $0x80, v0, vm0, $0xb8;
	[tilespmem:$0x17B00] =	vst v63  }
0xdc: {  	v0 =	vld [tilespmem:s20+$0x17930];
	_ =	sdelay $0x4  }
0xdd: {  	v63 =	vshll.u32 v0, $0x1  }
0xde: {  	v0 =	vand.u32 $0x7, v0;
	v1 =	vand.u32 $0xFFFFFFF0, v63  }
0xdf: {  	v0 =	vor.u32 v0, v1  }
0xe0: {  	v1 =	vperm.xlane v0, v2;
	_ =	sdelay $0x1  }
0xe1: {  	v0 =	vperm.xlane v0, v4;
	v1 =	vadd.s32 v3, v1;
	_ =	sdelay $0x1  }
0xe2: {  	v0 =	vadd.s32 v3, v0;
	_ =	sdelay $0x1  }
0xe3: {  	s26 =	sor.u32 $0x12800, s21  }
0xe4: {  	[tilespmem:s26], [sflag:$0x2] =	stream.indirect_vreg.gather [hbm4b:s6+s4], $0x80, v1, vm0, $0xb8;
	[tilespmem:$0x17B00] =	vst v63  }
0xe5: {  	s28 =	sor.u32 $0x13000, s21  }
0xe6: {  	[tilespmem:s28], [sflag:$0x2] =	stream.indirect_vreg.gather [hbm4b:s6+s4], $0x80, v0, vm0, $0xb8;
	[tilespmem:$0x17B00] =	vst v63  }
.LBB2_4:
0xe7: {  	_ =	swait.ge [sflag:s1], $0x4000  }
0xe8: {  	[sflag:s1] =	ssyncset.done $0x0  }
0xe9: {  	[sflag:s1] =	ssyncadd.s32 $0xFFFFC000  }
0xea: {  	_ =	swait.ge [sflag:s15], $0x4000  }
0xeb: {  	s21 =	sand.u32 $0x1, s19;
	[sflag:s15] =	ssyncset.done $0x0  }
0xec: {  	s22 =	sshll.u32 s21, $0x7;
	[sflag:s15] =	ssyncadd.s32 $0xFFFFC000  }
0xed: {  	v0 =	vld [tilespmem:s22+$0x17800]  }
0xee: {  	v1 =	vld [tilespmem:s22+$0x17900];
	_ =	sdelay $0x3  }
0xef: {  	v0 =	vmul.u32 $0x3, v0  }
0xf0: {  	v1 =	vmul.u32 $0x3, v1;
	_ =	sdelay $0x1  }
0xf1: {  	v2 =	vadd.s32 $0x1, v0  }
0xf2: {  	v3 =	vadd.s32 $0x1, v1  }
0xf3: {  	s20 =	simm.s32 $0x0  }
0xf4: {  	v4 =	vadd.s32 $0x2, v0;
	v0 =	vld.idx.msk [tilespmem:v0+s20+$0x0], $0xffff  }
0xf5: {  	v5 =	vadd.s32 $0x2, v1;
	v1 =	vld.idx.msk [tilespmem:v1+s20+$0x0], $0xffff  }
0xf6: {  	v2 =	vld.idx.msk [tilespmem:v2+s20+$0x0], $0xffff  }
0xf7: {  	v3 =	vld.idx.msk [tilespmem:v3+s20+$0x0], $0xffff;
	_ =	sdelay $0x4  }
0xf8: {  	v0 =	vsub.f32 v0, v1;
	v1 =	vsub.f32 v2, v3;
	v3 =	vld [tilespmem:$0x1FFE0];
	_ =	sdelay $0x5  }
0xf9: {  	v4 =	vld.idx.msk [tilespmem:v4+s20+$0x0], $0xffff  }
0xfa: {  	v5 =	vld.idx.msk [tilespmem:v5+s20+$0x0], $0xffff  }
0xfb: {  	[tilespmem:v3+s16+$0x0] =	vst.idx.msk $0xffff, v0;
	v0 =	vld [tilespmem:$0x1FF00];
	_ =	sdelay $0x7  }
0xfc: {  	[tilespmem:v0+s16+$0x0] =	vst.idx.msk $0xffff, v1;
	v0 =	vld [tilespmem:$0x1FF10];
	_ =	sdelay $0x5  }
0xfd: {  	v2 =	vsub.f32 v4, v5;
	_ =	sdelay $0x1  }
0xfe: {  	[tilespmem:v0+s16+$0x0] =	vst.idx.msk $0xffff, v2;
	v0 =	vld [tilespmem:$0x1FF20];
	_ =	sdelay $0x6  }
0xff: {  	v6 =	vimm.f32 $0.0e+00  }
0x100: {  	[tilespmem:v0+s16+$0x0] =	vst.idx.msk $0xffff, v6  }
0x101: {  	v0 =	vld [tilespmem:s22+$0x17810]  }
0x102: {  	v1 =	vld [tilespmem:s22+$0x17910];
	_ =	sdelay $0x3  }
0x103: {  	v0 =	vmul.u32 $0x3, v0  }
0x104: {  	v1 =	vmul.u32 $0x3, v1;
	_ =	sdelay $0x1  }
0x105: {  	v2 =	vadd.s32 $0x1, v0  }
0x106: {  	v3 =	vadd.s32 $0x1, v1;
	_ =	sdelay $0x1  }
0x107: {  	v4 =	vadd.s32 $0x2, v0;
	v0 =	vld.idx.msk [tilespmem:v0+s20+$0x0], $0xffff  }
0x108: {  	v5 =	vadd.s32 $0x2, v1;
	v1 =	vld.idx.msk [tilespmem:v1+s20+$0x0], $0xffff  }
0x109: {  	v2 =	vld.idx.msk [tilespmem:v2+s20+$0x0], $0xffff  }
0x10a: {  	v3 =	vld.idx.msk [tilespmem:v3+s20+$0x0], $0xffff;
	_ =	sdelay $0x4  }
0x10b: {  	v0 =	vsub.f32 v0, v1;
	v1 =	vsub.f32 v2, v3;
	v3 =	vld [tilespmem:$0x1FF30];
	_ =	sdelay $0x5  }
0x10c: {  	v4 =	vld.idx.msk [tilespmem:v4+s20+$0x0], $0xffff  }
0x10d: {  	v5 =	vld.idx.msk [tilespmem:v5+s20+$0x0], $0xffff  }
0x10e: {  	[tilespmem:v3+s16+$0x0] =	vst.idx.msk $0xffff, v0;
	v0 =	vld [tilespmem:$0x1FF40];
	_ =	sdelay $0x7  }
0x10f: {  	[tilespmem:v0+s16+$0x0] =	vst.idx.msk $0xffff, v1;
	v0 =	vld [tilespmem:$0x1FF50];
	_ =	sdelay $0x5  }
0x110: {  	v2 =	vsub.f32 v4, v5;
	_ =	sdelay $0x1  }
0x111: {  	[tilespmem:v0+s16+$0x0] =	vst.idx.msk $0xffff, v2;
	v0 =	vld [tilespmem:$0x1FF60];
	_ =	sdelay $0x7  }
0x112: {  	[tilespmem:v0+s16+$0x0] =	vst.idx.msk $0xffff, v6  }
0x113: {  	v0 =	vld [tilespmem:s22+$0x17820]  }
0x114: {  	v1 =	vld [tilespmem:s22+$0x17920];
	_ =	sdelay $0x3  }
0x115: {  	v0 =	vmul.u32 $0x3, v0  }
0x116: {  	v1 =	vmul.u32 $0x3, v1;
	_ =	sdelay $0x1  }
0x117: {  	v2 =	vadd.s32 $0x1, v0  }
0x118: {  	v3 =	vadd.s32 $0x1, v1;
	_ =	sdelay $0x1  }
0x119: {  	v4 =	vadd.s32 $0x2, v0;
	v0 =	vld.idx.msk [tilespmem:v0+s20+$0x0], $0xffff  }
0x11a: {  	v5 =	vadd.s32 $0x2, v1;
	v1 =	vld.idx.msk [tilespmem:v1+s20+$0x0], $0xffff  }
0x11b: {  	v2 =	vld.idx.msk [tilespmem:v2+s20+$0x0], $0xffff  }
0x11c: {  	v3 =	vld.idx.msk [tilespmem:v3+s20+$0x0], $0xffff;
	_ =	sdelay $0x4  }
0x11d: {  	v0 =	vsub.f32 v0, v1;
	v1 =	vsub.f32 v2, v3;
	v3 =	vld [tilespmem:$0x1FF70];
	_ =	sdelay $0x5  }
0x11e: {  	v4 =	vld.idx.msk [tilespmem:v4+s20+$0x0], $0xffff  }
0x11f: {  	v5 =	vld.idx.msk [tilespmem:v5+s20+$0x0], $0xffff  }
0x120: {  	[tilespmem:v3+s16+$0x0] =	vst.idx.msk $0xffff, v0;
	v0 =	vld [tilespmem:$0x1FF80];
	_ =	sdelay $0x7  }
0x121: {  	[tilespmem:v0+s16+$0x0] =	vst.idx.msk $0xffff, v1;
	v0 =	vld [tilespmem:$0x1FF90];
	_ =	sdelay $0x5  }
0x122: {  	v2 =	vsub.f32 v4, v5;
	_ =	sdelay $0x1  }
0x123: {  	[tilespmem:v0+s16+$0x0] =	vst.idx.msk $0xffff, v2;
	v0 =	vld [tilespmem:$0x1FFA0];
	_ =	sdelay $0x7  }
0x124: {  	[tilespmem:v0+s16+$0x0] =	vst.idx.msk $0xffff, v6  }
0x125: {  	v0 =	vld [tilespmem:s22+$0x17830]  }
0x126: {  	v1 =	vld [tilespmem:s22+$0x17930];
	_ =	sdelay $0x3  }
0x127: {  	v0 =	vmul.u32 $0x3, v0  }
0x128: {  	v1 =	vmul.u32 $0x3, v1;
	_ =	sdelay $0x1  }
0x129: {  	v2 =	vadd.s32 $0x1, v0  }
0x12a: {  	v3 =	vadd.s32 $0x1, v1;
	_ =	sdelay $0x1  }
0x12b: {  	v4 =	vadd.s32 $0x2, v0;
	v0 =	vld.idx.msk [tilespmem:v0+s20+$0x0], $0xffff  }
0x12c: {  	v5 =	vadd.s32 $0x2, v1;
	v1 =	vld.idx.msk [tilespmem:v1+s20+$0x0], $0xffff  }
0x12d: {  	v2 =	vld.idx.msk [tilespmem:v2+s20+$0x0], $0xffff  }
0x12e: {  	v3 =	vld.idx.msk [tilespmem:v3+s20+$0x0], $0xffff;
	_ =	sdelay $0x4  }
0x12f: {  	v0 =	vsub.f32 v0, v1;
	v1 =	vsub.f32 v2, v3;
	v3 =	vld [tilespmem:$0x1FFB0];
	_ =	sdelay $0x5  }
0x130: {  	v4 =	vld.idx.msk [tilespmem:v4+s20+$0x0], $0xffff  }
0x131: {  	v5 =	vld.idx.msk [tilespmem:v5+s20+$0x0], $0xffff  }
0x132: {  	[tilespmem:v3+s16+$0x0] =	vst.idx.msk $0xffff, v0;
	v0 =	vld [tilespmem:$0x1FFC0];
	_ =	sdelay $0x7  }
0x133: {  	[tilespmem:v0+s16+$0x0] =	vst.idx.msk $0xffff, v1;
	v0 =	vld [tilespmem:$0x1FFD0];
	_ =	sdelay $0x5  }
0x134: {  	v2 =	vsub.f32 v4, v5;
	_ =	sdelay $0x1  }
0x135: {  	[tilespmem:v0+s16+$0x0] =	vst.idx.msk $0xffff, v2;
	v0 =	vld [tilespmem:$0x1FFF0];
	_ =	sdelay $0x5  }
0x136: {  	s21 =	sshll.u32 s21, $0xE;
	s26 =	sand.u32 $0x3800, s20  }
0x137: {  	s24 =	sand.u32 $0x200, s20;
	s22 =	sor.u32 s21, s26  }
0x138: {  	s22 =	sor.u32 s24, s22;
	[tilespmem:v0+s16+$0x0] =	vst.idx.msk $0xffff, v6  }
0x139: {  	v33 =	vld [tilespmem:s22+$0xF800]  }
0x13a: {  	v34 =	vld [tilespmem:s22+$0xF810]  }
0x13b: {  	v35 =	vld [tilespmem:s22+$0xF820]  }
0x13c: {  	v36 =	vld [tilespmem:s22+$0xF830]  }
0x13d: {  	v37 =	vld [tilespmem:s22+$0xF840]  }
0x13e: {  	v38 =	vld [tilespmem:s22+$0xF850]  }
0x13f: {  	v39 =	vld [tilespmem:s22+$0xF860]  }
0x140: {  	v40 =	vld [tilespmem:s22+$0xF870]  }
0x141: {  	v41 =	vld [tilespmem:s22+$0xFC00]  }
0x142: {  	v42 =	vld [tilespmem:s22+$0xFC10]  }
0x143: {  	v43 =	vld [tilespmem:s22+$0xFC20]  }
0x144: {  	v44 =	vld [tilespmem:s22+$0xFC30]  }
0x145: {  	v45 =	vld [tilespmem:s22+$0xFC40]  }
0x146: {  	v46 =	vld [tilespmem:s22+$0xFC50]  }
0x147: {  	v47 =	vld [tilespmem:s22+$0xFC60]  }
0x148: {  	v48 =	vld [tilespmem:s22+$0xFC70]  }
0x149: {  	v49 =	vld [tilespmem:s22+$0xF880]  }
0x14a: {  	v50 =	vld [tilespmem:s22+$0xF890]  }
0x14b: {  	v51 =	vld [tilespmem:s22+$0xF8A0]  }
0x14c: {  	v52 =	vld [tilespmem:s22+$0xF8B0]  }
0x14d: {  	v53 =	vld [tilespmem:s22+$0xF8C0]  }
0x14e: {  	v54 =	vld [tilespmem:s22+$0xF8D0]  }
0x14f: {  	v55 =	vld [tilespmem:s22+$0xF8E0]  }
0x150: {  	v56 =	vld [tilespmem:s22+$0xF8F0]  }
0x151: {  	v57 =	vld [tilespmem:s22+$0xFC80]  }
0x152: {  	v58 =	vld [tilespmem:s22+$0xFC90]  }
0x153: {  	v59 =	vld [tilespmem:s22+$0xFCA0]  }
0x154: {  	v60 =	vld [tilespmem:s22+$0xFCB0]  }
0x155: {  	v61 =	vld [tilespmem:s22+$0xFCC0]  }
0x156: {  	v0 =	vld [tilespmem:s22+$0xF9C0]  }
0x157: {  	v62 =	vld [tilespmem:s22+$0xFCD0]  }
0x158: {  	v63 =	vld [tilespmem:s22+$0xFCE0]  }
0x159: {  	v32 =	vld [tilespmem:s22+$0xFCF0]  }
0x15a: {  	v30 =	vld [tilespmem:s22+$0xF900]  }
0x15b: {  	[tilespmem:$0x1FE80] =	vst v0;
	v0 =	vld [tilespmem:s22+$0xF9D0]  }
0x15c: {  	v29 =	vld [tilespmem:s22+$0xF910]  }
0x15d: {  	v19 =	vld [tilespmem:s22+$0xF920]  }
0x15e: {  	v18 =	vld [tilespmem:s22+$0xF930]  }
0x15f: {  	v17 =	vld [tilespmem:s22+$0xF940]  }
0x160: {  	[tilespmem:$0x1FE90] =	vst v0;
	v0 =	vld [tilespmem:s22+$0xF9E0]  }
0x161: {  	v7 =	vld [tilespmem:s22+$0xF950]  }
0x162: {  	v5 =	vld [tilespmem:s22+$0xF960]  }
0x163: {  	v6 =	vld [tilespmem:s22+$0xF970]  }
0x164: {  	v8 =	vld [tilespmem:s22+$0xFD00]  }
0x165: {  	[tilespmem:$0x1FEA0] =	vst v0;
	v0 =	vld [tilespmem:s22+$0xF9F0]  }
0x166: {  	v16 =	vld [tilespmem:s22+$0xFD10]  }
0x167: {  	v15 =	vld [tilespmem:s22+$0xFD20]  }
0x168: {  	v14 =	vld [tilespmem:s22+$0xFD30]  }
0x169: {  	v13 =	vld [tilespmem:s22+$0xFD40]  }
0x16a: {  	[tilespmem:$0x1FEB0] =	vst v0;
	v0 =	vld [tilespmem:s22+$0xFD80]  }
0x16b: {  	v12 =	vld [tilespmem:s22+$0xFD50]  }
0x16c: {  	v11 =	vld [tilespmem:s22+$0xFD60]  }
0x16d: {  	v10 =	vld [tilespmem:s22+$0xFD70]  }
0x16e: {  	v9 =	vld [tilespmem:s22+$0xF980]  }
0x16f: {  	[tilespmem:$0x1FEC0] =	vst v0;
	v0 =	vld [tilespmem:s22+$0x7800]  }
0x170: {  	v1 =	vld [tilespmem:s22+$0x7810]  }
0x171: {  	v2 =	vld [tilespmem:s22+$0x7820]  }
0x172: {  	v3 =	vld [tilespmem:s22+$0x7830]  }
0x173: {  	v4 =	vld [tilespmem:s22+$0x7840]  }
0x174: {  	v0 =	vadd.f32 v33, v0;
	v33 =	vld [tilespmem:s22+$0x7850]  }
0x175: {  	v1 =	vadd.f32 v34, v1;
	v34 =	vld [tilespmem:s22+$0x7860]  }
0x176: {  	[tilespmem:s22+$0x7800] =	vst v0;
	v0 =	vadd.f32 v35, v2;
	v2 =	vld [tilespmem:s22+$0x7870]  }
0x177: {  	[tilespmem:s22+$0x7810] =	vst v1;
	v1 =	vadd.f32 v36, v3;
	v3 =	vld [tilespmem:s22+$0x7C00]  }
0x178: {  	[tilespmem:s22+$0x7820] =	vst v0;
	v0 =	vadd.f32 v37, v4;
	v4 =	vld [tilespmem:s22+$0x7C10]  }
0x179: {  	[tilespmem:s22+$0x7830] =	vst v1;
	v1 =	vadd.f32 v38, v33;
	v38 =	vld [tilespmem:s22+$0x7C20]  }
0x17a: {  	[tilespmem:s22+$0x7840] =	vst v0;
	v0 =	vadd.f32 v39, v34;
	v39 =	vld [tilespmem:s22+$0x7C30]  }
0x17b: {  	[tilespmem:s22+$0x7850] =	vst v1;
	v1 =	vadd.f32 v40, v2;
	v2 =	vld [tilespmem:s22+$0x7C40]  }
0x17c: {  	[tilespmem:s22+$0x7860] =	vst v0;
	v0 =	vadd.f32 v41, v3;
	v3 =	vld [tilespmem:s22+$0x7C50]  }
0x17d: {  	[tilespmem:s22+$0x7870] =	vst v1;
	v1 =	vadd.f32 v42, v4;
	v4 =	vld [tilespmem:s22+$0x7C60]  }
0x17e: {  	[tilespmem:s22+$0x7C00] =	vst v0;
	v0 =	vadd.f32 v43, v38;
	v43 =	vld [tilespmem:s22+$0x7C70]  }
0x17f: {  	[tilespmem:s22+$0x7C10] =	vst v1;
	v1 =	vadd.f32 v44, v39;
	v44 =	vld [tilespmem:s22+$0x7880]  }
0x180: {  	[tilespmem:s22+$0x7C20] =	vst v0;
	v0 =	vadd.f32 v45, v2;
	v2 =	vld [tilespmem:s22+$0x7890]  }
0x181: {  	[tilespmem:s22+$0x7C30] =	vst v1;
	v1 =	vadd.f32 v46, v3;
	v3 =	vld [tilespmem:s22+$0x78A0]  }
0x182: {  	[tilespmem:s22+$0x7C40] =	vst v0;
	v0 =	vadd.f32 v47, v4;
	v4 =	vld [tilespmem:s22+$0x78B0]  }
0x183: {  	[tilespmem:s22+$0x7C50] =	vst v1;
	v1 =	vadd.f32 v48, v43;
	v48 =	vld [tilespmem:s22+$0x78C0]  }
0x184: {  	[tilespmem:s22+$0x7C60] =	vst v0;
	v0 =	vadd.f32 v49, v44;
	v49 =	vld [tilespmem:s22+$0x78D0]  }
0x185: {  	[tilespmem:s22+$0x7C70] =	vst v1;
	v1 =	vadd.f32 v50, v2;
	v2 =	vld [tilespmem:s22+$0x78E0]  }
0x186: {  	[tilespmem:s22+$0x7880] =	vst v0;
	v0 =	vadd.f32 v51, v3;
	v3 =	vld [tilespmem:s22+$0x78F0]  }
0x187: {  	[tilespmem:s22+$0x7890] =	vst v1;
	v1 =	vadd.f32 v52, v4;
	v4 =	vld [tilespmem:s22+$0x7C80]  }
0x188: {  	[tilespmem:s22+$0x78A0] =	vst v0;
	v0 =	vadd.f32 v53, v48;
	v53 =	vld [tilespmem:s22+$0x7C90]  }
0x189: {  	[tilespmem:s22+$0x78B0] =	vst v1;
	v1 =	vadd.f32 v54, v49;
	v54 =	vld [tilespmem:s22+$0x7CA0]  }
0x18a: {  	[tilespmem:s22+$0x78C0] =	vst v0;
	v0 =	vadd.f32 v55, v2;
	v2 =	vld [tilespmem:s22+$0x7CB0]  }
0x18b: {  	[tilespmem:s22+$0x78D0] =	vst v1;
	v1 =	vadd.f32 v56, v3;
	v3 =	vld [tilespmem:s22+$0x7CC0]  }
0x18c: {  	[tilespmem:s22+$0x78E0] =	vst v0;
	v0 =	vadd.f32 v57, v4;
	v4 =	vld [tilespmem:s22+$0x7CD0]  }
0x18d: {  	[tilespmem:s22+$0x78F0] =	vst v1;
	v1 =	vadd.f32 v58, v53;
	v58 =	vld [tilespmem:s22+$0x7CE0]  }
0x18e: {  	[tilespmem:s22+$0x7C80] =	vst v0;
	v0 =	vadd.f32 v59, v54;
	v59 =	vld [tilespmem:s22+$0x7CF0]  }
0x18f: {  	[tilespmem:s22+$0x7C90] =	vst v1;
	v1 =	vadd.f32 v60, v2;
	v2 =	vld [tilespmem:s22+$0x7900]  }
0x190: {  	[tilespmem:s22+$0x7CA0] =	vst v0;
	v0 =	vadd.f32 v61, v3;
	v3 =	vld [tilespmem:s22+$0x7910]  }
0x191: {  	[tilespmem:s22+$0x7CB0] =	vst v1;
	v1 =	vadd.f32 v62, v4;
	v4 =	vld [tilespmem:s22+$0x7920]  }
0x192: {  	v60 =	vld [tilespmem:s22+$0x7930];
	[tilespmem:s22+$0x7CC0] =	vst v0;
	v0 =	vadd.f32 v63, v58  }
0x193: {  	v61 =	vld [tilespmem:s22+$0x7940];
	[tilespmem:s22+$0x7CD0] =	vst v1;
	v1 =	vadd.f32 v32, v59  }
0x194: {  	[tilespmem:s22+$0x7CE0] =	vst v0;
	v0 =	vadd.f32 v30, v2;
	v2 =	vld [tilespmem:s22+$0x7950]  }
0x195: {  	[tilespmem:s22+$0x7CF0] =	vst v1;
	v1 =	vadd.f32 v29, v3;
	v3 =	vld [tilespmem:s22+$0x7960]  }
0x196: {  	[tilespmem:s22+$0x7900] =	vst v0;
	v0 =	vadd.f32 v19, v4;
	v4 =	vld [tilespmem:s22+$0x7970]  }
0x197: {  	v62 =	vld [tilespmem:s22+$0x7D00];
	[tilespmem:s22+$0x7910] =	vst v1;
	v1 =	vadd.f32 v18, v60  }
0x198: {  	v63 =	vld [tilespmem:s22+$0x7D10];
	[tilespmem:s22+$0x7920] =	vst v0;
	v0 =	vadd.f32 v17, v61  }
0x199: {  	[tilespmem:s22+$0x7930] =	vst v1;
	v1 =	vadd.f32 v7, v2;
	v2 =	vld [tilespmem:s22+$0x7D20]  }
0x19a: {  	[tilespmem:s22+$0x7940] =	vst v0;
	v0 =	vadd.f32 v5, v3;
	v3 =	vld [tilespmem:s22+$0x7D30]  }
0x19b: {  	[tilespmem:s22+$0x7950] =	vst v1;
	v1 =	vadd.f32 v6, v4;
	v4 =	vld [tilespmem:s22+$0x7D40]  }
0x19c: {  	v5 =	vld [tilespmem:s22+$0x7D50];
	[tilespmem:s22+$0x7960] =	vst v0;
	v0 =	vadd.f32 v8, v62  }
0x19d: {  	v6 =	vld [tilespmem:s22+$0x7D60];
	[tilespmem:s22+$0x7970] =	vst v1;
	v1 =	vadd.f32 v16, v63  }
0x19e: {  	v20 =	vld [tilespmem:s22+$0xF990];
	[tilespmem:s22+$0x7D00] =	vst v0;
	v0 =	vadd.f32 v15, v2  }
0x19f: {  	[tilespmem:s22+$0x7D10] =	vst v1;
	v1 =	vadd.f32 v14, v3;
	v3 =	vld [tilespmem:s22+$0x7980]  }
0x1a0: {  	v27 =	vld [tilespmem:s22+$0xF9A0];
	[tilespmem:s22+$0x7D20] =	vst v0;
	v0 =	vadd.f32 v13, v4  }
0x1a1: {  	[tilespmem:s22+$0x7D30] =	vst v1;
	v1 =	vadd.f32 v12, v5;
	v5 =	vld [tilespmem:s22+$0x79A0]  }
0x1a2: {  	v2 =	vld [tilespmem:s22+$0x7D70];
	[tilespmem:s22+$0x7D40] =	vst v0;
	v0 =	vadd.f32 v11, v6  }
0x1a3: {  	v28 =	vld [tilespmem:s22+$0xF9B0]  }
0x1a4: {  	v26 =	vld [tilespmem:s22+$0xFD90];
	[tilespmem:s22+$0x7D60] =	vst v0;
	v0 =	vadd.f32 v9, v3  }
0x1a5: {  	v25 =	vld [tilespmem:s22+$0xFDA0]  }
0x1a6: {  	v24 =	vld [tilespmem:s22+$0xFDB0];
	[tilespmem:s22+$0x7980] =	vst v0;
	v0 =	vadd.f32 v27, v5  }
0x1a7: {  	[tilespmem:s22+$0x7D50] =	vst v1;
	v1 =	vadd.f32 v10, v2;
	v2 =	vld [tilespmem:s22+$0x79C0]  }
0x1a8: {  	[tilespmem:s22+$0x79A0] =	vst v0;
	v0 =	vld [tilespmem:$0x1FE80]  }
0x1a9: {  	v4 =	vld [tilespmem:s22+$0x7990]  }
0x1aa: {  	v23 =	vld [tilespmem:s22+$0xFDC0]  }
0x1ab: {  	v22 =	vld [tilespmem:s22+$0xFDD0]  }
0x1ac: {  	v6 =	vld [tilespmem:s22+$0x79B0]  }
0x1ad: {  	v21 =	vld [tilespmem:s22+$0xFDE0];
	v0 =	vadd.f32 v0, v2  }
0x1ae: {  	[tilespmem:s22+$0x7D70] =	vst v1;
	v1 =	vadd.f32 v20, v4;
	v4 =	vld [tilespmem:s22+$0x79E0]  }
0x1af: {  	[tilespmem:s22+$0x79C0] =	vst v0;
	v0 =	vld [tilespmem:$0x1FEA0]  }
0x1b0: {  	v31 =	vld [tilespmem:s22+$0xFDF0]  }
0x1b1: {  	v7 =	vld [tilespmem:s22+$0x79D0];
	[tilespmem:s22+$0x7990] =	vst v1;
	v1 =	vadd.f32 v28, v6  }
0x1b2: {  	v8 =	vld [tilespmem:s22+$0x7D80]  }
0x1b3: {  	[tilespmem:s22+$0x79B0] =	vst v1;
	v1 =	vld [tilespmem:$0x1FE90]  }
0x1b4: {  	v5 =	vld [tilespmem:s22+$0x79F0];
	v4 =	vadd.f32 v0, v4  }
0x1b5: {  	v6 =	vld [tilespmem:$0x1FEB0]  }
0x1b6: {  	[tilespmem:s22+$0x79E0] =	vst v4;
	v4 =	vld [tilespmem:$0x1FEC0]  }
0x1b7: {  	v3 =	vld [tilespmem:s22+$0x7D90]  }
0x1b8: {  	v2 =	vadd.f32 v1, v7;
	v1 =	vld [tilespmem:s22+$0x7DA0]  }
0x1b9: {  	v0 =	vld [tilespmem:s22+$0x7DB0]  }
0x1ba: {  	s28 =	sshll.u32 s19, $0x6;
	v6 =	vadd.f32 v6, v5;
	[tilespmem:s22+$0x79D0] =	vst v2;
	v2 =	vld [tilespmem:s22+$0x7DC0]  }
0x1bb: {  	s25 =	simm.s32 $0x400;
	s19 =	sadd.s32 s7, s28;
	s24 =	simm.s32 $0x0;
	v5 =	vadd.f32 v4, v8;
	v4 =	vld [tilespmem:s22+$0x7DD0]  }
.LBB2_5:
0x1bc: {  	s26 =	sand.u32 $0x3800, s25;
	[tilespmem:s22+$0x79F0] =	vst v6;
	v6 =	vld [tilespmem:s22+$0x7DE0];
	s20 =	sadd.s32 $0x200, s20;
	v3 =	vadd.f32 v26, v3  }
0x1bd: {  	s26 =	sor.u32 s21, s26;
	s28 =	sand.u32 $0x200, s20;
	[tilespmem:s22+$0x7D80] =	vst v5;
	v5 =	vld [tilespmem:s22+$0x7DF0];
	v1 =	vadd.f32 v25, v1  }
0x1be: {  	s26 =	sor.u32 s28, s26;
	v0 =	vadd.f32 v24, v0;
	[tilespmem:s22+$0x7D90] =	vst v3  }
0x1bf: {  	v2 =	vadd.f32 v23, v2;
	v17 =	vld [tilespmem:s26+$0xF800];
	[tilespmem:s22+$0x7DA0] =	vst v1  }
0x1c0: {  	v7 =	vld [tilespmem:s26+$0xF810];
	[tilespmem:s22+$0x7DB0] =	vst v0;
	v0 =	vadd.f32 v22, v4  }
0x1c1: {  	v4 =	vadd.f32 v21, v6;
	v1 =	vld [tilespmem:s26+$0xF820];
	[tilespmem:s22+$0x7DC0] =	vst v2  }
0x1c2: {  	v3 =	vld [tilespmem:s26+$0xF830];
	[tilespmem:s22+$0x7DD0] =	vst v0;
	v0 =	vadd.f32 v31, v5  }
0x1c3: {  	v2 =	vld [tilespmem:s26+$0xF840];
	[tilespmem:s22+$0x7DE0] =	vst v4  }
0x1c4: {  	v18 =	vld [tilespmem:s26+$0xF850];
	[tilespmem:s22+$0x7DF0] =	vst v0;
	s22 =	smov.u32 s26  }
0x1c5: {  	v19 =	vld [tilespmem:s22+$0xF860]  }
0x1c6: {  	v16 =	vld [tilespmem:s22+$0xF870]  }
0x1c7: {  	v15 =	vld [tilespmem:s22+$0xFC00]  }
0x1c8: {  	v14 =	vld [tilespmem:s22+$0xFC10]  }
0x1c9: {  	v13 =	vld [tilespmem:s22+$0xFC20]  }
0x1ca: {  	v12 =	vld [tilespmem:s22+$0xFC30]  }
0x1cb: {  	v11 =	vld [tilespmem:s22+$0xFC40]  }
0x1cc: {  	v10 =	vld [tilespmem:s22+$0xFC50]  }
0x1cd: {  	v9 =	vld [tilespmem:s22+$0xFC60]  }
0x1ce: {  	v8 =	vld [tilespmem:s22+$0xFC70]  }
0x1cf: {  	v6 =	vld [tilespmem:s22+$0xF880]  }
0x1d0: {  	v0 =	vld [tilespmem:s22+$0xF890]  }
0x1d1: {  	v5 =	vld [tilespmem:s22+$0xF8A0]  }
0x1d2: {  	v4 =	vld [tilespmem:s22+$0xF8B0]  }
0x1d3: {  	v63 =	vld [tilespmem:s22+$0xF8C0]  }
0x1d4: {  	v62 =	vld [tilespmem:s22+$0xF8D0]  }
0x1d5: {  	v61 =	vld [tilespmem:s22+$0xF8E0]  }
0x1d6: {  	v60 =	vld [tilespmem:s22+$0xF8F0]  }
0x1d7: {  	v59 =	vld [tilespmem:s22+$0xFC80]  }
0x1d8: {  	v58 =	vld [tilespmem:s22+$0xFC90]  }
0x1d9: {  	v57 =	vld [tilespmem:s22+$0xFCA0]  }
0x1da: {  	v56 =	vld [tilespmem:s22+$0xFCB0]  }
0x1db: {  	v55 =	vld [tilespmem:s22+$0xFCC0]  }
0x1dc: {  	v54 =	vld [tilespmem:s22+$0xFCD0]  }
0x1dd: {  	v53 =	vld [tilespmem:s22+$0xFCE0]  }
0x1de: {  	v20 =	vld [tilespmem:s22+$0xF9C0]  }
0x1df: {  	v52 =	vld [tilespmem:s22+$0xFCF0]  }
0x1e0: {  	v51 =	vld [tilespmem:s22+$0xF900]  }
0x1e1: {  	v50 =	vld [tilespmem:s22+$0xF910]  }
0x1e2: {  	v49 =	vld [tilespmem:s22+$0xF920]  }
0x1e3: {  	[tilespmem:$0x1FE30] =	vst v20;
	v20 =	vld [tilespmem:s22+$0xF9D0]  }
0x1e4: {  	v48 =	vld [tilespmem:s22+$0xF930]  }
0x1e5: {  	v47 =	vld [tilespmem:s22+$0xF940]  }
0x1e6: {  	v46 =	vld [tilespmem:s22+$0xF950]  }
0x1e7: {  	v45 =	vld [tilespmem:s22+$0xF960]  }
0x1e8: {  	[tilespmem:$0x1FE40] =	vst v20;
	v20 =	vld [tilespmem:s22+$0xF9E0]  }
0x1e9: {  	v44 =	vld [tilespmem:s22+$0xF970]  }
0x1ea: {  	v43 =	vld [tilespmem:s22+$0xFD00]  }
0x1eb: {  	v42 =	vld [tilespmem:s22+$0xFD10]  }
0x1ec: {  	v41 =	vld [tilespmem:s22+$0xFD20]  }
0x1ed: {  	[tilespmem:$0x1FE50] =	vst v20;
	v20 =	vld [tilespmem:s22+$0xF9F0]  }
0x1ee: {  	v40 =	vld [tilespmem:s22+$0xFD30]  }
0x1ef: {  	v39 =	vld [tilespmem:s22+$0xFD40]  }
0x1f0: {  	v38 =	vld [tilespmem:s22+$0xFD50]  }
0x1f1: {  	v37 =	vld [tilespmem:s22+$0xFD60]  }
0x1f2: {  	[tilespmem:$0x1FE60] =	vst v20;
	v20 =	vld [tilespmem:s22+$0xFD80]  }
0x1f3: {  	v36 =	vld [tilespmem:s22+$0xFD70]  }
0x1f4: {  	v35 =	vld [tilespmem:s22+$0xF980]  }
0x1f5: {  	v34 =	vld [tilespmem:s22+$0xF990]  }
0x1f6: {  	v33 =	vld [tilespmem:s22+$0xF9A0]  }
0x1f7: {  	[tilespmem:$0x1FE70] =	vst v20;
	v20 =	vld [tilespmem:s22+$0x7800]  }
0x1f8: {  	v27 =	vld [tilespmem:s22+$0x7810]  }
0x1f9: {  	v28 =	vld [tilespmem:s22+$0x7820]  }
0x1fa: {  	v29 =	vld [tilespmem:s22+$0x7830]  }
0x1fb: {  	v30 =	vld [tilespmem:s22+$0x7840]  }
0x1fc: {  	v17 =	vadd.f32 v17, v20;
	v20 =	vld [tilespmem:s22+$0x7850]  }
0x1fd: {  	v7 =	vadd.f32 v7, v27;
	v27 =	vld [tilespmem:s22+$0x7860]  }
0x1fe: {  	v1 =	vadd.f32 v1, v28;
	[tilespmem:s22+$0x7800] =	vst v17;
	v17 =	vld [tilespmem:s22+$0x7870]  }
0x1ff: {  	v3 =	vadd.f32 v3, v29;
	[tilespmem:s22+$0x7810] =	vst v7;
	v7 =	vld [tilespmem:s22+$0x7C00]  }
0x200: {  	[tilespmem:s22+$0x7820] =	vst v1;
	v1 =	vadd.f32 v2, v30;
	v2 =	vld [tilespmem:s22+$0x7C10]  }
0x201: {  	[tilespmem:s22+$0x7830] =	vst v3;
	v3 =	vadd.f32 v18, v20;
	v18 =	vld [tilespmem:s22+$0x7C20]  }
0x202: {  	[tilespmem:s22+$0x7840] =	vst v1;
	v1 =	vadd.f32 v19, v27;
	v19 =	vld [tilespmem:s22+$0x7C30]  }
0x203: {  	[tilespmem:s22+$0x7850] =	vst v3;
	v3 =	vadd.f32 v16, v17;
	v16 =	vld [tilespmem:s22+$0x7C40]  }
0x204: {  	[tilespmem:s22+$0x7860] =	vst v1;
	v1 =	vadd.f32 v15, v7;
	v7 =	vld [tilespmem:s22+$0x7C50]  }
0x205: {  	v2 =	vadd.f32 v14, v2;
	[tilespmem:s22+$0x7870] =	vst v3;
	v3 =	vld [tilespmem:s22+$0x7C60]  }
0x206: {  	[tilespmem:s22+$0x7C00] =	vst v1;
	v17 =	vld [tilespmem:s22+$0x7C70];
	v1 =	vadd.f32 v13, v18  }
0x207: {  	[tilespmem:s22+$0x7C10] =	vst v2;
	v2 =	vadd.f32 v12, v19;
	v18 =	vld [tilespmem:s22+$0x7880]  }
0x208: {  	v19 =	vld [tilespmem:s22+$0x7890];
	[tilespmem:s22+$0x7C20] =	vst v1;
	v1 =	vadd.f32 v11, v16  }
0x209: {  	[tilespmem:s22+$0x7C30] =	vst v2;
	v2 =	vadd.f32 v10, v7;
	v7 =	vld [tilespmem:s22+$0x78A0]  }
0x20a: {  	[tilespmem:s22+$0x7C40] =	vst v1;
	v1 =	vadd.f32 v9, v3;
	v3 =	vld [tilespmem:s22+$0x78B0]  }
0x20b: {  	[tilespmem:s22+$0x7C50] =	vst v2;
	v2 =	vadd.f32 v8, v17;
	v8 =	vld [tilespmem:s22+$0x78C0]  }
0x20c: {  	[tilespmem:s22+$0x7C60] =	vst v1;
	v1 =	vadd.f32 v6, v18;
	v6 =	vld [tilespmem:s22+$0x78D0]  }
0x20d: {  	v0 =	vadd.f32 v0, v19;
	[tilespmem:s22+$0x7C70] =	vst v2;
	v2 =	vld [tilespmem:s22+$0x78E0]  }
0x20e: {  	[tilespmem:s22+$0x7880] =	vst v1;
	v1 =	vadd.f32 v5, v7;
	v5 =	vld [tilespmem:s22+$0x78F0]  }
0x20f: {  	[tilespmem:s22+$0x7890] =	vst v0;
	v0 =	vadd.f32 v4, v3;
	v3 =	vld [tilespmem:s22+$0x7C80]  }
0x210: {  	v4 =	vld [tilespmem:s22+$0x7C90];
	[tilespmem:s22+$0x78A0] =	vst v1;
	v1 =	vadd.f32 v63, v8  }
0x211: {  	[tilespmem:s22+$0x78B0] =	vst v0;
	v0 =	vadd.f32 v62, v6;
	v6 =	vld [tilespmem:s22+$0x7CA0]  }
0x212: {  	[tilespmem:s22+$0x78C0] =	vst v1;
	v1 =	vadd.f32 v61, v2;
	v2 =	vld [tilespmem:s22+$0x7CB0]  }
0x213: {  	[tilespmem:s22+$0x78D0] =	vst v0;
	v0 =	vadd.f32 v60, v5;
	v5 =	vld [tilespmem:s22+$0x7CC0]  }
0x214: {  	[tilespmem:s22+$0x78E0] =	vst v1;
	v1 =	vadd.f32 v59, v3;
	v3 =	vld [tilespmem:s22+$0x7CD0]  }
0x215: {  	[tilespmem:s22+$0x78F0] =	vst v0;
	v0 =	vadd.f32 v58, v4;
	v4 =	vld [tilespmem:s22+$0x7CE0]  }
0x216: {  	[tilespmem:s22+$0x7C80] =	vst v1;
	v1 =	vadd.f32 v57, v6;
	v6 =	vld [tilespmem:s22+$0x7CF0]  }
0x217: {  	[tilespmem:s22+$0x7C90] =	vst v0;
	v0 =	vadd.f32 v56, v2;
	v2 =	vld [tilespmem:s22+$0x7900]  }
0x218: {  	[tilespmem:s22+$0x7CA0] =	vst v1;
	v1 =	vadd.f32 v55, v5;
	v5 =	vld [tilespmem:s22+$0x7910]  }
0x219: {  	[tilespmem:s22+$0x7CB0] =	vst v0;
	v0 =	vadd.f32 v54, v3;
	v3 =	vld [tilespmem:s22+$0x7920]  }
0x21a: {  	[tilespmem:s22+$0x7CC0] =	vst v1;
	v1 =	vadd.f32 v53, v4;
	v4 =	vld [tilespmem:s22+$0x7930]  }
0x21b: {  	[tilespmem:s22+$0x7CD0] =	vst v0;
	v0 =	vadd.f32 v52, v6;
	v6 =	vld [tilespmem:s22+$0x7940]  }
0x21c: {  	[tilespmem:s22+$0x7CE0] =	vst v1;
	v1 =	vadd.f32 v51, v2;
	v2 =	vld [tilespmem:s22+$0x7950]  }
0x21d: {  	[tilespmem:s22+$0x7CF0] =	vst v0;
	v0 =	vadd.f32 v50, v5;
	v5 =	vld [tilespmem:s22+$0x7960]  }
0x21e: {  	[tilespmem:s22+$0x7900] =	vst v1;
	v1 =	vadd.f32 v49, v3;
	v3 =	vld [tilespmem:s22+$0x7970]  }
0x21f: {  	[tilespmem:s22+$0x7910] =	vst v0;
	v0 =	vadd.f32 v48, v4;
	v4 =	vld [tilespmem:s22+$0x7D00]  }
0x220: {  	[tilespmem:s22+$0x7920] =	vst v1;
	v1 =	vadd.f32 v47, v6;
	v6 =	vld [tilespmem:s22+$0x7D10]  }
0x221: {  	[tilespmem:s22+$0x7930] =	vst v0;
	v0 =	vadd.f32 v46, v2;
	v2 =	vld [tilespmem:s22+$0x7D20]  }
0x222: {  	[tilespmem:s22+$0x7940] =	vst v1;
	v1 =	vadd.f32 v45, v5;
	v5 =	vld [tilespmem:s22+$0x7D30]  }
0x223: {  	[tilespmem:s22+$0x7950] =	vst v0;
	v0 =	vadd.f32 v44, v3;
	v3 =	vld [tilespmem:s22+$0x7D40]  }
0x224: {  	[tilespmem:s22+$0x7960] =	vst v1;
	v1 =	vadd.f32 v43, v4;
	v4 =	vld [tilespmem:s22+$0x7D50]  }
0x225: {  	[tilespmem:s22+$0x7970] =	vst v0;
	v0 =	vadd.f32 v42, v6;
	v6 =	vld [tilespmem:s22+$0x7D60]  }
0x226: {  	v32 =	vld [tilespmem:s22+$0xF9B0];
	[tilespmem:s22+$0x7D00] =	vst v1;
	v1 =	vadd.f32 v41, v2  }
0x227: {  	[tilespmem:s22+$0x7D10] =	vst v0;
	v0 =	vadd.f32 v40, v5;
	v5 =	vld [tilespmem:s22+$0x7980]  }
0x228: {  	v26 =	vld [tilespmem:s22+$0xFD90];
	[tilespmem:s22+$0x7D20] =	vst v1;
	v1 =	vadd.f32 v39, v3  }
0x229: {  	[tilespmem:s22+$0x7D30] =	vst v0;
	v0 =	vadd.f32 v38, v4;
	v4 =	vld [tilespmem:s22+$0x79A0]  }
0x22a: {  	v2 =	vld [tilespmem:s22+$0x7D70];
	[tilespmem:s22+$0x7D40] =	vst v1;
	v1 =	vadd.f32 v37, v6  }
0x22b: {  	v25 =	vld [tilespmem:s22+$0xFDA0]  }
0x22c: {  	v3 =	vld [tilespmem:s22+$0x7990];
	[tilespmem:s22+$0x7D60] =	vst v1;
	v1 =	vadd.f32 v35, v5  }
0x22d: {  	v24 =	vld [tilespmem:s22+$0xFDB0]  }
0x22e: {  	v6 =	vld [tilespmem:s22+$0x79B0];
	[tilespmem:s22+$0x7980] =	vst v1;
	v1 =	vadd.f32 v33, v4  }
0x22f: {  	[tilespmem:s22+$0x7D50] =	vst v0;
	v0 =	vadd.f32 v36, v2;
	v2 =	vld [tilespmem:s22+$0x79C0]  }
0x230: {  	[tilespmem:s22+$0x79A0] =	vst v1;
	v1 =	vld [tilespmem:$0x1FE30]  }
0x231: {  	v23 =	vld [tilespmem:s22+$0xFDC0];
	[tilespmem:s22+$0x7D70] =	vst v0;
	v0 =	vadd.f32 v34, v3  }
0x232: {  	v22 =	vld [tilespmem:s22+$0xFDD0]  }
0x233: {  	v21 =	vld [tilespmem:s22+$0xFDE0];
	[tilespmem:s22+$0x7990] =	vst v0;
	v0 =	vadd.f32 v32, v6  }
0x234: {  	v5 =	vld [tilespmem:s22+$0x79D0]  }
0x235: {  	[tilespmem:s22+$0x79B0] =	vst v0;
	v0 =	vld [tilespmem:$0x1FE40];
	v2 =	vadd.f32 v1, v2  }
0x236: {  	v4 =	vld [tilespmem:s22+$0x79F0]  }
0x237: {  	[tilespmem:s22+$0x79C0] =	vst v2;
	v2 =	vld [tilespmem:$0x1FE60]  }
0x238: {  	v31 =	vld [tilespmem:s22+$0xFDF0]  }
0x239: {  	v7 =	vld [tilespmem:s22+$0x79E0]  }
0x23a: {  	v5 =	vadd.f32 v0, v5;
	v0 =	vld [tilespmem:$0x1FE50]  }
0x23b: {  	s24 =	sadd.s32 $0x4, s24;
	v8 =	vld [tilespmem:s22+$0x7D80]  }
0x23c: {  	p0 =	slt.u32 s24, $0x3C;
	v6 =	vadd.f32 v2, v4;
	v4 =	vld [tilespmem:$0x1FE70]  }
.Ltmp1:
0x23d: {  	v3 =	vld [tilespmem:s22+$0x7D90];
	(pc) =	sbr.rel @p0 .LBB2_5-.Ltmp1, $4  }
0x23e: {  	v1 =	vld [tilespmem:s22+$0x7DA0]  }
0x23f: {  	v7 =	vadd.f32 v0, v7;
	v0 =	vld [tilespmem:s22+$0x7DB0]  }
0x240: {  	[tilespmem:s22+$0x79D0] =	vst v5;
	v2 =	vld [tilespmem:s22+$0x7DC0]  }
0x241: {  	s25 =	sadd.s32 $0x400, s25;
	[tilespmem:s22+$0x79E0] =	vst v7;
	v5 =	vadd.f32 v4, v8;
	v4 =	vld [tilespmem:s22+$0x7DD0]  }
0x242: {  	[tilespmem:s22+$0x79F0] =	vst v6;
	v3 =	vadd.f32 v26, v3;
	v58 =	vld [tilespmem:s22+$0x7DE0]  }
0x243: {  	v59 =	vld [tilespmem:s22+$0x7DF0];
	[tilespmem:s22+$0x7D80] =	vst v5;
	v1 =	vadd.f32 v25, v1  }
0x244: {  	[tilespmem:s22+$0x7D90] =	vst v3;
	v0 =	vadd.f32 v24, v0  }
0x245: {  	[tilespmem:s22+$0x7DA0] =	vst v1;
	v60 =	vadd.f32 v23, v2  }
0x246: {  	[tilespmem:s22+$0x7DB0] =	vst v0;
	v61 =	vadd.f32 v22, v4  }
0x247: {  	[tilespmem:s22+$0x7DC0] =	vst v60;
	v62 =	vadd.f32 v21, v58  }
0x248: {  	v63 =	vadd.f32 v31, v59;
	[tilespmem:s22+$0x7DD0] =	vst v61  }
0x249: {  	s20 =	sshll.u32 s19, $0x5;
	s21 =	sadd.s32 $0x7800, s21;
	[tilespmem:s22+$0x7DE0] =	vst v62  }
0x24a: {  	s28 =	sshrl.u32 s19, $0x1;
	p0 =	sne.s32 s23, $0x50;
	s20 =	sadd.s32 s10, s20;
	[tilespmem:s22+$0x7DF0] =	vst v63  }
0x24b: {  	[hbm4b:s20+s4] =	stream.linear.scatter [tilespmem:s21], [sflag:$0x3], $0x4000, $0x38;
	[tilespmem:$0x17B00] =	vst v63  }
.Ltmp2:
0x24c: {  	s19 =	sadd.s32 s3, s28;
	(pc) =	sbr.rel @p0 .LBB2_2-.Ltmp2, $4  }
0x24d: {  	[hbm4b:s19+s4] =	stream.linear.scatter [tilespmem:s16], [sflag:$0x4], $0x100, $0x38;
	[tilespmem:$0x17B00] =	vst v63  }
0x24e: {  	_ =	swait.ge [sflag:s14], $0x100  }
0x24f: {  	[sflag:s14] =	ssyncset.done $0x0  }
0x250: {  	s19 =	smov.u32 s23;
	[sflag:s14] =	ssyncadd.s32 $0xFFFFFF00  }
0x251: {  	s18 =	sadd.s32 $0x1, s18  }
0x252: {  	_ =	swait.ge [sflag:s17], $0x4000;
	p0 =	sne.s32 s18, s13  }
.Ltmp3:
0x253: {  	[sflag:s17] =	ssyncset.done $0x0;
	(pc) =	sbr.rel @p0 .LBB2_1-.Ltmp3, $4  }
0x254: {  	[sflag:s17] =	ssyncadd.s32 $0xFFFFC000  }
0x255: {  	_ =	swait.ge [sflag:s17], $0x4000  }
0x256: {  	[sflag:s17] =	ssyncset.done $0x0  }
0x257: {  	[sflag:s17] =	ssyncadd.s32 $0xFFFFC000  }
0x258: {  	_ =	sfence.sel $0x180000  }
0x259: {  	[bflag:$0x0] =	sbarrier.arrive $0xFFFF  }
0x25a: {  	_ =	strace $0x90000047  }
0x25b: {  	s0 =	stileid.u32;
	[bflag:$0x2] =	sbarrier.arrive $0xFFFF  }
0x25c: {  	p0 =	sne.s32 s0, $0x0;
	s0 =	rddreg [dreg:$0x3]  }
0x25d: {  	s0 =	sadd.s32 @!p0 $0x100000, s0  }
0x25e: {  	[sflag:s0] =	ssyncadd.tile.s32 @!p0 $0x1;
	_ =	shalt  }
.Lfunc_end2:
_tile_overlayer_lowered:
.L_overlay_start_2:
0x25f: {  	(tag) =	ssettag $0x2  }
0x260: {  	s0 =	rddreg [dreg:$0x0];
	s2 =	stileid.u32  }
0x261: {  	s1 =	rddreg [dreg:$0x1];
	p0 =	sne.s32 s2, $0x0  }
0x262: {  	s3 =	rddreg [dreg:$0x2];
	[bflag:$0x3] =	sbarrier.arrive $0xFFFF;
	s2 =	simm.s32 @!p0 $0x1C04  }
0x263: {  	[timem:s3], [sflag:s2] =	dma.local @!p0 [hbm:s0], s1  }
0x264: {  	s0 =	simm.s32 @!p0 $0x4  }
0x265: {  	_ =	swait.ge @!p0 [sflag:s0], s1  }
0x266: {  	s1 =	ssub.s32 @!p0 $0x0, s1;
	[sflag:s0] =	ssyncset.done @!p0 $0x0  }
0x267: {  	[sflag:s0] =	ssyncadd.s32 @!p0 s1  }
0x268: {  	[bflag:$0x3] =	sbarrier.arrive $0xFFFF  }
0x269: {  	_ =	shalt  }

</sc_bundles>
